<compile_context>
chip_gen: v7x
topology: tpu7x:2x2x1
jax: 0.10.2.dev20260603
libtpu: 0.0.44.dev20260713+nightly
codegen_flags: <defaults>
</compile_context>

<pallas_src>
import functools

import jax
import jax.numpy as jnp
from jax import lax
from jax.experimental import pallas as pl
from jax.experimental.pallas import tpu as pltpu
from jax.experimental.pallas import tpu_sc as plsc

D = 128
KCH = 3
SG = 128
CB = 128
TB = 256
NW = 32
LANE = 128
G_OUT = 25000


def _pick_ring(nchunks):
    for r in range(8, 0, -1):
        if nchunks % r == 0:
            return r
    return 1


@functools.lru_cache(maxsize=None)
def _sc_row_gather(t_rows, n_feat, n_idx, zpad=0, zrow=None,
                   dtype=jnp.float32):
    wrows = n_idx // NW
    nchunks = wrows // LANE
    ring = _pick_ring(nchunks)
    ngroups = nchunks // ring
    mesh = plsc.VectorSubcoreMesh(core_axis_name="c", subcore_axis_name="s")

    @functools.partial(
        pl.kernel,
        mesh=mesh,
        out_type=jax.ShapeDtypeStruct((n_idx + zpad, n_feat), dtype),
        scratch_types=[
            pltpu.VMEM((wrows,), jnp.int32),
            pltpu.SemaphoreType.DMA((ring,)),
            pltpu.SemaphoreType.DMA((ring,)),
        ],
    )
    def gather_kernel(table_hbm, idx_hbm, out_hbm, idx_all, sem_g, sem_o):
        wid = lax.axis_index("s") * 2 + lax.axis_index("c")
        base = wid * wrows

        pltpu.sync_copy(idx_hbm.at[pl.ds(base, wrows)], idx_all)

        def clamp(i, carry):
            sl = pl.ds(i * 16, 16)
            v = idx_all[sl]
            if zrow is None:
                idx_all[sl] = jnp.maximum(v, 0)
            else:
                idx_all[sl] = jnp.where(v < 0, zrow, v)
            return carry

        lax.fori_loop(0, wrows // 16, clamp, 0)

        def phase_b(bufs):
            def fire(j, b):
                pltpu.async_copy(
                    table_hbm.at[idx_all.at[pl.ds(j * LANE, LANE)]],
                    bufs.at[b], sem_g.at[b])

            def drain_g(b):
                pltpu.make_async_copy(table_hbm.at[pl.ds(0, LANE)], bufs.at[b],
                                      sem_g.at[b]).wait()

            def out_start(j, b):
                pltpu.async_copy(
                    bufs.at[b], out_hbm.at[pl.ds(base + j * LANE, LANE)],
                    sem_o.at[b])

            def out_wait(j, b):
                pltpu.make_async_copy(
                    bufs.at[b], out_hbm.at[pl.ds(base + j * LANE, LANE)],
                    sem_o.at[b]).wait()

            for b in range(ring):
                fire(b, b)

            def group(g, carry):
                for b in range(ring):
                    j = g * ring + b
                    drain_g(b)
                    out_start(j, b)

                    @pl.when(j + ring < nchunks)
                    def _():
                        out_wait(j, b)
                        fire(j + ring, b)

                return carry

            lax.fori_loop(0, ngroups, group, 0)
            for b in range(ring):
                out_wait(nchunks - ring + b, b)

            if zpad:
                vw = 16 if dtype == jnp.float32 else 32

                @pl.when(wid == 0)
                def _():
                    for r in range(zpad):
                        for c in range(n_feat // vw):
                            bufs[0, r, pl.ds(c * vw, vw)] = jnp.zeros(
                                (vw,), dtype)
                    pltpu.sync_copy(bufs.at[0].at[pl.ds(0, zpad)],
                                    out_hbm.at[pl.ds(n_idx, zpad)])

        pl.run_scoped(phase_b, pltpu.VMEM((ring, LANE, n_feat), dtype))

    return gather_kernel


def _wprep_body(ws_ref, wsi_ref, wz_ref, wzi_ref, w23_ref):
    for k in range(KCH):
        w23_ref[k, :, 0:D] = lax.dot_general(
            ws_ref[k], wsi_ref[...], (((0,), (1,)), ((), ())),
            preferred_element_type=jnp.float32).astype(jnp.bfloat16)
        w23_ref[k, :, D:2 * D] = lax.dot_general(
            wz_ref[k], wzi_ref[...], (((0,), (1,)), ((), ())),
            preferred_element_type=jnp.float32).astype(jnp.bfloat16)


def _weight_prep(Ws, Ws_int, Wz, Wz_int):
    full = lambda s: pl.BlockSpec(s, lambda: tuple(0 for _ in s))
    return pl.pallas_call(
        _wprep_body,
        in_specs=[full((KCH, D, D)), full((D, D)), full((KCH, D, D)), full((D, D))],
        out_specs=full((KCH, D, 2 * D)),
        out_shape=jax.ShapeDtypeStruct((KCH, D, 2 * D), jnp.bfloat16),
    )(Ws, Ws_int, Wz, Wz_int)


def _main_body(srow_ref, stile_ref, sflag_ref,
               da_blk, tcol_blk, pool_blk, trow_blk,
               w23_ref, wp_ref, wpf_ref, out_ref, psum, tm2):
    c = pl.program_id(0)
    flags = sflag_ref[c]
    seg0 = stile_ref[c] * SG

    @pl.when(flags & 1 == 1)
    def _():
        psum[...] = jnp.zeros((SG, D), jnp.float32)
        tm2[...] = jnp.zeros((SG, 1), jnp.int32)

    @pl.when(flags & 4 == 4)
    def _():
        d0 = da_blk[0]
        d0b = d0.astype(jnp.bfloat16)
        d1b = da_blk[1].astype(jnp.bfloat16)
        d2b = da_blk[2].astype(jnp.bfloat16)

        mm = lambda a, w: lax.dot_general(a, w, (((1,), (0,)), ((), ())),
                                          preferred_element_type=jnp.float32)
        y23 = mm(d0b, w23_ref[0]) + mm(d1b, w23_ref[1]) + mm(d2b, w23_ref[2])
        y1 = lax.dot_general(d0b, wp_ref[...], (((1,), (1,)), ((), ())),
                             preferred_element_type=jnp.float32)

        tc = tcol_blk[...]
        tmp = d0
        tmp = jnp.where(tc == 3, y23[:, D:2 * D], tmp)
        tmp = jnp.where(tc == 2, y23[:, 0:D], tmp)
        tmp = jnp.where(tc == 1, y1, tmp)

        rel = pool_blk[...] - seg0
        ohT = lax.broadcasted_iota(jnp.int32, (SG, TB), 0) == rel[None, :]
        psum[...] += lax.dot_general(ohT.astype(jnp.bfloat16),
                                     tmp.astype(jnp.bfloat16),
                                     (((1,), (0,)), ((), ())),
                                     preferred_element_type=jnp.float32)
        tm2[...] = jnp.maximum(
            tm2[...],
            jnp.max(jnp.where(ohT, trow_blk[...][None, :], 0),
                    axis=1, keepdims=True))

    @pl.when(flags & 2 == 2)
    def _():
        p = psum[...]
        tm = tm2[...]
        act = jnp.where(p > 0, p, jnp.exp(p) - 1.0)
        act = jnp.where(tm != 0, act, p)
        fin = lax.dot_general(act.astype(jnp.bfloat16), wpf_ref[...],
                              (((1,), (1,)), ((), ())),
                              preferred_element_type=jnp.float32)
        out_ref[...] = jnp.where(tm == 1, fin, act)


@functools.lru_cache(maxsize=None)
def _main_call(m_pad, n_g, c_max):
    grid_spec = pltpu.PrefetchScalarGridSpec(
        num_scalar_prefetch=3,
        grid=(c_max,),
        in_specs=[
            pl.BlockSpec((KCH, TB, D), lambda c, sr, st, sf: (0, sr[c], 0)),
            pl.BlockSpec((TB, 1), lambda c, sr, st, sf: (sr[c], 0)),
            pl.BlockSpec((TB,), lambda c, sr, st, sf: (sr[c],)),
            pl.BlockSpec((TB,), lambda c, sr, st, sf: (sr[c],)),
            pl.BlockSpec((KCH, D, 2 * D), lambda c, sr, st, sf: (0, 0, 0)),
            pl.BlockSpec((D, D), lambda c, sr, st, sf: (0, 0)),
            pl.BlockSpec((D, D), lambda c, sr, st, sf: (0, 0)),
        ],
        out_specs=pl.BlockSpec((SG, D), lambda c, sr, st, sf: (st[c], 0)),
        scratch_shapes=[
            pltpu.VMEM((SG, D), jnp.float32),
            pltpu.VMEM((SG, 1), jnp.int32),
        ],
    )
    return pl.pallas_call(
        _main_body,
        grid_spec=grid_spec,
        out_shape=jax.ShapeDtypeStruct((G_OUT, D), jnp.float32),
    )


def kernel(x, initial_map, order_matrix, type_mask, pooling,
           Ws, Ws_int, Wz, Wz_int, Wp, Wpf):
    n, d = x.shape
    k_ch, m = order_matrix.shape
    m_in = initial_map.shape[0]
    sc_align = NW * LANE
    m_pad = -(-m // sc_align) * sc_align
    n_g = -(-G_OUT // SG)
    c_max = m // TB + n_g

    imap = initial_map.astype(jnp.int32)
    om = order_matrix.astype(jnp.int32)
    om_flat = jnp.pad(om, ((0, 0), (0, m_pad - m)),
                      constant_values=-1).reshape(m_pad * KCH)
    type_pad = jnp.pad(type_mask.astype(jnp.int32), (0, m_pad - m))
    pool_i = pooling.astype(jnp.int32)
    pool_pad = jnp.pad(pool_i, (0, m_pad - m), constant_values=jnp.int32(2 ** 30))

    row_start = jnp.searchsorted(
        pool_i, (jnp.arange(n_g + 1) * SG).astype(jnp.int32)).astype(jnp.int32)
    rs_al = (row_start[:-1] // TB) * TB
    nch = (row_start[1:] - rs_al + TB - 1) // TB
    coff = jnp.concatenate([jnp.zeros((1,), jnp.int32),
                            jnp.cumsum(nch, dtype=jnp.int32)])
    c_idx = jnp.arange(c_max, dtype=jnp.int32)
    tile_of = jnp.clip(
        jnp.searchsorted(coff[1:], c_idx, side="right"), 0, n_g - 1
    ).astype(jnp.int32)
    j_in = c_idx - coff[tile_of]
    real = c_idx < coff[n_g]
    srow = jnp.where(real, rs_al[tile_of] // TB + j_in, m_pad // TB - 1)
    srow = srow.astype(jnp.int32)
    sflag = (jnp.where(real & (j_in == 0), 1, 0)
             | jnp.where(real & (c_idx == coff[tile_of] + nch[tile_of] - 1), 2, 0)
             | jnp.where(real, 4, 0)).astype(jnp.int32)

    mi_pad = -(-m_in // (NW * LANE)) * (NW * LANE)
    imap_pad = jnp.pad(imap, (0, mi_pad - m_in))
    data = _sc_row_gather(n, d, mi_pad, zpad=8)(x, imap_pad)
    da_flat = _sc_row_gather(mi_pad + 8, d, m_pad * KCH,
                             zrow=mi_pad)(data, om_flat)
    da = da_flat.reshape(KCH, m_pad, d)
    w23 = _weight_prep(Ws, Ws_int, Wz, Wz_int)
    return _main_call(m_pad, n_g, c_max)(
        srow, tile_of, sflag, da, type_pad.reshape(m_pad, 1), pool_pad,
        type_pad, w23, Wp.astype(jnp.bfloat16), Wpf.astype(jnp.bfloat16))

# --- scband reference (transcript-rebuilt; emitter-appended) ---
"""Pipeline reference for scband-complex-ptree-layer-42116449304576 (READ-ONLY COPY).

The authoritative reference and input builder live on the scoring server;
editing this copy changes nothing except your own understanding.
"""

import jax, jax.numpy as jnp
import numpy as np

N, M_IN, M, G, D, K = 100000, 200000, 100000, 25000, 128, 3
NUM_LAYER = 1
# assumed type_dict = {'P': 1, 'S': 2, 'Z': 3}; 0 = untyped/padding


def setup_inputs(seed: int = 0) -> dict:
    key = jax.random.key(seed)
    ks = jax.random.split(key, 12)
    x = jax.random.normal(ks[0], (N, D), jnp.float32)
    initial_map = jax.random.randint(ks[1], (M_IN,), 0, N)
    # values in [-1, M_IN-1]; -1 means missing child (zero row after +1 shift)
    order_matrix = jax.random.randint(ks[2], (K, M), 0, M_IN + 1) - 1
    type_mask = jax.random.randint(ks[3], (M,), 0, 4)
    # sorted segment ids covering every segment (avoids empty-segment max ambiguity)
    pooling = jnp.sort(jnp.concatenate([jnp.arange(G), jax.random.randint(ks[4], (M - G,), 0, G)]))
    s = 1.0 / np.sqrt(D)
    Ws = jax.random.normal(ks[5], (K, D, D), jnp.float32) * s
    Ws_int = jax.random.normal(ks[6], (D, D), jnp.float32) * s
    Wz = jax.random.normal(ks[7], (K, D, D), jnp.float32) * s
    Wz_int = jax.random.normal(ks[8], (D, D), jnp.float32) * s
    Wp = jax.random.normal(ks[9], (D, D), jnp.float32) * s
    Wpf = jax.random.normal(ks[10], (D, D), jnp.float32) * s
    return {"x": x, "initial_map": initial_map, "order_matrix": order_matrix,
            "type_mask": type_mask, "pooling": pooling,
            "Ws": Ws, "Ws_int": Ws_int, "Wz": Wz, "Wz_int": Wz_int,
            "Wp": Wp, "Wpf": Wpf}


def reference(x, initial_map, order_matrix, type_mask, pooling,
              Ws, Ws_int, Wz, Wz_int, Wp, Wpf):
    d = x.shape[-1]
    data = jnp.take(x, initial_map, axis=0)                 # [M_IN, d]
    # single layer (NUM_LAYER = 1)
    om1 = order_matrix + 1                                  # [K, M]
    mask_order = om1 == 0
    padded = jnp.concatenate([jnp.zeros((1, d), x.dtype), data], axis=0)
    da = jnp.take(padded, om1, axis=0)                      # [K, M, d]
    temporary = da[0]
    # Z nodes (type value 3): per-child linear (no bias), zero masked children, sum, intermediate linear
    tz = jnp.einsum('kmd,ked->kme', da, Wz)
    tz = jnp.where(mask_order[:, :, None], 0.0, tz).sum(axis=0)
    z_out = tz @ Wz_int.T
    # S nodes (type value 2)
    ts = jnp.einsum('kmd,ked->kme', da, Ws)
    ts = jnp.where(mask_order[:, :, None], 0.0, ts).sum(axis=0)
    s_out = ts @ Ws_int.T
    # P nodes (type value 1): linear on first child only
    p_out = da[0] @ Wp.T
    temporary = jnp.where((type_mask == 3)[:, None], z_out, temporary)
    temporary = jnp.where((type_mask == 2)[:, None], s_out, temporary)
    temporary = jnp.where((type_mask == 1)[:, None], p_out, temporary)
    temporary = jnp.where(jnp.all(mask_order, axis=0)[:, None], 0.0, temporary)
    pooled = jax.ops.segment_sum(temporary, pooling, num_segments=G)
    tm2 = jax.ops.segment_max(type_mask, pooling, num_segments=G)
    pooled = jnp.where((tm2 != 0)[:, None], jax.nn.elu(pooled), pooled)
    pooled = jnp.where((tm2 == 1)[:, None], pooled @ Wpf.T, pooled)
    return pooled

if __name__ == "__main__":
    import jax
    _d = setup_inputs()
    print(jax.jit(kernel)(*tuple(_d.values())))

</pallas_src>

<mosaic_0001>
#map = affine_map<(d0, d1) -> (0, 0)>
#map1 = affine_map<(d0, d1) -> (0)>
module attributes {stable_mosaic.version = 14 : i64} {
  func.func @gather_kernel(%arg0: i32, %arg1: i32, %arg2: memref<100000x128xf32, #tpu.memory_space<hbm>>, %arg3: memref<200704xi32, #tpu.memory_space<hbm>>, %arg4: memref<200712x128xf32, #tpu.memory_space<hbm>>, %arg5: memref<6272xi32, #tpu.memory_space<vmem>>, %arg6: memref<7x!tpu.dma_semaphore, #tpu.memory_space<semaphore_mem>>, %arg7: memref<7x!tpu.dma_semaphore, #tpu.memory_space<semaphore_mem>>) attributes {dimension_semantics = [#tpu.dimension_semantics<core_parallel>, #tpu.dimension_semantics<subcore_parallel>], iteration_bounds = array<i64: 2, 16>, scalar_prefetch = 0 : i64, scratch_operands = 3 : i64, tpu.core_type = #tpu.core_type<sc_vector_subcore>, window_params = [{transform_indices = #map}, {transform_indices = #map1}, {transform_indices = #map}]} {
    %mul3A = arith.constant 2 : i32
    %mul3A_0 = arith.muli %arg1, %mul3A : i32
    %add3A = arith.addi %mul3A_0, %arg0 : i32
    %mul3A_1 = arith.constant 6272 : i32
    %mul3A_2 = arith.muli %add3A, %mul3A_1 : i32
    "tpu.region"() ({
      %run_scoped3A = tpu.sem_alloc : memref<!tpu.dma_semaphore, #tpu.memory_space<semaphore_mem>>
      %dma_start3A = tpu.memref_slice %arg3[%mul3A_2] : memref<200704xi32, #tpu.memory_space<hbm>> -> memref<6272xi32, #tpu.memory_space<hbm>>
      %dma_start3A_8 = tpu.memref_slice %arg3[%mul3A_2] : memref<200704xi32, #tpu.memory_space<hbm>> -> memref<6272xi32, #tpu.memory_space<hbm>>
      tpu.enqueue_dma source(%dma_start3A_8 : memref<6272xi32, #tpu.memory_space<hbm>>) target(%arg5 : memref<6272xi32, #tpu.memory_space<vmem>>) target_semaphore(%run_scoped3A : memref<!tpu.dma_semaphore, #tpu.memory_space<semaphore_mem>>)
      %dma_wait3A = tpu.memref_slice %arg3[%mul3A_2] : memref<200704xi32, #tpu.memory_space<hbm>> -> memref<6272xi32, #tpu.memory_space<hbm>>
      %dma_wait3A_9 = tpu.memref_slice %arg3[%mul3A_2] : memref<200704xi32, #tpu.memory_space<hbm>> -> memref<6272xi32, #tpu.memory_space<hbm>>
      tpu.wait_dma2 semaphore(%run_scoped3A : memref<!tpu.dma_semaphore, #tpu.memory_space<semaphore_mem>>) src(%dma_wait3A_9 : memref<6272xi32, #tpu.memory_space<hbm>>) dst(%arg5 : memref<6272xi32, #tpu.memory_space<vmem>>)
      tpu.yield
    }) : () -> ()
    %scan3A = arith.constant 0 : i32
    %scan3A_3 = arith.constant 0 : i32
    %scan3A_4 = arith.constant 392 : i32
    %scan3A_5 = arith.addi %scan3A_3, %scan3A_4 : i32
    %scan3A_6 = arith.constant 1 : i32
    scf.for %scan3A_8 = %scan3A_3 to %scan3A_5 step %scan3A_6  : i32 {
      %mul3A_9 = arith.constant 16 : i32
      %mul3A_10 = arith.muli %scan3A_8, %mul3A_9 : i32
      %get3A = arith.index_cast %mul3A_10 : i32 to index
      %get3A_11 = tpu.vector_load %arg5[%get3A] {strides = array<i32>} : memref<6272xi32, #tpu.memory_space<vmem>>, vector<16xi32>,
      %get3A_12 = vector.shape_cast %get3A_11 : vector<16xi32> to vector<16xi32>
      %max3A = arith.constant 0 : i32
      %max3A_13 = vector.broadcast %max3A : i32 to vector<16xi32>
      %max3A_14 = arith.maxsi %get3A_12, %max3A_13 : vector<16xi32>
      %swap3A = arith.index_cast %mul3A_10 : i32 to index
      %swap3A_15 = tpu.vector_load %arg5[%swap3A] {strides = array<i32>} : memref<6272xi32, #tpu.memory_space<vmem>>, vector<16xi32>,
      %swap3A_16 = vector.shape_cast %swap3A_15 : vector<16xi32> to vector<16xi32>
      %swap3A_17 = vector.shape_cast %max3A_14 : vector<16xi32> to vector<16xi32>
      tpu.vector_store %arg5[%swap3A], %swap3A_17 {strides = array<i32>} : memref<6272xi32, #tpu.memory_space<vmem>>, vector<16xi32>,
    }
    %scan3A_7 = arith.constant 392 : i32
    "tpu.region"() ({
      %run_scoped3A = memref.alloca() : memref<7x128x128xf32, #tpu.memory_space<vmem>>
      %dma_start3A = arith.constant 0 : i32
      %dma_start3A_8 = arith.constant 0 : i32
      %dma_start3A_9 = arith.constant 0 : i32
      %dma_start3A_10 = arith.constant 0 : i32
      %dma_start3A_11 = tpu.memref_slice %run_scoped3A[%dma_start3A, %dma_start3A_9, %dma_start3A_10] : memref<7x128x128xf32, #tpu.memory_space<vmem>> -> memref<1x128x128xf32, #tpu.memory_space<vmem>>
      %dma_start3A_12 = tpu.memref_squeeze %dma_start3A_11 : memref<1x128x128xf32, #tpu.memory_space<vmem>> -> memref<128x128xf32, #tpu.memory_space<vmem>>
      %dma_start3A_13 = arith.constant 0 : i32
      %dma_start3A_14 = tpu.memref_slice %arg5[%dma_start3A_13] : memref<6272xi32, #tpu.memory_space<vmem>> -> memref<128xi32, #tpu.memory_space<vmem>>
      %dma_start3A_15 = arith.constant 0 : i32
      %dma_start3A_16 = arith.constant 0 : i32
      %dma_start3A_17 = tpu.memref_slice %arg2[%dma_start3A_15, %dma_start3A_16] : memref<100000x128xf32, #tpu.memory_space<hbm>> -> memref<100000x128xf32, #tpu.memory_space<hbm>>
      %dma_start3A_18 = tpu.memref_slice %arg6[%dma_start3A_8] : memref<7x!tpu.dma_semaphore, #tpu.memory_space<semaphore_mem>> -> memref<1x!tpu.dma_semaphore, #tpu.memory_space<semaphore_mem>>
      %dma_start3A_19 = tpu.memref_squeeze %dma_start3A_18 : memref<1x!tpu.dma_semaphore, #tpu.memory_space<semaphore_mem>> -> memref<!tpu.dma_semaphore, #tpu.memory_space<semaphore_mem>>
      tpu.enqueue_indirect_dma source(%dma_start3A_17 : memref<100000x128xf32, #tpu.memory_space<hbm>>) target(%dma_start3A_12 : memref<128x128xf32, #tpu.memory_space<vmem>>) offsets(%dma_start3A_14 : memref<128xi32, #tpu.memory_space<vmem>>) semaphore(%dma_start3A_19 : memref<!tpu.dma_semaphore, #tpu.memory_space<semaphore_mem>>)
      %dma_start3A_20 = arith.constant 1 : i32
      %dma_start3A_21 = arith.constant 1 : i32
      %dma_start3A_22 = arith.constant 0 : i32
      %dma_start3A_23 = arith.constant 0 : i32
      %dma_start3A_24 = tpu.memref_slice %run_scoped3A[%dma_start3A_20, %dma_start3A_22, %dma_start3A_23] : memref<7x128x128xf32, #tpu.memory_space<vmem>> -> memref<1x128x128xf32, #tpu.memory_space<vmem>>
      %dma_start3A_25 = tpu.memref_squeeze %dma_start3A_24 : memref<1x128x128xf32, #tpu.memory_space<vmem>> -> memref<128x128xf32, #tpu.memory_space<vmem>>
      %dma_start3A_26 = arith.constant 128 : i32
      %dma_start3A_27 = tpu.memref_slice %arg5[%dma_start3A_26] : memref<6272xi32, #tpu.memory_space<vmem>> -> memref<128xi32, #tpu.memory_space<vmem>>
      %dma_start3A_28 = arith.constant 0 : i32
      %dma_start3A_29 = arith.constant 0 : i32
      %dma_start3A_30 = tpu.memref_slice %arg2[%dma_start3A_28, %dma_start3A_29] : memref<100000x128xf32, #tpu.memory_space<hbm>> -> memref<100000x128xf32, #tpu.memory_space<hbm>>
      %dma_start3A_31 = tpu.memref_slice %arg6[%dma_start3A_21] : memref<7x!tpu.dma_semaphore, #tpu.memory_space<semaphore_mem>> -> memref<1x!tpu.dma_semaphore, #tpu.memory_space<semaphore_mem>>
      %dma_start3A_32 = tpu.memref_squeeze %dma_start3A_31 : memref<1x!tpu.dma_semaphore, #tpu.memory_space<semaphore_mem>> -> memref<!tpu.dma_semaphore, #tpu.memory_space<semaphore_mem>>
      tpu.enqueue_indirect_dma source(%dma_start3A_30 : memref<100000x128xf32, #tpu.memory_space<hbm>>) target(%dma_start3A_25 : memref<128x128xf32, #tpu.memory_space<vmem>>) offsets(%dma_start3A_27 : memref<128xi32, #tpu.memory_space<vmem>>) semaphore(%dma_start3A_32 : memref<!tpu.dma_semaphore, #tpu.memory_space<semaphore_mem>>)
      %dma_start3A_33 = arith.constant 2 : i32
      %dma_start3A_34 = arith.constant 2 : i32
      %dma_start3A_35 = arith.constant 0 : i32
      %dma_start3A_36 = arith.constant 0 : i32
      %dma_start3A_37 = tpu.memref_slice %run_scoped3A[%dma_start3A_33, %dma_start3A_35, %dma_start3A_36] : memref<7x128x128xf32, #tpu.memory_space<vmem>> -> memref<1x128x128xf32, #tpu.memory_space<vmem>>
      %dma_start3A_38 = tpu.memref_squeeze %dma_start3A_37 : memref<1x128x128xf32, #tpu.memory_space<vmem>> -> memref<128x128xf32, #tpu.memory_space<vmem>>
      %dma_start3A_39 = arith.constant 256 : i32
      %dma_start3A_40 = tpu.memref_slice %arg5[%dma_start3A_39] : memref<6272xi32, #tpu.memory_space<vmem>> -> memref<128xi32, #tpu.memory_space<vmem>>
      %dma_start3A_41 = arith.constant 0 : i32
      %dma_start3A_42 = arith.constant 0 : i32
      %dma_start3A_43 = tpu.memref_slice %arg2[%dma_start3A_41, %dma_start3A_42] : memref<100000x128xf32, #tpu.memory_space<hbm>> -> memref<100000x128xf32, #tpu.memory_space<hbm>>
      %dma_start3A_44 = tpu.memref_slice %arg6[%dma_start3A_34] : memref<7x!tpu.dma_semaphore, #tpu.memory_space<semaphore_mem>> -> memref<1x!tpu.dma_semaphore, #tpu.memory_space<semaphore_mem>>
      %dma_start3A_45 = tpu.memref_squeeze %dma_start3A_44 : memref<1x!tpu.dma_semaphore, #tpu.memory_space<semaphore_mem>> -> memref<!tpu.dma_semaphore, #tpu.memory_space<semaphore_mem>>
      tpu.enqueue_indirect_dma source(%dma_start3A_43 : memref<100000x128xf32, #tpu.memory_space<hbm>>) target(%dma_start3A_38 : memref<128x128xf32, #tpu.memory_space<vmem>>) offsets(%dma_start3A_40 : memref<128xi32, #tpu.memory_space<vmem>>) semaphore(%dma_start3A_45 : memref<!tpu.dma_semaphore, #tpu.memory_space<semaphore_mem>>)
      %dma_start3A_46 = arith.constant 3 : i32
      %dma_start3A_47 = arith.constant 3 : i32
      %dma_start3A_48 = arith.constant 0 : i32
      %dma_start3A_49 = arith.constant 0 : i32
      %dma_start3A_50 = tpu.memref_slice %run_scoped3A[%dma_start3A_46, %dma_start3A_48, %dma_start3A_49] : memref<7x128x128xf32, #tpu.memory_space<vmem>> -> memref<1x128x128xf32, #tpu.memory_space<vmem>>
      %dma_start3A_51 = tpu.memref_squeeze %dma_start3A_50 : memref<1x128x128xf32, #tpu.memory_space<vmem>> -> memref<128x128xf32, #tpu.memory_space<vmem>>
      %dma_start3A_52 = arith.constant 384 : i32
      %dma_start3A_53 = tpu.memref_slice %arg5[%dma_start3A_52] : memref<6272xi32, #tpu.memory_space<vmem>> -> memref<128xi32, #tpu.memory_space<vmem>>
      %dma_start3A_54 = arith.constant 0 : i32
      %dma_start3A_55 = arith.constant 0 : i32
      %dma_start3A_56 = tpu.memref_slice %arg2[%dma_start3A_54, %dma_start3A_55] : memref<100000x128xf32, #tpu.memory_space<hbm>> -> memref<100000x128xf32, #tpu.memory_space<hbm>>
      %dma_start3A_57 = tpu.memref_slice %arg6[%dma_start3A_47] : memref<7x!tpu.dma_semaphore, #tpu.memory_space<semaphore_mem>> -> memref<1x!tpu.dma_semaphore, #tpu.memory_space<semaphore_mem>>
      %dma_start3A_58 = tpu.memref_squeeze %dma_start3A_57 : memref<1x!tpu.dma_semaphore, #tpu.memory_space<semaphore_mem>> -> memref<!tpu.dma_semaphore, #tpu.memory_space<semaphore_mem>>
      tpu.enqueue_indirect_dma source(%dma_start3A_56 : memref<100000x128xf32, #tpu.memory_space<hbm>>) target(%dma_start3A_51 : memref<128x128xf32, #tpu.memory_space<vmem>>) offsets(%dma_start3A_53 : memref<128xi32, #tpu.memory_space<vmem>>) semaphore(%dma_start3A_58 : memref<!tpu.dma_semaphore, #tpu.memory_space<semaphore_mem>>)
      %dma_start3A_59 = arith.constant 4 : i32
      %dma_start3A_60 = arith.constant 4 : i32
      %dma_start3A_61 = arith.constant 0 : i32
      %dma_start3A_62 = arith.constant 0 : i32
      %dma_start3A_63 = tpu.memref_slice %run_scoped3A[%dma_start3A_59, %dma_start3A_61, %dma_start3A_62] : memref<7x128x128xf32, #tpu.memory_space<vmem>> -> memref<1x128x128xf32, #tpu.memory_space<vmem>>
      %dma_start3A_64 = tpu.memref_squeeze %dma_start3A_63 : memref<1x128x128xf32, #tpu.memory_space<vmem>> -> memref<128x128xf32, #tpu.memory_space<vmem>>
      %dma_start3A_65 = arith.constant 512 : i32
      %dma_start3A_66 = tpu.memref_slice %arg5[%dma_start3A_65] : memref<6272xi32, #tpu.memory_space<vmem>> -> memref<128xi32, #tpu.memory_space<vmem>>
      %dma_start3A_67 = arith.constant 0 : i32
      %dma_start3A_68 = arith.constant 0 : i32
      %dma_start3A_69 = tpu.memref_slice %arg2[%dma_start3A_67, %dma_start3A_68] : memref<100000x128xf32, #tpu.memory_space<hbm>> -> memref<100000x128xf32, #tpu.memory_space<hbm>>
      %dma_start3A_70 = tpu.memref_slice %arg6[%dma_start3A_60] : memref<7x!tpu.dma_semaphore, #tpu.memory_space<semaphore_mem>> -> memref<1x!tpu.dma_semaphore, #tpu.memory_space<semaphore_mem>>
      %dma_start3A_71 = tpu.memref_squeeze %dma_start3A_70 : memref<1x!tpu.dma_semaphore, #tpu.memory_space<semaphore_mem>> -> memref<!tpu.dma_semaphore, #tpu.memory_space<semaphore_mem>>
      tpu.enqueue_indirect_dma source(%dma_start3A_69 : memref<100000x128xf32, #tpu.memory_space<hbm>>) target(%dma_start3A_64 : memref<128x128xf32, #tpu.memory_space<vmem>>) offsets(%dma_start3A_66 : memref<128xi32, #tpu.memory_space<vmem>>) semaphore(%dma_start3A_71 : memref<!tpu.dma_semaphore, #tpu.memory_space<semaphore_mem>>)
      %dma_start3A_72 = arith.constant 5 : i32
      %dma_start3A_73 = arith.constant 5 : i32
      %dma_start3A_74 = arith.constant 0 : i32
      %dma_start3A_75 = arith.constant 0 : i32
      %dma_start3A_76 = tpu.memref_slice %run_scoped3A[%dma_start3A_72, %dma_start3A_74, %dma_start3A_75] : memref<7x128x128xf32, #tpu.memory_space<vmem>> -> memref<1x128x128xf32, #tpu.memory_space<vmem>>
      %dma_start3A_77 = tpu.memref_squeeze %dma_start3A_76 : memref<1x128x128xf32, #tpu.memory_space<vmem>> -> memref<128x128xf32, #tpu.memory_space<vmem>>
      %dma_start3A_78 = arith.constant 640 : i32
      %dma_start3A_79 = tpu.memref_slice %arg5[%dma_start3A_78] : memref<6272xi32, #tpu.memory_space<vmem>> -> memref<128xi32, #tpu.memory_space<vmem>>
      %dma_start3A_80 = arith.constant 0 : i32
      %dma_start3A_81 = arith.constant 0 : i32
      %dma_start3A_82 = tpu.memref_slice %arg2[%dma_start3A_80, %dma_start3A_81] : memref<100000x128xf32, #tpu.memory_space<hbm>> -> memref<100000x128xf32, #tpu.memory_space<hbm>>
      %dma_start3A_83 = tpu.memref_slice %arg6[%dma_start3A_73] : memref<7x!tpu.dma_semaphore, #tpu.memory_space<semaphore_mem>> -> memref<1x!tpu.dma_semaphore, #tpu.memory_space<semaphore_mem>>
      %dma_start3A_84 = tpu.memref_squeeze %dma_start3A_83 : memref<1x!tpu.dma_semaphore, #tpu.memory_space<semaphore_mem>> -> memref<!tpu.dma_semaphore, #tpu.memory_space<semaphore_mem>>
      tpu.enqueue_indirect_dma source(%dma_start3A_82 : memref<100000x128xf32, #tpu.memory_space<hbm>>) target(%dma_start3A_77 : memref<128x128xf32, #tpu.memory_space<vmem>>) offsets(%dma_start3A_79 : memref<128xi32, #tpu.memory_space<vmem>>) semaphore(%dma_start3A_84 : memref<!tpu.dma_semaphore, #tpu.memory_space<semaphore_mem>>)
      %dma_start3A_85 = arith.constant 6 : i32
      %dma_start3A_86 = arith.constant 6 : i32
      %dma_start3A_87 = arith.constant 0 : i32
      %dma_start3A_88 = arith.constant 0 : i32
      %dma_start3A_89 = tpu.memref_slice %run_scoped3A[%dma_start3A_85, %dma_start3A_87, %dma_start3A_88] : memref<7x128x128xf32, #tpu.memory_space<vmem>> -> memref<1x128x128xf32, #tpu.memory_space<vmem>>
      %dma_start3A_90 = tpu.memref_squeeze %dma_start3A_89 : memref<1x128x128xf32, #tpu.memory_space<vmem>> -> memref<128x128xf32, #tpu.memory_space<vmem>>
      %dma_start3A_91 = arith.constant 768 : i32
      %dma_start3A_92 = tpu.memref_slice %arg5[%dma_start3A_91] : memref<6272xi32, #tpu.memory_space<vmem>> -> memref<128xi32, #tpu.memory_space<vmem>>
      %dma_start3A_93 = arith.constant 0 : i32
      %dma_start3A_94 = arith.constant 0 : i32
      %dma_start3A_95 = tpu.memref_slice %arg2[%dma_start3A_93, %dma_start3A_94] : memref<100000x128xf32, #tpu.memory_space<hbm>> -> memref<100000x128xf32, #tpu.memory_space<hbm>>
      %dma_start3A_96 = tpu.memref_slice %arg6[%dma_start3A_86] : memref<7x!tpu.dma_semaphore, #tpu.memory_space<semaphore_mem>> -> memref<1x!tpu.dma_semaphore, #tpu.memory_space<semaphore_mem>>
      %dma_start3A_97 = tpu.memref_squeeze %dma_start3A_96 : memref<1x!tpu.dma_semaphore, #tpu.memory_space<semaphore_mem>> -> memref<!tpu.dma_semaphore, #tpu.memory_space<semaphore_mem>>
      tpu.enqueue_indirect_dma source(%dma_start3A_95 : memref<100000x128xf32, #tpu.memory_space<hbm>>) target(%dma_start3A_90 : memref<128x128xf32, #tpu.memory_space<vmem>>) offsets(%dma_start3A_92 : memref<128xi32, #tpu.memory_space<vmem>>) semaphore(%dma_start3A_97 : memref<!tpu.dma_semaphore, #tpu.memory_space<semaphore_mem>>)
      %scan3A_98 = arith.constant 0 : i32
      %scan3A_99 = arith.constant 0 : i32
      %scan3A_100 = arith.constant 7 : i32
      %scan3A_101 = arith.addi %scan3A_99, %scan3A_100 : i32
      %scan3A_102 = arith.constant 1 : i32
      scf.for %scan3A_231 = %scan3A_99 to %scan3A_101 step %scan3A_102  : i32 {
        %mul3A_232 = arith.constant 7 : i32
        %mul3A_233 = arith.muli %scan3A_231, %mul3A_232 : i32
        %add3A_234 = arith.constant 0 : i32
        %add3A_235 = arith.addi %mul3A_233, %add3A_234 : i32
        %dma_wait3A_236 = arith.constant 0 : i32
        %dma_wait3A_237 = arith.constant 0 : i32
        %dma_wait3A_238 = arith.constant 0 : i32
        %dma_wait3A_239 = arith.constant 0 : i32
        %dma_wait3A_240 = tpu.memref_slice %run_scoped3A[%dma_wait3A_236, %dma_wait3A_238, %dma_wait3A_239] : memref<7x128x128xf32, #tpu.memory_space<vmem>> -> memref<1x128x128xf32, #tpu.memory_space<vmem>>
        %dma_wait3A_241 = tpu.memref_squeeze %dma_wait3A_240 : memref<1x128x128xf32, #tpu.memory_space<vmem>> -> memref<128x128xf32, #tpu.memory_space<vmem>>
        %dma_wait3A_242 = arith.constant 0 : i32
        %dma_wait3A_243 = arith.constant 0 : i32
        %dma_wait3A_244 = tpu.memref_slice %arg2[%dma_wait3A_242, %dma_wait3A_243] : memref<100000x128xf32, #tpu.memory_space<hbm>> -> memref<128x128xf32, #tpu.memory_space<hbm>>
        %dma_wait3A_245 = tpu.memref_slice %arg6[%dma_wait3A_237] : memref<7x!tpu.dma_semaphore, #tpu.memory_space<semaphore_mem>> -> memref<1x!tpu.dma_semaphore, #tpu.memory_space<semaphore_mem>>
        %dma_wait3A_246 = tpu.memref_squeeze %dma_wait3A_245 : memref<1x!tpu.dma_semaphore, #tpu.memory_space<semaphore_mem>> -> memref<!tpu.dma_semaphore, #tpu.memory_space<semaphore_mem>>
        %dma_wait3A_247 = arith.constant 0 : i32
        %dma_wait3A_248 = arith.constant 0 : i32
        %dma_wait3A_249 = tpu.memref_slice %run_scoped3A[%dma_wait3A_236, %dma_wait3A_247, %dma_wait3A_248] : memref<7x128x128xf32, #tpu.memory_space<vmem>> -> memref<1x128x128xf32, #tpu.memory_space<vmem>>
        %dma_wait3A_250 = tpu.memref_squeeze %dma_wait3A_249 : memref<1x128x128xf32, #tpu.memory_space<vmem>> -> memref<128x128xf32, #tpu.memory_space<vmem>>
        %dma_wait3A_251 = arith.constant 0 : i32
        %dma_wait3A_252 = arith.constant 0 : i32
        %dma_wait3A_253 = tpu.memref_slice %arg2[%dma_wait3A_251, %dma_wait3A_252] : memref<100000x128xf32, #tpu.memory_space<hbm>> -> memref<128x128xf32, #tpu.memory_space<hbm>>
        tpu.wait_dma2 semaphore(%dma_wait3A_246 : memref<!tpu.dma_semaphore, #tpu.memory_space<semaphore_mem>>) src(%dma_wait3A_253 : memref<128x128xf32, #tpu.memory_space<hbm>>) dst(%dma_wait3A_250 : memref<128x128xf32, #tpu.memory_space<vmem>>)
        %mul3A_254 = arith.constant 128 : i32
        %mul3A_255 = arith.muli %add3A_235, %mul3A_254 : i32
        %add3A_256 = arith.addi %mul3A_2, %mul3A_255 : i32
        %dma_start3A_257 = arith.constant 0 : i32
        %dma_start3A_258 = arith.constant 0 : i32
        %dma_start3A_259 = arith.constant 0 : i32
        %dma_start3A_260 = arith.constant 0 : i32
        %dma_start3A_261 = tpu.memref_slice %run_scoped3A[%dma_start3A_257, %dma_start3A_259, %dma_start3A_260] : memref<7x128x128xf32, #tpu.memory_space<vmem>> -> memref<1x128x128xf32, #tpu.memory_space<vmem>>
        %dma_start3A_262 = tpu.memref_squeeze %dma_start3A_261 : memref<1x128x128xf32, #tpu.memory_space<vmem>> -> memref<128x128xf32, #tpu.memory_space<vmem>>
        %dma_start3A_263 = arith.constant 0 : i32
        %dma_start3A_264 = tpu.memref_slice %arg4[%add3A_256, %dma_start3A_263] : memref<200712x128xf32, #tpu.memory_space<hbm>> -> memref<128x128xf32, #tpu.memory_space<hbm>>
        %dma_start3A_265 = tpu.memref_slice %arg7[%dma_start3A_258] : memref<7x!tpu.dma_semaphore, #tpu.memory_space<semaphore_mem>> -> memref<1x!tpu.dma_semaphore, #tpu.memory_space<semaphore_mem>>
        %dma_start3A_266 = tpu.memref_squeeze %dma_start3A_265 : memref<1x!tpu.dma_semaphore, #tpu.memory_space<semaphore_mem>> -> memref<!tpu.dma_semaphore, #tpu.memory_space<semaphore_mem>>
        %dma_start3A_267 = arith.constant 0 : i32
        %dma_start3A_268 = tpu.memref_slice %arg4[%add3A_256, %dma_start3A_267] : memref<200712x128xf32, #tpu.memory_space<hbm>> -> memref<128x128xf32, #tpu.memory_space<hbm>>
        %dma_start3A_269 = arith.constant 0 : i32
        %dma_start3A_270 = arith.constant 0 : i32
        %dma_start3A_271 = tpu.memref_slice %run_scoped3A[%dma_start3A_257, %dma_start3A_269, %dma_start3A_270] : memref<7x128x128xf32, #tpu.memory_space<vmem>> -> memref<1x128x128xf32, #tpu.memory_space<vmem>>
        %dma_start3A_272 = tpu.memref_squeeze %dma_start3A_271 : memref<1x128x128xf32, #tpu.memory_space<vmem>> -> memref<128x128xf32, #tpu.memory_space<vmem>>
        tpu.enqueue_dma source(%dma_start3A_272 : memref<128x128xf32, #tpu.memory_space<vmem>>) target(%dma_start3A_268 : memref<128x128xf32, #tpu.memory_space<hbm>>) target_semaphore(%dma_start3A_266 : memref<!tpu.dma_semaphore, #tpu.memory_space<semaphore_mem>>)
        %add3A_273 = arith.constant 7 : i32
        %add3A_274 = arith.addi %add3A_235, %add3A_273 : i32
        %lt3A = arith.constant 49 : i32
        %lt3A_275 = arith.cmpi slt, %add3A_274, %lt3A : i32
        %convert_element_type3A_276 = arith.extui %lt3A_275 : i1 to i32
        %cond3A_277 = arith.constant 0 : i32
        %cond3A_278 = arith.cmpi ne, %convert_element_type3A_276, %cond3A_277 : i32
        scf.if %cond3A_278 {
          %mul3A_567 = arith.constant 128 : i32
          %mul3A_568 = arith.muli %add3A_235, %mul3A_567 : i32
          %add3A_569 = arith.addi %mul3A_2, %mul3A_568 : i32
          %dma_wait3A_570 = arith.constant 0 : i32
          %dma_wait3A_571 = arith.constant 0 : i32
          %dma_wait3A_572 = arith.constant 0 : i32
          %dma_wait3A_573 = arith.constant 0 : i32
          %dma_wait3A_574 = tpu.memref_slice %run_scoped3A[%dma_wait3A_570, %dma_wait3A_572, %dma_wait3A_573] : memref<7x128x128xf32, #tpu.memory_space<vmem>> -> memref<1x128x128xf32, #tpu.memory_space<vmem>>
          %dma_wait3A_575 = tpu.memref_squeeze %dma_wait3A_574 : memref<1x128x128xf32, #tpu.memory_space<vmem>> -> memref<128x128xf32, #tpu.memory_space<vmem>>
          %dma_wait3A_576 = arith.constant 0 : i32
          %dma_wait3A_577 = tpu.memref_slice %arg4[%add3A_569, %dma_wait3A_576] : memref<200712x128xf32, #tpu.memory_space<hbm>> -> memref<128x128xf32, #tpu.memory_space<hbm>>
          %dma_wait3A_578 = tpu.memref_slice %arg7[%dma_wait3A_571] : memref<7x!tpu.dma_semaphore, #tpu.memory_space<semaphore_mem>> -> memref<1x!tpu.dma_semaphore, #tpu.memory_space<semaphore_mem>>
          %dma_wait3A_579 = tpu.memref_squeeze %dma_wait3A_578 : memref<1x!tpu.dma_semaphore, #tpu.memory_space<semaphore_mem>> -> memref<!tpu.dma_semaphore, #tpu.memory_space<semaphore_mem>>
          %dma_wait3A_580 = arith.constant 0 : i32
          %dma_wait3A_581 = tpu.memref_slice %arg4[%add3A_569, %dma_wait3A_580] : memref<200712x128xf32, #tpu.memory_space<hbm>> -> memref<128x128xf32, #tpu.memory_space<hbm>>
          %dma_wait3A_582 = arith.constant 0 : i32
          %dma_wait3A_583 = arith.constant 0 : i32
          %dma_wait3A_584 = tpu.memref_slice %run_scoped3A[%dma_wait3A_570, %dma_wait3A_582, %dma_wait3A_583] : memref<7x128x128xf32, #tpu.memory_space<vmem>> -> memref<1x128x128xf32, #tpu.memory_space<vmem>>
          %dma_wait3A_585 = tpu.memref_squeeze %dma_wait3A_584 : memref<1x128x128xf32, #tpu.memory_space<vmem>> -> memref<128x128xf32, #tpu.memory_space<vmem>>
          tpu.wait_dma2 semaphore(%dma_wait3A_579 : memref<!tpu.dma_semaphore, #tpu.memory_space<semaphore_mem>>) src(%dma_wait3A_585 : memref<128x128xf32, #tpu.memory_space<vmem>>) dst(%dma_wait3A_581 : memref<128x128xf32, #tpu.memory_space<hbm>>)
          %add3A_586 = arith.constant 7 : i32
          %add3A_587 = arith.addi %add3A_235, %add3A_586 : i32
          %mul3A_588 = arith.constant 128 : i32
          %mul3A_589 = arith.muli %add3A_587, %mul3A_588 : i32
          %dma_start3A_590 = arith.constant 0 : i32
          %dma_start3A_591 = arith.constant 0 : i32
          %dma_start3A_592 = arith.constant 0 : i32
          %dma_start3A_593 = arith.constant 0 : i32
          %dma_start3A_594 = tpu.memref_slice %run_scoped3A[%dma_start3A_590, %dma_start3A_592, %dma_start3A_593] : memref<7x128x128xf32, #tpu.memory_space<vmem>> -> memref<1x128x128xf32, #tpu.memory_space<vmem>>
          %dma_start3A_595 = tpu.memref_squeeze %dma_start3A_594 : memref<1x128x128xf32, #tpu.memory_space<vmem>> -> memref<128x128xf32, #tpu.memory_space<vmem>>
          %dma_start3A_596 = tpu.memref_slice %arg5[%mul3A_589] : memref<6272xi32, #tpu.memory_space<vmem>> -> memref<128xi32, #tpu.memory_space<vmem>>
          %dma_start3A_597 = arith.constant 0 : i32
          %dma_start3A_598 = arith.constant 0 : i32
          %dma_start3A_599 = tpu.memref_slice %arg2[%dma_start3A_597, %dma_start3A_598] : memref<100000x128xf32, #tpu.memory_space<hbm>> -> memref<100000x128xf32, #tpu.memory_space<hbm>>
          %dma_start3A_600 = tpu.memref_slice %arg6[%dma_start3A_591] : memref<7x!tpu.dma_semaphore, #tpu.memory_space<semaphore_mem>> -> memref<1x!tpu.dma_semaphore, #tpu.memory_space<semaphore_mem>>
          %dma_start3A_601 = tpu.memref_squeeze %dma_start3A_600 : memref<1x!tpu.dma_semaphore, #tpu.memory_space<semaphore_mem>> -> memref<!tpu.dma_semaphore, #tpu.memory_space<semaphore_mem>>
          tpu.enqueue_indirect_dma source(%dma_start3A_599 : memref<100000x128xf32, #tpu.memory_space<hbm>>) target(%dma_start3A_595 : memref<128x128xf32, #tpu.memory_space<vmem>>) offsets(%dma_start3A_596 : memref<128xi32, #tpu.memory_space<vmem>>) semaphore(%dma_start3A_601 : memref<!tpu.dma_semaphore, #tpu.memory_space<semaphore_mem>>)
        } else {
        }
        %mul3A_279 = arith.constant 7 : i32
        %mul3A_280 = arith.muli %scan3A_231, %mul3A_279 : i32
        %add3A_281 = arith.constant 1 : i32
        %add3A_282 = arith.addi %mul3A_280, %add3A_281 : i32
        %dma_wait3A_283 = arith.constant 1 : i32
        %dma_wait3A_284 = arith.constant 1 : i32
        %dma_wait3A_285 = arith.constant 0 : i32
        %dma_wait3A_286 = arith.constant 0 : i32
        %dma_wait3A_287 = tpu.memref_slice %run_scoped3A[%dma_wait3A_283, %dma_wait3A_285, %dma_wait3A_286] : memref<7x128x128xf32, #tpu.memory_space<vmem>> -> memref<1x128x128xf32, #tpu.memory_space<vmem>>
        %dma_wait3A_288 = tpu.memref_squeeze %dma_wait3A_287 : memref<1x128x128xf32, #tpu.memory_space<vmem>> -> memref<128x128xf32, #tpu.memory_space<vmem>>
        %dma_wait3A_289 = arith.constant 0 : i32
        %dma_wait3A_290 = arith.constant 0 : i32
        %dma_wait3A_291 = tpu.memref_slice %arg2[%dma_wait3A_289, %dma_wait3A_290] : memref<100000x128xf32, #tpu.memory_space<hbm>> -> memref<128x128xf32, #tpu.memory_space<hbm>>
        %dma_wait3A_292 = tpu.memref_slice %arg6[%dma_wait3A_284] : memref<7x!tpu.dma_semaphore, #tpu.memory_space<semaphore_mem>> -> memref<1x!tpu.dma_semaphore, #tpu.memory_space<semaphore_mem>>
        %dma_wait3A_293 = tpu.memref_squeeze %dma_wait3A_292 : memref<1x!tpu.dma_semaphore, #tpu.memory_space<semaphore_mem>> -> memref<!tpu.dma_semaphore, #tpu.memory_space<semaphore_mem>>
        %dma_wait3A_294 = arith.constant 0 : i32
        %dma_wait3A_295 = arith.constant 0 : i32
        %dma_wait3A_296 = tpu.memref_slice %run_scoped3A[%dma_wait3A_283, %dma_wait3A_294, %dma_wait3A_295] : memref<7x128x128xf32, #tpu.memory_space<vmem>> -> memref<1x128x128xf32, #tpu.memory_space<vmem>>
        %dma_wait3A_297 = tpu.memref_squeeze %dma_wait3A_296 : memref<1x128x128xf32, #tpu.memory_space<vmem>> -> memref<128x128xf32, #tpu.memory_space<vmem>>
        %dma_wait3A_298 = arith.constant 0 : i32
        %dma_wait3A_299 = arith.constant 0 : i32
        %dma_wait3A_300 = tpu.memref_slice %arg2[%dma_wait3A_298, %dma_wait3A_299] : memref<100000x128xf32, #tpu.memory_space<hbm>> -> memref<128x128xf32, #tpu.memory_space<hbm>>
        tpu.wait_dma2 semaphore(%dma_wait3A_293 : memref<!tpu.dma_semaphore, #tpu.memory_space<semaphore_mem>>) src(%dma_wait3A_300 : memref<128x128xf32, #tpu.memory_space<hbm>>) dst(%dma_wait3A_297 : memref<128x128xf32, #tpu.memory_space<vmem>>)
        %mul3A_301 = arith.constant 128 : i32
        %mul3A_302 = arith.muli %add3A_282, %mul3A_301 : i32
        %add3A_303 = arith.addi %mul3A_2, %mul3A_302 : i32
        %dma_start3A_304 = arith.constant 1 : i32
        %dma_start3A_305 = arith.constant 1 : i32
        %dma_start3A_306 = arith.constant 0 : i32
        %dma_start3A_307 = arith.constant 0 : i32
        %dma_start3A_308 = tpu.memref_slice %run_scoped3A[%dma_start3A_304, %dma_start3A_306, %dma_start3A_307] : memref<7x128x128xf32, #tpu.memory_space<vmem>> -> memref<1x128x128xf32, #tpu.memory_space<vmem>>
        %dma_start3A_309 = tpu.memref_squeeze %dma_start3A_308 : memref<1x128x128xf32, #tpu.memory_space<vmem>> -> memref<128x128xf32, #tpu.memory_space<vmem>>
        %dma_start3A_310 = arith.constant 0 : i32
        %dma_start3A_311 = tpu.memref_slice %arg4[%add3A_303, %dma_start3A_310] : memref<200712x128xf32, #tpu.memory_space<hbm>> -> memref<128x128xf32, #tpu.memory_space<hbm>>
        %dma_start3A_312 = tpu.memref_slice %arg7[%dma_start3A_305] : memref<7x!tpu.dma_semaphore, #tpu.memory_space<semaphore_mem>> -> memref<1x!tpu.dma_semaphore, #tpu.memory_space<semaphore_mem>>
        %dma_start3A_313 = tpu.memref_squeeze %dma_start3A_312 : memref<1x!tpu.dma_semaphore, #tpu.memory_space<semaphore_mem>> -> memref<!tpu.dma_semaphore, #tpu.memory_space<semaphore_mem>>
        %dma_start3A_314 = arith.constant 0 : i32
        %dma_start3A_315 = tpu.memref_slice %arg4[%add3A_303, %dma_start3A_314] : memref<200712x128xf32, #tpu.memory_space<hbm>> -> memref<128x128xf32, #tpu.memory_space<hbm>>
        %dma_start3A_316 = arith.constant 0 : i32
        %dma_start3A_317 = arith.constant 0 : i32
        %dma_start3A_318 = tpu.memref_slice %run_scoped3A[%dma_start3A_304, %dma_start3A_316, %dma_start3A_317] : memref<7x128x128xf32, #tpu.memory_space<vmem>> -> memref<1x128x128xf32, #tpu.memory_space<vmem>>
        %dma_start3A_319 = tpu.memref_squeeze %dma_start3A_318 : memref<1x128x128xf32, #tpu.memory_space<vmem>> -> memref<128x128xf32, #tpu.memory_space<vmem>>
        tpu.enqueue_dma source(%dma_start3A_319 : memref<128x128xf32, #tpu.memory_space<vmem>>) target(%dma_start3A_315 : memref<128x128xf32, #tpu.memory_space<hbm>>) target_semaphore(%dma_start3A_313 : memref<!tpu.dma_semaphore, #tpu.memory_space<semaphore_mem>>)
        %add3A_320 = arith.constant 7 : i32
        %add3A_321 = arith.addi %add3A_282, %add3A_320 : i32
        %lt3A_322 = arith.constant 49 : i32
        %lt3A_323 = arith.cmpi slt, %add3A_321, %lt3A_322 : i32
        %convert_element_type3A_324 = arith.extui %lt3A_323 : i1 to i32
        %cond3A_325 = arith.constant 0 : i32
        %cond3A_326 = arith.cmpi ne, %convert_element_type3A_324, %cond3A_325 : i32
        scf.if %cond3A_326 {
          %mul3A_567 = arith.constant 128 : i32
          %mul3A_568 = arith.muli %add3A_282, %mul3A_567 : i32
          %add3A_569 = arith.addi %mul3A_2, %mul3A_568 : i32
          %dma_wait3A_570 = arith.constant 1 : i32
          %dma_wait3A_571 = arith.constant 1 : i32
          %dma_wait3A_572 = arith.constant 0 : i32
          %dma_wait3A_573 = arith.constant 0 : i32
          %dma_wait3A_574 = tpu.memref_slice %run_scoped3A[%dma_wait3A_570, %dma_wait3A_572, %dma_wait3A_573] : memref<7x128x128xf32, #tpu.memory_space<vmem>> -> memref<1x128x128xf32, #tpu.memory_space<vmem>>
          %dma_wait3A_575 = tpu.memref_squeeze %dma_wait3A_574 : memref<1x128x128xf32, #tpu.memory_space<vmem>> -> memref<128x128xf32, #tpu.memory_space<vmem>>
          %dma_wait3A_576 = arith.constant 0 : i32
          %dma_wait3A_577 = tpu.memref_slice %arg4[%add3A_569, %dma_wait3A_576] : memref<200712x128xf32, #tpu.memory_space<hbm>> -> memref<128x128xf32, #tpu.memory_space<hbm>>
          %dma_wait3A_578 = tpu.memref_slice %arg7[%dma_wait3A_571] : memref<7x!tpu.dma_semaphore, #tpu.memory_space<semaphore_mem>> -> memref<1x!tpu.dma_semaphore, #tpu.memory_space<semaphore_mem>>
          %dma_wait3A_579 = tpu.memref_squeeze %dma_wait3A_578 : memref<1x!tpu.dma_semaphore, #tpu.memory_space<semaphore_mem>> -> memref<!tpu.dma_semaphore, #tpu.memory_space<semaphore_mem>>
          %dma_wait3A_580 = arith.constant 0 : i32
          %dma_wait3A_581 = tpu.memref_slice %arg4[%add3A_569, %dma_wait3A_580] : memref<200712x128xf32, #tpu.memory_space<hbm>> -> memref<128x128xf32, #tpu.memory_space<hbm>>
          %dma_wait3A_582 = arith.constant 0 : i32
          %dma_wait3A_583 = arith.constant 0 : i32
          %dma_wait3A_584 = tpu.memref_slice %run_scoped3A[%dma_wait3A_570, %dma_wait3A_582, %dma_wait3A_583] : memref<7x128x128xf32, #tpu.memory_space<vmem>> -> memref<1x128x128xf32, #tpu.memory_space<vmem>>
          %dma_wait3A_585 = tpu.memref_squeeze %dma_wait3A_584 : memref<1x128x128xf32, #tpu.memory_space<vmem>> -> memref<128x128xf32, #tpu.memory_space<vmem>>
          tpu.wait_dma2 semaphore(%dma_wait3A_579 : memref<!tpu.dma_semaphore, #tpu.memory_space<semaphore_mem>>) src(%dma_wait3A_585 : memref<128x128xf32, #tpu.memory_space<vmem>>) dst(%dma_wait3A_581 : memref<128x128xf32, #tpu.memory_space<hbm>>)
          %add3A_586 = arith.constant 7 : i32
          %add3A_587 = arith.addi %add3A_282, %add3A_586 : i32
          %mul3A_588 = arith.constant 128 : i32
          %mul3A_589 = arith.muli %add3A_587, %mul3A_588 : i32
          %dma_start3A_590 = arith.constant 1 : i32
          %dma_start3A_591 = arith.constant 1 : i32
          %dma_start3A_592 = arith.constant 0 : i32
          %dma_start3A_593 = arith.constant 0 : i32
          %dma_start3A_594 = tpu.memref_slice %run_scoped3A[%dma_start3A_590, %dma_start3A_592, %dma_start3A_593] : memref<7x128x128xf32, #tpu.memory_space<vmem>> -> memref<1x128x128xf32, #tpu.memory_space<vmem>>
          %dma_start3A_595 = tpu.memref_squeeze %dma_start3A_594 : memref<1x128x128xf32, #tpu.memory_space<vmem>> -> memref<128x128xf32, #tpu.memory_space<vmem>>
          %dma_start3A_596 = tpu.memref_slice %arg5[%mul3A_589] : memref<6272xi32, #tpu.memory_space<vmem>> -> memref<128xi32, #tpu.memory_space<vmem>>
          %dma_start3A_597 = arith.constant 0 : i32
          %dma_start3A_598 = arith.constant 0 : i32
          %dma_start3A_599 = tpu.memref_slice %arg2[%dma_start3A_597, %dma_start3A_598] : memref<100000x128xf32, #tpu.memory_space<hbm>> -> memref<100000x128xf32, #tpu.memory_space<hbm>>
          %dma_start3A_600 = tpu.memref_slice %arg6[%dma_start3A_591] : memref<7x!tpu.dma_semaphore, #tpu.memory_space<semaphore_mem>> -> memref<1x!tpu.dma_semaphore, #tpu.memory_space<semaphore_mem>>
          %dma_start3A_601 = tpu.memref_squeeze %dma_start3A_600 : memref<1x!tpu.dma_semaphore, #tpu.memory_space<semaphore_mem>> -> memref<!tpu.dma_semaphore, #tpu.memory_space<semaphore_mem>>
          tpu.enqueue_indirect_dma source(%dma_start3A_599 : memref<100000x128xf32, #tpu.memory_space<hbm>>) target(%dma_start3A_595 : memref<128x128xf32, #tpu.memory_space<vmem>>) offsets(%dma_start3A_596 : memref<128xi32, #tpu.memory_space<vmem>>) semaphore(%dma_start3A_601 : memref<!tpu.dma_semaphore, #tpu.memory_space<semaphore_mem>>)
        } else {
        }
        %mul3A_327 = arith.constant 7 : i32
        %mul3A_328 = arith.muli %scan3A_231, %mul3A_327 : i32
        %add3A_329 = arith.constant 2 : i32
        %add3A_330 = arith.addi %mul3A_328, %add3A_329 : i32
        %dma_wait3A_331 = arith.constant 2 : i32
        %dma_wait3A_332 = arith.constant 2 : i32
        %dma_wait3A_333 = arith.constant 0 : i32
        %dma_wait3A_334 = arith.constant 0 : i32
        %dma_wait3A_335 = tpu.memref_slice %run_scoped3A[%dma_wait3A_331, %dma_wait3A_333, %dma_wait3A_334] : memref<7x128x128xf32, #tpu.memory_space<vmem>> -> memref<1x128x128xf32, #tpu.memory_space<vmem>>
        %dma_wait3A_336 = tpu.memref_squeeze %dma_wait3A_335 : memref<1x128x128xf32, #tpu.memory_space<vmem>> -> memref<128x128xf32, #tpu.memory_space<vmem>>
        %dma_wait3A_337 = arith.constant 0 : i32
        %dma_wait3A_338 = arith.constant 0 : i32
        %dma_wait3A_339 = tpu.memref_slice %arg2[%dma_wait3A_337, %dma_wait3A_338] : memref<100000x128xf32, #tpu.memory_space<hbm>> -> memref<128x128xf32, #tpu.memory_space<hbm>>
        %dma_wait3A_340 = tpu.memref_slice %arg6[%dma_wait3A_332] : memref<7x!tpu.dma_semaphore, #tpu.memory_space<semaphore_mem>> -> memref<1x!tpu.dma_semaphore, #tpu.memory_space<semaphore_mem>>
        %dma_wait3A_341 = tpu.memref_squeeze %dma_wait3A_340 : memref<1x!tpu.dma_semaphore, #tpu.memory_space<semaphore_mem>> -> memref<!tpu.dma_semaphore, #tpu.memory_space<semaphore_mem>>
        %dma_wait3A_342 = arith.constant 0 : i32
        %dma_wait3A_343 = arith.constant 0 : i32
        %dma_wait3A_344 = tpu.memref_slice %run_scoped3A[%dma_wait3A_331, %dma_wait3A_342, %dma_wait3A_343] : memref<7x128x128xf32, #tpu.memory_space<vmem>> -> memref<1x128x128xf32, #tpu.memory_space<vmem>>
        %dma_wait3A_345 = tpu.memref_squeeze %dma_wait3A_344 : memref<1x128x128xf32, #tpu.memory_space<vmem>> -> memref<128x128xf32, #tpu.memory_space<vmem>>
        %dma_wait3A_346 = arith.constant 0 : i32
        %dma_wait3A_347 = arith.constant 0 : i32
        %dma_wait3A_348 = tpu.memref_slice %arg2[%dma_wait3A_346, %dma_wait3A_347] : memref<100000x128xf32, #tpu.memory_space<hbm>> -> memref<128x128xf32, #tpu.memory_space<hbm>>
        tpu.wait_dma2 semaphore(%dma_wait3A_341 : memref<!tpu.dma_semaphore, #tpu.memory_space<semaphore_mem>>) src(%dma_wait3A_348 : memref<128x128xf32, #tpu.memory_space<hbm>>) dst(%dma_wait3A_345 : memref<128x128xf32, #tpu.memory_space<vmem>>)
        %mul3A_349 = arith.constant 128 : i32
        %mul3A_350 = arith.muli %add3A_330, %mul3A_349 : i32
        %add3A_351 = arith.addi %mul3A_2, %mul3A_350 : i32
        %dma_start3A_352 = arith.constant 2 : i32
        %dma_start3A_353 = arith.constant 2 : i32
        %dma_start3A_354 = arith.constant 0 : i32
        %dma_start3A_355 = arith.constant 0 : i32
        %dma_start3A_356 = tpu.memref_slice %run_scoped3A[%dma_start3A_352, %dma_start3A_354, %dma_start3A_355] : memref<7x128x128xf32, #tpu.memory_space<vmem>> -> memref<1x128x128xf32, #tpu.memory_space<vmem>>
        %dma_start3A_357 = tpu.memref_squeeze %dma_start3A_356 : memref<1x128x128xf32, #tpu.memory_space<vmem>> -> memref<128x128xf32, #tpu.memory_space<vmem>>
        %dma_start3A_358 = arith.constant 0 : i32
        %dma_start3A_359 = tpu.memref_slice %arg4[%add3A_351, %dma_start3A_358] : memref<200712x128xf32, #tpu.memory_space<hbm>> -> memref<128x128xf32, #tpu.memory_space<hbm>>
        %dma_start3A_360 = tpu.memref_slice %arg7[%dma_start3A_353] : memref<7x!tpu.dma_semaphore, #tpu.memory_space<semaphore_mem>> -> memref<1x!tpu.dma_semaphore, #tpu.memory_space<semaphore_mem>>
        %dma_start3A_361 = tpu.memref_squeeze %dma_start3A_360 : memref<1x!tpu.dma_semaphore, #tpu.memory_space<semaphore_mem>> -> memref<!tpu.dma_semaphore, #tpu.memory_space<semaphore_mem>>
        %dma_start3A_362 = arith.constant 0 : i32
        %dma_start3A_363 = tpu.memref_slice %arg4[%add3A_351, %dma_start3A_362] : memref<200712x128xf32, #tpu.memory_space<hbm>> -> memref<128x128xf32, #tpu.memory_space<hbm>>
        %dma_start3A_364 = arith.constant 0 : i32
        %dma_start3A_365 = arith.constant 0 : i32
        %dma_start3A_366 = tpu.memref_slice %run_scoped3A[%dma_start3A_352, %dma_start3A_364, %dma_start3A_365] : memref<7x128x128xf32, #tpu.memory_space<vmem>> -> memref<1x128x128xf32, #tpu.memory_space<vmem>>
        %dma_start3A_367 = tpu.memref_squeeze %dma_start3A_366 : memref<1x128x128xf32, #tpu.memory_space<vmem>> -> memref<128x128xf32, #tpu.memory_space<vmem>>
        tpu.enqueue_dma source(%dma_start3A_367 : memref<128x128xf32, #tpu.memory_space<vmem>>) target(%dma_start3A_363 : memref<128x128xf32, #tpu.memory_space<hbm>>) target_semaphore(%dma_start3A_361 : memref<!tpu.dma_semaphore, #tpu.memory_space<semaphore_mem>>)
        %add3A_368 = arith.constant 7 : i32
        %add3A_369 = arith.addi %add3A_330, %add3A_368 : i32
        %lt3A_370 = arith.constant 49 : i32
        %lt3A_371 = arith.cmpi slt, %add3A_369, %lt3A_370 : i32
        %convert_element_type3A_372 = arith.extui %lt3A_371 : i1 to i32
        %cond3A_373 = arith.constant 0 : i32
        %cond3A_374 = arith.cmpi ne, %convert_element_type3A_372, %cond3A_373 : i32
        scf.if %cond3A_374 {
          %mul3A_567 = arith.constant 128 : i32
          %mul3A_568 = arith.muli %add3A_330, %mul3A_567 : i32
          %add3A_569 = arith.addi %mul3A_2, %mul3A_568 : i32
          %dma_wait3A_570 = arith.constant 2 : i32
          %dma_wait3A_571 = arith.constant 2 : i32
          %dma_wait3A_572 = arith.constant 0 : i32
          %dma_wait3A_573 = arith.constant 0 : i32
          %dma_wait3A_574 = tpu.memref_slice %run_scoped3A[%dma_wait3A_570, %dma_wait3A_572, %dma_wait3A_573] : memref<7x128x128xf32, #tpu.memory_space<vmem>> -> memref<1x128x128xf32, #tpu.memory_space<vmem>>
          %dma_wait3A_575 = tpu.memref_squeeze %dma_wait3A_574 : memref<1x128x128xf32, #tpu.memory_space<vmem>> -> memref<128x128xf32, #tpu.memory_space<vmem>>
          %dma_wait3A_576 = arith.constant 0 : i32
          %dma_wait3A_577 = tpu.memref_slice %arg4[%add3A_569, %dma_wait3A_576] : memref<200712x128xf32, #tpu.memory_space<hbm>> -> memref<128x128xf32, #tpu.memory_space<hbm>>
          %dma_wait3A_578 = tpu.memref_slice %arg7[%dma_wait3A_571] : memref<7x!tpu.dma_semaphore, #tpu.memory_space<semaphore_mem>> -> memref<1x!tpu.dma_semaphore, #tpu.memory_space<semaphore_mem>>
          %dma_wait3A_579 = tpu.memref_squeeze %dma_wait3A_578 : memref<1x!tpu.dma_semaphore, #tpu.memory_space<semaphore_mem>> -> memref<!tpu.dma_semaphore, #tpu.memory_space<semaphore_mem>>
          %dma_wait3A_580 = arith.constant 0 : i32
          %dma_wait3A_581 = tpu.memref_slice %arg4[%add3A_569, %dma_wait3A_580] : memref<200712x128xf32, #tpu.memory_space<hbm>> -> memref<128x128xf32, #tpu.memory_space<hbm>>
          %dma_wait3A_582 = arith.constant 0 : i32
          %dma_wait3A_583 = arith.constant 0 : i32
          %dma_wait3A_584 = tpu.memref_slice %run_scoped3A[%dma_wait3A_570, %dma_wait3A_582, %dma_wait3A_583] : memref<7x128x128xf32, #tpu.memory_space<vmem>> -> memref<1x128x128xf32, #tpu.memory_space<vmem>>
          %dma_wait3A_585 = tpu.memref_squeeze %dma_wait3A_584 : memref<1x128x128xf32, #tpu.memory_space<vmem>> -> memref<128x128xf32, #tpu.memory_space<vmem>>
          tpu.wait_dma2 semaphore(%dma_wait3A_579 : memref<!tpu.dma_semaphore, #tpu.memory_space<semaphore_mem>>) src(%dma_wait3A_585 : memref<128x128xf32, #tpu.memory_space<vmem>>) dst(%dma_wait3A_581 : memref<128x128xf32, #tpu.memory_space<hbm>>)
          %add3A_586 = arith.constant 7 : i32
          %add3A_587 = arith.addi %add3A_330, %add3A_586 : i32
          %mul3A_588 = arith.constant 128 : i32
          %mul3A_589 = arith.muli %add3A_587, %mul3A_588 : i32
          %dma_start3A_590 = arith.constant 2 : i32
          %dma_start3A_591 = arith.constant 2 : i32
          %dma_start3A_592 = arith.constant 0 : i32
          %dma_start3A_593 = arith.constant 0 : i32
          %dma_start3A_594 = tpu.memref_slice %run_scoped3A[%dma_start3A_590, %dma_start3A_592, %dma_start3A_593] : memref<7x128x128xf32, #tpu.memory_space<vmem>> -> memref<1x128x128xf32, #tpu.memory_space<vmem>>
          %dma_start3A_595 = tpu.memref_squeeze %dma_start3A_594 : memref<1x128x128xf32, #tpu.memory_space<vmem>> -> memref<128x128xf32, #tpu.memory_space<vmem>>
          %dma_start3A_596 = tpu.memref_slice %arg5[%mul3A_589] : memref<6272xi32, #tpu.memory_space<vmem>> -> memref<128xi32, #tpu.memory_space<vmem>>
          %dma_start3A_597 = arith.constant 0 : i32
          %dma_start3A_598 = arith.constant 0 : i32
          %dma_start3A_599 = tpu.memref_slice %arg2[%dma_start3A_597, %dma_start3A_598] : memref<100000x128xf32, #tpu.memory_space<hbm>> -> memref<100000x128xf32, #tpu.memory_space<hbm>>
          %dma_start3A_600 = tpu.memref_slice %arg6[%dma_start3A_591] : memref<7x!tpu.dma_semaphore, #tpu.memory_space<semaphore_mem>> -> memref<1x!tpu.dma_semaphore, #tpu.memory_space<semaphore_mem>>
          %dma_start3A_601 = tpu.memref_squeeze %dma_start3A_600 : memref<1x!tpu.dma_semaphore, #tpu.memory_space<semaphore_mem>> -> memref<!tpu.dma_semaphore, #tpu.memory_space<semaphore_mem>>
          tpu.enqueue_indirect_dma source(%dma_start3A_599 : memref<100000x128xf32, #tpu.memory_space<hbm>>) target(%dma_start3A_595 : memref<128x128xf32, #tpu.memory_space<vmem>>) offsets(%dma_start3A_596 : memref<128xi32, #tpu.memory_space<vmem>>) semaphore(%dma_start3A_601 : memref<!tpu.dma_semaphore, #tpu.memory_space<semaphore_mem>>)
        } else {
        }
        %mul3A_375 = arith.constant 7 : i32
        %mul3A_376 = arith.muli %scan3A_231, %mul3A_375 : i32
        %add3A_377 = arith.constant 3 : i32
        %add3A_378 = arith.addi %mul3A_376, %add3A_377 : i32
        %dma_wait3A_379 = arith.constant 3 : i32
        %dma_wait3A_380 = arith.constant 3 : i32
        %dma_wait3A_381 = arith.constant 0 : i32
        %dma_wait3A_382 = arith.constant 0 : i32
        %dma_wait3A_383 = tpu.memref_slice %run_scoped3A[%dma_wait3A_379, %dma_wait3A_381, %dma_wait3A_382] : memref<7x128x128xf32, #tpu.memory_space<vmem>> -> memref<1x128x128xf32, #tpu.memory_space<vmem>>
        %dma_wait3A_384 = tpu.memref_squeeze %dma_wait3A_383 : memref<1x128x128xf32, #tpu.memory_space<vmem>> -> memref<128x128xf32, #tpu.memory_space<vmem>>
        %dma_wait3A_385 = arith.constant 0 : i32
        %dma_wait3A_386 = arith.constant 0 : i32
        %dma_wait3A_387 = tpu.memref_slice %arg2[%dma_wait3A_385, %dma_wait3A_386] : memref<100000x128xf32, #tpu.memory_space<hbm>> -> memref<128x128xf32, #tpu.memory_space<hbm>>
        %dma_wait3A_388 = tpu.memref_slice %arg6[%dma_wait3A_380] : memref<7x!tpu.dma_semaphore, #tpu.memory_space<semaphore_mem>> -> memref<1x!tpu.dma_semaphore, #tpu.memory_space<semaphore_mem>>
        %dma_wait3A_389 = tpu.memref_squeeze %dma_wait3A_388 : memref<1x!tpu.dma_semaphore, #tpu.memory_space<semaphore_mem>> -> memref<!tpu.dma_semaphore, #tpu.memory_space<semaphore_mem>>
        %dma_wait3A_390 = arith.constant 0 : i32
        %dma_wait3A_391 = arith.constant 0 : i32
        %dma_wait3A_392 = tpu.memref_slice %run_scoped3A[%dma_wait3A_379, %dma_wait3A_390, %dma_wait3A_391] : memref<7x128x128xf32, #tpu.memory_space<vmem>> -> memref<1x128x128xf32, #tpu.memory_space<vmem>>
        %dma_wait3A_393 = tpu.memref_squeeze %dma_wait3A_392 : memref<1x128x128xf32, #tpu.memory_space<vmem>> -> memref<128x128xf32, #tpu.memory_space<vmem>>
        %dma_wait3A_394 = arith.constant 0 : i32
        %dma_wait3A_395 = arith.constant 0 : i32
        %dma_wait3A_396 = tpu.memref_slice %arg2[%dma_wait3A_394, %dma_wait3A_395] : memref<100000x128xf32, #tpu.memory_space<hbm>> -> memref<128x128xf32, #tpu.memory_space<hbm>>
        tpu.wait_dma2 semaphore(%dma_wait3A_389 : memref<!tpu.dma_semaphore, #tpu.memory_space<semaphore_mem>>) src(%dma_wait3A_396 : memref<128x128xf32, #tpu.memory_space<hbm>>) dst(%dma_wait3A_393 : memref<128x128xf32, #tpu.memory_space<vmem>>)
        %mul3A_397 = arith.constant 128 : i32
        %mul3A_398 = arith.muli %add3A_378, %mul3A_397 : i32
        %add3A_399 = arith.addi %mul3A_2, %mul3A_398 : i32
        %dma_start3A_400 = arith.constant 3 : i32
        %dma_start3A_401 = arith.constant 3 : i32
        %dma_start3A_402 = arith.constant 0 : i32
        %dma_start3A_403 = arith.constant 0 : i32
        %dma_start3A_404 = tpu.memref_slice %run_scoped3A[%dma_start3A_400, %dma_start3A_402, %dma_start3A_403] : memref<7x128x128xf32, #tpu.memory_space<vmem>> -> memref<1x128x128xf32, #tpu.memory_space<vmem>>
        %dma_start3A_405 = tpu.memref_squeeze %dma_start3A_404 : memref<1x128x128xf32, #tpu.memory_space<vmem>> -> memref<128x128xf32, #tpu.memory_space<vmem>>
        %dma_start3A_406 = arith.constant 0 : i32
        %dma_start3A_407 = tpu.memref_slice %arg4[%add3A_399, %dma_start3A_406] : memref<200712x128xf32, #tpu.memory_space<hbm>> -> memref<128x128xf32, #tpu.memory_space<hbm>>
        %dma_start3A_408 = tpu.memref_slice %arg7[%dma_start3A_401] : memref<7x!tpu.dma_semaphore, #tpu.memory_space<semaphore_mem>> -> memref<1x!tpu.dma_semaphore, #tpu.memory_space<semaphore_mem>>
        %dma_start3A_409 = tpu.memref_squeeze %dma_start3A_408 : memref<1x!tpu.dma_semaphore, #tpu.memory_space<semaphore_mem>> -> memref<!tpu.dma_semaphore, #tpu.memory_space<semaphore_mem>>
        %dma_start3A_410 = arith.constant 0 : i32
        %dma_start3A_411 = tpu.memref_slice %arg4[%add3A_399, %dma_start3A_410] : memref<200712x128xf32, #tpu.memory_space<hbm>> -> memref<128x128xf32, #tpu.memory_space<hbm>>
        %dma_start3A_412 = arith.constant 0 : i32
        %dma_start3A_413 = arith.constant 0 : i32
        %dma_start3A_414 = tpu.memref_slice %run_scoped3A[%dma_start3A_400, %dma_start3A_412, %dma_start3A_413] : memref<7x128x128xf32, #tpu.memory_space<vmem>> -> memref<1x128x128xf32, #tpu.memory_space<vmem>>
        %dma_start3A_415 = tpu.memref_squeeze %dma_start3A_414 : memref<1x128x128xf32, #tpu.memory_space<vmem>> -> memref<128x128xf32, #tpu.memory_space<vmem>>
        tpu.enqueue_dma source(%dma_start3A_415 : memref<128x128xf32, #tpu.memory_space<vmem>>) target(%dma_start3A_411 : memref<128x128xf32, #tpu.memory_space<hbm>>) target_semaphore(%dma_start3A_409 : memref<!tpu.dma_semaphore, #tpu.memory_space<semaphore_mem>>)
        %add3A_416 = arith.constant 7 : i32
        %add3A_417 = arith.addi %add3A_378, %add3A_416 : i32
        %lt3A_418 = arith.constant 49 : i32
        %lt3A_419 = arith.cmpi slt, %add3A_417, %lt3A_418 : i32
        %convert_element_type3A_420 = arith.extui %lt3A_419 : i1 to i32
        %cond3A_421 = arith.constant 0 : i32
        %cond3A_422 = arith.cmpi ne, %convert_element_type3A_420, %cond3A_421 : i32
        scf.if %cond3A_422 {
          %mul3A_567 = arith.constant 128 : i32
          %mul3A_568 = arith.muli %add3A_378, %mul3A_567 : i32
          %add3A_569 = arith.addi %mul3A_2, %mul3A_568 : i32
          %dma_wait3A_570 = arith.constant 3 : i32
          %dma_wait3A_571 = arith.constant 3 : i32
          %dma_wait3A_572 = arith.constant 0 : i32
          %dma_wait3A_573 = arith.constant 0 : i32
          %dma_wait3A_574 = tpu.memref_slice %run_scoped3A[%dma_wait3A_570, %dma_wait3A_572, %dma_wait3A_573] : memref<7x128x128xf32, #tpu.memory_space<vmem>> -> memref<1x128x128xf32, #tpu.memory_space<vmem>>
          %dma_wait3A_575 = tpu.memref_squeeze %dma_wait3A_574 : memref<1x128x128xf32, #tpu.memory_space<vmem>> -> memref<128x128xf32, #tpu.memory_space<vmem>>
          %dma_wait3A_576 = arith.constant 0 : i32
          %dma_wait3A_577 = tpu.memref_slice %arg4[%add3A_569, %dma_wait3A_576] : memref<200712x128xf32, #tpu.memory_space<hbm>> -> memref<128x128xf32, #tpu.memory_space<hbm>>
          %dma_wait3A_578 = tpu.memref_slice %arg7[%dma_wait3A_571] : memref<7x!tpu.dma_semaphore, #tpu.memory_space<semaphore_mem>> -> memref<1x!tpu.dma_semaphore, #tpu.memory_space<semaphore_mem>>
          %dma_wait3A_579 = tpu.memref_squeeze %dma_wait3A_578 : memref<1x!tpu.dma_semaphore, #tpu.memory_space<semaphore_mem>> -> memref<!tpu.dma_semaphore, #tpu.memory_space<semaphore_mem>>
          %dma_wait3A_580 = arith.constant 0 : i32
          %dma_wait3A_581 = tpu.memref_slice %arg4[%add3A_569, %dma_wait3A_580] : memref<200712x128xf32, #tpu.memory_space<hbm>> -> memref<128x128xf32, #tpu.memory_space<hbm>>
          %dma_wait3A_582 = arith.constant 0 : i32
          %dma_wait3A_583 = arith.constant 0 : i32
          %dma_wait3A_584 = tpu.memref_slice %run_scoped3A[%dma_wait3A_570, %dma_wait3A_582, %dma_wait3A_583] : memref<7x128x128xf32, #tpu.memory_space<vmem>> -> memref<1x128x128xf32, #tpu.memory_space<vmem>>
          %dma_wait3A_585 = tpu.memref_squeeze %dma_wait3A_584 : memref<1x128x128xf32, #tpu.memory_space<vmem>> -> memref<128x128xf32, #tpu.memory_space<vmem>>
          tpu.wait_dma2 semaphore(%dma_wait3A_579 : memref<!tpu.dma_semaphore, #tpu.memory_space<semaphore_mem>>) src(%dma_wait3A_585 : memref<128x128xf32, #tpu.memory_space<vmem>>) dst(%dma_wait3A_581 : memref<128x128xf32, #tpu.memory_space<hbm>>)
          %add3A_586 = arith.constant 7 : i32
          %add3A_587 = arith.addi %add3A_378, %add3A_586 : i32
          %mul3A_588 = arith.constant 128 : i32
          %mul3A_589 = arith.muli %add3A_587, %mul3A_588 : i32
          %dma_start3A_590 = arith.constant 3 : i32
          %dma_start3A_591 = arith.constant 3 : i32
          %dma_start3A_592 = arith.constant 0 : i32
          %dma_start3A_593 = arith.constant 0 : i32
          %dma_start3A_594 = tpu.memref_slice %run_scoped3A[%dma_start3A_590, %dma_start3A_592, %dma_start3A_593] : memref<7x128x128xf32, #tpu.memory_space<vmem>> -> memref<1x128x128xf32, #tpu.memory_space<vmem>>
          %dma_start3A_595 = tpu.memref_squeeze %dma_start3A_594 : memref<1x128x128xf32, #tpu.memory_space<vmem>> -> memref<128x128xf32, #tpu.memory_space<vmem>>
          %dma_start3A_596 = tpu.memref_slice %arg5[%mul3A_589] : memref<6272xi32, #tpu.memory_space<vmem>> -> memref<128xi32, #tpu.memory_space<vmem>>
          %dma_start3A_597 = arith.constant 0 : i32
          %dma_start3A_598 = arith.constant 0 : i32
          %dma_start3A_599 = tpu.memref_slice %arg2[%dma_start3A_597, %dma_start3A_598] : memref<100000x128xf32, #tpu.memory_space<hbm>> -> memref<100000x128xf32, #tpu.memory_space<hbm>>
          %dma_start3A_600 = tpu.memref_slice %arg6[%dma_start3A_591] : memref<7x!tpu.dma_semaphore, #tpu.memory_space<semaphore_mem>> -> memref<1x!tpu.dma_semaphore, #tpu.memory_space<semaphore_mem>>
          %dma_start3A_601 = tpu.memref_squeeze %dma_start3A_600 : memref<1x!tpu.dma_semaphore, #tpu.memory_space<semaphore_mem>> -> memref<!tpu.dma_semaphore, #tpu.memory_space<semaphore_mem>>
          tpu.enqueue_indirect_dma source(%dma_start3A_599 : memref<100000x128xf32, #tpu.memory_space<hbm>>) target(%dma_start3A_595 : memref<128x128xf32, #tpu.memory_space<vmem>>) offsets(%dma_start3A_596 : memref<128xi32, #tpu.memory_space<vmem>>) semaphore(%dma_start3A_601 : memref<!tpu.dma_semaphore, #tpu.memory_space<semaphore_mem>>)
        } else {
        }
        %mul3A_423 = arith.constant 7 : i32
        %mul3A_424 = arith.muli %scan3A_231, %mul3A_423 : i32
        %add3A_425 = arith.constant 4 : i32
        %add3A_426 = arith.addi %mul3A_424, %add3A_425 : i32
        %dma_wait3A_427 = arith.constant 4 : i32
        %dma_wait3A_428 = arith.constant 4 : i32
        %dma_wait3A_429 = arith.constant 0 : i32
        %dma_wait3A_430 = arith.constant 0 : i32
        %dma_wait3A_431 = tpu.memref_slice %run_scoped3A[%dma_wait3A_427, %dma_wait3A_429, %dma_wait3A_430] : memref<7x128x128xf32, #tpu.memory_space<vmem>> -> memref<1x128x128xf32, #tpu.memory_space<vmem>>
        %dma_wait3A_432 = tpu.memref_squeeze %dma_wait3A_431 : memref<1x128x128xf32, #tpu.memory_space<vmem>> -> memref<128x128xf32, #tpu.memory_space<vmem>>
        %dma_wait3A_433 = arith.constant 0 : i32
        %dma_wait3A_434 = arith.constant 0 : i32
        %dma_wait3A_435 = tpu.memref_slice %arg2[%dma_wait3A_433, %dma_wait3A_434] : memref<100000x128xf32, #tpu.memory_space<hbm>> -> memref<128x128xf32, #tpu.memory_space<hbm>>
        %dma_wait3A_436 = tpu.memref_slice %arg6[%dma_wait3A_428] : memref<7x!tpu.dma_semaphore, #tpu.memory_space<semaphore_mem>> -> memref<1x!tpu.dma_semaphore, #tpu.memory_space<semaphore_mem>>
        %dma_wait3A_437 = tpu.memref_squeeze %dma_wait3A_436 : memref<1x!tpu.dma_semaphore, #tpu.memory_space<semaphore_mem>> -> memref<!tpu.dma_semaphore, #tpu.memory_space<semaphore_mem>>
        %dma_wait3A_438 = arith.constant 0 : i32
        %dma_wait3A_439 = arith.constant 0 : i32
        %dma_wait3A_440 = tpu.memref_slice %run_scoped3A[%dma_wait3A_427, %dma_wait3A_438, %dma_wait3A_439] : memref<7x128x128xf32, #tpu.memory_space<vmem>> -> memref<1x128x128xf32, #tpu.memory_space<vmem>>
        %dma_wait3A_441 = tpu.memref_squeeze %dma_wait3A_440 : memref<1x128x128xf32, #tpu.memory_space<vmem>> -> memref<128x128xf32, #tpu.memory_space<vmem>>
        %dma_wait3A_442 = arith.constant 0 : i32
        %dma_wait3A_443 = arith.constant 0 : i32
        %dma_wait3A_444 = tpu.memref_slice %arg2[%dma_wait3A_442, %dma_wait3A_443] : memref<100000x128xf32, #tpu.memory_space<hbm>> -> memref<128x128xf32, #tpu.memory_space<hbm>>
        tpu.wait_dma2 semaphore(%dma_wait3A_437 : memref<!tpu.dma_semaphore, #tpu.memory_space<semaphore_mem>>) src(%dma_wait3A_444 : memref<128x128xf32, #tpu.memory_space<hbm>>) dst(%dma_wait3A_441 : memref<128x128xf32, #tpu.memory_space<vmem>>)
        %mul3A_445 = arith.constant 128 : i32
        %mul3A_446 = arith.muli %add3A_426, %mul3A_445 : i32
        %add3A_447 = arith.addi %mul3A_2, %mul3A_446 : i32
        %dma_start3A_448 = arith.constant 4 : i32
        %dma_start3A_449 = arith.constant 4 : i32
        %dma_start3A_450 = arith.constant 0 : i32
        %dma_start3A_451 = arith.constant 0 : i32
        %dma_start3A_452 = tpu.memref_slice %run_scoped3A[%dma_start3A_448, %dma_start3A_450, %dma_start3A_451] : memref<7x128x128xf32, #tpu.memory_space<vmem>> -> memref<1x128x128xf32, #tpu.memory_space<vmem>>
        %dma_start3A_453 = tpu.memref_squeeze %dma_start3A_452 : memref<1x128x128xf32, #tpu.memory_space<vmem>> -> memref<128x128xf32, #tpu.memory_space<vmem>>
        %dma_start3A_454 = arith.constant 0 : i32
        %dma_start3A_455 = tpu.memref_slice %arg4[%add3A_447, %dma_start3A_454] : memref<200712x128xf32, #tpu.memory_space<hbm>> -> memref<128x128xf32, #tpu.memory_space<hbm>>
        %dma_start3A_456 = tpu.memref_slice %arg7[%dma_start3A_449] : memref<7x!tpu.dma_semaphore, #tpu.memory_space<semaphore_mem>> -> memref<1x!tpu.dma_semaphore, #tpu.memory_space<semaphore_mem>>
        %dma_start3A_457 = tpu.memref_squeeze %dma_start3A_456 : memref<1x!tpu.dma_semaphore, #tpu.memory_space<semaphore_mem>> -> memref<!tpu.dma_semaphore, #tpu.memory_space<semaphore_mem>>
        %dma_start3A_458 = arith.constant 0 : i32
        %dma_start3A_459 = tpu.memref_slice %arg4[%add3A_447, %dma_start3A_458] : memref<200712x128xf32, #tpu.memory_space<hbm>> -> memref<128x128xf32, #tpu.memory_space<hbm>>
        %dma_start3A_460 = arith.constant 0 : i32
        %dma_start3A_461 = arith.constant 0 : i32
        %dma_start3A_462 = tpu.memref_slice %run_scoped3A[%dma_start3A_448, %dma_start3A_460, %dma_start3A_461] : memref<7x128x128xf32, #tpu.memory_space<vmem>> -> memref<1x128x128xf32, #tpu.memory_space<vmem>>
        %dma_start3A_463 = tpu.memref_squeeze %dma_start3A_462 : memref<1x128x128xf32, #tpu.memory_space<vmem>> -> memref<128x128xf32, #tpu.memory_space<vmem>>
        tpu.enqueue_dma source(%dma_start3A_463 : memref<128x128xf32, #tpu.memory_space<vmem>>) target(%dma_start3A_459 : memref<128x128xf32, #tpu.memory_space<hbm>>) target_semaphore(%dma_start3A_457 : memref<!tpu.dma_semaphore, #tpu.memory_space<semaphore_mem>>)
        %add3A_464 = arith.constant 7 : i32
        %add3A_465 = arith.addi %add3A_426, %add3A_464 : i32
        %lt3A_466 = arith.constant 49 : i32
        %lt3A_467 = arith.cmpi slt, %add3A_465, %lt3A_466 : i32
        %convert_element_type3A_468 = arith.extui %lt3A_467 : i1 to i32
        %cond3A_469 = arith.constant 0 : i32
        %cond3A_470 = arith.cmpi ne, %convert_element_type3A_468, %cond3A_469 : i32
        scf.if %cond3A_470 {
          %mul3A_567 = arith.constant 128 : i32
          %mul3A_568 = arith.muli %add3A_426, %mul3A_567 : i32
          %add3A_569 = arith.addi %mul3A_2, %mul3A_568 : i32
          %dma_wait3A_570 = arith.constant 4 : i32
          %dma_wait3A_571 = arith.constant 4 : i32
          %dma_wait3A_572 = arith.constant 0 : i32
          %dma_wait3A_573 = arith.constant 0 : i32
          %dma_wait3A_574 = tpu.memref_slice %run_scoped3A[%dma_wait3A_570, %dma_wait3A_572, %dma_wait3A_573] : memref<7x128x128xf32, #tpu.memory_space<vmem>> -> memref<1x128x128xf32, #tpu.memory_space<vmem>>
          %dma_wait3A_575 = tpu.memref_squeeze %dma_wait3A_574 : memref<1x128x128xf32, #tpu.memory_space<vmem>> -> memref<128x128xf32, #tpu.memory_space<vmem>>
          %dma_wait3A_576 = arith.constant 0 : i32
          %dma_wait3A_577 = tpu.memref_slice %arg4[%add3A_569, %dma_wait3A_576] : memref<200712x128xf32, #tpu.memory_space<hbm>> -> memref<128x128xf32, #tpu.memory_space<hbm>>
          %dma_wait3A_578 = tpu.memref_slice %arg7[%dma_wait3A_571] : memref<7x!tpu.dma_semaphore, #tpu.memory_space<semaphore_mem>> -> memref<1x!tpu.dma_semaphore, #tpu.memory_space<semaphore_mem>>
          %dma_wait3A_579 = tpu.memref_squeeze %dma_wait3A_578 : memref<1x!tpu.dma_semaphore, #tpu.memory_space<semaphore_mem>> -> memref<!tpu.dma_semaphore, #tpu.memory_space<semaphore_mem>>
          %dma_wait3A_580 = arith.constant 0 : i32
          %dma_wait3A_581 = tpu.memref_slice %arg4[%add3A_569, %dma_wait3A_580] : memref<200712x128xf32, #tpu.memory_space<hbm>> -> memref<128x128xf32, #tpu.memory_space<hbm>>
          %dma_wait3A_582 = arith.constant 0 : i32
          %dma_wait3A_583 = arith.constant 0 : i32
          %dma_wait3A_584 = tpu.memref_slice %run_scoped3A[%dma_wait3A_570, %dma_wait3A_582, %dma_wait3A_583] : memref<7x128x128xf32, #tpu.memory_space<vmem>> -> memref<1x128x128xf32, #tpu.memory_space<vmem>>
          %dma_wait3A_585 = tpu.memref_squeeze %dma_wait3A_584 : memref<1x128x128xf32, #tpu.memory_space<vmem>> -> memref<128x128xf32, #tpu.memory_space<vmem>>
          tpu.wait_dma2 semaphore(%dma_wait3A_579 : memref<!tpu.dma_semaphore, #tpu.memory_space<semaphore_mem>>) src(%dma_wait3A_585 : memref<128x128xf32, #tpu.memory_space<vmem>>) dst(%dma_wait3A_581 : memref<128x128xf32, #tpu.memory_space<hbm>>)
          %add3A_586 = arith.constant 7 : i32
          %add3A_587 = arith.addi %add3A_426, %add3A_586 : i32
          %mul3A_588 = arith.constant 128 : i32
          %mul3A_589 = arith.muli %add3A_587, %mul3A_588 : i32
          %dma_start3A_590 = arith.constant 4 : i32
          %dma_start3A_591 = arith.constant 4 : i32
          %dma_start3A_592 = arith.constant 0 : i32
          %dma_start3A_593 = arith.constant 0 : i32
          %dma_start3A_594 = tpu.memref_slice %run_scoped3A[%dma_start3A_590, %dma_start3A_592, %dma_start3A_593] : memref<7x128x128xf32, #tpu.memory_space<vmem>> -> memref<1x128x128xf32, #tpu.memory_space<vmem>>
          %dma_start3A_595 = tpu.memref_squeeze %dma_start3A_594 : memref<1x128x128xf32, #tpu.memory_space<vmem>> -> memref<128x128xf32, #tpu.memory_space<vmem>>
          %dma_start3A_596 = tpu.memref_slice %arg5[%mul3A_589] : memref<6272xi32, #tpu.memory_space<vmem>> -> memref<128xi32, #tpu.memory_space<vmem>>
          %dma_start3A_597 = arith.constant 0 : i32
          %dma_start3A_598 = arith.constant 0 : i32
          %dma_start3A_599 = tpu.memref_slice %arg2[%dma_start3A_597, %dma_start3A_598] : memref<100000x128xf32, #tpu.memory_space<hbm>> -> memref<100000x128xf32, #tpu.memory_space<hbm>>
          %dma_start3A_600 = tpu.memref_slice %arg6[%dma_start3A_591] : memref<7x!tpu.dma_semaphore, #tpu.memory_space<semaphore_mem>> -> memref<1x!tpu.dma_semaphore, #tpu.memory_space<semaphore_mem>>
          %dma_start3A_601 = tpu.memref_squeeze %dma_start3A_600 : memref<1x!tpu.dma_semaphore, #tpu.memory_space<semaphore_mem>> -> memref<!tpu.dma_semaphore, #tpu.memory_space<semaphore_mem>>
          tpu.enqueue_indirect_dma source(%dma_start3A_599 : memref<100000x128xf32, #tpu.memory_space<hbm>>) target(%dma_start3A_595 : memref<128x128xf32, #tpu.memory_space<vmem>>) offsets(%dma_start3A_596 : memref<128xi32, #tpu.memory_space<vmem>>) semaphore(%dma_start3A_601 : memref<!tpu.dma_semaphore, #tpu.memory_space<semaphore_mem>>)
        } else {
        }
        %mul3A_471 = arith.constant 7 : i32
        %mul3A_472 = arith.muli %scan3A_231, %mul3A_471 : i32
        %add3A_473 = arith.constant 5 : i32
        %add3A_474 = arith.addi %mul3A_472, %add3A_473 : i32
        %dma_wait3A_475 = arith.constant 5 : i32
        %dma_wait3A_476 = arith.constant 5 : i32
        %dma_wait3A_477 = arith.constant 0 : i32
        %dma_wait3A_478 = arith.constant 0 : i32
        %dma_wait3A_479 = tpu.memref_slice %run_scoped3A[%dma_wait3A_475, %dma_wait3A_477, %dma_wait3A_478] : memref<7x128x128xf32, #tpu.memory_space<vmem>> -> memref<1x128x128xf32, #tpu.memory_space<vmem>>
        %dma_wait3A_480 = tpu.memref_squeeze %dma_wait3A_479 : memref<1x128x128xf32, #tpu.memory_space<vmem>> -> memref<128x128xf32, #tpu.memory_space<vmem>>
        %dma_wait3A_481 = arith.constant 0 : i32
        %dma_wait3A_482 = arith.constant 0 : i32
        %dma_wait3A_483 = tpu.memref_slice %arg2[%dma_wait3A_481, %dma_wait3A_482] : memref<100000x128xf32, #tpu.memory_space<hbm>> -> memref<128x128xf32, #tpu.memory_space<hbm>>
        %dma_wait3A_484 = tpu.memref_slice %arg6[%dma_wait3A_476] : memref<7x!tpu.dma_semaphore, #tpu.memory_space<semaphore_mem>> -> memref<1x!tpu.dma_semaphore, #tpu.memory_space<semaphore_mem>>
        %dma_wait3A_485 = tpu.memref_squeeze %dma_wait3A_484 : memref<1x!tpu.dma_semaphore, #tpu.memory_space<semaphore_mem>> -> memref<!tpu.dma_semaphore, #tpu.memory_space<semaphore_mem>>
        %dma_wait3A_486 = arith.constant 0 : i32
        %dma_wait3A_487 = arith.constant 0 : i32
        %dma_wait3A_488 = tpu.memref_slice %run_scoped3A[%dma_wait3A_475, %dma_wait3A_486, %dma_wait3A_487] : memref<7x128x128xf32, #tpu.memory_space<vmem>> -> memref<1x128x128xf32, #tpu.memory_space<vmem>>
        %dma_wait3A_489 = tpu.memref_squeeze %dma_wait3A_488 : memref<1x128x128xf32, #tpu.memory_space<vmem>> -> memref<128x128xf32, #tpu.memory_space<vmem>>
        %dma_wait3A_490 = arith.constant 0 : i32
        %dma_wait3A_491 = arith.constant 0 : i32
        %dma_wait3A_492 = tpu.memref_slice %arg2[%dma_wait3A_490, %dma_wait3A_491] : memref<100000x128xf32, #tpu.memory_space<hbm>> -> memref<128x128xf32, #tpu.memory_space<hbm>>
        tpu.wait_dma2 semaphore(%dma_wait3A_485 : memref<!tpu.dma_semaphore, #tpu.memory_space<semaphore_mem>>) src(%dma_wait3A_492 : memref<128x128xf32, #tpu.memory_space<hbm>>) dst(%dma_wait3A_489 : memref<128x128xf32, #tpu.memory_space<vmem>>)
        %mul3A_493 = arith.constant 128 : i32
        %mul3A_494 = arith.muli %add3A_474, %mul3A_493 : i32
        %add3A_495 = arith.addi %mul3A_2, %mul3A_494 : i32
        %dma_start3A_496 = arith.constant 5 : i32
        %dma_start3A_497 = arith.constant 5 : i32
        %dma_start3A_498 = arith.constant 0 : i32
        %dma_start3A_499 = arith.constant 0 : i32
        %dma_start3A_500 = tpu.memref_slice %run_scoped3A[%dma_start3A_496, %dma_start3A_498, %dma_start3A_499] : memref<7x128x128xf32, #tpu.memory_space<vmem>> -> memref<1x128x128xf32, #tpu.memory_space<vmem>>
        %dma_start3A_501 = tpu.memref_squeeze %dma_start3A_500 : memref<1x128x128xf32, #tpu.memory_space<vmem>> -> memref<128x128xf32, #tpu.memory_space<vmem>>
        %dma_start3A_502 = arith.constant 0 : i32
        %dma_start3A_503 = tpu.memref_slice %arg4[%add3A_495, %dma_start3A_502] : memref<200712x128xf32, #tpu.memory_space<hbm>> -> memref<128x128xf32, #tpu.memory_space<hbm>>
        %dma_start3A_504 = tpu.memref_slice %arg7[%dma_start3A_497] : memref<7x!tpu.dma_semaphore, #tpu.memory_space<semaphore_mem>> -> memref<1x!tpu.dma_semaphore, #tpu.memory_space<semaphore_mem>>
        %dma_start3A_505 = tpu.memref_squeeze %dma_start3A_504 : memref<1x!tpu.dma_semaphore, #tpu.memory_space<semaphore_mem>> -> memref<!tpu.dma_semaphore, #tpu.memory_space<semaphore_mem>>
        %dma_start3A_506 = arith.constant 0 : i32
        %dma_start3A_507 = tpu.memref_slice %arg4[%add3A_495, %dma_start3A_506] : memref<200712x128xf32, #tpu.memory_space<hbm>> -> memref<128x128xf32, #tpu.memory_space<hbm>>
        %dma_start3A_508 = arith.constant 0 : i32
        %dma_start3A_509 = arith.constant 0 : i32
        %dma_start3A_510 = tpu.memref_slice %run_scoped3A[%dma_start3A_496, %dma_start3A_508, %dma_start3A_509] : memref<7x128x128xf32, #tpu.memory_space<vmem>> -> memref<1x128x128xf32, #tpu.memory_space<vmem>>
        %dma_start3A_511 = tpu.memref_squeeze %dma_start3A_510 : memref<1x128x128xf32, #tpu.memory_space<vmem>> -> memref<128x128xf32, #tpu.memory_space<vmem>>
        tpu.enqueue_dma source(%dma_start3A_511 : memref<128x128xf32, #tpu.memory_space<vmem>>) target(%dma_start3A_507 : memref<128x128xf32, #tpu.memory_space<hbm>>) target_semaphore(%dma_start3A_505 : memref<!tpu.dma_semaphore, #tpu.memory_space<semaphore_mem>>)
        %add3A_512 = arith.constant 7 : i32
        %add3A_513 = arith.addi %add3A_474, %add3A_512 : i32
        %lt3A_514 = arith.constant 49 : i32
        %lt3A_515 = arith.cmpi slt, %add3A_513, %lt3A_514 : i32
        %convert_element_type3A_516 = arith.extui %lt3A_515 : i1 to i32
        %cond3A_517 = arith.constant 0 : i32
        %cond3A_518 = arith.cmpi ne, %convert_element_type3A_516, %cond3A_517 : i32
        scf.if %cond3A_518 {
          %mul3A_567 = arith.constant 128 : i32
          %mul3A_568 = arith.muli %add3A_474, %mul3A_567 : i32
          %add3A_569 = arith.addi %mul3A_2, %mul3A_568 : i32
          %dma_wait3A_570 = arith.constant 5 : i32
          %dma_wait3A_571 = arith.constant 5 : i32
          %dma_wait3A_572 = arith.constant 0 : i32
          %dma_wait3A_573 = arith.constant 0 : i32
          %dma_wait3A_574 = tpu.memref_slice %run_scoped3A[%dma_wait3A_570, %dma_wait3A_572, %dma_wait3A_573] : memref<7x128x128xf32, #tpu.memory_space<vmem>> -> memref<1x128x128xf32, #tpu.memory_space<vmem>>
          %dma_wait3A_575 = tpu.memref_squeeze %dma_wait3A_574 : memref<1x128x128xf32, #tpu.memory_space<vmem>> -> memref<128x128xf32, #tpu.memory_space<vmem>>
          %dma_wait3A_576 = arith.constant 0 : i32
          %dma_wait3A_577 = tpu.memref_slice %arg4[%add3A_569, %dma_wait3A_576] : memref<200712x128xf32, #tpu.memory_space<hbm>> -> memref<128x128xf32, #tpu.memory_space<hbm>>
          %dma_wait3A_578 = tpu.memref_slice %arg7[%dma_wait3A_571] : memref<7x!tpu.dma_semaphore, #tpu.memory_space<semaphore_mem>> -> memref<1x!tpu.dma_semaphore, #tpu.memory_space<semaphore_mem>>
          %dma_wait3A_579 = tpu.memref_squeeze %dma_wait3A_578 : memref<1x!tpu.dma_semaphore, #tpu.memory_space<semaphore_mem>> -> memref<!tpu.dma_semaphore, #tpu.memory_space<semaphore_mem>>
          %dma_wait3A_580 = arith.constant 0 : i32
          %dma_wait3A_581 = tpu.memref_slice %arg4[%add3A_569, %dma_wait3A_580] : memref<200712x128xf32, #tpu.memory_space<hbm>> -> memref<128x128xf32, #tpu.memory_space<hbm>>
          %dma_wait3A_582 = arith.constant 0 : i32
          %dma_wait3A_583 = arith.constant 0 : i32
          %dma_wait3A_584 = tpu.memref_slice %run_scoped3A[%dma_wait3A_570, %dma_wait3A_582, %dma_wait3A_583] : memref<7x128x128xf32, #tpu.memory_space<vmem>> -> memref<1x128x128xf32, #tpu.memory_space<vmem>>
          %dma_wait3A_585 = tpu.memref_squeeze %dma_wait3A_584 : memref<1x128x128xf32, #tpu.memory_space<vmem>> -> memref<128x128xf32, #tpu.memory_space<vmem>>
          tpu.wait_dma2 semaphore(%dma_wait3A_579 : memref<!tpu.dma_semaphore, #tpu.memory_space<semaphore_mem>>) src(%dma_wait3A_585 : memref<128x128xf32, #tpu.memory_space<vmem>>) dst(%dma_wait3A_581 : memref<128x128xf32, #tpu.memory_space<hbm>>)
          %add3A_586 = arith.constant 7 : i32
          %add3A_587 = arith.addi %add3A_474, %add3A_586 : i32
          %mul3A_588 = arith.constant 128 : i32
          %mul3A_589 = arith.muli %add3A_587, %mul3A_588 : i32
          %dma_start3A_590 = arith.constant 5 : i32
          %dma_start3A_591 = arith.constant 5 : i32
          %dma_start3A_592 = arith.constant 0 : i32
          %dma_start3A_593 = arith.constant 0 : i32
          %dma_start3A_594 = tpu.memref_slice %run_scoped3A[%dma_start3A_590, %dma_start3A_592, %dma_start3A_593] : memref<7x128x128xf32, #tpu.memory_space<vmem>> -> memref<1x128x128xf32, #tpu.memory_space<vmem>>
          %dma_start3A_595 = tpu.memref_squeeze %dma_start3A_594 : memref<1x128x128xf32, #tpu.memory_space<vmem>> -> memref<128x128xf32, #tpu.memory_space<vmem>>
          %dma_start3A_596 = tpu.memref_slice %arg5[%mul3A_589] : memref<6272xi32, #tpu.memory_space<vmem>> -> memref<128xi32, #tpu.memory_space<vmem>>
          %dma_start3A_597 = arith.constant 0 : i32
          %dma_start3A_598 = arith.constant 0 : i32
          %dma_start3A_599 = tpu.memref_slice %arg2[%dma_start3A_597, %dma_start3A_598] : memref<100000x128xf32, #tpu.memory_space<hbm>> -> memref<100000x128xf32, #tpu.memory_space<hbm>>
          %dma_start3A_600 = tpu.memref_slice %arg6[%dma_start3A_591] : memref<7x!tpu.dma_semaphore, #tpu.memory_space<semaphore_mem>> -> memref<1x!tpu.dma_semaphore, #tpu.memory_space<semaphore_mem>>
          %dma_start3A_601 = tpu.memref_squeeze %dma_start3A_600 : memref<1x!tpu.dma_semaphore, #tpu.memory_space<semaphore_mem>> -> memref<!tpu.dma_semaphore, #tpu.memory_space<semaphore_mem>>
          tpu.enqueue_indirect_dma source(%dma_start3A_599 : memref<100000x128xf32, #tpu.memory_space<hbm>>) target(%dma_start3A_595 : memref<128x128xf32, #tpu.memory_space<vmem>>) offsets(%dma_start3A_596 : memref<128xi32, #tpu.memory_space<vmem>>) semaphore(%dma_start3A_601 : memref<!tpu.dma_semaphore, #tpu.memory_space<semaphore_mem>>)
        } else {
        }
        %mul3A_519 = arith.constant 7 : i32
        %mul3A_520 = arith.muli %scan3A_231, %mul3A_519 : i32
        %add3A_521 = arith.constant 6 : i32
        %add3A_522 = arith.addi %mul3A_520, %add3A_521 : i32
        %dma_wait3A_523 = arith.constant 6 : i32
        %dma_wait3A_524 = arith.constant 6 : i32
        %dma_wait3A_525 = arith.constant 0 : i32
        %dma_wait3A_526 = arith.constant 0 : i32
        %dma_wait3A_527 = tpu.memref_slice %run_scoped3A[%dma_wait3A_523, %dma_wait3A_525, %dma_wait3A_526] : memref<7x128x128xf32, #tpu.memory_space<vmem>> -> memref<1x128x128xf32, #tpu.memory_space<vmem>>
        %dma_wait3A_528 = tpu.memref_squeeze %dma_wait3A_527 : memref<1x128x128xf32, #tpu.memory_space<vmem>> -> memref<128x128xf32, #tpu.memory_space<vmem>>
        %dma_wait3A_529 = arith.constant 0 : i32
        %dma_wait3A_530 = arith.constant 0 : i32
        %dma_wait3A_531 = tpu.memref_slice %arg2[%dma_wait3A_529, %dma_wait3A_530] : memref<100000x128xf32, #tpu.memory_space<hbm>> -> memref<128x128xf32, #tpu.memory_space<hbm>>
        %dma_wait3A_532 = tpu.memref_slice %arg6[%dma_wait3A_524] : memref<7x!tpu.dma_semaphore, #tpu.memory_space<semaphore_mem>> -> memref<1x!tpu.dma_semaphore, #tpu.memory_space<semaphore_mem>>
        %dma_wait3A_533 = tpu.memref_squeeze %dma_wait3A_532 : memref<1x!tpu.dma_semaphore, #tpu.memory_space<semaphore_mem>> -> memref<!tpu.dma_semaphore, #tpu.memory_space<semaphore_mem>>
        %dma_wait3A_534 = arith.constant 0 : i32
        %dma_wait3A_535 = arith.constant 0 : i32
        %dma_wait3A_536 = tpu.memref_slice %run_scoped3A[%dma_wait3A_523, %dma_wait3A_534, %dma_wait3A_535] : memref<7x128x128xf32, #tpu.memory_space<vmem>> -> memref<1x128x128xf32, #tpu.memory_space<vmem>>
        %dma_wait3A_537 = tpu.memref_squeeze %dma_wait3A_536 : memref<1x128x128xf32, #tpu.memory_space<vmem>> -> memref<128x128xf32, #tpu.memory_space<vmem>>
        %dma_wait3A_538 = arith.constant 0 : i32
        %dma_wait3A_539 = arith.constant 0 : i32
        %dma_wait3A_540 = tpu.memref_slice %arg2[%dma_wait3A_538, %dma_wait3A_539] : memref<100000x128xf32, #tpu.memory_space<hbm>> -> memref<128x128xf32, #tpu.memory_space<hbm>>
        tpu.wait_dma2 semaphore(%dma_wait3A_533 : memref<!tpu.dma_semaphore, #tpu.memory_space<semaphore_mem>>) src(%dma_wait3A_540 : memref<128x128xf32, #tpu.memory_space<hbm>>) dst(%dma_wait3A_537 : memref<128x128xf32, #tpu.memory_space<vmem>>)
        %mul3A_541 = arith.constant 128 : i32
        %mul3A_542 = arith.muli %add3A_522, %mul3A_541 : i32
        %add3A_543 = arith.addi %mul3A_2, %mul3A_542 : i32
        %dma_start3A_544 = arith.constant 6 : i32
        %dma_start3A_545 = arith.constant 6 : i32
        %dma_start3A_546 = arith.constant 0 : i32
        %dma_start3A_547 = arith.constant 0 : i32
        %dma_start3A_548 = tpu.memref_slice %run_scoped3A[%dma_start3A_544, %dma_start3A_546, %dma_start3A_547] : memref<7x128x128xf32, #tpu.memory_space<vmem>> -> memref<1x128x128xf32, #tpu.memory_space<vmem>>
        %dma_start3A_549 = tpu.memref_squeeze %dma_start3A_548 : memref<1x128x128xf32, #tpu.memory_space<vmem>> -> memref<128x128xf32, #tpu.memory_space<vmem>>
        %dma_start3A_550 = arith.constant 0 : i32
        %dma_start3A_551 = tpu.memref_slice %arg4[%add3A_543, %dma_start3A_550] : memref<200712x128xf32, #tpu.memory_space<hbm>> -> memref<128x128xf32, #tpu.memory_space<hbm>>
        %dma_start3A_552 = tpu.memref_slice %arg7[%dma_start3A_545] : memref<7x!tpu.dma_semaphore, #tpu.memory_space<semaphore_mem>> -> memref<1x!tpu.dma_semaphore, #tpu.memory_space<semaphore_mem>>
        %dma_start3A_553 = tpu.memref_squeeze %dma_start3A_552 : memref<1x!tpu.dma_semaphore, #tpu.memory_space<semaphore_mem>> -> memref<!tpu.dma_semaphore, #tpu.memory_space<semaphore_mem>>
        %dma_start3A_554 = arith.constant 0 : i32
        %dma_start3A_555 = tpu.memref_slice %arg4[%add3A_543, %dma_start3A_554] : memref<200712x128xf32, #tpu.memory_space<hbm>> -> memref<128x128xf32, #tpu.memory_space<hbm>>
        %dma_start3A_556 = arith.constant 0 : i32
        %dma_start3A_557 = arith.constant 0 : i32
        %dma_start3A_558 = tpu.memref_slice %run_scoped3A[%dma_start3A_544, %dma_start3A_556, %dma_start3A_557] : memref<7x128x128xf32, #tpu.memory_space<vmem>> -> memref<1x128x128xf32, #tpu.memory_space<vmem>>
        %dma_start3A_559 = tpu.memref_squeeze %dma_start3A_558 : memref<1x128x128xf32, #tpu.memory_space<vmem>> -> memref<128x128xf32, #tpu.memory_space<vmem>>
        tpu.enqueue_dma source(%dma_start3A_559 : memref<128x128xf32, #tpu.memory_space<vmem>>) target(%dma_start3A_555 : memref<128x128xf32, #tpu.memory_space<hbm>>) target_semaphore(%dma_start3A_553 : memref<!tpu.dma_semaphore, #tpu.memory_space<semaphore_mem>>)
        %add3A_560 = arith.constant 7 : i32
        %add3A_561 = arith.addi %add3A_522, %add3A_560 : i32
        %lt3A_562 = arith.constant 49 : i32
        %lt3A_563 = arith.cmpi slt, %add3A_561, %lt3A_562 : i32
        %convert_element_type3A_564 = arith.extui %lt3A_563 : i1 to i32
        %cond3A_565 = arith.constant 0 : i32
        %cond3A_566 = arith.cmpi ne, %convert_element_type3A_564, %cond3A_565 : i32
        scf.if %cond3A_566 {
          %mul3A_567 = arith.constant 128 : i32
          %mul3A_568 = arith.muli %add3A_522, %mul3A_567 : i32
          %add3A_569 = arith.addi %mul3A_2, %mul3A_568 : i32
          %dma_wait3A_570 = arith.constant 6 : i32
          %dma_wait3A_571 = arith.constant 6 : i32
          %dma_wait3A_572 = arith.constant 0 : i32
          %dma_wait3A_573 = arith.constant 0 : i32
          %dma_wait3A_574 = tpu.memref_slice %run_scoped3A[%dma_wait3A_570, %dma_wait3A_572, %dma_wait3A_573] : memref<7x128x128xf32, #tpu.memory_space<vmem>> -> memref<1x128x128xf32, #tpu.memory_space<vmem>>
          %dma_wait3A_575 = tpu.memref_squeeze %dma_wait3A_574 : memref<1x128x128xf32, #tpu.memory_space<vmem>> -> memref<128x128xf32, #tpu.memory_space<vmem>>
          %dma_wait3A_576 = arith.constant 0 : i32
          %dma_wait3A_577 = tpu.memref_slice %arg4[%add3A_569, %dma_wait3A_576] : memref<200712x128xf32, #tpu.memory_space<hbm>> -> memref<128x128xf32, #tpu.memory_space<hbm>>
          %dma_wait3A_578 = tpu.memref_slice %arg7[%dma_wait3A_571] : memref<7x!tpu.dma_semaphore, #tpu.memory_space<semaphore_mem>> -> memref<1x!tpu.dma_semaphore, #tpu.memory_space<semaphore_mem>>
          %dma_wait3A_579 = tpu.memref_squeeze %dma_wait3A_578 : memref<1x!tpu.dma_semaphore, #tpu.memory_space<semaphore_mem>> -> memref<!tpu.dma_semaphore, #tpu.memory_space<semaphore_mem>>
          %dma_wait3A_580 = arith.constant 0 : i32
          %dma_wait3A_581 = tpu.memref_slice %arg4[%add3A_569, %dma_wait3A_580] : memref<200712x128xf32, #tpu.memory_space<hbm>> -> memref<128x128xf32, #tpu.memory_space<hbm>>
          %dma_wait3A_582 = arith.constant 0 : i32
          %dma_wait3A_583 = arith.constant 0 : i32
          %dma_wait3A_584 = tpu.memref_slice %run_scoped3A[%dma_wait3A_570, %dma_wait3A_582, %dma_wait3A_583] : memref<7x128x128xf32, #tpu.memory_space<vmem>> -> memref<1x128x128xf32, #tpu.memory_space<vmem>>
          %dma_wait3A_585 = tpu.memref_squeeze %dma_wait3A_584 : memref<1x128x128xf32, #tpu.memory_space<vmem>> -> memref<128x128xf32, #tpu.memory_space<vmem>>
          tpu.wait_dma2 semaphore(%dma_wait3A_579 : memref<!tpu.dma_semaphore, #tpu.memory_space<semaphore_mem>>) src(%dma_wait3A_585 : memref<128x128xf32, #tpu.memory_space<vmem>>) dst(%dma_wait3A_581 : memref<128x128xf32, #tpu.memory_space<hbm>>)
          %add3A_586 = arith.constant 7 : i32
          %add3A_587 = arith.addi %add3A_522, %add3A_586 : i32
          %mul3A_588 = arith.constant 128 : i32
          %mul3A_589 = arith.muli %add3A_587, %mul3A_588 : i32
          %dma_start3A_590 = arith.constant 6 : i32
          %dma_start3A_591 = arith.constant 6 : i32
          %dma_start3A_592 = arith.constant 0 : i32
          %dma_start3A_593 = arith.constant 0 : i32
          %dma_start3A_594 = tpu.memref_slice %run_scoped3A[%dma_start3A_590, %dma_start3A_592, %dma_start3A_593] : memref<7x128x128xf32, #tpu.memory_space<vmem>> -> memref<1x128x128xf32, #tpu.memory_space<vmem>>
          %dma_start3A_595 = tpu.memref_squeeze %dma_start3A_594 : memref<1x128x128xf32, #tpu.memory_space<vmem>> -> memref<128x128xf32, #tpu.memory_space<vmem>>
          %dma_start3A_596 = tpu.memref_slice %arg5[%mul3A_589] : memref<6272xi32, #tpu.memory_space<vmem>> -> memref<128xi32, #tpu.memory_space<vmem>>
          %dma_start3A_597 = arith.constant 0 : i32
          %dma_start3A_598 = arith.constant 0 : i32
          %dma_start3A_599 = tpu.memref_slice %arg2[%dma_start3A_597, %dma_start3A_598] : memref<100000x128xf32, #tpu.memory_space<hbm>> -> memref<100000x128xf32, #tpu.memory_space<hbm>>
          %dma_start3A_600 = tpu.memref_slice %arg6[%dma_start3A_591] : memref<7x!tpu.dma_semaphore, #tpu.memory_space<semaphore_mem>> -> memref<1x!tpu.dma_semaphore, #tpu.memory_space<semaphore_mem>>
          %dma_start3A_601 = tpu.memref_squeeze %dma_start3A_600 : memref<1x!tpu.dma_semaphore, #tpu.memory_space<semaphore_mem>> -> memref<!tpu.dma_semaphore, #tpu.memory_space<semaphore_mem>>
          tpu.enqueue_indirect_dma source(%dma_start3A_599 : memref<100000x128xf32, #tpu.memory_space<hbm>>) target(%dma_start3A_595 : memref<128x128xf32, #tpu.memory_space<vmem>>) offsets(%dma_start3A_596 : memref<128xi32, #tpu.memory_space<vmem>>) semaphore(%dma_start3A_601 : memref<!tpu.dma_semaphore, #tpu.memory_space<semaphore_mem>>)
        } else {
        }
      }
      %scan3A_103 = arith.constant 7 : i32
      %add3A_104 = arith.constant 5376 : i32
      %add3A_105 = arith.addi %mul3A_2, %add3A_104 : i32
      %dma_wait3A = arith.constant 0 : i32
      %dma_wait3A_106 = arith.constant 0 : i32
      %dma_wait3A_107 = arith.constant 0 : i32
      %dma_wait3A_108 = arith.constant 0 : i32
      %dma_wait3A_109 = tpu.memref_slice %run_scoped3A[%dma_wait3A, %dma_wait3A_107, %dma_wait3A_108] : memref<7x128x128xf32, #tpu.memory_space<vmem>> -> memref<1x128x128xf32, #tpu.memory_space<vmem>>
      %dma_wait3A_110 = tpu.memref_squeeze %dma_wait3A_109 : memref<1x128x128xf32, #tpu.memory_space<vmem>> -> memref<128x128xf32, #tpu.memory_space<vmem>>
      %dma_wait3A_111 = arith.constant 0 : i32
      %dma_wait3A_112 = tpu.memref_slice %arg4[%add3A_105, %dma_wait3A_111] : memref<200712x128xf32, #tpu.memory_space<hbm>> -> memref<128x128xf32, #tpu.memory_space<hbm>>
      %dma_wait3A_113 = tpu.memref_slice %arg7[%dma_wait3A_106] : memref<7x!tpu.dma_semaphore, #tpu.memory_space<semaphore_mem>> -> memref<1x!tpu.dma_semaphore, #tpu.memory_space<semaphore_mem>>
      %dma_wait3A_114 = tpu.memref_squeeze %dma_wait3A_113 : memref<1x!tpu.dma_semaphore, #tpu.memory_space<semaphore_mem>> -> memref<!tpu.dma_semaphore, #tpu.memory_space<semaphore_mem>>
      %dma_wait3A_115 = arith.constant 0 : i32
      %dma_wait3A_116 = tpu.memref_slice %arg4[%add3A_105, %dma_wait3A_115] : memref<200712x128xf32, #tpu.memory_space<hbm>> -> memref<128x128xf32, #tpu.memory_space<hbm>>
      %dma_wait3A_117 = arith.constant 0 : i32
      %dma_wait3A_118 = arith.constant 0 : i32
      %dma_wait3A_119 = tpu.memref_slice %run_scoped3A[%dma_wait3A, %dma_wait3A_117, %dma_wait3A_118] : memref<7x128x128xf32, #tpu.memory_space<vmem>> -> memref<1x128x128xf32, #tpu.memory_space<vmem>>
      %dma_wait3A_120 = tpu.memref_squeeze %dma_wait3A_119 : memref<1x128x128xf32, #tpu.memory_space<vmem>> -> memref<128x128xf32, #tpu.memory_space<vmem>>
      tpu.wait_dma2 semaphore(%dma_wait3A_114 : memref<!tpu.dma_semaphore, #tpu.memory_space<semaphore_mem>>) src(%dma_wait3A_120 : memref<128x128xf32, #tpu.memory_space<vmem>>) dst(%dma_wait3A_116 : memref<128x128xf32, #tpu.memory_space<hbm>>)
      %add3A_121 = arith.constant 5504 : i32
      %add3A_122 = arith.addi %mul3A_2, %add3A_121 : i32
      %dma_wait3A_123 = arith.constant 1 : i32
      %dma_wait3A_124 = arith.constant 1 : i32
      %dma_wait3A_125 = arith.constant 0 : i32
      %dma_wait3A_126 = arith.constant 0 : i32
      %dma_wait3A_127 = tpu.memref_slice %run_scoped3A[%dma_wait3A_123, %dma_wait3A_125, %dma_wait3A_126] : memref<7x128x128xf32, #tpu.memory_space<vmem>> -> memref<1x128x128xf32, #tpu.memory_space<vmem>>
      %dma_wait3A_128 = tpu.memref_squeeze %dma_wait3A_127 : memref<1x128x128xf32, #tpu.memory_space<vmem>> -> memref<128x128xf32, #tpu.memory_space<vmem>>
      %dma_wait3A_129 = arith.constant 0 : i32
      %dma_wait3A_130 = tpu.memref_slice %arg4[%add3A_122, %dma_wait3A_129] : memref<200712x128xf32, #tpu.memory_space<hbm>> -> memref<128x128xf32, #tpu.memory_space<hbm>>
      %dma_wait3A_131 = tpu.memref_slice %arg7[%dma_wait3A_124] : memref<7x!tpu.dma_semaphore, #tpu.memory_space<semaphore_mem>> -> memref<1x!tpu.dma_semaphore, #tpu.memory_space<semaphore_mem>>
      %dma_wait3A_132 = tpu.memref_squeeze %dma_wait3A_131 : memref<1x!tpu.dma_semaphore, #tpu.memory_space<semaphore_mem>> -> memref<!tpu.dma_semaphore, #tpu.memory_space<semaphore_mem>>
      %dma_wait3A_133 = arith.constant 0 : i32
      %dma_wait3A_134 = tpu.memref_slice %arg4[%add3A_122, %dma_wait3A_133] : memref<200712x128xf32, #tpu.memory_space<hbm>> -> memref<128x128xf32, #tpu.memory_space<hbm>>
      %dma_wait3A_135 = arith.constant 0 : i32
      %dma_wait3A_136 = arith.constant 0 : i32
      %dma_wait3A_137 = tpu.memref_slice %run_scoped3A[%dma_wait3A_123, %dma_wait3A_135, %dma_wait3A_136] : memref<7x128x128xf32, #tpu.memory_space<vmem>> -> memref<1x128x128xf32, #tpu.memory_space<vmem>>
      %dma_wait3A_138 = tpu.memref_squeeze %dma_wait3A_137 : memref<1x128x128xf32, #tpu.memory_space<vmem>> -> memref<128x128xf32, #tpu.memory_space<vmem>>
      tpu.wait_dma2 semaphore(%dma_wait3A_132 : memref<!tpu.dma_semaphore, #tpu.memory_space<semaphore_mem>>) src(%dma_wait3A_138 : memref<128x128xf32, #tpu.memory_space<vmem>>) dst(%dma_wait3A_134 : memref<128x128xf32, #tpu.memory_space<hbm>>)
      %add3A_139 = arith.constant 5632 : i32
      %add3A_140 = arith.addi %mul3A_2, %add3A_139 : i32
      %dma_wait3A_141 = arith.constant 2 : i32
      %dma_wait3A_142 = arith.constant 2 : i32
      %dma_wait3A_143 = arith.constant 0 : i32
      %dma_wait3A_144 = arith.constant 0 : i32
      %dma_wait3A_145 = tpu.memref_slice %run_scoped3A[%dma_wait3A_141, %dma_wait3A_143, %dma_wait3A_144] : memref<7x128x128xf32, #tpu.memory_space<vmem>> -> memref<1x128x128xf32, #tpu.memory_space<vmem>>
      %dma_wait3A_146 = tpu.memref_squeeze %dma_wait3A_145 : memref<1x128x128xf32, #tpu.memory_space<vmem>> -> memref<128x128xf32, #tpu.memory_space<vmem>>
      %dma_wait3A_147 = arith.constant 0 : i32
      %dma_wait3A_148 = tpu.memref_slice %arg4[%add3A_140, %dma_wait3A_147] : memref<200712x128xf32, #tpu.memory_space<hbm>> -> memref<128x128xf32, #tpu.memory_space<hbm>>
      %dma_wait3A_149 = tpu.memref_slice %arg7[%dma_wait3A_142] : memref<7x!tpu.dma_semaphore, #tpu.memory_space<semaphore_mem>> -> memref<1x!tpu.dma_semaphore, #tpu.memory_space<semaphore_mem>>
      %dma_wait3A_150 = tpu.memref_squeeze %dma_wait3A_149 : memref<1x!tpu.dma_semaphore, #tpu.memory_space<semaphore_mem>> -> memref<!tpu.dma_semaphore, #tpu.memory_space<semaphore_mem>>
      %dma_wait3A_151 = arith.constant 0 : i32
      %dma_wait3A_152 = tpu.memref_slice %arg4[%add3A_140, %dma_wait3A_151] : memref<200712x128xf32, #tpu.memory_space<hbm>> -> memref<128x128xf32, #tpu.memory_space<hbm>>
      %dma_wait3A_153 = arith.constant 0 : i32
      %dma_wait3A_154 = arith.constant 0 : i32
      %dma_wait3A_155 = tpu.memref_slice %run_scoped3A[%dma_wait3A_141, %dma_wait3A_153, %dma_wait3A_154] : memref<7x128x128xf32, #tpu.memory_space<vmem>> -> memref<1x128x128xf32, #tpu.memory_space<vmem>>
      %dma_wait3A_156 = tpu.memref_squeeze %dma_wait3A_155 : memref<1x128x128xf32, #tpu.memory_space<vmem>> -> memref<128x128xf32, #tpu.memory_space<vmem>>
      tpu.wait_dma2 semaphore(%dma_wait3A_150 : memref<!tpu.dma_semaphore, #tpu.memory_space<semaphore_mem>>) src(%dma_wait3A_156 : memref<128x128xf32, #tpu.memory_space<vmem>>) dst(%dma_wait3A_152 : memref<128x128xf32, #tpu.memory_space<hbm>>)
      %add3A_157 = arith.constant 5760 : i32
      %add3A_158 = arith.addi %mul3A_2, %add3A_157 : i32
      %dma_wait3A_159 = arith.constant 3 : i32
      %dma_wait3A_160 = arith.constant 3 : i32
      %dma_wait3A_161 = arith.constant 0 : i32
      %dma_wait3A_162 = arith.constant 0 : i32
      %dma_wait3A_163 = tpu.memref_slice %run_scoped3A[%dma_wait3A_159, %dma_wait3A_161, %dma_wait3A_162] : memref<7x128x128xf32, #tpu.memory_space<vmem>> -> memref<1x128x128xf32, #tpu.memory_space<vmem>>
      %dma_wait3A_164 = tpu.memref_squeeze %dma_wait3A_163 : memref<1x128x128xf32, #tpu.memory_space<vmem>> -> memref<128x128xf32, #tpu.memory_space<vmem>>
      %dma_wait3A_165 = arith.constant 0 : i32
      %dma_wait3A_166 = tpu.memref_slice %arg4[%add3A_158, %dma_wait3A_165] : memref<200712x128xf32, #tpu.memory_space<hbm>> -> memref<128x128xf32, #tpu.memory_space<hbm>>
      %dma_wait3A_167 = tpu.memref_slice %arg7[%dma_wait3A_160] : memref<7x!tpu.dma_semaphore, #tpu.memory_space<semaphore_mem>> -> memref<1x!tpu.dma_semaphore, #tpu.memory_space<semaphore_mem>>
      %dma_wait3A_168 = tpu.memref_squeeze %dma_wait3A_167 : memref<1x!tpu.dma_semaphore, #tpu.memory_space<semaphore_mem>> -> memref<!tpu.dma_semaphore, #tpu.memory_space<semaphore_mem>>
      %dma_wait3A_169 = arith.constant 0 : i32
      %dma_wait3A_170 = tpu.memref_slice %arg4[%add3A_158, %dma_wait3A_169] : memref<200712x128xf32, #tpu.memory_space<hbm>> -> memref<128x128xf32, #tpu.memory_space<hbm>>
      %dma_wait3A_171 = arith.constant 0 : i32
      %dma_wait3A_172 = arith.constant 0 : i32
      %dma_wait3A_173 = tpu.memref_slice %run_scoped3A[%dma_wait3A_159, %dma_wait3A_171, %dma_wait3A_172] : memref<7x128x128xf32, #tpu.memory_space<vmem>> -> memref<1x128x128xf32, #tpu.memory_space<vmem>>
      %dma_wait3A_174 = tpu.memref_squeeze %dma_wait3A_173 : memref<1x128x128xf32, #tpu.memory_space<vmem>> -> memref<128x128xf32, #tpu.memory_space<vmem>>
      tpu.wait_dma2 semaphore(%dma_wait3A_168 : memref<!tpu.dma_semaphore, #tpu.memory_space<semaphore_mem>>) src(%dma_wait3A_174 : memref<128x128xf32, #tpu.memory_space<vmem>>) dst(%dma_wait3A_170 : memref<128x128xf32, #tpu.memory_space<hbm>>)
      %add3A_175 = arith.constant 5888 : i32
      %add3A_176 = arith.addi %mul3A_2, %add3A_175 : i32
      %dma_wait3A_177 = arith.constant 4 : i32
      %dma_wait3A_178 = arith.constant 4 : i32
      %dma_wait3A_179 = arith.constant 0 : i32
      %dma_wait3A_180 = arith.constant 0 : i32
      %dma_wait3A_181 = tpu.memref_slice %run_scoped3A[%dma_wait3A_177, %dma_wait3A_179, %dma_wait3A_180] : memref<7x128x128xf32, #tpu.memory_space<vmem>> -> memref<1x128x128xf32, #tpu.memory_space<vmem>>
      %dma_wait3A_182 = tpu.memref_squeeze %dma_wait3A_181 : memref<1x128x128xf32, #tpu.memory_space<vmem>> -> memref<128x128xf32, #tpu.memory_space<vmem>>
      %dma_wait3A_183 = arith.constant 0 : i32
      %dma_wait3A_184 = tpu.memref_slice %arg4[%add3A_176, %dma_wait3A_183] : memref<200712x128xf32, #tpu.memory_space<hbm>> -> memref<128x128xf32, #tpu.memory_space<hbm>>
      %dma_wait3A_185 = tpu.memref_slice %arg7[%dma_wait3A_178] : memref<7x!tpu.dma_semaphore, #tpu.memory_space<semaphore_mem>> -> memref<1x!tpu.dma_semaphore, #tpu.memory_space<semaphore_mem>>
      %dma_wait3A_186 = tpu.memref_squeeze %dma_wait3A_185 : memref<1x!tpu.dma_semaphore, #tpu.memory_space<semaphore_mem>> -> memref<!tpu.dma_semaphore, #tpu.memory_space<semaphore_mem>>
      %dma_wait3A_187 = arith.constant 0 : i32
      %dma_wait3A_188 = tpu.memref_slice %arg4[%add3A_176, %dma_wait3A_187] : memref<200712x128xf32, #tpu.memory_space<hbm>> -> memref<128x128xf32, #tpu.memory_space<hbm>>
      %dma_wait3A_189 = arith.constant 0 : i32
      %dma_wait3A_190 = arith.constant 0 : i32
      %dma_wait3A_191 = tpu.memref_slice %run_scoped3A[%dma_wait3A_177, %dma_wait3A_189, %dma_wait3A_190] : memref<7x128x128xf32, #tpu.memory_space<vmem>> -> memref<1x128x128xf32, #tpu.memory_space<vmem>>
      %dma_wait3A_192 = tpu.memref_squeeze %dma_wait3A_191 : memref<1x128x128xf32, #tpu.memory_space<vmem>> -> memref<128x128xf32, #tpu.memory_space<vmem>>
      tpu.wait_dma2 semaphore(%dma_wait3A_186 : memref<!tpu.dma_semaphore, #tpu.memory_space<semaphore_mem>>) src(%dma_wait3A_192 : memref<128x128xf32, #tpu.memory_space<vmem>>) dst(%dma_wait3A_188 : memref<128x128xf32, #tpu.memory_space<hbm>>)
      %add3A_193 = arith.constant 6016 : i32
      %add3A_194 = arith.addi %mul3A_2, %add3A_193 : i32
      %dma_wait3A_195 = arith.constant 5 : i32
      %dma_wait3A_196 = arith.constant 5 : i32
      %dma_wait3A_197 = arith.constant 0 : i32
      %dma_wait3A_198 = arith.constant 0 : i32
      %dma_wait3A_199 = tpu.memref_slice %run_scoped3A[%dma_wait3A_195, %dma_wait3A_197, %dma_wait3A_198] : memref<7x128x128xf32, #tpu.memory_space<vmem>> -> memref<1x128x128xf32, #tpu.memory_space<vmem>>
      %dma_wait3A_200 = tpu.memref_squeeze %dma_wait3A_199 : memref<1x128x128xf32, #tpu.memory_space<vmem>> -> memref<128x128xf32, #tpu.memory_space<vmem>>
      %dma_wait3A_201 = arith.constant 0 : i32
      %dma_wait3A_202 = tpu.memref_slice %arg4[%add3A_194, %dma_wait3A_201] : memref<200712x128xf32, #tpu.memory_space<hbm>> -> memref<128x128xf32, #tpu.memory_space<hbm>>
      %dma_wait3A_203 = tpu.memref_slice %arg7[%dma_wait3A_196] : memref<7x!tpu.dma_semaphore, #tpu.memory_space<semaphore_mem>> -> memref<1x!tpu.dma_semaphore, #tpu.memory_space<semaphore_mem>>
      %dma_wait3A_204 = tpu.memref_squeeze %dma_wait3A_203 : memref<1x!tpu.dma_semaphore, #tpu.memory_space<semaphore_mem>> -> memref<!tpu.dma_semaphore, #tpu.memory_space<semaphore_mem>>
      %dma_wait3A_205 = arith.constant 0 : i32
      %dma_wait3A_206 = tpu.memref_slice %arg4[%add3A_194, %dma_wait3A_205] : memref<200712x128xf32, #tpu.memory_space<hbm>> -> memref<128x128xf32, #tpu.memory_space<hbm>>
      %dma_wait3A_207 = arith.constant 0 : i32
      %dma_wait3A_208 = arith.constant 0 : i32
      %dma_wait3A_209 = tpu.memref_slice %run_scoped3A[%dma_wait3A_195, %dma_wait3A_207, %dma_wait3A_208] : memref<7x128x128xf32, #tpu.memory_space<vmem>> -> memref<1x128x128xf32, #tpu.memory_space<vmem>>
      %dma_wait3A_210 = tpu.memref_squeeze %dma_wait3A_209 : memref<1x128x128xf32, #tpu.memory_space<vmem>> -> memref<128x128xf32, #tpu.memory_space<vmem>>
      tpu.wait_dma2 semaphore(%dma_wait3A_204 : memref<!tpu.dma_semaphore, #tpu.memory_space<semaphore_mem>>) src(%dma_wait3A_210 : memref<128x128xf32, #tpu.memory_space<vmem>>) dst(%dma_wait3A_206 : memref<128x128xf32, #tpu.memory_space<hbm>>)
      %add3A_211 = arith.constant 6144 : i32
      %add3A_212 = arith.addi %mul3A_2, %add3A_211 : i32
      %dma_wait3A_213 = arith.constant 6 : i32
      %dma_wait3A_214 = arith.constant 6 : i32
      %dma_wait3A_215 = arith.constant 0 : i32
      %dma_wait3A_216 = arith.constant 0 : i32
      %dma_wait3A_217 = tpu.memref_slice %run_scoped3A[%dma_wait3A_213, %dma_wait3A_215, %dma_wait3A_216] : memref<7x128x128xf32, #tpu.memory_space<vmem>> -> memref<1x128x128xf32, #tpu.memory_space<vmem>>
      %dma_wait3A_218 = tpu.memref_squeeze %dma_wait3A_217 : memref<1x128x128xf32, #tpu.memory_space<vmem>> -> memref<128x128xf32, #tpu.memory_space<vmem>>
      %dma_wait3A_219 = arith.constant 0 : i32
      %dma_wait3A_220 = tpu.memref_slice %arg4[%add3A_212, %dma_wait3A_219] : memref<200712x128xf32, #tpu.memory_space<hbm>> -> memref<128x128xf32, #tpu.memory_space<hbm>>
      %dma_wait3A_221 = tpu.memref_slice %arg7[%dma_wait3A_214] : memref<7x!tpu.dma_semaphore, #tpu.memory_space<semaphore_mem>> -> memref<1x!tpu.dma_semaphore, #tpu.memory_space<semaphore_mem>>
      %dma_wait3A_222 = tpu.memref_squeeze %dma_wait3A_221 : memref<1x!tpu.dma_semaphore, #tpu.memory_space<semaphore_mem>> -> memref<!tpu.dma_semaphore, #tpu.memory_space<semaphore_mem>>
      %dma_wait3A_223 = arith.constant 0 : i32
      %dma_wait3A_224 = tpu.memref_slice %arg4[%add3A_212, %dma_wait3A_223] : memref<200712x128xf32, #tpu.memory_space<hbm>> -> memref<128x128xf32, #tpu.memory_space<hbm>>
      %dma_wait3A_225 = arith.constant 0 : i32
      %dma_wait3A_226 = arith.constant 0 : i32
      %dma_wait3A_227 = tpu.memref_slice %run_scoped3A[%dma_wait3A_213, %dma_wait3A_225, %dma_wait3A_226] : memref<7x128x128xf32, #tpu.memory_space<vmem>> -> memref<1x128x128xf32, #tpu.memory_space<vmem>>
      %dma_wait3A_228 = tpu.memref_squeeze %dma_wait3A_227 : memref<1x128x128xf32, #tpu.memory_space<vmem>> -> memref<128x128xf32, #tpu.memory_space<vmem>>
      tpu.wait_dma2 semaphore(%dma_wait3A_222 : memref<!tpu.dma_semaphore, #tpu.memory_space<semaphore_mem>>) src(%dma_wait3A_228 : memref<128x128xf32, #tpu.memory_space<vmem>>) dst(%dma_wait3A_224 : memref<128x128xf32, #tpu.memory_space<hbm>>)
      %eq3A = arith.constant 0 : i32
      %eq3A_229 = arith.cmpi eq, %add3A, %eq3A : i32
      %convert_element_type3A = arith.extui %eq3A_229 : i1 to i32
      %cond3A = arith.constant 0 : i32
      %cond3A_230 = arith.cmpi ne, %convert_element_type3A, %cond3A : i32
      scf.if %cond3A_230 {
        %broadcast_in_dim3A = arith.constant 0.000000e+00 : f32
        %broadcast_in_dim3A_231 = vector.broadcast %broadcast_in_dim3A : f32 to vector<16xf32>
        %swap3A = arith.constant 0 : i32
        %swap3A_232 = arith.constant 0 : i32
        %swap3A_233 = arith.index_cast %swap3A : i32 to index
        %swap3A_234 = arith.index_cast %swap3A_232 : i32 to index
        %swap3A_235 = arith.constant 0 : index
        %swap3A_236 = tpu.vector_load %run_scoped3A[%swap3A_233, %swap3A_234, %swap3A_235] {strides = array<i32>} : memref<7x128x128xf32, #tpu.memory_space<vmem>>, vector<1x1x16xf32>,
        %swap3A_237 = vector.shape_cast %swap3A_236 : vector<1x1x16xf32> to vector<16xf32>
        %swap3A_238 = vector.shape_cast %broadcast_in_dim3A_231 : vector<16xf32> to vector<1x1x16xf32>
        tpu.vector_store %run_scoped3A[%swap3A_233, %swap3A_234, %swap3A_235], %swap3A_238 {strides = array<i32>} : memref<7x128x128xf32, #tpu.memory_space<vmem>>, vector<1x1x16xf32>,
        %broadcast_in_dim3A_239 = arith.constant 0.000000e+00 : f32
        %broadcast_in_dim3A_240 = vector.broadcast %broadcast_in_dim3A_239 : f32 to vector<16xf32>
        %swap3A_241 = arith.constant 0 : i32
        %swap3A_242 = arith.constant 0 : i32
        %swap3A_243 = arith.index_cast %swap3A_241 : i32 to index
        %swap3A_244 = arith.index_cast %swap3A_242 : i32 to index
        %swap3A_245 = arith.constant 16 : index
        %swap3A_246 = tpu.vector_load %run_scoped3A[%swap3A_243, %swap3A_244, %swap3A_245] {strides = array<i32>} : memref<7x128x128xf32, #tpu.memory_space<vmem>>, vector<1x1x16xf32>,
        %swap3A_247 = vector.shape_cast %swap3A_246 : vector<1x1x16xf32> to vector<16xf32>
        %swap3A_248 = vector.shape_cast %broadcast_in_dim3A_240 : vector<16xf32> to vector<1x1x16xf32>
        tpu.vector_store %run_scoped3A[%swap3A_243, %swap3A_244, %swap3A_245], %swap3A_248 {strides = array<i32>} : memref<7x128x128xf32, #tpu.memory_space<vmem>>, vector<1x1x16xf32>,
        %broadcast_in_dim3A_249 = arith.constant 0.000000e+00 : f32
        %broadcast_in_dim3A_250 = vector.broadcast %broadcast_in_dim3A_249 : f32 to vector<16xf32>
        %swap3A_251 = arith.constant 0 : i32
        %swap3A_252 = arith.constant 0 : i32
        %swap3A_253 = arith.index_cast %swap3A_251 : i32 to index
        %swap3A_254 = arith.index_cast %swap3A_252 : i32 to index
        %swap3A_255 = arith.constant 32 : index
        %swap3A_256 = tpu.vector_load %run_scoped3A[%swap3A_253, %swap3A_254, %swap3A_255] {strides = array<i32>} : memref<7x128x128xf32, #tpu.memory_space<vmem>>, vector<1x1x16xf32>,
        %swap3A_257 = vector.shape_cast %swap3A_256 : vector<1x1x16xf32> to vector<16xf32>
        %swap3A_258 = vector.shape_cast %broadcast_in_dim3A_250 : vector<16xf32> to vector<1x1x16xf32>
        tpu.vector_store %run_scoped3A[%swap3A_253, %swap3A_254, %swap3A_255], %swap3A_258 {strides = array<i32>} : memref<7x128x128xf32, #tpu.memory_space<vmem>>, vector<1x1x16xf32>,
        %broadcast_in_dim3A_259 = arith.constant 0.000000e+00 : f32
        %broadcast_in_dim3A_260 = vector.broadcast %broadcast_in_dim3A_259 : f32 to vector<16xf32>
        %swap3A_261 = arith.constant 0 : i32
        %swap3A_262 = arith.constant 0 : i32
        %swap3A_263 = arith.index_cast %swap3A_261 : i32 to index
        %swap3A_264 = arith.index_cast %swap3A_262 : i32 to index
        %swap3A_265 = arith.constant 48 : index
        %swap3A_266 = tpu.vector_load %run_scoped3A[%swap3A_263, %swap3A_264, %swap3A_265] {strides = array<i32>} : memref<7x128x128xf32, #tpu.memory_space<vmem>>, vector<1x1x16xf32>,
        %swap3A_267 = vector.shape_cast %swap3A_266 : vector<1x1x16xf32> to vector<16xf32>
        %swap3A_268 = vector.shape_cast %broadcast_in_dim3A_260 : vector<16xf32> to vector<1x1x16xf32>
        tpu.vector_store %run_scoped3A[%swap3A_263, %swap3A_264, %swap3A_265], %swap3A_268 {strides = array<i32>} : memref<7x128x128xf32, #tpu.memory_space<vmem>>, vector<1x1x16xf32>,
        %broadcast_in_dim3A_269 = arith.constant 0.000000e+00 : f32
        %broadcast_in_dim3A_270 = vector.broadcast %broadcast_in_dim3A_269 : f32 to vector<16xf32>
        %swap3A_271 = arith.constant 0 : i32
        %swap3A_272 = arith.constant 0 : i32
        %swap3A_273 = arith.index_cast %swap3A_271 : i32 to index
        %swap3A_274 = arith.index_cast %swap3A_272 : i32 to index
        %swap3A_275 = arith.constant 64 : index
        %swap3A_276 = tpu.vector_load %run_scoped3A[%swap3A_273, %swap3A_274, %swap3A_275] {strides = array<i32>} : memref<7x128x128xf32, #tpu.memory_space<vmem>>, vector<1x1x16xf32>,
        %swap3A_277 = vector.shape_cast %swap3A_276 : vector<1x1x16xf32> to vector<16xf32>
        %swap3A_278 = vector.shape_cast %broadcast_in_dim3A_270 : vector<16xf32> to vector<1x1x16xf32>
        tpu.vector_store %run_scoped3A[%swap3A_273, %swap3A_274, %swap3A_275], %swap3A_278 {strides = array<i32>} : memref<7x128x128xf32, #tpu.memory_space<vmem>>, vector<1x1x16xf32>,
        %broadcast_in_dim3A_279 = arith.constant 0.000000e+00 : f32
        %broadcast_in_dim3A_280 = vector.broadcast %broadcast_in_dim3A_279 : f32 to vector<16xf32>
        %swap3A_281 = arith.constant 0 : i32
        %swap3A_282 = arith.constant 0 : i32
        %swap3A_283 = arith.index_cast %swap3A_281 : i32 to index
        %swap3A_284 = arith.index_cast %swap3A_282 : i32 to index
        %swap3A_285 = arith.constant 80 : index
        %swap3A_286 = tpu.vector_load %run_scoped3A[%swap3A_283, %swap3A_284, %swap3A_285] {strides = array<i32>} : memref<7x128x128xf32, #tpu.memory_space<vmem>>, vector<1x1x16xf32>,
        %swap3A_287 = vector.shape_cast %swap3A_286 : vector<1x1x16xf32> to vector<16xf32>
        %swap3A_288 = vector.shape_cast %broadcast_in_dim3A_280 : vector<16xf32> to vector<1x1x16xf32>
        tpu.vector_store %run_scoped3A[%swap3A_283, %swap3A_284, %swap3A_285], %swap3A_288 {strides = array<i32>} : memref<7x128x128xf32, #tpu.memory_space<vmem>>, vector<1x1x16xf32>,
        %broadcast_in_dim3A_289 = arith.constant 0.000000e+00 : f32
        %broadcast_in_dim3A_290 = vector.broadcast %broadcast_in_dim3A_289 : f32 to vector<16xf32>
        %swap3A_291 = arith.constant 0 : i32
        %swap3A_292 = arith.constant 0 : i32
        %swap3A_293 = arith.index_cast %swap3A_291 : i32 to index
        %swap3A_294 = arith.index_cast %swap3A_292 : i32 to index
        %swap3A_295 = arith.constant 96 : index
        %swap3A_296 = tpu.vector_load %run_scoped3A[%swap3A_293, %swap3A_294, %swap3A_295] {strides = array<i32>} : memref<7x128x128xf32, #tpu.memory_space<vmem>>, vector<1x1x16xf32>,
        %swap3A_297 = vector.shape_cast %swap3A_296 : vector<1x1x16xf32> to vector<16xf32>
        %swap3A_298 = vector.shape_cast %broadcast_in_dim3A_290 : vector<16xf32> to vector<1x1x16xf32>
        tpu.vector_store %run_scoped3A[%swap3A_293, %swap3A_294, %swap3A_295], %swap3A_298 {strides = array<i32>} : memref<7x128x128xf32, #tpu.memory_space<vmem>>, vector<1x1x16xf32>,
        %broadcast_in_dim3A_299 = arith.constant 0.000000e+00 : f32
        %broadcast_in_dim3A_300 = vector.broadcast %broadcast_in_dim3A_299 : f32 to vector<16xf32>
        %swap3A_301 = arith.constant 0 : i32
        %swap3A_302 = arith.constant 0 : i32
        %swap3A_303 = arith.index_cast %swap3A_301 : i32 to index
        %swap3A_304 = arith.index_cast %swap3A_302 : i32 to index
        %swap3A_305 = arith.constant 112 : index
        %swap3A_306 = tpu.vector_load %run_scoped3A[%swap3A_303, %swap3A_304, %swap3A_305] {strides = array<i32>} : memref<7x128x128xf32, #tpu.memory_space<vmem>>, vector<1x1x16xf32>,
        %swap3A_307 = vector.shape_cast %swap3A_306 : vector<1x1x16xf32> to vector<16xf32>
        %swap3A_308 = vector.shape_cast %broadcast_in_dim3A_300 : vector<16xf32> to vector<1x1x16xf32>
        tpu.vector_store %run_scoped3A[%swap3A_303, %swap3A_304, %swap3A_305], %swap3A_308 {strides = array<i32>} : memref<7x128x128xf32, #tpu.memory_space<vmem>>, vector<1x1x16xf32>,
        %broadcast_in_dim3A_309 = arith.constant 0.000000e+00 : f32
        %broadcast_in_dim3A_310 = vector.broadcast %broadcast_in_dim3A_309 : f32 to vector<16xf32>
        %swap3A_311 = arith.constant 0 : i32
        %swap3A_312 = arith.constant 1 : i32
        %swap3A_313 = arith.index_cast %swap3A_311 : i32 to index
        %swap3A_314 = arith.index_cast %swap3A_312 : i32 to index
        %swap3A_315 = arith.constant 0 : index
        %swap3A_316 = tpu.vector_load %run_scoped3A[%swap3A_313, %swap3A_314, %swap3A_315] {strides = array<i32>} : memref<7x128x128xf32, #tpu.memory_space<vmem>>, vector<1x1x16xf32>,
        %swap3A_317 = vector.shape_cast %swap3A_316 : vector<1x1x16xf32> to vector<16xf32>
        %swap3A_318 = vector.shape_cast %broadcast_in_dim3A_310 : vector<16xf32> to vector<1x1x16xf32>
        tpu.vector_store %run_scoped3A[%swap3A_313, %swap3A_314, %swap3A_315], %swap3A_318 {strides = array<i32>} : memref<7x128x128xf32, #tpu.memory_space<vmem>>, vector<1x1x16xf32>,
        %broadcast_in_dim3A_319 = arith.constant 0.000000e+00 : f32
        %broadcast_in_dim3A_320 = vector.broadcast %broadcast_in_dim3A_319 : f32 to vector<16xf32>
        %swap3A_321 = arith.constant 0 : i32
        %swap3A_322 = arith.constant 1 : i32
        %swap3A_323 = arith.index_cast %swap3A_321 : i32 to index
        %swap3A_324 = arith.index_cast %swap3A_322 : i32 to index
        %swap3A_325 = arith.constant 16 : index
        %swap3A_326 = tpu.vector_load %run_scoped3A[%swap3A_323, %swap3A_324, %swap3A_325] {strides = array<i32>} : memref<7x128x128xf32, #tpu.memory_space<vmem>>, vector<1x1x16xf32>,
        %swap3A_327 = vector.shape_cast %swap3A_326 : vector<1x1x16xf32> to vector<16xf32>
        %swap3A_328 = vector.shape_cast %broadcast_in_dim3A_320 : vector<16xf32> to vector<1x1x16xf32>
        tpu.vector_store %run_scoped3A[%swap3A_323, %swap3A_324, %swap3A_325], %swap3A_328 {strides = array<i32>} : memref<7x128x128xf32, #tpu.memory_space<vmem>>, vector<1x1x16xf32>,
        %broadcast_in_dim3A_329 = arith.constant 0.000000e+00 : f32
        %broadcast_in_dim3A_330 = vector.broadcast %broadcast_in_dim3A_329 : f32 to vector<16xf32>
        %swap3A_331 = arith.constant 0 : i32
        %swap3A_332 = arith.constant 1 : i32
        %swap3A_333 = arith.index_cast %swap3A_331 : i32 to index
        %swap3A_334 = arith.index_cast %swap3A_332 : i32 to index
        %swap3A_335 = arith.constant 32 : index
        %swap3A_336 = tpu.vector_load %run_scoped3A[%swap3A_333, %swap3A_334, %swap3A_335] {strides = array<i32>} : memref<7x128x128xf32, #tpu.memory_space<vmem>>, vector<1x1x16xf32>,
        %swap3A_337 = vector.shape_cast %swap3A_336 : vector<1x1x16xf32> to vector<16xf32>
        %swap3A_338 = vector.shape_cast %broadcast_in_dim3A_330 : vector<16xf32> to vector<1x1x16xf32>
        tpu.vector_store %run_scoped3A[%swap3A_333, %swap3A_334, %swap3A_335], %swap3A_338 {strides = array<i32>} : memref<7x128x128xf32, #tpu.memory_space<vmem>>, vector<1x1x16xf32>,
        %broadcast_in_dim3A_339 = arith.constant 0.000000e+00 : f32
        %broadcast_in_dim3A_340 = vector.broadcast %broadcast_in_dim3A_339 : f32 to vector<16xf32>
        %swap3A_341 = arith.constant 0 : i32
        %swap3A_342 = arith.constant 1 : i32
        %swap3A_343 = arith.index_cast %swap3A_341 : i32 to index
        %swap3A_344 = arith.index_cast %swap3A_342 : i32 to index
        %swap3A_345 = arith.constant 48 : index
        %swap3A_346 = tpu.vector_load %run_scoped3A[%swap3A_343, %swap3A_344, %swap3A_345] {strides = array<i32>} : memref<7x128x128xf32, #tpu.memory_space<vmem>>, vector<1x1x16xf32>,
        %swap3A_347 = vector.shape_cast %swap3A_346 : vector<1x1x16xf32> to vector<16xf32>
        %swap3A_348 = vector.shape_cast %broadcast_in_dim3A_340 : vector<16xf32> to vector<1x1x16xf32>
        tpu.vector_store %run_scoped3A[%swap3A_343, %swap3A_344, %swap3A_345], %swap3A_348 {strides = array<i32>} : memref<7x128x128xf32, #tpu.memory_space<vmem>>, vector<1x1x16xf32>,
        %broadcast_in_dim3A_349 = arith.constant 0.000000e+00 : f32
        %broadcast_in_dim3A_350 = vector.broadcast %broadcast_in_dim3A_349 : f32 to vector<16xf32>
        %swap3A_351 = arith.constant 0 : i32
        %swap3A_352 = arith.constant 1 : i32
        %swap3A_353 = arith.index_cast %swap3A_351 : i32 to index
        %swap3A_354 = arith.index_cast %swap3A_352 : i32 to index
        %swap3A_355 = arith.constant 64 : index
        %swap3A_356 = tpu.vector_load %run_scoped3A[%swap3A_353, %swap3A_354, %swap3A_355] {strides = array<i32>} : memref<7x128x128xf32, #tpu.memory_space<vmem>>, vector<1x1x16xf32>,
        %swap3A_357 = vector.shape_cast %swap3A_356 : vector<1x1x16xf32> to vector<16xf32>
        %swap3A_358 = vector.shape_cast %broadcast_in_dim3A_350 : vector<16xf32> to vector<1x1x16xf32>
        tpu.vector_store %run_scoped3A[%swap3A_353, %swap3A_354, %swap3A_355], %swap3A_358 {strides = array<i32>} : memref<7x128x128xf32, #tpu.memory_space<vmem>>, vector<1x1x16xf32>,
        %broadcast_in_dim3A_359 = arith.constant 0.000000e+00 : f32
        %broadcast_in_dim3A_360 = vector.broadcast %broadcast_in_dim3A_359 : f32 to vector<16xf32>
        %swap3A_361 = arith.constant 0 : i32
        %swap3A_362 = arith.constant 1 : i32
        %swap3A_363 = arith.index_cast %swap3A_361 : i32 to index
        %swap3A_364 = arith.index_cast %swap3A_362 : i32 to index
        %swap3A_365 = arith.constant 80 : index
        %swap3A_366 = tpu.vector_load %run_scoped3A[%swap3A_363, %swap3A_364, %swap3A_365] {strides = array<i32>} : memref<7x128x128xf32, #tpu.memory_space<vmem>>, vector<1x1x16xf32>,
        %swap3A_367 = vector.shape_cast %swap3A_366 : vector<1x1x16xf32> to vector<16xf32>
        %swap3A_368 = vector.shape_cast %broadcast_in_dim3A_360 : vector<16xf32> to vector<1x1x16xf32>
        tpu.vector_store %run_scoped3A[%swap3A_363, %swap3A_364, %swap3A_365], %swap3A_368 {strides = array<i32>} : memref<7x128x128xf32, #tpu.memory_space<vmem>>, vector<1x1x16xf32>,
        %broadcast_in_dim3A_369 = arith.constant 0.000000e+00 : f32
        %broadcast_in_dim3A_370 = vector.broadcast %broadcast_in_dim3A_369 : f32 to vector<16xf32>
        %swap3A_371 = arith.constant 0 : i32
        %swap3A_372 = arith.constant 1 : i32
        %swap3A_373 = arith.index_cast %swap3A_371 : i32 to index
        %swap3A_374 = arith.index_cast %swap3A_372 : i32 to index
        %swap3A_375 = arith.constant 96 : index
        %swap3A_376 = tpu.vector_load %run_scoped3A[%swap3A_373, %swap3A_374, %swap3A_375] {strides = array<i32>} : memref<7x128x128xf32, #tpu.memory_space<vmem>>, vector<1x1x16xf32>,
        %swap3A_377 = vector.shape_cast %swap3A_376 : vector<1x1x16xf32> to vector<16xf32>
        %swap3A_378 = vector.shape_cast %broadcast_in_dim3A_370 : vector<16xf32> to vector<1x1x16xf32>
        tpu.vector_store %run_scoped3A[%swap3A_373, %swap3A_374, %swap3A_375], %swap3A_378 {strides = array<i32>} : memref<7x128x128xf32, #tpu.memory_space<vmem>>, vector<1x1x16xf32>,
        %broadcast_in_dim3A_379 = arith.constant 0.000000e+00 : f32
        %broadcast_in_dim3A_380 = vector.broadcast %broadcast_in_dim3A_379 : f32 to vector<16xf32>
        %swap3A_381 = arith.constant 0 : i32
        %swap3A_382 = arith.constant 1 : i32
        %swap3A_383 = arith.index_cast %swap3A_381 : i32 to index
        %swap3A_384 = arith.index_cast %swap3A_382 : i32 to index
        %swap3A_385 = arith.constant 112 : index
        %swap3A_386 = tpu.vector_load %run_scoped3A[%swap3A_383, %swap3A_384, %swap3A_385] {strides = array<i32>} : memref<7x128x128xf32, #tpu.memory_space<vmem>>, vector<1x1x16xf32>,
        %swap3A_387 = vector.shape_cast %swap3A_386 : vector<1x1x16xf32> to vector<16xf32>
        %swap3A_388 = vector.shape_cast %broadcast_in_dim3A_380 : vector<16xf32> to vector<1x1x16xf32>
        tpu.vector_store %run_scoped3A[%swap3A_383, %swap3A_384, %swap3A_385], %swap3A_388 {strides = array<i32>} : memref<7x128x128xf32, #tpu.memory_space<vmem>>, vector<1x1x16xf32>,
        %broadcast_in_dim3A_389 = arith.constant 0.000000e+00 : f32
        %broadcast_in_dim3A_390 = vector.broadcast %broadcast_in_dim3A_389 : f32 to vector<16xf32>
        %swap3A_391 = arith.constant 0 : i32
        %swap3A_392 = arith.constant 2 : i32
        %swap3A_393 = arith.index_cast %swap3A_391 : i32 to index
        %swap3A_394 = arith.index_cast %swap3A_392 : i32 to index
        %swap3A_395 = arith.constant 0 : index
        %swap3A_396 = tpu.vector_load %run_scoped3A[%swap3A_393, %swap3A_394, %swap3A_395] {strides = array<i32>} : memref<7x128x128xf32, #tpu.memory_space<vmem>>, vector<1x1x16xf32>,
        %swap3A_397 = vector.shape_cast %swap3A_396 : vector<1x1x16xf32> to vector<16xf32>
        %swap3A_398 = vector.shape_cast %broadcast_in_dim3A_390 : vector<16xf32> to vector<1x1x16xf32>
        tpu.vector_store %run_scoped3A[%swap3A_393, %swap3A_394, %swap3A_395], %swap3A_398 {strides = array<i32>} : memref<7x128x128xf32, #tpu.memory_space<vmem>>, vector<1x1x16xf32>,
        %broadcast_in_dim3A_399 = arith.constant 0.000000e+00 : f32
        %broadcast_in_dim3A_400 = vector.broadcast %broadcast_in_dim3A_399 : f32 to vector<16xf32>
        %swap3A_401 = arith.constant 0 : i32
        %swap3A_402 = arith.constant 2 : i32
        %swap3A_403 = arith.index_cast %swap3A_401 : i32 to index
        %swap3A_404 = arith.index_cast %swap3A_402 : i32 to index
        %swap3A_405 = arith.constant 16 : index
        %swap3A_406 = tpu.vector_load %run_scoped3A[%swap3A_403, %swap3A_404, %swap3A_405] {strides = array<i32>} : memref<7x128x128xf32, #tpu.memory_space<vmem>>, vector<1x1x16xf32>,
        %swap3A_407 = vector.shape_cast %swap3A_406 : vector<1x1x16xf32> to vector<16xf32>
        %swap3A_408 = vector.shape_cast %broadcast_in_dim3A_400 : vector<16xf32> to vector<1x1x16xf32>
        tpu.vector_store %run_scoped3A[%swap3A_403, %swap3A_404, %swap3A_405], %swap3A_408 {strides = array<i32>} : memref<7x128x128xf32, #tpu.memory_space<vmem>>, vector<1x1x16xf32>,
        %broadcast_in_dim3A_409 = arith.constant 0.000000e+00 : f32
        %broadcast_in_dim3A_410 = vector.broadcast %broadcast_in_dim3A_409 : f32 to vector<16xf32>
        %swap3A_411 = arith.constant 0 : i32
        %swap3A_412 = arith.constant 2 : i32
        %swap3A_413 = arith.index_cast %swap3A_411 : i32 to index
        %swap3A_414 = arith.index_cast %swap3A_412 : i32 to index
        %swap3A_415 = arith.constant 32 : index
        %swap3A_416 = tpu.vector_load %run_scoped3A[%swap3A_413, %swap3A_414, %swap3A_415] {strides = array<i32>} : memref<7x128x128xf32, #tpu.memory_space<vmem>>, vector<1x1x16xf32>,
        %swap3A_417 = vector.shape_cast %swap3A_416 : vector<1x1x16xf32> to vector<16xf32>
        %swap3A_418 = vector.shape_cast %broadcast_in_dim3A_410 : vector<16xf32> to vector<1x1x16xf32>
        tpu.vector_store %run_scoped3A[%swap3A_413, %swap3A_414, %swap3A_415], %swap3A_418 {strides = array<i32>} : memref<7x128x128xf32, #tpu.memory_space<vmem>>, vector<1x1x16xf32>,
        %broadcast_in_dim3A_419 = arith.constant 0.000000e+00 : f32
        %broadcast_in_dim3A_420 = vector.broadcast %broadcast_in_dim3A_419 : f32 to vector<16xf32>
        %swap3A_421 = arith.constant 0 : i32
        %swap3A_422 = arith.constant 2 : i32
        %swap3A_423 = arith.index_cast %swap3A_421 : i32 to index
        %swap3A_424 = arith.index_cast %swap3A_422 : i32 to index
        %swap3A_425 = arith.constant 48 : index
        %swap3A_426 = tpu.vector_load %run_scoped3A[%swap3A_423, %swap3A_424, %swap3A_425] {strides = array<i32>} : memref<7x128x128xf32, #tpu.memory_space<vmem>>, vector<1x1x16xf32>,
        %swap3A_427 = vector.shape_cast %swap3A_426 : vector<1x1x16xf32> to vector<16xf32>
        %swap3A_428 = vector.shape_cast %broadcast_in_dim3A_420 : vector<16xf32> to vector<1x1x16xf32>
        tpu.vector_store %run_scoped3A[%swap3A_423, %swap3A_424, %swap3A_425], %swap3A_428 {strides = array<i32>} : memref<7x128x128xf32, #tpu.memory_space<vmem>>, vector<1x1x16xf32>,
        %broadcast_in_dim3A_429 = arith.constant 0.000000e+00 : f32
        %broadcast_in_dim3A_430 = vector.broadcast %broadcast_in_dim3A_429 : f32 to vector<16xf32>
        %swap3A_431 = arith.constant 0 : i32
        %swap3A_432 = arith.constant 2 : i32
        %swap3A_433 = arith.index_cast %swap3A_431 : i32 to index
        %swap3A_434 = arith.index_cast %swap3A_432 : i32 to index
        %swap3A_435 = arith.constant 64 : index
        %swap3A_436 = tpu.vector_load %run_scoped3A[%swap3A_433, %swap3A_434, %swap3A_435] {strides = array<i32>} : memref<7x128x128xf32, #tpu.memory_space<vmem>>, vector<1x1x16xf32>,
        %swap3A_437 = vector.shape_cast %swap3A_436 : vector<1x1x16xf32> to vector<16xf32>
        %swap3A_438 = vector.shape_cast %broadcast_in_dim3A_430 : vector<16xf32> to vector<1x1x16xf32>
        tpu.vector_store %run_scoped3A[%swap3A_433, %swap3A_434, %swap3A_435], %swap3A_438 {strides = array<i32>} : memref<7x128x128xf32, #tpu.memory_space<vmem>>, vector<1x1x16xf32>,
        %broadcast_in_dim3A_439 = arith.constant 0.000000e+00 : f32
        %broadcast_in_dim3A_440 = vector.broadcast %broadcast_in_dim3A_439 : f32 to vector<16xf32>
        %swap3A_441 = arith.constant 0 : i32
        %swap3A_442 = arith.constant 2 : i32
        %swap3A_443 = arith.index_cast %swap3A_441 : i32 to index
        %swap3A_444 = arith.index_cast %swap3A_442 : i32 to index
        %swap3A_445 = arith.constant 80 : index
        %swap3A_446 = tpu.vector_load %run_scoped3A[%swap3A_443, %swap3A_444, %swap3A_445] {strides = array<i32>} : memref<7x128x128xf32, #tpu.memory_space<vmem>>, vector<1x1x16xf32>,
        %swap3A_447 = vector.shape_cast %swap3A_446 : vector<1x1x16xf32> to vector<16xf32>
        %swap3A_448 = vector.shape_cast %broadcast_in_dim3A_440 : vector<16xf32> to vector<1x1x16xf32>
        tpu.vector_store %run_scoped3A[%swap3A_443, %swap3A_444, %swap3A_445], %swap3A_448 {strides = array<i32>} : memref<7x128x128xf32, #tpu.memory_space<vmem>>, vector<1x1x16xf32>,
        %broadcast_in_dim3A_449 = arith.constant 0.000000e+00 : f32
        %broadcast_in_dim3A_450 = vector.broadcast %broadcast_in_dim3A_449 : f32 to vector<16xf32>
        %swap3A_451 = arith.constant 0 : i32
        %swap3A_452 = arith.constant 2 : i32
        %swap3A_453 = arith.index_cast %swap3A_451 : i32 to index
        %swap3A_454 = arith.index_cast %swap3A_452 : i32 to index
        %swap3A_455 = arith.constant 96 : index
        %swap3A_456 = tpu.vector_load %run_scoped3A[%swap3A_453, %swap3A_454, %swap3A_455] {strides = array<i32>} : memref<7x128x128xf32, #tpu.memory_space<vmem>>, vector<1x1x16xf32>,
        %swap3A_457 = vector.shape_cast %swap3A_456 : vector<1x1x16xf32> to vector<16xf32>
        %swap3A_458 = vector.shape_cast %broadcast_in_dim3A_450 : vector<16xf32> to vector<1x1x16xf32>
        tpu.vector_store %run_scoped3A[%swap3A_453, %swap3A_454, %swap3A_455], %swap3A_458 {strides = array<i32>} : memref<7x128x128xf32, #tpu.memory_space<vmem>>, vector<1x1x16xf32>,
        %broadcast_in_dim3A_459 = arith.constant 0.000000e+00 : f32
        %broadcast_in_dim3A_460 = vector.broadcast %broadcast_in_dim3A_459 : f32 to vector<16xf32>
        %swap3A_461 = arith.constant 0 : i32
        %swap3A_462 = arith.constant 2 : i32
        %swap3A_463 = arith.index_cast %swap3A_461 : i32 to index
        %swap3A_464 = arith.index_cast %swap3A_462 : i32 to index
        %swap3A_465 = arith.constant 112 : index
        %swap3A_466 = tpu.vector_load %run_scoped3A[%swap3A_463, %swap3A_464, %swap3A_465] {strides = array<i32>} : memref<7x128x128xf32, #tpu.memory_space<vmem>>, vector<1x1x16xf32>,
        %swap3A_467 = vector.shape_cast %swap3A_466 : vector<1x1x16xf32> to vector<16xf32>
        %swap3A_468 = vector.shape_cast %broadcast_in_dim3A_460 : vector<16xf32> to vector<1x1x16xf32>
        tpu.vector_store %run_scoped3A[%swap3A_463, %swap3A_464, %swap3A_465], %swap3A_468 {strides = array<i32>} : memref<7x128x128xf32, #tpu.memory_space<vmem>>, vector<1x1x16xf32>,
        %broadcast_in_dim3A_469 = arith.constant 0.000000e+00 : f32
        %broadcast_in_dim3A_470 = vector.broadcast %broadcast_in_dim3A_469 : f32 to vector<16xf32>
        %swap3A_471 = arith.constant 0 : i32
        %swap3A_472 = arith.constant 3 : i32
        %swap3A_473 = arith.index_cast %swap3A_471 : i32 to index
        %swap3A_474 = arith.index_cast %swap3A_472 : i32 to index
        %swap3A_475 = arith.constant 0 : index
        %swap3A_476 = tpu.vector_load %run_scoped3A[%swap3A_473, %swap3A_474, %swap3A_475] {strides = array<i32>} : memref<7x128x128xf32, #tpu.memory_space<vmem>>, vector<1x1x16xf32>,
        %swap3A_477 = vector.shape_cast %swap3A_476 : vector<1x1x16xf32> to vector<16xf32>
        %swap3A_478 = vector.shape_cast %broadcast_in_dim3A_470 : vector<16xf32> to vector<1x1x16xf32>
        tpu.vector_store %run_scoped3A[%swap3A_473, %swap3A_474, %swap3A_475], %swap3A_478 {strides = array<i32>} : memref<7x128x128xf32, #tpu.memory_space<vmem>>, vector<1x1x16xf32>,
        %broadcast_in_dim3A_479 = arith.constant 0.000000e+00 : f32
        %broadcast_in_dim3A_480 = vector.broadcast %broadcast_in_dim3A_479 : f32 to vector<16xf32>
        %swap3A_481 = arith.constant 0 : i32
        %swap3A_482 = arith.constant 3 : i32
        %swap3A_483 = arith.index_cast %swap3A_481 : i32 to index
        %swap3A_484 = arith.index_cast %swap3A_482 : i32 to index
        %swap3A_485 = arith.constant 16 : index
        %swap3A_486 = tpu.vector_load %run_scoped3A[%swap3A_483, %swap3A_484, %swap3A_485] {strides = array<i32>} : memref<7x128x128xf32, #tpu.memory_space<vmem>>, vector<1x1x16xf32>,
        %swap3A_487 = vector.shape_cast %swap3A_486 : vector<1x1x16xf32> to vector<16xf32>
        %swap3A_488 = vector.shape_cast %broadcast_in_dim3A_480 : vector<16xf32> to vector<1x1x16xf32>
        tpu.vector_store %run_scoped3A[%swap3A_483, %swap3A_484, %swap3A_485], %swap3A_488 {strides = array<i32>} : memref<7x128x128xf32, #tpu.memory_space<vmem>>, vector<1x1x16xf32>,
        %broadcast_in_dim3A_489 = arith.constant 0.000000e+00 : f32
        %broadcast_in_dim3A_490 = vector.broadcast %broadcast_in_dim3A_489 : f32 to vector<16xf32>
        %swap3A_491 = arith.constant 0 : i32
        %swap3A_492 = arith.constant 3 : i32
        %swap3A_493 = arith.index_cast %swap3A_491 : i32 to index
        %swap3A_494 = arith.index_cast %swap3A_492 : i32 to index
        %swap3A_495 = arith.constant 32 : index
        %swap3A_496 = tpu.vector_load %run_scoped3A[%swap3A_493, %swap3A_494, %swap3A_495] {strides = array<i32>} : memref<7x128x128xf32, #tpu.memory_space<vmem>>, vector<1x1x16xf32>,
        %swap3A_497 = vector.shape_cast %swap3A_496 : vector<1x1x16xf32> to vector<16xf32>
        %swap3A_498 = vector.shape_cast %broadcast_in_dim3A_490 : vector<16xf32> to vector<1x1x16xf32>
        tpu.vector_store %run_scoped3A[%swap3A_493, %swap3A_494, %swap3A_495], %swap3A_498 {strides = array<i32>} : memref<7x128x128xf32, #tpu.memory_space<vmem>>, vector<1x1x16xf32>,
        %broadcast_in_dim3A_499 = arith.constant 0.000000e+00 : f32
        %broadcast_in_dim3A_500 = vector.broadcast %broadcast_in_dim3A_499 : f32 to vector<16xf32>
        %swap3A_501 = arith.constant 0 : i32
        %swap3A_502 = arith.constant 3 : i32
        %swap3A_503 = arith.index_cast %swap3A_501 : i32 to index
        %swap3A_504 = arith.index_cast %swap3A_502 : i32 to index
        %swap3A_505 = arith.constant 48 : index
        %swap3A_506 = tpu.vector_load %run_scoped3A[%swap3A_503, %swap3A_504, %swap3A_505] {strides = array<i32>} : memref<7x128x128xf32, #tpu.memory_space<vmem>>, vector<1x1x16xf32>,
        %swap3A_507 = vector.shape_cast %swap3A_506 : vector<1x1x16xf32> to vector<16xf32>
        %swap3A_508 = vector.shape_cast %broadcast_in_dim3A_500 : vector<16xf32> to vector<1x1x16xf32>
        tpu.vector_store %run_scoped3A[%swap3A_503, %swap3A_504, %swap3A_505], %swap3A_508 {strides = array<i32>} : memref<7x128x128xf32, #tpu.memory_space<vmem>>, vector<1x1x16xf32>,
        %broadcast_in_dim3A_509 = arith.constant 0.000000e+00 : f32
        %broadcast_in_dim3A_510 = vector.broadcast %broadcast_in_dim3A_509 : f32 to vector<16xf32>
        %swap3A_511 = arith.constant 0 : i32
        %swap3A_512 = arith.constant 3 : i32
        %swap3A_513 = arith.index_cast %swap3A_511 : i32 to index
        %swap3A_514 = arith.index_cast %swap3A_512 : i32 to index
        %swap3A_515 = arith.constant 64 : index
        %swap3A_516 = tpu.vector_load %run_scoped3A[%swap3A_513, %swap3A_514, %swap3A_515] {strides = array<i32>} : memref<7x128x128xf32, #tpu.memory_space<vmem>>, vector<1x1x16xf32>,
        %swap3A_517 = vector.shape_cast %swap3A_516 : vector<1x1x16xf32> to vector<16xf32>
        %swap3A_518 = vector.shape_cast %broadcast_in_dim3A_510 : vector<16xf32> to vector<1x1x16xf32>
        tpu.vector_store %run_scoped3A[%swap3A_513, %swap3A_514, %swap3A_515], %swap3A_518 {strides = array<i32>} : memref<7x128x128xf32, #tpu.memory_space<vmem>>, vector<1x1x16xf32>,
        %broadcast_in_dim3A_519 = arith.constant 0.000000e+00 : f32
        %broadcast_in_dim3A_520 = vector.broadcast %broadcast_in_dim3A_519 : f32 to vector<16xf32>
        %swap3A_521 = arith.constant 0 : i32
        %swap3A_522 = arith.constant 3 : i32
        %swap3A_523 = arith.index_cast %swap3A_521 : i32 to index
        %swap3A_524 = arith.index_cast %swap3A_522 : i32 to index
        %swap3A_525 = arith.constant 80 : index
        %swap3A_526 = tpu.vector_load %run_scoped3A[%swap3A_523, %swap3A_524, %swap3A_525] {strides = array<i32>} : memref<7x128x128xf32, #tpu.memory_space<vmem>>, vector<1x1x16xf32>,
        %swap3A_527 = vector.shape_cast %swap3A_526 : vector<1x1x16xf32> to vector<16xf32>
        %swap3A_528 = vector.shape_cast %broadcast_in_dim3A_520 : vector<16xf32> to vector<1x1x16xf32>
        tpu.vector_store %run_scoped3A[%swap3A_523, %swap3A_524, %swap3A_525], %swap3A_528 {strides = array<i32>} : memref<7x128x128xf32, #tpu.memory_space<vmem>>, vector<1x1x16xf32>,
        %broadcast_in_dim3A_529 = arith.constant 0.000000e+00 : f32
        %broadcast_in_dim3A_530 = vector.broadcast %broadcast_in_dim3A_529 : f32 to vector<16xf32>
        %swap3A_531 = arith.constant 0 : i32
        %swap3A_532 = arith.constant 3 : i32
        %swap3A_533 = arith.index_cast %swap3A_531 : i32 to index
        %swap3A_534 = arith.index_cast %swap3A_532 : i32 to index
        %swap3A_535 = arith.constant 96 : index
        %swap3A_536 = tpu.vector_load %run_scoped3A[%swap3A_533, %swap3A_534, %swap3A_535] {strides = array<i32>} : memref<7x128x128xf32, #tpu.memory_space<vmem>>, vector<1x1x16xf32>,
        %swap3A_537 = vector.shape_cast %swap3A_536 : vector<1x1x16xf32> to vector<16xf32>
        %swap3A_538 = vector.shape_cast %broadcast_in_dim3A_530 : vector<16xf32> to vector<1x1x16xf32>
        tpu.vector_store %run_scoped3A[%swap3A_533, %swap3A_534, %swap3A_535], %swap3A_538 {strides = array<i32>} : memref<7x128x128xf32, #tpu.memory_space<vmem>>, vector<1x1x16xf32>,
        %broadcast_in_dim3A_539 = arith.constant 0.000000e+00 : f32
        %broadcast_in_dim3A_540 = vector.broadcast %broadcast_in_dim3A_539 : f32 to vector<16xf32>
        %swap3A_541 = arith.constant 0 : i32
        %swap3A_542 = arith.constant 3 : i32
        %swap3A_543 = arith.index_cast %swap3A_541 : i32 to index
        %swap3A_544 = arith.index_cast %swap3A_542 : i32 to index
        %swap3A_545 = arith.constant 112 : index
        %swap3A_546 = tpu.vector_load %run_scoped3A[%swap3A_543, %swap3A_544, %swap3A_545] {strides = array<i32>} : memref<7x128x128xf32, #tpu.memory_space<vmem>>, vector<1x1x16xf32>,
        %swap3A_547 = vector.shape_cast %swap3A_546 : vector<1x1x16xf32> to vector<16xf32>
        %swap3A_548 = vector.shape_cast %broadcast_in_dim3A_540 : vector<16xf32> to vector<1x1x16xf32>
        tpu.vector_store %run_scoped3A[%swap3A_543, %swap3A_544, %swap3A_545], %swap3A_548 {strides = array<i32>} : memref<7x128x128xf32, #tpu.memory_space<vmem>>, vector<1x1x16xf32>,
        %broadcast_in_dim3A_549 = arith.constant 0.000000e+00 : f32
        %broadcast_in_dim3A_550 = vector.broadcast %broadcast_in_dim3A_549 : f32 to vector<16xf32>
        %swap3A_551 = arith.constant 0 : i32
        %swap3A_552 = arith.constant 4 : i32
        %swap3A_553 = arith.index_cast %swap3A_551 : i32 to index
        %swap3A_554 = arith.index_cast %swap3A_552 : i32 to index
        %swap3A_555 = arith.constant 0 : index
        %swap3A_556 = tpu.vector_load %run_scoped3A[%swap3A_553, %swap3A_554, %swap3A_555] {strides = array<i32>} : memref<7x128x128xf32, #tpu.memory_space<vmem>>, vector<1x1x16xf32>,
        %swap3A_557 = vector.shape_cast %swap3A_556 : vector<1x1x16xf32> to vector<16xf32>
        %swap3A_558 = vector.shape_cast %broadcast_in_dim3A_550 : vector<16xf32> to vector<1x1x16xf32>
        tpu.vector_store %run_scoped3A[%swap3A_553, %swap3A_554, %swap3A_555], %swap3A_558 {strides = array<i32>} : memref<7x128x128xf32, #tpu.memory_space<vmem>>, vector<1x1x16xf32>,
        %broadcast_in_dim3A_559 = arith.constant 0.000000e+00 : f32
        %broadcast_in_dim3A_560 = vector.broadcast %broadcast_in_dim3A_559 : f32 to vector<16xf32>
        %swap3A_561 = arith.constant 0 : i32
        %swap3A_562 = arith.constant 4 : i32
        %swap3A_563 = arith.index_cast %swap3A_561 : i32 to index
        %swap3A_564 = arith.index_cast %swap3A_562 : i32 to index
        %swap3A_565 = arith.constant 16 : index
        %swap3A_566 = tpu.vector_load %run_scoped3A[%swap3A_563, %swap3A_564, %swap3A_565] {strides = array<i32>} : memref<7x128x128xf32, #tpu.memory_space<vmem>>, vector<1x1x16xf32>,
        %swap3A_567 = vector.shape_cast %swap3A_566 : vector<1x1x16xf32> to vector<16xf32>
        %swap3A_568 = vector.shape_cast %broadcast_in_dim3A_560 : vector<16xf32> to vector<1x1x16xf32>
        tpu.vector_store %run_scoped3A[%swap3A_563, %swap3A_564, %swap3A_565], %swap3A_568 {strides = array<i32>} : memref<7x128x128xf32, #tpu.memory_space<vmem>>, vector<1x1x16xf32>,
        %broadcast_in_dim3A_569 = arith.constant 0.000000e+00 : f32
        %broadcast_in_dim3A_570 = vector.broadcast %broadcast_in_dim3A_569 : f32 to vector<16xf32>
        %swap3A_571 = arith.constant 0 : i32
        %swap3A_572 = arith.constant 4 : i32
        %swap3A_573 = arith.index_cast %swap3A_571 : i32 to index
        %swap3A_574 = arith.index_cast %swap3A_572 : i32 to index
        %swap3A_575 = arith.constant 32 : index
        %swap3A_576 = tpu.vector_load %run_scoped3A[%swap3A_573, %swap3A_574, %swap3A_575] {strides = array<i32>} : memref<7x128x128xf32, #tpu.memory_space<vmem>>, vector<1x1x16xf32>,
        %swap3A_577 = vector.shape_cast %swap3A_576 : vector<1x1x16xf32> to vector<16xf32>
        %swap3A_578 = vector.shape_cast %broadcast_in_dim3A_570 : vector<16xf32> to vector<1x1x16xf32>
        tpu.vector_store %run_scoped3A[%swap3A_573, %swap3A_574, %swap3A_575], %swap3A_578 {strides = array<i32>} : memref<7x128x128xf32, #tpu.memory_space<vmem>>, vector<1x1x16xf32>,
        %broadcast_in_dim3A_579 = arith.constant 0.000000e+00 : f32
        %broadcast_in_dim3A_580 = vector.broadcast %broadcast_in_dim3A_579 : f32 to vector<16xf32>
        %swap3A_581 = arith.constant 0 : i32
        %swap3A_582 = arith.constant 4 : i32
        %swap3A_583 = arith.index_cast %swap3A_581 : i32 to index
        %swap3A_584 = arith.index_cast %swap3A_582 : i32 to index
        %swap3A_585 = arith.constant 48 : index
        %swap3A_586 = tpu.vector_load %run_scoped3A[%swap3A_583, %swap3A_584, %swap3A_585] {strides = array<i32>} : memref<7x128x128xf32, #tpu.memory_space<vmem>>, vector<1x1x16xf32>,
        %swap3A_587 = vector.shape_cast %swap3A_586 : vector<1x1x16xf32> to vector<16xf32>
        %swap3A_588 = vector.shape_cast %broadcast_in_dim3A_580 : vector<16xf32> to vector<1x1x16xf32>
        tpu.vector_store %run_scoped3A[%swap3A_583, %swap3A_584, %swap3A_585], %swap3A_588 {strides = array<i32>} : memref<7x128x128xf32, #tpu.memory_space<vmem>>, vector<1x1x16xf32>,
        %broadcast_in_dim3A_589 = arith.constant 0.000000e+00 : f32
        %broadcast_in_dim3A_590 = vector.broadcast %broadcast_in_dim3A_589 : f32 to vector<16xf32>
        %swap3A_591 = arith.constant 0 : i32
        %swap3A_592 = arith.constant 4 : i32
        %swap3A_593 = arith.index_cast %swap3A_591 : i32 to index
        %swap3A_594 = arith.index_cast %swap3A_592 : i32 to index
        %swap3A_595 = arith.constant 64 : index
        %swap3A_596 = tpu.vector_load %run_scoped3A[%swap3A_593, %swap3A_594, %swap3A_595] {strides = array<i32>} : memref<7x128x128xf32, #tpu.memory_space<vmem>>, vector<1x1x16xf32>,
        %swap3A_597 = vector.shape_cast %swap3A_596 : vector<1x1x16xf32> to vector<16xf32>
        %swap3A_598 = vector.shape_cast %broadcast_in_dim3A_590 : vector<16xf32> to vector<1x1x16xf32>
        tpu.vector_store %run_scoped3A[%swap3A_593, %swap3A_594, %swap3A_595], %swap3A_598 {strides = array<i32>} : memref<7x128x128xf32, #tpu.memory_space<vmem>>, vector<1x1x16xf32>,
        %broadcast_in_dim3A_599 = arith.constant 0.000000e+00 : f32
        %broadcast_in_dim3A_600 = vector.broadcast %broadcast_in_dim3A_599 : f32 to vector<16xf32>
        %swap3A_601 = arith.constant 0 : i32
        %swap3A_602 = arith.constant 4 : i32
        %swap3A_603 = arith.index_cast %swap3A_601 : i32 to index
        %swap3A_604 = arith.index_cast %swap3A_602 : i32 to index
        %swap3A_605 = arith.constant 80 : index
        %swap3A_606 = tpu.vector_load %run_scoped3A[%swap3A_603, %swap3A_604, %swap3A_605] {strides = array<i32>} : memref<7x128x128xf32, #tpu.memory_space<vmem>>, vector<1x1x16xf32>,
        %swap3A_607 = vector.shape_cast %swap3A_606 : vector<1x1x16xf32> to vector<16xf32>
        %swap3A_608 = vector.shape_cast %broadcast_in_dim3A_600 : vector<16xf32> to vector<1x1x16xf32>
        tpu.vector_store %run_scoped3A[%swap3A_603, %swap3A_604, %swap3A_605], %swap3A_608 {strides = array<i32>} : memref<7x128x128xf32, #tpu.memory_space<vmem>>, vector<1x1x16xf32>,
        %broadcast_in_dim3A_609 = arith.constant 0.000000e+00 : f32
        %broadcast_in_dim3A_610 = vector.broadcast %broadcast_in_dim3A_609 : f32 to vector<16xf32>
        %swap3A_611 = arith.constant 0 : i32
        %swap3A_612 = arith.constant 4 : i32
        %swap3A_613 = arith.index_cast %swap3A_611 : i32 to index
        %swap3A_614 = arith.index_cast %swap3A_612 : i32 to index
        %swap3A_615 = arith.constant 96 : index
        %swap3A_616 = tpu.vector_load %run_scoped3A[%swap3A_613, %swap3A_614, %swap3A_615] {strides = array<i32>} : memref<7x128x128xf32, #tpu.memory_space<vmem>>, vector<1x1x16xf32>,
        %swap3A_617 = vector.shape_cast %swap3A_616 : vector<1x1x16xf32> to vector<16xf32>
        %swap3A_618 = vector.shape_cast %broadcast_in_dim3A_610 : vector<16xf32> to vector<1x1x16xf32>
        tpu.vector_store %run_scoped3A[%swap3A_613, %swap3A_614, %swap3A_615], %swap3A_618 {strides = array<i32>} : memref<7x128x128xf32, #tpu.memory_space<vmem>>, vector<1x1x16xf32>,
        %broadcast_in_dim3A_619 = arith.constant 0.000000e+00 : f32
        %broadcast_in_dim3A_620 = vector.broadcast %broadcast_in_dim3A_619 : f32 to vector<16xf32>
        %swap3A_621 = arith.constant 0 : i32
        %swap3A_622 = arith.constant 4 : i32
        %swap3A_623 = arith.index_cast %swap3A_621 : i32 to index
        %swap3A_624 = arith.index_cast %swap3A_622 : i32 to index
        %swap3A_625 = arith.constant 112 : index
        %swap3A_626 = tpu.vector_load %run_scoped3A[%swap3A_623, %swap3A_624, %swap3A_625] {strides = array<i32>} : memref<7x128x128xf32, #tpu.memory_space<vmem>>, vector<1x1x16xf32>,
        %swap3A_627 = vector.shape_cast %swap3A_626 : vector<1x1x16xf32> to vector<16xf32>
        %swap3A_628 = vector.shape_cast %broadcast_in_dim3A_620 : vector<16xf32> to vector<1x1x16xf32>
        tpu.vector_store %run_scoped3A[%swap3A_623, %swap3A_624, %swap3A_625], %swap3A_628 {strides = array<i32>} : memref<7x128x128xf32, #tpu.memory_space<vmem>>, vector<1x1x16xf32>,
        %broadcast_in_dim3A_629 = arith.constant 0.000000e+00 : f32
        %broadcast_in_dim3A_630 = vector.broadcast %broadcast_in_dim3A_629 : f32 to vector<16xf32>
        %swap3A_631 = arith.constant 0 : i32
        %swap3A_632 = arith.constant 5 : i32
        %swap3A_633 = arith.index_cast %swap3A_631 : i32 to index
        %swap3A_634 = arith.index_cast %swap3A_632 : i32 to index
        %swap3A_635 = arith.constant 0 : index
        %swap3A_636 = tpu.vector_load %run_scoped3A[%swap3A_633, %swap3A_634, %swap3A_635] {strides = array<i32>} : memref<7x128x128xf32, #tpu.memory_space<vmem>>, vector<1x1x16xf32>,
        %swap3A_637 = vector.shape_cast %swap3A_636 : vector<1x1x16xf32> to vector<16xf32>
        %swap3A_638 = vector.shape_cast %broadcast_in_dim3A_630 : vector<16xf32> to vector<1x1x16xf32>
        tpu.vector_store %run_scoped3A[%swap3A_633, %swap3A_634, %swap3A_635], %swap3A_638 {strides = array<i32>} : memref<7x128x128xf32, #tpu.memory_space<vmem>>, vector<1x1x16xf32>,
        %broadcast_in_dim3A_639 = arith.constant 0.000000e+00 : f32
        %broadcast_in_dim3A_640 = vector.broadcast %broadcast_in_dim3A_639 : f32 to vector<16xf32>
        %swap3A_641 = arith.constant 0 : i32
        %swap3A_642 = arith.constant 5 : i32
        %swap3A_643 = arith.index_cast %swap3A_641 : i32 to index
        %swap3A_644 = arith.index_cast %swap3A_642 : i32 to index
        %swap3A_645 = arith.constant 16 : index
        %swap3A_646 = tpu.vector_load %run_scoped3A[%swap3A_643, %swap3A_644, %swap3A_645] {strides = array<i32>} : memref<7x128x128xf32, #tpu.memory_space<vmem>>, vector<1x1x16xf32>,
        %swap3A_647 = vector.shape_cast %swap3A_646 : vector<1x1x16xf32> to vector<16xf32>
        %swap3A_648 = vector.shape_cast %broadcast_in_dim3A_640 : vector<16xf32> to vector<1x1x16xf32>
        tpu.vector_store %run_scoped3A[%swap3A_643, %swap3A_644, %swap3A_645], %swap3A_648 {strides = array<i32>} : memref<7x128x128xf32, #tpu.memory_space<vmem>>, vector<1x1x16xf32>,
        %broadcast_in_dim3A_649 = arith.constant 0.000000e+00 : f32
        %broadcast_in_dim3A_650 = vector.broadcast %broadcast_in_dim3A_649 : f32 to vector<16xf32>
        %swap3A_651 = arith.constant 0 : i32
        %swap3A_652 = arith.constant 5 : i32
        %swap3A_653 = arith.index_cast %swap3A_651 : i32 to index
        %swap3A_654 = arith.index_cast %swap3A_652 : i32 to index
        %swap3A_655 = arith.constant 32 : index
        %swap3A_656 = tpu.vector_load %run_scoped3A[%swap3A_653, %swap3A_654, %swap3A_655] {strides = array<i32>} : memref<7x128x128xf32, #tpu.memory_space<vmem>>, vector<1x1x16xf32>,
        %swap3A_657 = vector.shape_cast %swap3A_656 : vector<1x1x16xf32> to vector<16xf32>
        %swap3A_658 = vector.shape_cast %broadcast_in_dim3A_650 : vector<16xf32> to vector<1x1x16xf32>
        tpu.vector_store %run_scoped3A[%swap3A_653, %swap3A_654, %swap3A_655], %swap3A_658 {strides = array<i32>} : memref<7x128x128xf32, #tpu.memory_space<vmem>>, vector<1x1x16xf32>,
        %broadcast_in_dim3A_659 = arith.constant 0.000000e+00 : f32
        %broadcast_in_dim3A_660 = vector.broadcast %broadcast_in_dim3A_659 : f32 to vector<16xf32>
        %swap3A_661 = arith.constant 0 : i32
        %swap3A_662 = arith.constant 5 : i32
        %swap3A_663 = arith.index_cast %swap3A_661 : i32 to index
        %swap3A_664 = arith.index_cast %swap3A_662 : i32 to index
        %swap3A_665 = arith.constant 48 : index
        %swap3A_666 = tpu.vector_load %run_scoped3A[%swap3A_663, %swap3A_664, %swap3A_665] {strides = array<i32>} : memref<7x128x128xf32, #tpu.memory_space<vmem>>, vector<1x1x16xf32>,
        %swap3A_667 = vector.shape_cast %swap3A_666 : vector<1x1x16xf32> to vector<16xf32>
        %swap3A_668 = vector.shape_cast %broadcast_in_dim3A_660 : vector<16xf32> to vector<1x1x16xf32>
        tpu.vector_store %run_scoped3A[%swap3A_663, %swap3A_664, %swap3A_665], %swap3A_668 {strides = array<i32>} : memref<7x128x128xf32, #tpu.memory_space<vmem>>, vector<1x1x16xf32>,
        %broadcast_in_dim3A_669 = arith.constant 0.000000e+00 : f32
        %broadcast_in_dim3A_670 = vector.broadcast %broadcast_in_dim3A_669 : f32 to vector<16xf32>
        %swap3A_671 = arith.constant 0 : i32
        %swap3A_672 = arith.constant 5 : i32
        %swap3A_673 = arith.index_cast %swap3A_671 : i32 to index
        %swap3A_674 = arith.index_cast %swap3A_672 : i32 to index
        %swap3A_675 = arith.constant 64 : index
        %swap3A_676 = tpu.vector_load %run_scoped3A[%swap3A_673, %swap3A_674, %swap3A_675] {strides = array<i32>} : memref<7x128x128xf32, #tpu.memory_space<vmem>>, vector<1x1x16xf32>,
        %swap3A_677 = vector.shape_cast %swap3A_676 : vector<1x1x16xf32> to vector<16xf32>
        %swap3A_678 = vector.shape_cast %broadcast_in_dim3A_670 : vector<16xf32> to vector<1x1x16xf32>
        tpu.vector_store %run_scoped3A[%swap3A_673, %swap3A_674, %swap3A_675], %swap3A_678 {strides = array<i32>} : memref<7x128x128xf32, #tpu.memory_space<vmem>>, vector<1x1x16xf32>,
        %broadcast_in_dim3A_679 = arith.constant 0.000000e+00 : f32
        %broadcast_in_dim3A_680 = vector.broadcast %broadcast_in_dim3A_679 : f32 to vector<16xf32>
        %swap3A_681 = arith.constant 0 : i32
        %swap3A_682 = arith.constant 5 : i32
        %swap3A_683 = arith.index_cast %swap3A_681 : i32 to index
        %swap3A_684 = arith.index_cast %swap3A_682 : i32 to index
        %swap3A_685 = arith.constant 80 : index
        %swap3A_686 = tpu.vector_load %run_scoped3A[%swap3A_683, %swap3A_684, %swap3A_685] {strides = array<i32>} : memref<7x128x128xf32, #tpu.memory_space<vmem>>, vector<1x1x16xf32>,
        %swap3A_687 = vector.shape_cast %swap3A_686 : vector<1x1x16xf32> to vector<16xf32>
        %swap3A_688 = vector.shape_cast %broadcast_in_dim3A_680 : vector<16xf32> to vector<1x1x16xf32>
        tpu.vector_store %run_scoped3A[%swap3A_683, %swap3A_684, %swap3A_685], %swap3A_688 {strides = array<i32>} : memref<7x128x128xf32, #tpu.memory_space<vmem>>, vector<1x1x16xf32>,
        %broadcast_in_dim3A_689 = arith.constant 0.000000e+00 : f32
        %broadcast_in_dim3A_690 = vector.broadcast %broadcast_in_dim3A_689 : f32 to vector<16xf32>
        %swap3A_691 = arith.constant 0 : i32
        %swap3A_692 = arith.constant 5 : i32
        %swap3A_693 = arith.index_cast %swap3A_691 : i32 to index
        %swap3A_694 = arith.index_cast %swap3A_692 : i32 to index
        %swap3A_695 = arith.constant 96 : index
        %swap3A_696 = tpu.vector_load %run_scoped3A[%swap3A_693, %swap3A_694, %swap3A_695] {strides = array<i32>} : memref<7x128x128xf32, #tpu.memory_space<vmem>>, vector<1x1x16xf32>,
        %swap3A_697 = vector.shape_cast %swap3A_696 : vector<1x1x16xf32> to vector<16xf32>
        %swap3A_698 = vector.shape_cast %broadcast_in_dim3A_690 : vector<16xf32> to vector<1x1x16xf32>
        tpu.vector_store %run_scoped3A[%swap3A_693, %swap3A_694, %swap3A_695], %swap3A_698 {strides = array<i32>} : memref<7x128x128xf32, #tpu.memory_space<vmem>>, vector<1x1x16xf32>,
        %broadcast_in_dim3A_699 = arith.constant 0.000000e+00 : f32
        %broadcast_in_dim3A_700 = vector.broadcast %broadcast_in_dim3A_699 : f32 to vector<16xf32>
        %swap3A_701 = arith.constant 0 : i32
        %swap3A_702 = arith.constant 5 : i32
        %swap3A_703 = arith.index_cast %swap3A_701 : i32 to index
        %swap3A_704 = arith.index_cast %swap3A_702 : i32 to index
        %swap3A_705 = arith.constant 112 : index
        %swap3A_706 = tpu.vector_load %run_scoped3A[%swap3A_703, %swap3A_704, %swap3A_705] {strides = array<i32>} : memref<7x128x128xf32, #tpu.memory_space<vmem>>, vector<1x1x16xf32>,
        %swap3A_707 = vector.shape_cast %swap3A_706 : vector<1x1x16xf32> to vector<16xf32>
        %swap3A_708 = vector.shape_cast %broadcast_in_dim3A_700 : vector<16xf32> to vector<1x1x16xf32>
        tpu.vector_store %run_scoped3A[%swap3A_703, %swap3A_704, %swap3A_705], %swap3A_708 {strides = array<i32>} : memref<7x128x128xf32, #tpu.memory_space<vmem>>, vector<1x1x16xf32>,
        %broadcast_in_dim3A_709 = arith.constant 0.000000e+00 : f32
        %broadcast_in_dim3A_710 = vector.broadcast %broadcast_in_dim3A_709 : f32 to vector<16xf32>
        %swap3A_711 = arith.constant 0 : i32
        %swap3A_712 = arith.constant 6 : i32
        %swap3A_713 = arith.index_cast %swap3A_711 : i32 to index
        %swap3A_714 = arith.index_cast %swap3A_712 : i32 to index
        %swap3A_715 = arith.constant 0 : index
        %swap3A_716 = tpu.vector_load %run_scoped3A[%swap3A_713, %swap3A_714, %swap3A_715] {strides = array<i32>} : memref<7x128x128xf32, #tpu.memory_space<vmem>>, vector<1x1x16xf32>,
        %swap3A_717 = vector.shape_cast %swap3A_716 : vector<1x1x16xf32> to vector<16xf32>
        %swap3A_718 = vector.shape_cast %broadcast_in_dim3A_710 : vector<16xf32> to vector<1x1x16xf32>
        tpu.vector_store %run_scoped3A[%swap3A_713, %swap3A_714, %swap3A_715], %swap3A_718 {strides = array<i32>} : memref<7x128x128xf32, #tpu.memory_space<vmem>>, vector<1x1x16xf32>,
        %broadcast_in_dim3A_719 = arith.constant 0.000000e+00 : f32
        %broadcast_in_dim3A_720 = vector.broadcast %broadcast_in_dim3A_719 : f32 to vector<16xf32>
        %swap3A_721 = arith.constant 0 : i32
        %swap3A_722 = arith.constant 6 : i32
        %swap3A_723 = arith.index_cast %swap3A_721 : i32 to index
        %swap3A_724 = arith.index_cast %swap3A_722 : i32 to index
        %swap3A_725 = arith.constant 16 : index
        %swap3A_726 = tpu.vector_load %run_scoped3A[%swap3A_723, %swap3A_724, %swap3A_725] {strides = array<i32>} : memref<7x128x128xf32, #tpu.memory_space<vmem>>, vector<1x1x16xf32>,
        %swap3A_727 = vector.shape_cast %swap3A_726 : vector<1x1x16xf32> to vector<16xf32>
        %swap3A_728 = vector.shape_cast %broadcast_in_dim3A_720 : vector<16xf32> to vector<1x1x16xf32>
        tpu.vector_store %run_scoped3A[%swap3A_723, %swap3A_724, %swap3A_725], %swap3A_728 {strides = array<i32>} : memref<7x128x128xf32, #tpu.memory_space<vmem>>, vector<1x1x16xf32>,
        %broadcast_in_dim3A_729 = arith.constant 0.000000e+00 : f32
        %broadcast_in_dim3A_730 = vector.broadcast %broadcast_in_dim3A_729 : f32 to vector<16xf32>
        %swap3A_731 = arith.constant 0 : i32
        %swap3A_732 = arith.constant 6 : i32
        %swap3A_733 = arith.index_cast %swap3A_731 : i32 to index
        %swap3A_734 = arith.index_cast %swap3A_732 : i32 to index
        %swap3A_735 = arith.constant 32 : index
        %swap3A_736 = tpu.vector_load %run_scoped3A[%swap3A_733, %swap3A_734, %swap3A_735] {strides = array<i32>} : memref<7x128x128xf32, #tpu.memory_space<vmem>>, vector<1x1x16xf32>,
        %swap3A_737 = vector.shape_cast %swap3A_736 : vector<1x1x16xf32> to vector<16xf32>
        %swap3A_738 = vector.shape_cast %broadcast_in_dim3A_730 : vector<16xf32> to vector<1x1x16xf32>
        tpu.vector_store %run_scoped3A[%swap3A_733, %swap3A_734, %swap3A_735], %swap3A_738 {strides = array<i32>} : memref<7x128x128xf32, #tpu.memory_space<vmem>>, vector<1x1x16xf32>,
        %broadcast_in_dim3A_739 = arith.constant 0.000000e+00 : f32
        %broadcast_in_dim3A_740 = vector.broadcast %broadcast_in_dim3A_739 : f32 to vector<16xf32>
        %swap3A_741 = arith.constant 0 : i32
        %swap3A_742 = arith.constant 6 : i32
        %swap3A_743 = arith.index_cast %swap3A_741 : i32 to index
        %swap3A_744 = arith.index_cast %swap3A_742 : i32 to index
        %swap3A_745 = arith.constant 48 : index
        %swap3A_746 = tpu.vector_load %run_scoped3A[%swap3A_743, %swap3A_744, %swap3A_745] {strides = array<i32>} : memref<7x128x128xf32, #tpu.memory_space<vmem>>, vector<1x1x16xf32>,
        %swap3A_747 = vector.shape_cast %swap3A_746 : vector<1x1x16xf32> to vector<16xf32>
        %swap3A_748 = vector.shape_cast %broadcast_in_dim3A_740 : vector<16xf32> to vector<1x1x16xf32>
        tpu.vector_store %run_scoped3A[%swap3A_743, %swap3A_744, %swap3A_745], %swap3A_748 {strides = array<i32>} : memref<7x128x128xf32, #tpu.memory_space<vmem>>, vector<1x1x16xf32>,
        %broadcast_in_dim3A_749 = arith.constant 0.000000e+00 : f32
        %broadcast_in_dim3A_750 = vector.broadcast %broadcast_in_dim3A_749 : f32 to vector<16xf32>
        %swap3A_751 = arith.constant 0 : i32
        %swap3A_752 = arith.constant 6 : i32
        %swap3A_753 = arith.index_cast %swap3A_751 : i32 to index
        %swap3A_754 = arith.index_cast %swap3A_752 : i32 to index
        %swap3A_755 = arith.constant 64 : index
        %swap3A_756 = tpu.vector_load %run_scoped3A[%swap3A_753, %swap3A_754, %swap3A_755] {strides = array<i32>} : memref<7x128x128xf32, #tpu.memory_space<vmem>>, vector<1x1x16xf32>,
        %swap3A_757 = vector.shape_cast %swap3A_756 : vector<1x1x16xf32> to vector<16xf32>
        %swap3A_758 = vector.shape_cast %broadcast_in_dim3A_750 : vector<16xf32> to vector<1x1x16xf32>
        tpu.vector_store %run_scoped3A[%swap3A_753, %swap3A_754, %swap3A_755], %swap3A_758 {strides = array<i32>} : memref<7x128x128xf32, #tpu.memory_space<vmem>>, vector<1x1x16xf32>,
        %broadcast_in_dim3A_759 = arith.constant 0.000000e+00 : f32
        %broadcast_in_dim3A_760 = vector.broadcast %broadcast_in_dim3A_759 : f32 to vector<16xf32>
        %swap3A_761 = arith.constant 0 : i32
        %swap3A_762 = arith.constant 6 : i32
        %swap3A_763 = arith.index_cast %swap3A_761 : i32 to index
        %swap3A_764 = arith.index_cast %swap3A_762 : i32 to index
        %swap3A_765 = arith.constant 80 : index
        %swap3A_766 = tpu.vector_load %run_scoped3A[%swap3A_763, %swap3A_764, %swap3A_765] {strides = array<i32>} : memref<7x128x128xf32, #tpu.memory_space<vmem>>, vector<1x1x16xf32>,
        %swap3A_767 = vector.shape_cast %swap3A_766 : vector<1x1x16xf32> to vector<16xf32>
        %swap3A_768 = vector.shape_cast %broadcast_in_dim3A_760 : vector<16xf32> to vector<1x1x16xf32>
        tpu.vector_store %run_scoped3A[%swap3A_763, %swap3A_764, %swap3A_765], %swap3A_768 {strides = array<i32>} : memref<7x128x128xf32, #tpu.memory_space<vmem>>, vector<1x1x16xf32>,
        %broadcast_in_dim3A_769 = arith.constant 0.000000e+00 : f32
        %broadcast_in_dim3A_770 = vector.broadcast %broadcast_in_dim3A_769 : f32 to vector<16xf32>
        %swap3A_771 = arith.constant 0 : i32
        %swap3A_772 = arith.constant 6 : i32
        %swap3A_773 = arith.index_cast %swap3A_771 : i32 to index
        %swap3A_774 = arith.index_cast %swap3A_772 : i32 to index
        %swap3A_775 = arith.constant 96 : index
        %swap3A_776 = tpu.vector_load %run_scoped3A[%swap3A_773, %swap3A_774, %swap3A_775] {strides = array<i32>} : memref<7x128x128xf32, #tpu.memory_space<vmem>>, vector<1x1x16xf32>,
        %swap3A_777 = vector.shape_cast %swap3A_776 : vector<1x1x16xf32> to vector<16xf32>
        %swap3A_778 = vector.shape_cast %broadcast_in_dim3A_770 : vector<16xf32> to vector<1x1x16xf32>
        tpu.vector_store %run_scoped3A[%swap3A_773, %swap3A_774, %swap3A_775], %swap3A_778 {strides = array<i32>} : memref<7x128x128xf32, #tpu.memory_space<vmem>>, vector<1x1x16xf32>,
        %broadcast_in_dim3A_779 = arith.constant 0.000000e+00 : f32
        %broadcast_in_dim3A_780 = vector.broadcast %broadcast_in_dim3A_779 : f32 to vector<16xf32>
        %swap3A_781 = arith.constant 0 : i32
        %swap3A_782 = arith.constant 6 : i32
        %swap3A_783 = arith.index_cast %swap3A_781 : i32 to index
        %swap3A_784 = arith.index_cast %swap3A_782 : i32 to index
        %swap3A_785 = arith.constant 112 : index
        %swap3A_786 = tpu.vector_load %run_scoped3A[%swap3A_783, %swap3A_784, %swap3A_785] {strides = array<i32>} : memref<7x128x128xf32, #tpu.memory_space<vmem>>, vector<1x1x16xf32>,
        %swap3A_787 = vector.shape_cast %swap3A_786 : vector<1x1x16xf32> to vector<16xf32>
        %swap3A_788 = vector.shape_cast %broadcast_in_dim3A_780 : vector<16xf32> to vector<1x1x16xf32>
        tpu.vector_store %run_scoped3A[%swap3A_783, %swap3A_784, %swap3A_785], %swap3A_788 {strides = array<i32>} : memref<7x128x128xf32, #tpu.memory_space<vmem>>, vector<1x1x16xf32>,
        %broadcast_in_dim3A_789 = arith.constant 0.000000e+00 : f32
        %broadcast_in_dim3A_790 = vector.broadcast %broadcast_in_dim3A_789 : f32 to vector<16xf32>
        %swap3A_791 = arith.constant 0 : i32
        %swap3A_792 = arith.constant 7 : i32
        %swap3A_793 = arith.index_cast %swap3A_791 : i32 to index
        %swap3A_794 = arith.index_cast %swap3A_792 : i32 to index
        %swap3A_795 = arith.constant 0 : index
        %swap3A_796 = tpu.vector_load %run_scoped3A[%swap3A_793, %swap3A_794, %swap3A_795] {strides = array<i32>} : memref<7x128x128xf32, #tpu.memory_space<vmem>>, vector<1x1x16xf32>,
        %swap3A_797 = vector.shape_cast %swap3A_796 : vector<1x1x16xf32> to vector<16xf32>
        %swap3A_798 = vector.shape_cast %broadcast_in_dim3A_790 : vector<16xf32> to vector<1x1x16xf32>
        tpu.vector_store %run_scoped3A[%swap3A_793, %swap3A_794, %swap3A_795], %swap3A_798 {strides = array<i32>} : memref<7x128x128xf32, #tpu.memory_space<vmem>>, vector<1x1x16xf32>,
        %broadcast_in_dim3A_799 = arith.constant 0.000000e+00 : f32
        %broadcast_in_dim3A_800 = vector.broadcast %broadcast_in_dim3A_799 : f32 to vector<16xf32>
        %swap3A_801 = arith.constant 0 : i32
        %swap3A_802 = arith.constant 7 : i32
        %swap3A_803 = arith.index_cast %swap3A_801 : i32 to index
        %swap3A_804 = arith.index_cast %swap3A_802 : i32 to index
        %swap3A_805 = arith.constant 16 : index
        %swap3A_806 = tpu.vector_load %run_scoped3A[%swap3A_803, %swap3A_804, %swap3A_805] {strides = array<i32>} : memref<7x128x128xf32, #tpu.memory_space<vmem>>, vector<1x1x16xf32>,
        %swap3A_807 = vector.shape_cast %swap3A_806 : vector<1x1x16xf32> to vector<16xf32>
        %swap3A_808 = vector.shape_cast %broadcast_in_dim3A_800 : vector<16xf32> to vector<1x1x16xf32>
        tpu.vector_store %run_scoped3A[%swap3A_803, %swap3A_804, %swap3A_805], %swap3A_808 {strides = array<i32>} : memref<7x128x128xf32, #tpu.memory_space<vmem>>, vector<1x1x16xf32>,
        %broadcast_in_dim3A_809 = arith.constant 0.000000e+00 : f32
        %broadcast_in_dim3A_810 = vector.broadcast %broadcast_in_dim3A_809 : f32 to vector<16xf32>
        %swap3A_811 = arith.constant 0 : i32
        %swap3A_812 = arith.constant 7 : i32
        %swap3A_813 = arith.index_cast %swap3A_811 : i32 to index
        %swap3A_814 = arith.index_cast %swap3A_812 : i32 to index
        %swap3A_815 = arith.constant 32 : index
        %swap3A_816 = tpu.vector_load %run_scoped3A[%swap3A_813, %swap3A_814, %swap3A_815] {strides = array<i32>} : memref<7x128x128xf32, #tpu.memory_space<vmem>>, vector<1x1x16xf32>,
        %swap3A_817 = vector.shape_cast %swap3A_816 : vector<1x1x16xf32> to vector<16xf32>
        %swap3A_818 = vector.shape_cast %broadcast_in_dim3A_810 : vector<16xf32> to vector<1x1x16xf32>
        tpu.vector_store %run_scoped3A[%swap3A_813, %swap3A_814, %swap3A_815], %swap3A_818 {strides = array<i32>} : memref<7x128x128xf32, #tpu.memory_space<vmem>>, vector<1x1x16xf32>,
        %broadcast_in_dim3A_819 = arith.constant 0.000000e+00 : f32
        %broadcast_in_dim3A_820 = vector.broadcast %broadcast_in_dim3A_819 : f32 to vector<16xf32>
        %swap3A_821 = arith.constant 0 : i32
        %swap3A_822 = arith.constant 7 : i32
        %swap3A_823 = arith.index_cast %swap3A_821 : i32 to index
        %swap3A_824 = arith.index_cast %swap3A_822 : i32 to index
        %swap3A_825 = arith.constant 48 : index
        %swap3A_826 = tpu.vector_load %run_scoped3A[%swap3A_823, %swap3A_824, %swap3A_825] {strides = array<i32>} : memref<7x128x128xf32, #tpu.memory_space<vmem>>, vector<1x1x16xf32>,
        %swap3A_827 = vector.shape_cast %swap3A_826 : vector<1x1x16xf32> to vector<16xf32>
        %swap3A_828 = vector.shape_cast %broadcast_in_dim3A_820 : vector<16xf32> to vector<1x1x16xf32>
        tpu.vector_store %run_scoped3A[%swap3A_823, %swap3A_824, %swap3A_825], %swap3A_828 {strides = array<i32>} : memref<7x128x128xf32, #tpu.memory_space<vmem>>, vector<1x1x16xf32>,
        %broadcast_in_dim3A_829 = arith.constant 0.000000e+00 : f32
        %broadcast_in_dim3A_830 = vector.broadcast %broadcast_in_dim3A_829 : f32 to vector<16xf32>
        %swap3A_831 = arith.constant 0 : i32
        %swap3A_832 = arith.constant 7 : i32
        %swap3A_833 = arith.index_cast %swap3A_831 : i32 to index
        %swap3A_834 = arith.index_cast %swap3A_832 : i32 to index
        %swap3A_835 = arith.constant 64 : index
        %swap3A_836 = tpu.vector_load %run_scoped3A[%swap3A_833, %swap3A_834, %swap3A_835] {strides = array<i32>} : memref<7x128x128xf32, #tpu.memory_space<vmem>>, vector<1x1x16xf32>,
        %swap3A_837 = vector.shape_cast %swap3A_836 : vector<1x1x16xf32> to vector<16xf32>
        %swap3A_838 = vector.shape_cast %broadcast_in_dim3A_830 : vector<16xf32> to vector<1x1x16xf32>
        tpu.vector_store %run_scoped3A[%swap3A_833, %swap3A_834, %swap3A_835], %swap3A_838 {strides = array<i32>} : memref<7x128x128xf32, #tpu.memory_space<vmem>>, vector<1x1x16xf32>,
        %broadcast_in_dim3A_839 = arith.constant 0.000000e+00 : f32
        %broadcast_in_dim3A_840 = vector.broadcast %broadcast_in_dim3A_839 : f32 to vector<16xf32>
        %swap3A_841 = arith.constant 0 : i32
        %swap3A_842 = arith.constant 7 : i32
        %swap3A_843 = arith.index_cast %swap3A_841 : i32 to index
        %swap3A_844 = arith.index_cast %swap3A_842 : i32 to index
        %swap3A_845 = arith.constant 80 : index
        %swap3A_846 = tpu.vector_load %run_scoped3A[%swap3A_843, %swap3A_844, %swap3A_845] {strides = array<i32>} : memref<7x128x128xf32, #tpu.memory_space<vmem>>, vector<1x1x16xf32>,
        %swap3A_847 = vector.shape_cast %swap3A_846 : vector<1x1x16xf32> to vector<16xf32>
        %swap3A_848 = vector.shape_cast %broadcast_in_dim3A_840 : vector<16xf32> to vector<1x1x16xf32>
        tpu.vector_store %run_scoped3A[%swap3A_843, %swap3A_844, %swap3A_845], %swap3A_848 {strides = array<i32>} : memref<7x128x128xf32, #tpu.memory_space<vmem>>, vector<1x1x16xf32>,
        %broadcast_in_dim3A_849 = arith.constant 0.000000e+00 : f32
        %broadcast_in_dim3A_850 = vector.broadcast %broadcast_in_dim3A_849 : f32 to vector<16xf32>
        %swap3A_851 = arith.constant 0 : i32
        %swap3A_852 = arith.constant 7 : i32
        %swap3A_853 = arith.index_cast %swap3A_851 : i32 to index
        %swap3A_854 = arith.index_cast %swap3A_852 : i32 to index
        %swap3A_855 = arith.constant 96 : index
        %swap3A_856 = tpu.vector_load %run_scoped3A[%swap3A_853, %swap3A_854, %swap3A_855] {strides = array<i32>} : memref<7x128x128xf32, #tpu.memory_space<vmem>>, vector<1x1x16xf32>,
        %swap3A_857 = vector.shape_cast %swap3A_856 : vector<1x1x16xf32> to vector<16xf32>
        %swap3A_858 = vector.shape_cast %broadcast_in_dim3A_850 : vector<16xf32> to vector<1x1x16xf32>
        tpu.vector_store %run_scoped3A[%swap3A_853, %swap3A_854, %swap3A_855], %swap3A_858 {strides = array<i32>} : memref<7x128x128xf32, #tpu.memory_space<vmem>>, vector<1x1x16xf32>,
        %broadcast_in_dim3A_859 = arith.constant 0.000000e+00 : f32
        %broadcast_in_dim3A_860 = vector.broadcast %broadcast_in_dim3A_859 : f32 to vector<16xf32>
        %swap3A_861 = arith.constant 0 : i32
        %swap3A_862 = arith.constant 7 : i32
        %swap3A_863 = arith.index_cast %swap3A_861 : i32 to index
        %swap3A_864 = arith.index_cast %swap3A_862 : i32 to index
        %swap3A_865 = arith.constant 112 : index
        %swap3A_866 = tpu.vector_load %run_scoped3A[%swap3A_863, %swap3A_864, %swap3A_865] {strides = array<i32>} : memref<7x128x128xf32, #tpu.memory_space<vmem>>, vector<1x1x16xf32>,
        %swap3A_867 = vector.shape_cast %swap3A_866 : vector<1x1x16xf32> to vector<16xf32>
        %swap3A_868 = vector.shape_cast %broadcast_in_dim3A_860 : vector<16xf32> to vector<1x1x16xf32>
        tpu.vector_store %run_scoped3A[%swap3A_863, %swap3A_864, %swap3A_865], %swap3A_868 {strides = array<i32>} : memref<7x128x128xf32, #tpu.memory_space<vmem>>, vector<1x1x16xf32>,
        %run_scoped3A_869 = arith.constant 0 : i32
        "tpu.region"() ({
          %run_scoped3A_870 = tpu.sem_alloc : memref<!tpu.dma_semaphore, #tpu.memory_space<semaphore_mem>>
          %dma_start3A_871 = arith.constant 0 : i32
          %dma_start3A_872 = arith.constant 0 : i32
          %dma_start3A_873 = tpu.memref_slice %run_scoped3A[%run_scoped3A_869, %dma_start3A_871, %dma_start3A_872] : memref<7x128x128xf32, #tpu.memory_space<vmem>> -> memref<1x128x128xf32, #tpu.memory_space<vmem>>
          %dma_start3A_874 = tpu.memref_squeeze %dma_start3A_873 : memref<1x128x128xf32, #tpu.memory_space<vmem>> -> memref<128x128xf32, #tpu.memory_space<vmem>>
          %dma_start3A_875 = arith.constant 0 : i32
          %dma_start3A_876 = arith.constant 0 : i32
          %dma_start3A_877 = tpu.memref_slice %dma_start3A_874[%dma_start3A_875, %dma_start3A_876] : memref<128x128xf32, #tpu.memory_space<vmem>> -> memref<8x128xf32, #tpu.memory_space<vmem>>
          %dma_start3A_878 = arith.constant 200704 : i32
          %dma_start3A_879 = arith.constant 0 : i32
          %dma_start3A_880 = tpu.memref_slice %arg4[%dma_start3A_878, %dma_start3A_879] : memref<200712x128xf32, #tpu.memory_space<hbm>> -> memref<8x128xf32, #tpu.memory_space<hbm>>
          %dma_start3A_881 = arith.constant 200704 : i32
          %dma_start3A_882 = arith.constant 0 : i32
          %dma_start3A_883 = tpu.memref_slice %arg4[%dma_start3A_881, %dma_start3A_882] : memref<200712x128xf32, #tpu.memory_space<hbm>> -> memref<8x128xf32, #tpu.memory_space<hbm>>
          %dma_start3A_884 = arith.constant 0 : i32
          %dma_start3A_885 = arith.constant 0 : i32
          %dma_start3A_886 = tpu.memref_slice %run_scoped3A[%run_scoped3A_869, %dma_start3A_884, %dma_start3A_885] : memref<7x128x128xf32, #tpu.memory_space<vmem>> -> memref<1x128x128xf32, #tpu.memory_space<vmem>>
          %dma_start3A_887 = tpu.memref_squeeze %dma_start3A_886 : memref<1x128x128xf32, #tpu.memory_space<vmem>> -> memref<128x128xf32, #tpu.memory_space<vmem>>
          %dma_start3A_888 = arith.constant 0 : i32
          %dma_start3A_889 = arith.constant 0 : i32
          %dma_start3A_890 = tpu.memref_slice %dma_start3A_887[%dma_start3A_888, %dma_start3A_889] : memref<128x128xf32, #tpu.memory_space<vmem>> -> memref<8x128xf32, #tpu.memory_space<vmem>>
          tpu.enqueue_dma source(%dma_start3A_890 : memref<8x128xf32, #tpu.memory_space<vmem>>) target(%dma_start3A_883 : memref<8x128xf32, #tpu.memory_space<hbm>>) target_semaphore(%run_scoped3A_870 : memref<!tpu.dma_semaphore, #tpu.memory_space<semaphore_mem>>)
          %dma_wait3A_891 = arith.constant 0 : i32
          %dma_wait3A_892 = arith.constant 0 : i32
          %dma_wait3A_893 = tpu.memref_slice %run_scoped3A[%run_scoped3A_869, %dma_wait3A_891, %dma_wait3A_892] : memref<7x128x128xf32, #tpu.memory_space<vmem>> -> memref<1x128x128xf32, #tpu.memory_space<vmem>>
          %dma_wait3A_894 = tpu.memref_squeeze %dma_wait3A_893 : memref<1x128x128xf32, #tpu.memory_space<vmem>> -> memref<128x128xf32, #tpu.memory_space<vmem>>
          %dma_wait3A_895 = arith.constant 0 : i32
          %dma_wait3A_896 = arith.constant 0 : i32
          %dma_wait3A_897 = tpu.memref_slice %dma_wait3A_894[%dma_wait3A_895, %dma_wait3A_896] : memref<128x128xf32, #tpu.memory_space<vmem>> -> memref<8x128xf32, #tpu.memory_space<vmem>>
          %dma_wait3A_898 = arith.constant 200704 : i32
          %dma_wait3A_899 = arith.constant 0 : i32
          %dma_wait3A_900 = tpu.memref_slice %arg4[%dma_wait3A_898, %dma_wait3A_899] : memref<200712x128xf32, #tpu.memory_space<hbm>> -> memref<8x128xf32, #tpu.memory_space<hbm>>
          %dma_wait3A_901 = arith.constant 200704 : i32
          %dma_wait3A_902 = arith.constant 0 : i32
          %dma_wait3A_903 = tpu.memref_slice %arg4[%dma_wait3A_901, %dma_wait3A_902] : memref<200712x128xf32, #tpu.memory_space<hbm>> -> memref<8x128xf32, #tpu.memory_space<hbm>>
          %dma_wait3A_904 = arith.constant 0 : i32
          %dma_wait3A_905 = arith.constant 0 : i32
          %dma_wait3A_906 = tpu.memref_slice %run_scoped3A[%run_scoped3A_869, %dma_wait3A_904, %dma_wait3A_905] : memref<7x128x128xf32, #tpu.memory_space<vmem>> -> memref<1x128x128xf32, #tpu.memory_space<vmem>>
          %dma_wait3A_907 = tpu.memref_squeeze %dma_wait3A_906 : memref<1x128x128xf32, #tpu.memory_space<vmem>> -> memref<128x128xf32, #tpu.memory_space<vmem>>
          %dma_wait3A_908 = arith.constant 0 : i32
          %dma_wait3A_909 = arith.constant 0 : i32
          %dma_wait3A_910 = tpu.memref_slice %dma_wait3A_907[%dma_wait3A_908, %dma_wait3A_909] : memref<128x128xf32, #tpu.memory_space<vmem>> -> memref<8x128xf32, #tpu.memory_space<vmem>>
          tpu.wait_dma2 semaphore(%run_scoped3A_870 : memref<!tpu.dma_semaphore, #tpu.memory_space<semaphore_mem>>) src(%dma_wait3A_910 : memref<8x128xf32, #tpu.memory_space<vmem>>) dst(%dma_wait3A_903 : memref<8x128xf32, #tpu.memory_space<hbm>>)
          tpu.yield
        }) : () -> ()
      } else {
      }
      tpu.yield
    }) : () -> ()
    return
  }
}

#map = affine_map<(d0, d1) -> (0, 0)>
#map1 = affine_map<(d0, d1) -> (0)>
module attributes {stable_mosaic.version = 14 : i64} {
  func.func @gather_kernel(%arg0: i32, %arg1: i32, %arg2: memref<200712x128xf32, #tpu.memory_space<hbm>>, %arg3: memref<307200xi32, #tpu.memory_space<hbm>>, %arg4: memref<307200x128xf32, #tpu.memory_space<hbm>>, %arg5: memref<9600xi32, #tpu.memory_space<vmem>>, %arg6: memref<5x!tpu.dma_semaphore, #tpu.memory_space<semaphore_mem>>, %arg7: memref<5x!tpu.dma_semaphore, #tpu.memory_space<semaphore_mem>>) attributes {dimension_semantics = [#tpu.dimension_semantics<core_parallel>, #tpu.dimension_semantics<subcore_parallel>], iteration_bounds = array<i64: 2, 16>, scalar_prefetch = 0 : i64, scratch_operands = 3 : i64, tpu.core_type = #tpu.core_type<sc_vector_subcore>, window_params = [{transform_indices = #map}, {transform_indices = #map1}, {transform_indices = #map}]} {
    %mul3A = arith.constant 2 : i32
    %mul3A_0 = arith.muli %arg1, %mul3A : i32
    %add3A = arith.addi %mul3A_0, %arg0 : i32
    %mul3A_1 = arith.constant 9600 : i32
    %mul3A_2 = arith.muli %add3A, %mul3A_1 : i32
    "tpu.region"() ({
      %run_scoped3A = tpu.sem_alloc : memref<!tpu.dma_semaphore, #tpu.memory_space<semaphore_mem>>
      %dma_start3A = tpu.memref_slice %arg3[%mul3A_2] : memref<307200xi32, #tpu.memory_space<hbm>> -> memref<9600xi32, #tpu.memory_space<hbm>>
      %dma_start3A_8 = tpu.memref_slice %arg3[%mul3A_2] : memref<307200xi32, #tpu.memory_space<hbm>> -> memref<9600xi32, #tpu.memory_space<hbm>>
      tpu.enqueue_dma source(%dma_start3A_8 : memref<9600xi32, #tpu.memory_space<hbm>>) target(%arg5 : memref<9600xi32, #tpu.memory_space<vmem>>) target_semaphore(%run_scoped3A : memref<!tpu.dma_semaphore, #tpu.memory_space<semaphore_mem>>)
      %dma_wait3A = tpu.memref_slice %arg3[%mul3A_2] : memref<307200xi32, #tpu.memory_space<hbm>> -> memref<9600xi32, #tpu.memory_space<hbm>>
      %dma_wait3A_9 = tpu.memref_slice %arg3[%mul3A_2] : memref<307200xi32, #tpu.memory_space<hbm>> -> memref<9600xi32, #tpu.memory_space<hbm>>
      tpu.wait_dma2 semaphore(%run_scoped3A : memref<!tpu.dma_semaphore, #tpu.memory_space<semaphore_mem>>) src(%dma_wait3A_9 : memref<9600xi32, #tpu.memory_space<hbm>>) dst(%arg5 : memref<9600xi32, #tpu.memory_space<vmem>>)
      tpu.yield
    }) : () -> ()
    %scan3A = arith.constant 0 : i32
    %scan3A_3 = arith.constant 0 : i32
    %scan3A_4 = arith.constant 600 : i32
    %scan3A_5 = arith.addi %scan3A_3, %scan3A_4 : i32
    %scan3A_6 = arith.constant 1 : i32
    scf.for %scan3A_8 = %scan3A_3 to %scan3A_5 step %scan3A_6  : i32 {
      %mul3A_9 = arith.constant 16 : i32
      %mul3A_10 = arith.muli %scan3A_8, %mul3A_9 : i32
      %get3A = arith.index_cast %mul3A_10 : i32 to index
      %get3A_11 = tpu.vector_load %arg5[%get3A] {strides = array<i32>} : memref<9600xi32, #tpu.memory_space<vmem>>, vector<16xi32>,
      %get3A_12 = vector.shape_cast %get3A_11 : vector<16xi32> to vector<16xi32>
      %lt3A = arith.constant 0 : i32
      %lt3A_13 = vector.broadcast %lt3A : i32 to vector<16xi32>
      %lt3A_14 = arith.cmpi slt, %get3A_12, %lt3A_13 : vector<16xi32>
      %jit3A = arith.constant 200704 : i32
      %broadcast_in_dim3A = vector.broadcast %jit3A : i32 to vector<16xi32>
      %select_n3A = arith.select %lt3A_14, %broadcast_in_dim3A, %get3A_12 : vector<16xi1>, vector<16xi32>
      %swap3A = arith.index_cast %mul3A_10 : i32 to index
      %swap3A_15 = tpu.vector_load %arg5[%swap3A] {strides = array<i32>} : memref<9600xi32, #tpu.memory_space<vmem>>, vector<16xi32>,
      %swap3A_16 = vector.shape_cast %swap3A_15 : vector<16xi32> to vector<16xi32>
      %swap3A_17 = vector.shape_cast %select_n3A : vector<16xi32> to vector<16xi32>
      tpu.vector_store %arg5[%swap3A], %swap3A_17 {strides = array<i32>} : memref<9600xi32, #tpu.memory_space<vmem>>, vector<16xi32>,
    }
    %scan3A_7 = arith.constant 600 : i32
    "tpu.region"() ({
      %run_scoped3A = memref.alloca() : memref<5x128x128xf32, #tpu.memory_space<vmem>>
      %dma_start3A = arith.constant 0 : i32
      %dma_start3A_8 = arith.constant 0 : i32
      %dma_start3A_9 = arith.constant 0 : i32
      %dma_start3A_10 = arith.constant 0 : i32
      %dma_start3A_11 = tpu.memref_slice %run_scoped3A[%dma_start3A, %dma_start3A_9, %dma_start3A_10] : memref<5x128x128xf32, #tpu.memory_space<vmem>> -> memref<1x128x128xf32, #tpu.memory_space<vmem>>
      %dma_start3A_12 = tpu.memref_squeeze %dma_start3A_11 : memref<1x128x128xf32, #tpu.memory_space<vmem>> -> memref<128x128xf32, #tpu.memory_space<vmem>>
      %dma_start3A_13 = arith.constant 0 : i32
      %dma_start3A_14 = tpu.memref_slice %arg5[%dma_start3A_13] : memref<9600xi32, #tpu.memory_space<vmem>> -> memref<128xi32, #tpu.memory_space<vmem>>
      %dma_start3A_15 = arith.constant 0 : i32
      %dma_start3A_16 = arith.constant 0 : i32
      %dma_start3A_17 = tpu.memref_slice %arg2[%dma_start3A_15, %dma_start3A_16] : memref<200712x128xf32, #tpu.memory_space<hbm>> -> memref<200712x128xf32, #tpu.memory_space<hbm>>
      %dma_start3A_18 = tpu.memref_slice %arg6[%dma_start3A_8] : memref<5x!tpu.dma_semaphore, #tpu.memory_space<semaphore_mem>> -> memref<1x!tpu.dma_semaphore, #tpu.memory_space<semaphore_mem>>
      %dma_start3A_19 = tpu.memref_squeeze %dma_start3A_18 : memref<1x!tpu.dma_semaphore, #tpu.memory_space<semaphore_mem>> -> memref<!tpu.dma_semaphore, #tpu.memory_space<semaphore_mem>>
      tpu.enqueue_indirect_dma source(%dma_start3A_17 : memref<200712x128xf32, #tpu.memory_space<hbm>>) target(%dma_start3A_12 : memref<128x128xf32, #tpu.memory_space<vmem>>) offsets(%dma_start3A_14 : memref<128xi32, #tpu.memory_space<vmem>>) semaphore(%dma_start3A_19 : memref<!tpu.dma_semaphore, #tpu.memory_space<semaphore_mem>>)
      %dma_start3A_20 = arith.constant 1 : i32
      %dma_start3A_21 = arith.constant 1 : i32
      %dma_start3A_22 = arith.constant 0 : i32
      %dma_start3A_23 = arith.constant 0 : i32
      %dma_start3A_24 = tpu.memref_slice %run_scoped3A[%dma_start3A_20, %dma_start3A_22, %dma_start3A_23] : memref<5x128x128xf32, #tpu.memory_space<vmem>> -> memref<1x128x128xf32, #tpu.memory_space<vmem>>
      %dma_start3A_25 = tpu.memref_squeeze %dma_start3A_24 : memref<1x128x128xf32, #tpu.memory_space<vmem>> -> memref<128x128xf32, #tpu.memory_space<vmem>>
      %dma_start3A_26 = arith.constant 128 : i32
      %dma_start3A_27 = tpu.memref_slice %arg5[%dma_start3A_26] : memref<9600xi32, #tpu.memory_space<vmem>> -> memref<128xi32, #tpu.memory_space<vmem>>
      %dma_start3A_28 = arith.constant 0 : i32
      %dma_start3A_29 = arith.constant 0 : i32
      %dma_start3A_30 = tpu.memref_slice %arg2[%dma_start3A_28, %dma_start3A_29] : memref<200712x128xf32, #tpu.memory_space<hbm>> -> memref<200712x128xf32, #tpu.memory_space<hbm>>
      %dma_start3A_31 = tpu.memref_slice %arg6[%dma_start3A_21] : memref<5x!tpu.dma_semaphore, #tpu.memory_space<semaphore_mem>> -> memref<1x!tpu.dma_semaphore, #tpu.memory_space<semaphore_mem>>
      %dma_start3A_32 = tpu.memref_squeeze %dma_start3A_31 : memref<1x!tpu.dma_semaphore, #tpu.memory_space<semaphore_mem>> -> memref<!tpu.dma_semaphore, #tpu.memory_space<semaphore_mem>>
      tpu.enqueue_indirect_dma source(%dma_start3A_30 : memref<200712x128xf32, #tpu.memory_space<hbm>>) target(%dma_start3A_25 : memref<128x128xf32, #tpu.memory_space<vmem>>) offsets(%dma_start3A_27 : memref<128xi32, #tpu.memory_space<vmem>>) semaphore(%dma_start3A_32 : memref<!tpu.dma_semaphore, #tpu.memory_space<semaphore_mem>>)
      %dma_start3A_33 = arith.constant 2 : i32
      %dma_start3A_34 = arith.constant 2 : i32
      %dma_start3A_35 = arith.constant 0 : i32
      %dma_start3A_36 = arith.constant 0 : i32
      %dma_start3A_37 = tpu.memref_slice %run_scoped3A[%dma_start3A_33, %dma_start3A_35, %dma_start3A_36] : memref<5x128x128xf32, #tpu.memory_space<vmem>> -> memref<1x128x128xf32, #tpu.memory_space<vmem>>
      %dma_start3A_38 = tpu.memref_squeeze %dma_start3A_37 : memref<1x128x128xf32, #tpu.memory_space<vmem>> -> memref<128x128xf32, #tpu.memory_space<vmem>>
      %dma_start3A_39 = arith.constant 256 : i32
      %dma_start3A_40 = tpu.memref_slice %arg5[%dma_start3A_39] : memref<9600xi32, #tpu.memory_space<vmem>> -> memref<128xi32, #tpu.memory_space<vmem>>
      %dma_start3A_41 = arith.constant 0 : i32
      %dma_start3A_42 = arith.constant 0 : i32
      %dma_start3A_43 = tpu.memref_slice %arg2[%dma_start3A_41, %dma_start3A_42] : memref<200712x128xf32, #tpu.memory_space<hbm>> -> memref<200712x128xf32, #tpu.memory_space<hbm>>
      %dma_start3A_44 = tpu.memref_slice %arg6[%dma_start3A_34] : memref<5x!tpu.dma_semaphore, #tpu.memory_space<semaphore_mem>> -> memref<1x!tpu.dma_semaphore, #tpu.memory_space<semaphore_mem>>
      %dma_start3A_45 = tpu.memref_squeeze %dma_start3A_44 : memref<1x!tpu.dma_semaphore, #tpu.memory_space<semaphore_mem>> -> memref<!tpu.dma_semaphore, #tpu.memory_space<semaphore_mem>>
      tpu.enqueue_indirect_dma source(%dma_start3A_43 : memref<200712x128xf32, #tpu.memory_space<hbm>>) target(%dma_start3A_38 : memref<128x128xf32, #tpu.memory_space<vmem>>) offsets(%dma_start3A_40 : memref<128xi32, #tpu.memory_space<vmem>>) semaphore(%dma_start3A_45 : memref<!tpu.dma_semaphore, #tpu.memory_space<semaphore_mem>>)
      %dma_start3A_46 = arith.constant 3 : i32
      %dma_start3A_47 = arith.constant 3 : i32
      %dma_start3A_48 = arith.constant 0 : i32
      %dma_start3A_49 = arith.constant 0 : i32
      %dma_start3A_50 = tpu.memref_slice %run_scoped3A[%dma_start3A_46, %dma_start3A_48, %dma_start3A_49] : memref<5x128x128xf32, #tpu.memory_space<vmem>> -> memref<1x128x128xf32, #tpu.memory_space<vmem>>
      %dma_start3A_51 = tpu.memref_squeeze %dma_start3A_50 : memref<1x128x128xf32, #tpu.memory_space<vmem>> -> memref<128x128xf32, #tpu.memory_space<vmem>>
      %dma_start3A_52 = arith.constant 384 : i32
      %dma_start3A_53 = tpu.memref_slice %arg5[%dma_start3A_52] : memref<9600xi32, #tpu.memory_space<vmem>> -> memref<128xi32, #tpu.memory_space<vmem>>
      %dma_start3A_54 = arith.constant 0 : i32
      %dma_start3A_55 = arith.constant 0 : i32
      %dma_start3A_56 = tpu.memref_slice %arg2[%dma_start3A_54, %dma_start3A_55] : memref<200712x128xf32, #tpu.memory_space<hbm>> -> memref<200712x128xf32, #tpu.memory_space<hbm>>
      %dma_start3A_57 = tpu.memref_slice %arg6[%dma_start3A_47] : memref<5x!tpu.dma_semaphore, #tpu.memory_space<semaphore_mem>> -> memref<1x!tpu.dma_semaphore, #tpu.memory_space<semaphore_mem>>
      %dma_start3A_58 = tpu.memref_squeeze %dma_start3A_57 : memref<1x!tpu.dma_semaphore, #tpu.memory_space<semaphore_mem>> -> memref<!tpu.dma_semaphore, #tpu.memory_space<semaphore_mem>>
      tpu.enqueue_indirect_dma source(%dma_start3A_56 : memref<200712x128xf32, #tpu.memory_space<hbm>>) target(%dma_start3A_51 : memref<128x128xf32, #tpu.memory_space<vmem>>) offsets(%dma_start3A_53 : memref<128xi32, #tpu.memory_space<vmem>>) semaphore(%dma_start3A_58 : memref<!tpu.dma_semaphore, #tpu.memory_space<semaphore_mem>>)
      %dma_start3A_59 = arith.constant 4 : i32
      %dma_start3A_60 = arith.constant 4 : i32
      %dma_start3A_61 = arith.constant 0 : i32
      %dma_start3A_62 = arith.constant 0 : i32
      %dma_start3A_63 = tpu.memref_slice %run_scoped3A[%dma_start3A_59, %dma_start3A_61, %dma_start3A_62] : memref<5x128x128xf32, #tpu.memory_space<vmem>> -> memref<1x128x128xf32, #tpu.memory_space<vmem>>
      %dma_start3A_64 = tpu.memref_squeeze %dma_start3A_63 : memref<1x128x128xf32, #tpu.memory_space<vmem>> -> memref<128x128xf32, #tpu.memory_space<vmem>>
      %dma_start3A_65 = arith.constant 512 : i32
      %dma_start3A_66 = tpu.memref_slice %arg5[%dma_start3A_65] : memref<9600xi32, #tpu.memory_space<vmem>> -> memref<128xi32, #tpu.memory_space<vmem>>
      %dma_start3A_67 = arith.constant 0 : i32
      %dma_start3A_68 = arith.constant 0 : i32
      %dma_start3A_69 = tpu.memref_slice %arg2[%dma_start3A_67, %dma_start3A_68] : memref<200712x128xf32, #tpu.memory_space<hbm>> -> memref<200712x128xf32, #tpu.memory_space<hbm>>
      %dma_start3A_70 = tpu.memref_slice %arg6[%dma_start3A_60] : memref<5x!tpu.dma_semaphore, #tpu.memory_space<semaphore_mem>> -> memref<1x!tpu.dma_semaphore, #tpu.memory_space<semaphore_mem>>
      %dma_start3A_71 = tpu.memref_squeeze %dma_start3A_70 : memref<1x!tpu.dma_semaphore, #tpu.memory_space<semaphore_mem>> -> memref<!tpu.dma_semaphore, #tpu.memory_space<semaphore_mem>>
      tpu.enqueue_indirect_dma source(%dma_start3A_69 : memref<200712x128xf32, #tpu.memory_space<hbm>>) target(%dma_start3A_64 : memref<128x128xf32, #tpu.memory_space<vmem>>) offsets(%dma_start3A_66 : memref<128xi32, #tpu.memory_space<vmem>>) semaphore(%dma_start3A_71 : memref<!tpu.dma_semaphore, #tpu.memory_space<semaphore_mem>>)
      %scan3A_72 = arith.constant 0 : i32
      %scan3A_73 = arith.constant 0 : i32
      %scan3A_74 = arith.constant 15 : i32
      %scan3A_75 = arith.addi %scan3A_73, %scan3A_74 : i32
      %scan3A_76 = arith.constant 1 : i32
      scf.for %scan3A_167 = %scan3A_73 to %scan3A_75 step %scan3A_76  : i32 {
        %mul3A_168 = arith.constant 5 : i32
        %mul3A_169 = arith.muli %scan3A_167, %mul3A_168 : i32
        %add3A_170 = arith.constant 0 : i32
        %add3A_171 = arith.addi %mul3A_169, %add3A_170 : i32
        %dma_wait3A_172 = arith.constant 0 : i32
        %dma_wait3A_173 = arith.constant 0 : i32
        %dma_wait3A_174 = arith.constant 0 : i32
        %dma_wait3A_175 = arith.constant 0 : i32
        %dma_wait3A_176 = tpu.memref_slice %run_scoped3A[%dma_wait3A_172, %dma_wait3A_174, %dma_wait3A_175] : memref<5x128x128xf32, #tpu.memory_space<vmem>> -> memref<1x128x128xf32, #tpu.memory_space<vmem>>
        %dma_wait3A_177 = tpu.memref_squeeze %dma_wait3A_176 : memref<1x128x128xf32, #tpu.memory_space<vmem>> -> memref<128x128xf32, #tpu.memory_space<vmem>>
        %dma_wait3A_178 = arith.constant 0 : i32
        %dma_wait3A_179 = arith.constant 0 : i32
        %dma_wait3A_180 = tpu.memref_slice %arg2[%dma_wait3A_178, %dma_wait3A_179] : memref<200712x128xf32, #tpu.memory_space<hbm>> -> memref<128x128xf32, #tpu.memory_space<hbm>>
        %dma_wait3A_181 = tpu.memref_slice %arg6[%dma_wait3A_173] : memref<5x!tpu.dma_semaphore, #tpu.memory_space<semaphore_mem>> -> memref<1x!tpu.dma_semaphore, #tpu.memory_space<semaphore_mem>>
        %dma_wait3A_182 = tpu.memref_squeeze %dma_wait3A_181 : memref<1x!tpu.dma_semaphore, #tpu.memory_space<semaphore_mem>> -> memref<!tpu.dma_semaphore, #tpu.memory_space<semaphore_mem>>
        %dma_wait3A_183 = arith.constant 0 : i32
        %dma_wait3A_184 = arith.constant 0 : i32
        %dma_wait3A_185 = tpu.memref_slice %run_scoped3A[%dma_wait3A_172, %dma_wait3A_183, %dma_wait3A_184] : memref<5x128x128xf32, #tpu.memory_space<vmem>> -> memref<1x128x128xf32, #tpu.memory_space<vmem>>
        %dma_wait3A_186 = tpu.memref_squeeze %dma_wait3A_185 : memref<1x128x128xf32, #tpu.memory_space<vmem>> -> memref<128x128xf32, #tpu.memory_space<vmem>>
        %dma_wait3A_187 = arith.constant 0 : i32
        %dma_wait3A_188 = arith.constant 0 : i32
        %dma_wait3A_189 = tpu.memref_slice %arg2[%dma_wait3A_187, %dma_wait3A_188] : memref<200712x128xf32, #tpu.memory_space<hbm>> -> memref<128x128xf32, #tpu.memory_space<hbm>>
        tpu.wait_dma2 semaphore(%dma_wait3A_182 : memref<!tpu.dma_semaphore, #tpu.memory_space<semaphore_mem>>) src(%dma_wait3A_189 : memref<128x128xf32, #tpu.memory_space<hbm>>) dst(%dma_wait3A_186 : memref<128x128xf32, #tpu.memory_space<vmem>>)
        %mul3A_190 = arith.constant 128 : i32
        %mul3A_191 = arith.muli %add3A_171, %mul3A_190 : i32
        %add3A_192 = arith.addi %mul3A_2, %mul3A_191 : i32
        %dma_start3A_193 = arith.constant 0 : i32
        %dma_start3A_194 = arith.constant 0 : i32
        %dma_start3A_195 = arith.constant 0 : i32
        %dma_start3A_196 = arith.constant 0 : i32
        %dma_start3A_197 = tpu.memref_slice %run_scoped3A[%dma_start3A_193, %dma_start3A_195, %dma_start3A_196] : memref<5x128x128xf32, #tpu.memory_space<vmem>> -> memref<1x128x128xf32, #tpu.memory_space<vmem>>
        %dma_start3A_198 = tpu.memref_squeeze %dma_start3A_197 : memref<1x128x128xf32, #tpu.memory_space<vmem>> -> memref<128x128xf32, #tpu.memory_space<vmem>>
        %dma_start3A_199 = arith.constant 0 : i32
        %dma_start3A_200 = tpu.memref_slice %arg4[%add3A_192, %dma_start3A_199] : memref<307200x128xf32, #tpu.memory_space<hbm>> -> memref<128x128xf32, #tpu.memory_space<hbm>>
        %dma_start3A_201 = tpu.memref_slice %arg7[%dma_start3A_194] : memref<5x!tpu.dma_semaphore, #tpu.memory_space<semaphore_mem>> -> memref<1x!tpu.dma_semaphore, #tpu.memory_space<semaphore_mem>>
        %dma_start3A_202 = tpu.memref_squeeze %dma_start3A_201 : memref<1x!tpu.dma_semaphore, #tpu.memory_space<semaphore_mem>> -> memref<!tpu.dma_semaphore, #tpu.memory_space<semaphore_mem>>
        %dma_start3A_203 = arith.constant 0 : i32
        %dma_start3A_204 = tpu.memref_slice %arg4[%add3A_192, %dma_start3A_203] : memref<307200x128xf32, #tpu.memory_space<hbm>> -> memref<128x128xf32, #tpu.memory_space<hbm>>
        %dma_start3A_205 = arith.constant 0 : i32
        %dma_start3A_206 = arith.constant 0 : i32
        %dma_start3A_207 = tpu.memref_slice %run_scoped3A[%dma_start3A_193, %dma_start3A_205, %dma_start3A_206] : memref<5x128x128xf32, #tpu.memory_space<vmem>> -> memref<1x128x128xf32, #tpu.memory_space<vmem>>
        %dma_start3A_208 = tpu.memref_squeeze %dma_start3A_207 : memref<1x128x128xf32, #tpu.memory_space<vmem>> -> memref<128x128xf32, #tpu.memory_space<vmem>>
        tpu.enqueue_dma source(%dma_start3A_208 : memref<128x128xf32, #tpu.memory_space<vmem>>) target(%dma_start3A_204 : memref<128x128xf32, #tpu.memory_space<hbm>>) target_semaphore(%dma_start3A_202 : memref<!tpu.dma_semaphore, #tpu.memory_space<semaphore_mem>>)
        %add3A_209 = arith.constant 5 : i32
        %add3A_210 = arith.addi %add3A_171, %add3A_209 : i32
        %lt3A = arith.constant 75 : i32
        %lt3A_211 = arith.cmpi slt, %add3A_210, %lt3A : i32
        %convert_element_type3A = arith.extui %lt3A_211 : i1 to i32
        %cond3A = arith.constant 0 : i32
        %cond3A_212 = arith.cmpi ne, %convert_element_type3A, %cond3A : i32
        scf.if %cond3A_212 {
          %mul3A_405 = arith.constant 128 : i32
          %mul3A_406 = arith.muli %add3A_171, %mul3A_405 : i32
          %add3A_407 = arith.addi %mul3A_2, %mul3A_406 : i32
          %dma_wait3A_408 = arith.constant 0 : i32
          %dma_wait3A_409 = arith.constant 0 : i32
          %dma_wait3A_410 = arith.constant 0 : i32
          %dma_wait3A_411 = arith.constant 0 : i32
          %dma_wait3A_412 = tpu.memref_slice %run_scoped3A[%dma_wait3A_408, %dma_wait3A_410, %dma_wait3A_411] : memref<5x128x128xf32, #tpu.memory_space<vmem>> -> memref<1x128x128xf32, #tpu.memory_space<vmem>>
          %dma_wait3A_413 = tpu.memref_squeeze %dma_wait3A_412 : memref<1x128x128xf32, #tpu.memory_space<vmem>> -> memref<128x128xf32, #tpu.memory_space<vmem>>
          %dma_wait3A_414 = arith.constant 0 : i32
          %dma_wait3A_415 = tpu.memref_slice %arg4[%add3A_407, %dma_wait3A_414] : memref<307200x128xf32, #tpu.memory_space<hbm>> -> memref<128x128xf32, #tpu.memory_space<hbm>>
          %dma_wait3A_416 = tpu.memref_slice %arg7[%dma_wait3A_409] : memref<5x!tpu.dma_semaphore, #tpu.memory_space<semaphore_mem>> -> memref<1x!tpu.dma_semaphore, #tpu.memory_space<semaphore_mem>>
          %dma_wait3A_417 = tpu.memref_squeeze %dma_wait3A_416 : memref<1x!tpu.dma_semaphore, #tpu.memory_space<semaphore_mem>> -> memref<!tpu.dma_semaphore, #tpu.memory_space<semaphore_mem>>
          %dma_wait3A_418 = arith.constant 0 : i32
          %dma_wait3A_419 = tpu.memref_slice %arg4[%add3A_407, %dma_wait3A_418] : memref<307200x128xf32, #tpu.memory_space<hbm>> -> memref<128x128xf32, #tpu.memory_space<hbm>>
          %dma_wait3A_420 = arith.constant 0 : i32
          %dma_wait3A_421 = arith.constant 0 : i32
          %dma_wait3A_422 = tpu.memref_slice %run_scoped3A[%dma_wait3A_408, %dma_wait3A_420, %dma_wait3A_421] : memref<5x128x128xf32, #tpu.memory_space<vmem>> -> memref<1x128x128xf32, #tpu.memory_space<vmem>>
          %dma_wait3A_423 = tpu.memref_squeeze %dma_wait3A_422 : memref<1x128x128xf32, #tpu.memory_space<vmem>> -> memref<128x128xf32, #tpu.memory_space<vmem>>
          tpu.wait_dma2 semaphore(%dma_wait3A_417 : memref<!tpu.dma_semaphore, #tpu.memory_space<semaphore_mem>>) src(%dma_wait3A_423 : memref<128x128xf32, #tpu.memory_space<vmem>>) dst(%dma_wait3A_419 : memref<128x128xf32, #tpu.memory_space<hbm>>)
          %add3A_424 = arith.constant 5 : i32
          %add3A_425 = arith.addi %add3A_171, %add3A_424 : i32
          %mul3A_426 = arith.constant 128 : i32
          %mul3A_427 = arith.muli %add3A_425, %mul3A_426 : i32
          %dma_start3A_428 = arith.constant 0 : i32
          %dma_start3A_429 = arith.constant 0 : i32
          %dma_start3A_430 = arith.constant 0 : i32
          %dma_start3A_431 = arith.constant 0 : i32
          %dma_start3A_432 = tpu.memref_slice %run_scoped3A[%dma_start3A_428, %dma_start3A_430, %dma_start3A_431] : memref<5x128x128xf32, #tpu.memory_space<vmem>> -> memref<1x128x128xf32, #tpu.memory_space<vmem>>
          %dma_start3A_433 = tpu.memref_squeeze %dma_start3A_432 : memref<1x128x128xf32, #tpu.memory_space<vmem>> -> memref<128x128xf32, #tpu.memory_space<vmem>>
          %dma_start3A_434 = tpu.memref_slice %arg5[%mul3A_427] : memref<9600xi32, #tpu.memory_space<vmem>> -> memref<128xi32, #tpu.memory_space<vmem>>
          %dma_start3A_435 = arith.constant 0 : i32
          %dma_start3A_436 = arith.constant 0 : i32
          %dma_start3A_437 = tpu.memref_slice %arg2[%dma_start3A_435, %dma_start3A_436] : memref<200712x128xf32, #tpu.memory_space<hbm>> -> memref<200712x128xf32, #tpu.memory_space<hbm>>
          %dma_start3A_438 = tpu.memref_slice %arg6[%dma_start3A_429] : memref<5x!tpu.dma_semaphore, #tpu.memory_space<semaphore_mem>> -> memref<1x!tpu.dma_semaphore, #tpu.memory_space<semaphore_mem>>
          %dma_start3A_439 = tpu.memref_squeeze %dma_start3A_438 : memref<1x!tpu.dma_semaphore, #tpu.memory_space<semaphore_mem>> -> memref<!tpu.dma_semaphore, #tpu.memory_space<semaphore_mem>>
          tpu.enqueue_indirect_dma source(%dma_start3A_437 : memref<200712x128xf32, #tpu.memory_space<hbm>>) target(%dma_start3A_433 : memref<128x128xf32, #tpu.memory_space<vmem>>) offsets(%dma_start3A_434 : memref<128xi32, #tpu.memory_space<vmem>>) semaphore(%dma_start3A_439 : memref<!tpu.dma_semaphore, #tpu.memory_space<semaphore_mem>>)
        } else {
        }
        %mul3A_213 = arith.constant 5 : i32
        %mul3A_214 = arith.muli %scan3A_167, %mul3A_213 : i32
        %add3A_215 = arith.constant 1 : i32
        %add3A_216 = arith.addi %mul3A_214, %add3A_215 : i32
        %dma_wait3A_217 = arith.constant 1 : i32
        %dma_wait3A_218 = arith.constant 1 : i32
        %dma_wait3A_219 = arith.constant 0 : i32
        %dma_wait3A_220 = arith.constant 0 : i32
        %dma_wait3A_221 = tpu.memref_slice %run_scoped3A[%dma_wait3A_217, %dma_wait3A_219, %dma_wait3A_220] : memref<5x128x128xf32, #tpu.memory_space<vmem>> -> memref<1x128x128xf32, #tpu.memory_space<vmem>>
        %dma_wait3A_222 = tpu.memref_squeeze %dma_wait3A_221 : memref<1x128x128xf32, #tpu.memory_space<vmem>> -> memref<128x128xf32, #tpu.memory_space<vmem>>
        %dma_wait3A_223 = arith.constant 0 : i32
        %dma_wait3A_224 = arith.constant 0 : i32
        %dma_wait3A_225 = tpu.memref_slice %arg2[%dma_wait3A_223, %dma_wait3A_224] : memref<200712x128xf32, #tpu.memory_space<hbm>> -> memref<128x128xf32, #tpu.memory_space<hbm>>
        %dma_wait3A_226 = tpu.memref_slice %arg6[%dma_wait3A_218] : memref<5x!tpu.dma_semaphore, #tpu.memory_space<semaphore_mem>> -> memref<1x!tpu.dma_semaphore, #tpu.memory_space<semaphore_mem>>
        %dma_wait3A_227 = tpu.memref_squeeze %dma_wait3A_226 : memref<1x!tpu.dma_semaphore, #tpu.memory_space<semaphore_mem>> -> memref<!tpu.dma_semaphore, #tpu.memory_space<semaphore_mem>>
        %dma_wait3A_228 = arith.constant 0 : i32
        %dma_wait3A_229 = arith.constant 0 : i32
        %dma_wait3A_230 = tpu.memref_slice %run_scoped3A[%dma_wait3A_217, %dma_wait3A_228, %dma_wait3A_229] : memref<5x128x128xf32, #tpu.memory_space<vmem>> -> memref<1x128x128xf32, #tpu.memory_space<vmem>>
        %dma_wait3A_231 = tpu.memref_squeeze %dma_wait3A_230 : memref<1x128x128xf32, #tpu.memory_space<vmem>> -> memref<128x128xf32, #tpu.memory_space<vmem>>
        %dma_wait3A_232 = arith.constant 0 : i32
        %dma_wait3A_233 = arith.constant 0 : i32
        %dma_wait3A_234 = tpu.memref_slice %arg2[%dma_wait3A_232, %dma_wait3A_233] : memref<200712x128xf32, #tpu.memory_space<hbm>> -> memref<128x128xf32, #tpu.memory_space<hbm>>
        tpu.wait_dma2 semaphore(%dma_wait3A_227 : memref<!tpu.dma_semaphore, #tpu.memory_space<semaphore_mem>>) src(%dma_wait3A_234 : memref<128x128xf32, #tpu.memory_space<hbm>>) dst(%dma_wait3A_231 : memref<128x128xf32, #tpu.memory_space<vmem>>)
        %mul3A_235 = arith.constant 128 : i32
        %mul3A_236 = arith.muli %add3A_216, %mul3A_235 : i32
        %add3A_237 = arith.addi %mul3A_2, %mul3A_236 : i32
        %dma_start3A_238 = arith.constant 1 : i32
        %dma_start3A_239 = arith.constant 1 : i32
        %dma_start3A_240 = arith.constant 0 : i32
        %dma_start3A_241 = arith.constant 0 : i32
        %dma_start3A_242 = tpu.memref_slice %run_scoped3A[%dma_start3A_238, %dma_start3A_240, %dma_start3A_241] : memref<5x128x128xf32, #tpu.memory_space<vmem>> -> memref<1x128x128xf32, #tpu.memory_space<vmem>>
        %dma_start3A_243 = tpu.memref_squeeze %dma_start3A_242 : memref<1x128x128xf32, #tpu.memory_space<vmem>> -> memref<128x128xf32, #tpu.memory_space<vmem>>
        %dma_start3A_244 = arith.constant 0 : i32
        %dma_start3A_245 = tpu.memref_slice %arg4[%add3A_237, %dma_start3A_244] : memref<307200x128xf32, #tpu.memory_space<hbm>> -> memref<128x128xf32, #tpu.memory_space<hbm>>
        %dma_start3A_246 = tpu.memref_slice %arg7[%dma_start3A_239] : memref<5x!tpu.dma_semaphore, #tpu.memory_space<semaphore_mem>> -> memref<1x!tpu.dma_semaphore, #tpu.memory_space<semaphore_mem>>
        %dma_start3A_247 = tpu.memref_squeeze %dma_start3A_246 : memref<1x!tpu.dma_semaphore, #tpu.memory_space<semaphore_mem>> -> memref<!tpu.dma_semaphore, #tpu.memory_space<semaphore_mem>>
        %dma_start3A_248 = arith.constant 0 : i32
        %dma_start3A_249 = tpu.memref_slice %arg4[%add3A_237, %dma_start3A_248] : memref<307200x128xf32, #tpu.memory_space<hbm>> -> memref<128x128xf32, #tpu.memory_space<hbm>>
        %dma_start3A_250 = arith.constant 0 : i32
        %dma_start3A_251 = arith.constant 0 : i32
        %dma_start3A_252 = tpu.memref_slice %run_scoped3A[%dma_start3A_238, %dma_start3A_250, %dma_start3A_251] : memref<5x128x128xf32, #tpu.memory_space<vmem>> -> memref<1x128x128xf32, #tpu.memory_space<vmem>>
        %dma_start3A_253 = tpu.memref_squeeze %dma_start3A_252 : memref<1x128x128xf32, #tpu.memory_space<vmem>> -> memref<128x128xf32, #tpu.memory_space<vmem>>
        tpu.enqueue_dma source(%dma_start3A_253 : memref<128x128xf32, #tpu.memory_space<vmem>>) target(%dma_start3A_249 : memref<128x128xf32, #tpu.memory_space<hbm>>) target_semaphore(%dma_start3A_247 : memref<!tpu.dma_semaphore, #tpu.memory_space<semaphore_mem>>)
        %add3A_254 = arith.constant 5 : i32
        %add3A_255 = arith.addi %add3A_216, %add3A_254 : i32
        %lt3A_256 = arith.constant 75 : i32
        %lt3A_257 = arith.cmpi slt, %add3A_255, %lt3A_256 : i32
        %convert_element_type3A_258 = arith.extui %lt3A_257 : i1 to i32
        %cond3A_259 = arith.constant 0 : i32
        %cond3A_260 = arith.cmpi ne, %convert_element_type3A_258, %cond3A_259 : i32
        scf.if %cond3A_260 {
          %mul3A_405 = arith.constant 128 : i32
          %mul3A_406 = arith.muli %add3A_216, %mul3A_405 : i32
          %add3A_407 = arith.addi %mul3A_2, %mul3A_406 : i32
          %dma_wait3A_408 = arith.constant 1 : i32
          %dma_wait3A_409 = arith.constant 1 : i32
          %dma_wait3A_410 = arith.constant 0 : i32
          %dma_wait3A_411 = arith.constant 0 : i32
          %dma_wait3A_412 = tpu.memref_slice %run_scoped3A[%dma_wait3A_408, %dma_wait3A_410, %dma_wait3A_411] : memref<5x128x128xf32, #tpu.memory_space<vmem>> -> memref<1x128x128xf32, #tpu.memory_space<vmem>>
          %dma_wait3A_413 = tpu.memref_squeeze %dma_wait3A_412 : memref<1x128x128xf32, #tpu.memory_space<vmem>> -> memref<128x128xf32, #tpu.memory_space<vmem>>
          %dma_wait3A_414 = arith.constant 0 : i32
          %dma_wait3A_415 = tpu.memref_slice %arg4[%add3A_407, %dma_wait3A_414] : memref<307200x128xf32, #tpu.memory_space<hbm>> -> memref<128x128xf32, #tpu.memory_space<hbm>>
          %dma_wait3A_416 = tpu.memref_slice %arg7[%dma_wait3A_409] : memref<5x!tpu.dma_semaphore, #tpu.memory_space<semaphore_mem>> -> memref<1x!tpu.dma_semaphore, #tpu.memory_space<semaphore_mem>>
          %dma_wait3A_417 = tpu.memref_squeeze %dma_wait3A_416 : memref<1x!tpu.dma_semaphore, #tpu.memory_space<semaphore_mem>> -> memref<!tpu.dma_semaphore, #tpu.memory_space<semaphore_mem>>
          %dma_wait3A_418 = arith.constant 0 : i32
          %dma_wait3A_419 = tpu.memref_slice %arg4[%add3A_407, %dma_wait3A_418] : memref<307200x128xf32, #tpu.memory_space<hbm>> -> memref<128x128xf32, #tpu.memory_space<hbm>>
          %dma_wait3A_420 = arith.constant 0 : i32
          %dma_wait3A_421 = arith.constant 0 : i32
          %dma_wait3A_422 = tpu.memref_slice %run_scoped3A[%dma_wait3A_408, %dma_wait3A_420, %dma_wait3A_421] : memref<5x128x128xf32, #tpu.memory_space<vmem>> -> memref<1x128x128xf32, #tpu.memory_space<vmem>>
          %dma_wait3A_423 = tpu.memref_squeeze %dma_wait3A_422 : memref<1x128x128xf32, #tpu.memory_space<vmem>> -> memref<128x128xf32, #tpu.memory_space<vmem>>
          tpu.wait_dma2 semaphore(%dma_wait3A_417 : memref<!tpu.dma_semaphore, #tpu.memory_space<semaphore_mem>>) src(%dma_wait3A_423 : memref<128x128xf32, #tpu.memory_space<vmem>>) dst(%dma_wait3A_419 : memref<128x128xf32, #tpu.memory_space<hbm>>)
          %add3A_424 = arith.constant 5 : i32
          %add3A_425 = arith.addi %add3A_216, %add3A_424 : i32
          %mul3A_426 = arith.constant 128 : i32
          %mul3A_427 = arith.muli %add3A_425, %mul3A_426 : i32
          %dma_start3A_428 = arith.constant 1 : i32
          %dma_start3A_429 = arith.constant 1 : i32
          %dma_start3A_430 = arith.constant 0 : i32
          %dma_start3A_431 = arith.constant 0 : i32
          %dma_start3A_432 = tpu.memref_slice %run_scoped3A[%dma_start3A_428, %dma_start3A_430, %dma_start3A_431] : memref<5x128x128xf32, #tpu.memory_space<vmem>> -> memref<1x128x128xf32, #tpu.memory_space<vmem>>
          %dma_start3A_433 = tpu.memref_squeeze %dma_start3A_432 : memref<1x128x128xf32, #tpu.memory_space<vmem>> -> memref<128x128xf32, #tpu.memory_space<vmem>>
          %dma_start3A_434 = tpu.memref_slice %arg5[%mul3A_427] : memref<9600xi32, #tpu.memory_space<vmem>> -> memref<128xi32, #tpu.memory_space<vmem>>
          %dma_start3A_435 = arith.constant 0 : i32
          %dma_start3A_436 = arith.constant 0 : i32
          %dma_start3A_437 = tpu.memref_slice %arg2[%dma_start3A_435, %dma_start3A_436] : memref<200712x128xf32, #tpu.memory_space<hbm>> -> memref<200712x128xf32, #tpu.memory_space<hbm>>
          %dma_start3A_438 = tpu.memref_slice %arg6[%dma_start3A_429] : memref<5x!tpu.dma_semaphore, #tpu.memory_space<semaphore_mem>> -> memref<1x!tpu.dma_semaphore, #tpu.memory_space<semaphore_mem>>
          %dma_start3A_439 = tpu.memref_squeeze %dma_start3A_438 : memref<1x!tpu.dma_semaphore, #tpu.memory_space<semaphore_mem>> -> memref<!tpu.dma_semaphore, #tpu.memory_space<semaphore_mem>>
          tpu.enqueue_indirect_dma source(%dma_start3A_437 : memref<200712x128xf32, #tpu.memory_space<hbm>>) target(%dma_start3A_433 : memref<128x128xf32, #tpu.memory_space<vmem>>) offsets(%dma_start3A_434 : memref<128xi32, #tpu.memory_space<vmem>>) semaphore(%dma_start3A_439 : memref<!tpu.dma_semaphore, #tpu.memory_space<semaphore_mem>>)
        } else {
        }
        %mul3A_261 = arith.constant 5 : i32
        %mul3A_262 = arith.muli %scan3A_167, %mul3A_261 : i32
        %add3A_263 = arith.constant 2 : i32
        %add3A_264 = arith.addi %mul3A_262, %add3A_263 : i32
        %dma_wait3A_265 = arith.constant 2 : i32
        %dma_wait3A_266 = arith.constant 2 : i32
        %dma_wait3A_267 = arith.constant 0 : i32
        %dma_wait3A_268 = arith.constant 0 : i32
        %dma_wait3A_269 = tpu.memref_slice %run_scoped3A[%dma_wait3A_265, %dma_wait3A_267, %dma_wait3A_268] : memref<5x128x128xf32, #tpu.memory_space<vmem>> -> memref<1x128x128xf32, #tpu.memory_space<vmem>>
        %dma_wait3A_270 = tpu.memref_squeeze %dma_wait3A_269 : memref<1x128x128xf32, #tpu.memory_space<vmem>> -> memref<128x128xf32, #tpu.memory_space<vmem>>
        %dma_wait3A_271 = arith.constant 0 : i32
        %dma_wait3A_272 = arith.constant 0 : i32
        %dma_wait3A_273 = tpu.memref_slice %arg2[%dma_wait3A_271, %dma_wait3A_272] : memref<200712x128xf32, #tpu.memory_space<hbm>> -> memref<128x128xf32, #tpu.memory_space<hbm>>
        %dma_wait3A_274 = tpu.memref_slice %arg6[%dma_wait3A_266] : memref<5x!tpu.dma_semaphore, #tpu.memory_space<semaphore_mem>> -> memref<1x!tpu.dma_semaphore, #tpu.memory_space<semaphore_mem>>
        %dma_wait3A_275 = tpu.memref_squeeze %dma_wait3A_274 : memref<1x!tpu.dma_semaphore, #tpu.memory_space<semaphore_mem>> -> memref<!tpu.dma_semaphore, #tpu.memory_space<semaphore_mem>>
        %dma_wait3A_276 = arith.constant 0 : i32
        %dma_wait3A_277 = arith.constant 0 : i32
        %dma_wait3A_278 = tpu.memref_slice %run_scoped3A[%dma_wait3A_265, %dma_wait3A_276, %dma_wait3A_277] : memref<5x128x128xf32, #tpu.memory_space<vmem>> -> memref<1x128x128xf32, #tpu.memory_space<vmem>>
        %dma_wait3A_279 = tpu.memref_squeeze %dma_wait3A_278 : memref<1x128x128xf32, #tpu.memory_space<vmem>> -> memref<128x128xf32, #tpu.memory_space<vmem>>
        %dma_wait3A_280 = arith.constant 0 : i32
        %dma_wait3A_281 = arith.constant 0 : i32
        %dma_wait3A_282 = tpu.memref_slice %arg2[%dma_wait3A_280, %dma_wait3A_281] : memref<200712x128xf32, #tpu.memory_space<hbm>> -> memref<128x128xf32, #tpu.memory_space<hbm>>
        tpu.wait_dma2 semaphore(%dma_wait3A_275 : memref<!tpu.dma_semaphore, #tpu.memory_space<semaphore_mem>>) src(%dma_wait3A_282 : memref<128x128xf32, #tpu.memory_space<hbm>>) dst(%dma_wait3A_279 : memref<128x128xf32, #tpu.memory_space<vmem>>)
        %mul3A_283 = arith.constant 128 : i32
        %mul3A_284 = arith.muli %add3A_264, %mul3A_283 : i32
        %add3A_285 = arith.addi %mul3A_2, %mul3A_284 : i32
        %dma_start3A_286 = arith.constant 2 : i32
        %dma_start3A_287 = arith.constant 2 : i32
        %dma_start3A_288 = arith.constant 0 : i32
        %dma_start3A_289 = arith.constant 0 : i32
        %dma_start3A_290 = tpu.memref_slice %run_scoped3A[%dma_start3A_286, %dma_start3A_288, %dma_start3A_289] : memref<5x128x128xf32, #tpu.memory_space<vmem>> -> memref<1x128x128xf32, #tpu.memory_space<vmem>>
        %dma_start3A_291 = tpu.memref_squeeze %dma_start3A_290 : memref<1x128x128xf32, #tpu.memory_space<vmem>> -> memref<128x128xf32, #tpu.memory_space<vmem>>
        %dma_start3A_292 = arith.constant 0 : i32
        %dma_start3A_293 = tpu.memref_slice %arg4[%add3A_285, %dma_start3A_292] : memref<307200x128xf32, #tpu.memory_space<hbm>> -> memref<128x128xf32, #tpu.memory_space<hbm>>
        %dma_start3A_294 = tpu.memref_slice %arg7[%dma_start3A_287] : memref<5x!tpu.dma_semaphore, #tpu.memory_space<semaphore_mem>> -> memref<1x!tpu.dma_semaphore, #tpu.memory_space<semaphore_mem>>
        %dma_start3A_295 = tpu.memref_squeeze %dma_start3A_294 : memref<1x!tpu.dma_semaphore, #tpu.memory_space<semaphore_mem>> -> memref<!tpu.dma_semaphore, #tpu.memory_space<semaphore_mem>>
        %dma_start3A_296 = arith.constant 0 : i32
        %dma_start3A_297 = tpu.memref_slice %arg4[%add3A_285, %dma_start3A_296] : memref<307200x128xf32, #tpu.memory_space<hbm>> -> memref<128x128xf32, #tpu.memory_space<hbm>>
        %dma_start3A_298 = arith.constant 0 : i32
        %dma_start3A_299 = arith.constant 0 : i32
        %dma_start3A_300 = tpu.memref_slice %run_scoped3A[%dma_start3A_286, %dma_start3A_298, %dma_start3A_299] : memref<5x128x128xf32, #tpu.memory_space<vmem>> -> memref<1x128x128xf32, #tpu.memory_space<vmem>>
        %dma_start3A_301 = tpu.memref_squeeze %dma_start3A_300 : memref<1x128x128xf32, #tpu.memory_space<vmem>> -> memref<128x128xf32, #tpu.memory_space<vmem>>
        tpu.enqueue_dma source(%dma_start3A_301 : memref<128x128xf32, #tpu.memory_space<vmem>>) target(%dma_start3A_297 : memref<128x128xf32, #tpu.memory_space<hbm>>) target_semaphore(%dma_start3A_295 : memref<!tpu.dma_semaphore, #tpu.memory_space<semaphore_mem>>)
        %add3A_302 = arith.constant 5 : i32
        %add3A_303 = arith.addi %add3A_264, %add3A_302 : i32
        %lt3A_304 = arith.constant 75 : i32
        %lt3A_305 = arith.cmpi slt, %add3A_303, %lt3A_304 : i32
        %convert_element_type3A_306 = arith.extui %lt3A_305 : i1 to i32
        %cond3A_307 = arith.constant 0 : i32
        %cond3A_308 = arith.cmpi ne, %convert_element_type3A_306, %cond3A_307 : i32
        scf.if %cond3A_308 {
          %mul3A_405 = arith.constant 128 : i32
          %mul3A_406 = arith.muli %add3A_264, %mul3A_405 : i32
          %add3A_407 = arith.addi %mul3A_2, %mul3A_406 : i32
          %dma_wait3A_408 = arith.constant 2 : i32
          %dma_wait3A_409 = arith.constant 2 : i32
          %dma_wait3A_410 = arith.constant 0 : i32
          %dma_wait3A_411 = arith.constant 0 : i32
          %dma_wait3A_412 = tpu.memref_slice %run_scoped3A[%dma_wait3A_408, %dma_wait3A_410, %dma_wait3A_411] : memref<5x128x128xf32, #tpu.memory_space<vmem>> -> memref<1x128x128xf32, #tpu.memory_space<vmem>>
          %dma_wait3A_413 = tpu.memref_squeeze %dma_wait3A_412 : memref<1x128x128xf32, #tpu.memory_space<vmem>> -> memref<128x128xf32, #tpu.memory_space<vmem>>
          %dma_wait3A_414 = arith.constant 0 : i32
          %dma_wait3A_415 = tpu.memref_slice %arg4[%add3A_407, %dma_wait3A_414] : memref<307200x128xf32, #tpu.memory_space<hbm>> -> memref<128x128xf32, #tpu.memory_space<hbm>>
          %dma_wait3A_416 = tpu.memref_slice %arg7[%dma_wait3A_409] : memref<5x!tpu.dma_semaphore, #tpu.memory_space<semaphore_mem>> -> memref<1x!tpu.dma_semaphore, #tpu.memory_space<semaphore_mem>>
          %dma_wait3A_417 = tpu.memref_squeeze %dma_wait3A_416 : memref<1x!tpu.dma_semaphore, #tpu.memory_space<semaphore_mem>> -> memref<!tpu.dma_semaphore, #tpu.memory_space<semaphore_mem>>
          %dma_wait3A_418 = arith.constant 0 : i32
          %dma_wait3A_419 = tpu.memref_slice %arg4[%add3A_407, %dma_wait3A_418] : memref<307200x128xf32, #tpu.memory_space<hbm>> -> memref<128x128xf32, #tpu.memory_space<hbm>>
          %dma_wait3A_420 = arith.constant 0 : i32
          %dma_wait3A_421 = arith.constant 0 : i32
          %dma_wait3A_422 = tpu.memref_slice %run_scoped3A[%dma_wait3A_408, %dma_wait3A_420, %dma_wait3A_421] : memref<5x128x128xf32, #tpu.memory_space<vmem>> -> memref<1x128x128xf32, #tpu.memory_space<vmem>>
          %dma_wait3A_423 = tpu.memref_squeeze %dma_wait3A_422 : memref<1x128x128xf32, #tpu.memory_space<vmem>> -> memref<128x128xf32, #tpu.memory_space<vmem>>
          tpu.wait_dma2 semaphore(%dma_wait3A_417 : memref<!tpu.dma_semaphore, #tpu.memory_space<semaphore_mem>>) src(%dma_wait3A_423 : memref<128x128xf32, #tpu.memory_space<vmem>>) dst(%dma_wait3A_419 : memref<128x128xf32, #tpu.memory_space<hbm>>)
          %add3A_424 = arith.constant 5 : i32
          %add3A_425 = arith.addi %add3A_264, %add3A_424 : i32
          %mul3A_426 = arith.constant 128 : i32
          %mul3A_427 = arith.muli %add3A_425, %mul3A_426 : i32
          %dma_start3A_428 = arith.constant 2 : i32
          %dma_start3A_429 = arith.constant 2 : i32
          %dma_start3A_430 = arith.constant 0 : i32
          %dma_start3A_431 = arith.constant 0 : i32
          %dma_start3A_432 = tpu.memref_slice %run_scoped3A[%dma_start3A_428, %dma_start3A_430, %dma_start3A_431] : memref<5x128x128xf32, #tpu.memory_space<vmem>> -> memref<1x128x128xf32, #tpu.memory_space<vmem>>
          %dma_start3A_433 = tpu.memref_squeeze %dma_start3A_432 : memref<1x128x128xf32, #tpu.memory_space<vmem>> -> memref<128x128xf32, #tpu.memory_space<vmem>>
          %dma_start3A_434 = tpu.memref_slice %arg5[%mul3A_427] : memref<9600xi32, #tpu.memory_space<vmem>> -> memref<128xi32, #tpu.memory_space<vmem>>
          %dma_start3A_435 = arith.constant 0 : i32
          %dma_start3A_436 = arith.constant 0 : i32
          %dma_start3A_437 = tpu.memref_slice %arg2[%dma_start3A_435, %dma_start3A_436] : memref<200712x128xf32, #tpu.memory_space<hbm>> -> memref<200712x128xf32, #tpu.memory_space<hbm>>
          %dma_start3A_438 = tpu.memref_slice %arg6[%dma_start3A_429] : memref<5x!tpu.dma_semaphore, #tpu.memory_space<semaphore_mem>> -> memref<1x!tpu.dma_semaphore, #tpu.memory_space<semaphore_mem>>
          %dma_start3A_439 = tpu.memref_squeeze %dma_start3A_438 : memref<1x!tpu.dma_semaphore, #tpu.memory_space<semaphore_mem>> -> memref<!tpu.dma_semaphore, #tpu.memory_space<semaphore_mem>>
          tpu.enqueue_indirect_dma source(%dma_start3A_437 : memref<200712x128xf32, #tpu.memory_space<hbm>>) target(%dma_start3A_433 : memref<128x128xf32, #tpu.memory_space<vmem>>) offsets(%dma_start3A_434 : memref<128xi32, #tpu.memory_space<vmem>>) semaphore(%dma_start3A_439 : memref<!tpu.dma_semaphore, #tpu.memory_space<semaphore_mem>>)
        } else {
        }
        %mul3A_309 = arith.constant 5 : i32
        %mul3A_310 = arith.muli %scan3A_167, %mul3A_309 : i32
        %add3A_311 = arith.constant 3 : i32
        %add3A_312 = arith.addi %mul3A_310, %add3A_311 : i32
        %dma_wait3A_313 = arith.constant 3 : i32
        %dma_wait3A_314 = arith.constant 3 : i32
        %dma_wait3A_315 = arith.constant 0 : i32
        %dma_wait3A_316 = arith.constant 0 : i32
        %dma_wait3A_317 = tpu.memref_slice %run_scoped3A[%dma_wait3A_313, %dma_wait3A_315, %dma_wait3A_316] : memref<5x128x128xf32, #tpu.memory_space<vmem>> -> memref<1x128x128xf32, #tpu.memory_space<vmem>>
        %dma_wait3A_318 = tpu.memref_squeeze %dma_wait3A_317 : memref<1x128x128xf32, #tpu.memory_space<vmem>> -> memref<128x128xf32, #tpu.memory_space<vmem>>
        %dma_wait3A_319 = arith.constant 0 : i32
        %dma_wait3A_320 = arith.constant 0 : i32
        %dma_wait3A_321 = tpu.memref_slice %arg2[%dma_wait3A_319, %dma_wait3A_320] : memref<200712x128xf32, #tpu.memory_space<hbm>> -> memref<128x128xf32, #tpu.memory_space<hbm>>
        %dma_wait3A_322 = tpu.memref_slice %arg6[%dma_wait3A_314] : memref<5x!tpu.dma_semaphore, #tpu.memory_space<semaphore_mem>> -> memref<1x!tpu.dma_semaphore, #tpu.memory_space<semaphore_mem>>
        %dma_wait3A_323 = tpu.memref_squeeze %dma_wait3A_322 : memref<1x!tpu.dma_semaphore, #tpu.memory_space<semaphore_mem>> -> memref<!tpu.dma_semaphore, #tpu.memory_space<semaphore_mem>>
        %dma_wait3A_324 = arith.constant 0 : i32
        %dma_wait3A_325 = arith.constant 0 : i32
        %dma_wait3A_326 = tpu.memref_slice %run_scoped3A[%dma_wait3A_313, %dma_wait3A_324, %dma_wait3A_325] : memref<5x128x128xf32, #tpu.memory_space<vmem>> -> memref<1x128x128xf32, #tpu.memory_space<vmem>>
        %dma_wait3A_327 = tpu.memref_squeeze %dma_wait3A_326 : memref<1x128x128xf32, #tpu.memory_space<vmem>> -> memref<128x128xf32, #tpu.memory_space<vmem>>
        %dma_wait3A_328 = arith.constant 0 : i32
        %dma_wait3A_329 = arith.constant 0 : i32
        %dma_wait3A_330 = tpu.memref_slice %arg2[%dma_wait3A_328, %dma_wait3A_329] : memref<200712x128xf32, #tpu.memory_space<hbm>> -> memref<128x128xf32, #tpu.memory_space<hbm>>
        tpu.wait_dma2 semaphore(%dma_wait3A_323 : memref<!tpu.dma_semaphore, #tpu.memory_space<semaphore_mem>>) src(%dma_wait3A_330 : memref<128x128xf32, #tpu.memory_space<hbm>>) dst(%dma_wait3A_327 : memref<128x128xf32, #tpu.memory_space<vmem>>)
        %mul3A_331 = arith.constant 128 : i32
        %mul3A_332 = arith.muli %add3A_312, %mul3A_331 : i32
        %add3A_333 = arith.addi %mul3A_2, %mul3A_332 : i32
        %dma_start3A_334 = arith.constant 3 : i32
        %dma_start3A_335 = arith.constant 3 : i32
        %dma_start3A_336 = arith.constant 0 : i32
        %dma_start3A_337 = arith.constant 0 : i32
        %dma_start3A_338 = tpu.memref_slice %run_scoped3A[%dma_start3A_334, %dma_start3A_336, %dma_start3A_337] : memref<5x128x128xf32, #tpu.memory_space<vmem>> -> memref<1x128x128xf32, #tpu.memory_space<vmem>>
        %dma_start3A_339 = tpu.memref_squeeze %dma_start3A_338 : memref<1x128x128xf32, #tpu.memory_space<vmem>> -> memref<128x128xf32, #tpu.memory_space<vmem>>
        %dma_start3A_340 = arith.constant 0 : i32
        %dma_start3A_341 = tpu.memref_slice %arg4[%add3A_333, %dma_start3A_340] : memref<307200x128xf32, #tpu.memory_space<hbm>> -> memref<128x128xf32, #tpu.memory_space<hbm>>
        %dma_start3A_342 = tpu.memref_slice %arg7[%dma_start3A_335] : memref<5x!tpu.dma_semaphore, #tpu.memory_space<semaphore_mem>> -> memref<1x!tpu.dma_semaphore, #tpu.memory_space<semaphore_mem>>
        %dma_start3A_343 = tpu.memref_squeeze %dma_start3A_342 : memref<1x!tpu.dma_semaphore, #tpu.memory_space<semaphore_mem>> -> memref<!tpu.dma_semaphore, #tpu.memory_space<semaphore_mem>>
        %dma_start3A_344 = arith.constant 0 : i32
        %dma_start3A_345 = tpu.memref_slice %arg4[%add3A_333, %dma_start3A_344] : memref<307200x128xf32, #tpu.memory_space<hbm>> -> memref<128x128xf32, #tpu.memory_space<hbm>>
        %dma_start3A_346 = arith.constant 0 : i32
        %dma_start3A_347 = arith.constant 0 : i32
        %dma_start3A_348 = tpu.memref_slice %run_scoped3A[%dma_start3A_334, %dma_start3A_346, %dma_start3A_347] : memref<5x128x128xf32, #tpu.memory_space<vmem>> -> memref<1x128x128xf32, #tpu.memory_space<vmem>>
        %dma_start3A_349 = tpu.memref_squeeze %dma_start3A_348 : memref<1x128x128xf32, #tpu.memory_space<vmem>> -> memref<128x128xf32, #tpu.memory_space<vmem>>
        tpu.enqueue_dma source(%dma_start3A_349 : memref<128x128xf32, #tpu.memory_space<vmem>>) target(%dma_start3A_345 : memref<128x128xf32, #tpu.memory_space<hbm>>) target_semaphore(%dma_start3A_343 : memref<!tpu.dma_semaphore, #tpu.memory_space<semaphore_mem>>)
        %add3A_350 = arith.constant 5 : i32
        %add3A_351 = arith.addi %add3A_312, %add3A_350 : i32
        %lt3A_352 = arith.constant 75 : i32
        %lt3A_353 = arith.cmpi slt, %add3A_351, %lt3A_352 : i32
        %convert_element_type3A_354 = arith.extui %lt3A_353 : i1 to i32
        %cond3A_355 = arith.constant 0 : i32
        %cond3A_356 = arith.cmpi ne, %convert_element_type3A_354, %cond3A_355 : i32
        scf.if %cond3A_356 {
          %mul3A_405 = arith.constant 128 : i32
          %mul3A_406 = arith.muli %add3A_312, %mul3A_405 : i32
          %add3A_407 = arith.addi %mul3A_2, %mul3A_406 : i32
          %dma_wait3A_408 = arith.constant 3 : i32
          %dma_wait3A_409 = arith.constant 3 : i32
          %dma_wait3A_410 = arith.constant 0 : i32
          %dma_wait3A_411 = arith.constant 0 : i32
          %dma_wait3A_412 = tpu.memref_slice %run_scoped3A[%dma_wait3A_408, %dma_wait3A_410, %dma_wait3A_411] : memref<5x128x128xf32, #tpu.memory_space<vmem>> -> memref<1x128x128xf32, #tpu.memory_space<vmem>>
          %dma_wait3A_413 = tpu.memref_squeeze %dma_wait3A_412 : memref<1x128x128xf32, #tpu.memory_space<vmem>> -> memref<128x128xf32, #tpu.memory_space<vmem>>
          %dma_wait3A_414 = arith.constant 0 : i32
          %dma_wait3A_415 = tpu.memref_slice %arg4[%add3A_407, %dma_wait3A_414] : memref<307200x128xf32, #tpu.memory_space<hbm>> -> memref<128x128xf32, #tpu.memory_space<hbm>>
          %dma_wait3A_416 = tpu.memref_slice %arg7[%dma_wait3A_409] : memref<5x!tpu.dma_semaphore, #tpu.memory_space<semaphore_mem>> -> memref<1x!tpu.dma_semaphore, #tpu.memory_space<semaphore_mem>>
          %dma_wait3A_417 = tpu.memref_squeeze %dma_wait3A_416 : memref<1x!tpu.dma_semaphore, #tpu.memory_space<semaphore_mem>> -> memref<!tpu.dma_semaphore, #tpu.memory_space<semaphore_mem>>
          %dma_wait3A_418 = arith.constant 0 : i32
          %dma_wait3A_419 = tpu.memref_slice %arg4[%add3A_407, %dma_wait3A_418] : memref<307200x128xf32, #tpu.memory_space<hbm>> -> memref<128x128xf32, #tpu.memory_space<hbm>>
          %dma_wait3A_420 = arith.constant 0 : i32
          %dma_wait3A_421 = arith.constant 0 : i32
          %dma_wait3A_422 = tpu.memref_slice %run_scoped3A[%dma_wait3A_408, %dma_wait3A_420, %dma_wait3A_421] : memref<5x128x128xf32, #tpu.memory_space<vmem>> -> memref<1x128x128xf32, #tpu.memory_space<vmem>>
          %dma_wait3A_423 = tpu.memref_squeeze %dma_wait3A_422 : memref<1x128x128xf32, #tpu.memory_space<vmem>> -> memref<128x128xf32, #tpu.memory_space<vmem>>
          tpu.wait_dma2 semaphore(%dma_wait3A_417 : memref<!tpu.dma_semaphore, #tpu.memory_space<semaphore_mem>>) src(%dma_wait3A_423 : memref<128x128xf32, #tpu.memory_space<vmem>>) dst(%dma_wait3A_419 : memref<128x128xf32, #tpu.memory_space<hbm>>)
          %add3A_424 = arith.constant 5 : i32
          %add3A_425 = arith.addi %add3A_312, %add3A_424 : i32
          %mul3A_426 = arith.constant 128 : i32
          %mul3A_427 = arith.muli %add3A_425, %mul3A_426 : i32
          %dma_start3A_428 = arith.constant 3 : i32
          %dma_start3A_429 = arith.constant 3 : i32
          %dma_start3A_430 = arith.constant 0 : i32
          %dma_start3A_431 = arith.constant 0 : i32
          %dma_start3A_432 = tpu.memref_slice %run_scoped3A[%dma_start3A_428, %dma_start3A_430, %dma_start3A_431] : memref<5x128x128xf32, #tpu.memory_space<vmem>> -> memref<1x128x128xf32, #tpu.memory_space<vmem>>
          %dma_start3A_433 = tpu.memref_squeeze %dma_start3A_432 : memref<1x128x128xf32, #tpu.memory_space<vmem>> -> memref<128x128xf32, #tpu.memory_space<vmem>>
          %dma_start3A_434 = tpu.memref_slice %arg5[%mul3A_427] : memref<9600xi32, #tpu.memory_space<vmem>> -> memref<128xi32, #tpu.memory_space<vmem>>
          %dma_start3A_435 = arith.constant 0 : i32
          %dma_start3A_436 = arith.constant 0 : i32
          %dma_start3A_437 = tpu.memref_slice %arg2[%dma_start3A_435, %dma_start3A_436] : memref<200712x128xf32, #tpu.memory_space<hbm>> -> memref<200712x128xf32, #tpu.memory_space<hbm>>
          %dma_start3A_438 = tpu.memref_slice %arg6[%dma_start3A_429] : memref<5x!tpu.dma_semaphore, #tpu.memory_space<semaphore_mem>> -> memref<1x!tpu.dma_semaphore, #tpu.memory_space<semaphore_mem>>
          %dma_start3A_439 = tpu.memref_squeeze %dma_start3A_438 : memref<1x!tpu.dma_semaphore, #tpu.memory_space<semaphore_mem>> -> memref<!tpu.dma_semaphore, #tpu.memory_space<semaphore_mem>>
          tpu.enqueue_indirect_dma source(%dma_start3A_437 : memref<200712x128xf32, #tpu.memory_space<hbm>>) target(%dma_start3A_433 : memref<128x128xf32, #tpu.memory_space<vmem>>) offsets(%dma_start3A_434 : memref<128xi32, #tpu.memory_space<vmem>>) semaphore(%dma_start3A_439 : memref<!tpu.dma_semaphore, #tpu.memory_space<semaphore_mem>>)
        } else {
        }
        %mul3A_357 = arith.constant 5 : i32
        %mul3A_358 = arith.muli %scan3A_167, %mul3A_357 : i32
        %add3A_359 = arith.constant 4 : i32
        %add3A_360 = arith.addi %mul3A_358, %add3A_359 : i32
        %dma_wait3A_361 = arith.constant 4 : i32
        %dma_wait3A_362 = arith.constant 4 : i32
        %dma_wait3A_363 = arith.constant 0 : i32
        %dma_wait3A_364 = arith.constant 0 : i32
        %dma_wait3A_365 = tpu.memref_slice %run_scoped3A[%dma_wait3A_361, %dma_wait3A_363, %dma_wait3A_364] : memref<5x128x128xf32, #tpu.memory_space<vmem>> -> memref<1x128x128xf32, #tpu.memory_space<vmem>>
        %dma_wait3A_366 = tpu.memref_squeeze %dma_wait3A_365 : memref<1x128x128xf32, #tpu.memory_space<vmem>> -> memref<128x128xf32, #tpu.memory_space<vmem>>
        %dma_wait3A_367 = arith.constant 0 : i32
        %dma_wait3A_368 = arith.constant 0 : i32
        %dma_wait3A_369 = tpu.memref_slice %arg2[%dma_wait3A_367, %dma_wait3A_368] : memref<200712x128xf32, #tpu.memory_space<hbm>> -> memref<128x128xf32, #tpu.memory_space<hbm>>
        %dma_wait3A_370 = tpu.memref_slice %arg6[%dma_wait3A_362] : memref<5x!tpu.dma_semaphore, #tpu.memory_space<semaphore_mem>> -> memref<1x!tpu.dma_semaphore, #tpu.memory_space<semaphore_mem>>
        %dma_wait3A_371 = tpu.memref_squeeze %dma_wait3A_370 : memref<1x!tpu.dma_semaphore, #tpu.memory_space<semaphore_mem>> -> memref<!tpu.dma_semaphore, #tpu.memory_space<semaphore_mem>>
        %dma_wait3A_372 = arith.constant 0 : i32
        %dma_wait3A_373 = arith.constant 0 : i32
        %dma_wait3A_374 = tpu.memref_slice %run_scoped3A[%dma_wait3A_361, %dma_wait3A_372, %dma_wait3A_373] : memref<5x128x128xf32, #tpu.memory_space<vmem>> -> memref<1x128x128xf32, #tpu.memory_space<vmem>>
        %dma_wait3A_375 = tpu.memref_squeeze %dma_wait3A_374 : memref<1x128x128xf32, #tpu.memory_space<vmem>> -> memref<128x128xf32, #tpu.memory_space<vmem>>
        %dma_wait3A_376 = arith.constant 0 : i32
        %dma_wait3A_377 = arith.constant 0 : i32
        %dma_wait3A_378 = tpu.memref_slice %arg2[%dma_wait3A_376, %dma_wait3A_377] : memref<200712x128xf32, #tpu.memory_space<hbm>> -> memref<128x128xf32, #tpu.memory_space<hbm>>
        tpu.wait_dma2 semaphore(%dma_wait3A_371 : memref<!tpu.dma_semaphore, #tpu.memory_space<semaphore_mem>>) src(%dma_wait3A_378 : memref<128x128xf32, #tpu.memory_space<hbm>>) dst(%dma_wait3A_375 : memref<128x128xf32, #tpu.memory_space<vmem>>)
        %mul3A_379 = arith.constant 128 : i32
        %mul3A_380 = arith.muli %add3A_360, %mul3A_379 : i32
        %add3A_381 = arith.addi %mul3A_2, %mul3A_380 : i32
        %dma_start3A_382 = arith.constant 4 : i32
        %dma_start3A_383 = arith.constant 4 : i32
        %dma_start3A_384 = arith.constant 0 : i32
        %dma_start3A_385 = arith.constant 0 : i32
        %dma_start3A_386 = tpu.memref_slice %run_scoped3A[%dma_start3A_382, %dma_start3A_384, %dma_start3A_385] : memref<5x128x128xf32, #tpu.memory_space<vmem>> -> memref<1x128x128xf32, #tpu.memory_space<vmem>>
        %dma_start3A_387 = tpu.memref_squeeze %dma_start3A_386 : memref<1x128x128xf32, #tpu.memory_space<vmem>> -> memref<128x128xf32, #tpu.memory_space<vmem>>
        %dma_start3A_388 = arith.constant 0 : i32
        %dma_start3A_389 = tpu.memref_slice %arg4[%add3A_381, %dma_start3A_388] : memref<307200x128xf32, #tpu.memory_space<hbm>> -> memref<128x128xf32, #tpu.memory_space<hbm>>
        %dma_start3A_390 = tpu.memref_slice %arg7[%dma_start3A_383] : memref<5x!tpu.dma_semaphore, #tpu.memory_space<semaphore_mem>> -> memref<1x!tpu.dma_semaphore, #tpu.memory_space<semaphore_mem>>
        %dma_start3A_391 = tpu.memref_squeeze %dma_start3A_390 : memref<1x!tpu.dma_semaphore, #tpu.memory_space<semaphore_mem>> -> memref<!tpu.dma_semaphore, #tpu.memory_space<semaphore_mem>>
        %dma_start3A_392 = arith.constant 0 : i32
        %dma_start3A_393 = tpu.memref_slice %arg4[%add3A_381, %dma_start3A_392] : memref<307200x128xf32, #tpu.memory_space<hbm>> -> memref<128x128xf32, #tpu.memory_space<hbm>>
        %dma_start3A_394 = arith.constant 0 : i32
        %dma_start3A_395 = arith.constant 0 : i32
        %dma_start3A_396 = tpu.memref_slice %run_scoped3A[%dma_start3A_382, %dma_start3A_394, %dma_start3A_395] : memref<5x128x128xf32, #tpu.memory_space<vmem>> -> memref<1x128x128xf32, #tpu.memory_space<vmem>>
        %dma_start3A_397 = tpu.memref_squeeze %dma_start3A_396 : memref<1x128x128xf32, #tpu.memory_space<vmem>> -> memref<128x128xf32, #tpu.memory_space<vmem>>
        tpu.enqueue_dma source(%dma_start3A_397 : memref<128x128xf32, #tpu.memory_space<vmem>>) target(%dma_start3A_393 : memref<128x128xf32, #tpu.memory_space<hbm>>) target_semaphore(%dma_start3A_391 : memref<!tpu.dma_semaphore, #tpu.memory_space<semaphore_mem>>)
        %add3A_398 = arith.constant 5 : i32
        %add3A_399 = arith.addi %add3A_360, %add3A_398 : i32
        %lt3A_400 = arith.constant 75 : i32
        %lt3A_401 = arith.cmpi slt, %add3A_399, %lt3A_400 : i32
        %convert_element_type3A_402 = arith.extui %lt3A_401 : i1 to i32
        %cond3A_403 = arith.constant 0 : i32
        %cond3A_404 = arith.cmpi ne, %convert_element_type3A_402, %cond3A_403 : i32
        scf.if %cond3A_404 {
          %mul3A_405 = arith.constant 128 : i32
          %mul3A_406 = arith.muli %add3A_360, %mul3A_405 : i32
          %add3A_407 = arith.addi %mul3A_2, %mul3A_406 : i32
          %dma_wait3A_408 = arith.constant 4 : i32
          %dma_wait3A_409 = arith.constant 4 : i32
          %dma_wait3A_410 = arith.constant 0 : i32
          %dma_wait3A_411 = arith.constant 0 : i32
          %dma_wait3A_412 = tpu.memref_slice %run_scoped3A[%dma_wait3A_408, %dma_wait3A_410, %dma_wait3A_411] : memref<5x128x128xf32, #tpu.memory_space<vmem>> -> memref<1x128x128xf32, #tpu.memory_space<vmem>>
          %dma_wait3A_413 = tpu.memref_squeeze %dma_wait3A_412 : memref<1x128x128xf32, #tpu.memory_space<vmem>> -> memref<128x128xf32, #tpu.memory_space<vmem>>
          %dma_wait3A_414 = arith.constant 0 : i32
          %dma_wait3A_415 = tpu.memref_slice %arg4[%add3A_407, %dma_wait3A_414] : memref<307200x128xf32, #tpu.memory_space<hbm>> -> memref<128x128xf32, #tpu.memory_space<hbm>>
          %dma_wait3A_416 = tpu.memref_slice %arg7[%dma_wait3A_409] : memref<5x!tpu.dma_semaphore, #tpu.memory_space<semaphore_mem>> -> memref<1x!tpu.dma_semaphore, #tpu.memory_space<semaphore_mem>>
          %dma_wait3A_417 = tpu.memref_squeeze %dma_wait3A_416 : memref<1x!tpu.dma_semaphore, #tpu.memory_space<semaphore_mem>> -> memref<!tpu.dma_semaphore, #tpu.memory_space<semaphore_mem>>
          %dma_wait3A_418 = arith.constant 0 : i32
          %dma_wait3A_419 = tpu.memref_slice %arg4[%add3A_407, %dma_wait3A_418] : memref<307200x128xf32, #tpu.memory_space<hbm>> -> memref<128x128xf32, #tpu.memory_space<hbm>>
          %dma_wait3A_420 = arith.constant 0 : i32
          %dma_wait3A_421 = arith.constant 0 : i32
          %dma_wait3A_422 = tpu.memref_slice %run_scoped3A[%dma_wait3A_408, %dma_wait3A_420, %dma_wait3A_421] : memref<5x128x128xf32, #tpu.memory_space<vmem>> -> memref<1x128x128xf32, #tpu.memory_space<vmem>>
          %dma_wait3A_423 = tpu.memref_squeeze %dma_wait3A_422 : memref<1x128x128xf32, #tpu.memory_space<vmem>> -> memref<128x128xf32, #tpu.memory_space<vmem>>
          tpu.wait_dma2 semaphore(%dma_wait3A_417 : memref<!tpu.dma_semaphore, #tpu.memory_space<semaphore_mem>>) src(%dma_wait3A_423 : memref<128x128xf32, #tpu.memory_space<vmem>>) dst(%dma_wait3A_419 : memref<128x128xf32, #tpu.memory_space<hbm>>)
          %add3A_424 = arith.constant 5 : i32
          %add3A_425 = arith.addi %add3A_360, %add3A_424 : i32
          %mul3A_426 = arith.constant 128 : i32
          %mul3A_427 = arith.muli %add3A_425, %mul3A_426 : i32
          %dma_start3A_428 = arith.constant 4 : i32
          %dma_start3A_429 = arith.constant 4 : i32
          %dma_start3A_430 = arith.constant 0 : i32
          %dma_start3A_431 = arith.constant 0 : i32
          %dma_start3A_432 = tpu.memref_slice %run_scoped3A[%dma_start3A_428, %dma_start3A_430, %dma_start3A_431] : memref<5x128x128xf32, #tpu.memory_space<vmem>> -> memref<1x128x128xf32, #tpu.memory_space<vmem>>
          %dma_start3A_433 = tpu.memref_squeeze %dma_start3A_432 : memref<1x128x128xf32, #tpu.memory_space<vmem>> -> memref<128x128xf32, #tpu.memory_space<vmem>>
          %dma_start3A_434 = tpu.memref_slice %arg5[%mul3A_427] : memref<9600xi32, #tpu.memory_space<vmem>> -> memref<128xi32, #tpu.memory_space<vmem>>
          %dma_start3A_435 = arith.constant 0 : i32
          %dma_start3A_436 = arith.constant 0 : i32
          %dma_start3A_437 = tpu.memref_slice %arg2[%dma_start3A_435, %dma_start3A_436] : memref<200712x128xf32, #tpu.memory_space<hbm>> -> memref<200712x128xf32, #tpu.memory_space<hbm>>
          %dma_start3A_438 = tpu.memref_slice %arg6[%dma_start3A_429] : memref<5x!tpu.dma_semaphore, #tpu.memory_space<semaphore_mem>> -> memref<1x!tpu.dma_semaphore, #tpu.memory_space<semaphore_mem>>
          %dma_start3A_439 = tpu.memref_squeeze %dma_start3A_438 : memref<1x!tpu.dma_semaphore, #tpu.memory_space<semaphore_mem>> -> memref<!tpu.dma_semaphore, #tpu.memory_space<semaphore_mem>>
          tpu.enqueue_indirect_dma source(%dma_start3A_437 : memref<200712x128xf32, #tpu.memory_space<hbm>>) target(%dma_start3A_433 : memref<128x128xf32, #tpu.memory_space<vmem>>) offsets(%dma_start3A_434 : memref<128xi32, #tpu.memory_space<vmem>>) semaphore(%dma_start3A_439 : memref<!tpu.dma_semaphore, #tpu.memory_space<semaphore_mem>>)
        } else {
        }
      }
      %scan3A_77 = arith.constant 15 : i32
      %add3A_78 = arith.constant 8960 : i32
      %add3A_79 = arith.addi %mul3A_2, %add3A_78 : i32
      %dma_wait3A = arith.constant 0 : i32
      %dma_wait3A_80 = arith.constant 0 : i32
      %dma_wait3A_81 = arith.constant 0 : i32
      %dma_wait3A_82 = arith.constant 0 : i32
      %dma_wait3A_83 = tpu.memref_slice %run_scoped3A[%dma_wait3A, %dma_wait3A_81, %dma_wait3A_82] : memref<5x128x128xf32, #tpu.memory_space<vmem>> -> memref<1x128x128xf32, #tpu.memory_space<vmem>>
      %dma_wait3A_84 = tpu.memref_squeeze %dma_wait3A_83 : memref<1x128x128xf32, #tpu.memory_space<vmem>> -> memref<128x128xf32, #tpu.memory_space<vmem>>
      %dma_wait3A_85 = arith.constant 0 : i32
      %dma_wait3A_86 = tpu.memref_slice %arg4[%add3A_79, %dma_wait3A_85] : memref<307200x128xf32, #tpu.memory_space<hbm>> -> memref<128x128xf32, #tpu.memory_space<hbm>>
      %dma_wait3A_87 = tpu.memref_slice %arg7[%dma_wait3A_80] : memref<5x!tpu.dma_semaphore, #tpu.memory_space<semaphore_mem>> -> memref<1x!tpu.dma_semaphore, #tpu.memory_space<semaphore_mem>>
      %dma_wait3A_88 = tpu.memref_squeeze %dma_wait3A_87 : memref<1x!tpu.dma_semaphore, #tpu.memory_space<semaphore_mem>> -> memref<!tpu.dma_semaphore, #tpu.memory_space<semaphore_mem>>
      %dma_wait3A_89 = arith.constant 0 : i32
      %dma_wait3A_90 = tpu.memref_slice %arg4[%add3A_79, %dma_wait3A_89] : memref<307200x128xf32, #tpu.memory_space<hbm>> -> memref<128x128xf32, #tpu.memory_space<hbm>>
      %dma_wait3A_91 = arith.constant 0 : i32
      %dma_wait3A_92 = arith.constant 0 : i32
      %dma_wait3A_93 = tpu.memref_slice %run_scoped3A[%dma_wait3A, %dma_wait3A_91, %dma_wait3A_92] : memref<5x128x128xf32, #tpu.memory_space<vmem>> -> memref<1x128x128xf32, #tpu.memory_space<vmem>>
      %dma_wait3A_94 = tpu.memref_squeeze %dma_wait3A_93 : memref<1x128x128xf32, #tpu.memory_space<vmem>> -> memref<128x128xf32, #tpu.memory_space<vmem>>
      tpu.wait_dma2 semaphore(%dma_wait3A_88 : memref<!tpu.dma_semaphore, #tpu.memory_space<semaphore_mem>>) src(%dma_wait3A_94 : memref<128x128xf32, #tpu.memory_space<vmem>>) dst(%dma_wait3A_90 : memref<128x128xf32, #tpu.memory_space<hbm>>)
      %add3A_95 = arith.constant 9088 : i32
      %add3A_96 = arith.addi %mul3A_2, %add3A_95 : i32
      %dma_wait3A_97 = arith.constant 1 : i32
      %dma_wait3A_98 = arith.constant 1 : i32
      %dma_wait3A_99 = arith.constant 0 : i32
      %dma_wait3A_100 = arith.constant 0 : i32
      %dma_wait3A_101 = tpu.memref_slice %run_scoped3A[%dma_wait3A_97, %dma_wait3A_99, %dma_wait3A_100] : memref<5x128x128xf32, #tpu.memory_space<vmem>> -> memref<1x128x128xf32, #tpu.memory_space<vmem>>
      %dma_wait3A_102 = tpu.memref_squeeze %dma_wait3A_101 : memref<1x128x128xf32, #tpu.memory_space<vmem>> -> memref<128x128xf32, #tpu.memory_space<vmem>>
      %dma_wait3A_103 = arith.constant 0 : i32
      %dma_wait3A_104 = tpu.memref_slice %arg4[%add3A_96, %dma_wait3A_103] : memref<307200x128xf32, #tpu.memory_space<hbm>> -> memref<128x128xf32, #tpu.memory_space<hbm>>
      %dma_wait3A_105 = tpu.memref_slice %arg7[%dma_wait3A_98] : memref<5x!tpu.dma_semaphore, #tpu.memory_space<semaphore_mem>> -> memref<1x!tpu.dma_semaphore, #tpu.memory_space<semaphore_mem>>
      %dma_wait3A_106 = tpu.memref_squeeze %dma_wait3A_105 : memref<1x!tpu.dma_semaphore, #tpu.memory_space<semaphore_mem>> -> memref<!tpu.dma_semaphore, #tpu.memory_space<semaphore_mem>>
      %dma_wait3A_107 = arith.constant 0 : i32
      %dma_wait3A_108 = tpu.memref_slice %arg4[%add3A_96, %dma_wait3A_107] : memref<307200x128xf32, #tpu.memory_space<hbm>> -> memref<128x128xf32, #tpu.memory_space<hbm>>
      %dma_wait3A_109 = arith.constant 0 : i32
      %dma_wait3A_110 = arith.constant 0 : i32
      %dma_wait3A_111 = tpu.memref_slice %run_scoped3A[%dma_wait3A_97, %dma_wait3A_109, %dma_wait3A_110] : memref<5x128x128xf32, #tpu.memory_space<vmem>> -> memref<1x128x128xf32, #tpu.memory_space<vmem>>
      %dma_wait3A_112 = tpu.memref_squeeze %dma_wait3A_111 : memref<1x128x128xf32, #tpu.memory_space<vmem>> -> memref<128x128xf32, #tpu.memory_space<vmem>>
      tpu.wait_dma2 semaphore(%dma_wait3A_106 : memref<!tpu.dma_semaphore, #tpu.memory_space<semaphore_mem>>) src(%dma_wait3A_112 : memref<128x128xf32, #tpu.memory_space<vmem>>) dst(%dma_wait3A_108 : memref<128x128xf32, #tpu.memory_space<hbm>>)
      %add3A_113 = arith.constant 9216 : i32
      %add3A_114 = arith.addi %mul3A_2, %add3A_113 : i32
      %dma_wait3A_115 = arith.constant 2 : i32
      %dma_wait3A_116 = arith.constant 2 : i32
      %dma_wait3A_117 = arith.constant 0 : i32
      %dma_wait3A_118 = arith.constant 0 : i32
      %dma_wait3A_119 = tpu.memref_slice %run_scoped3A[%dma_wait3A_115, %dma_wait3A_117, %dma_wait3A_118] : memref<5x128x128xf32, #tpu.memory_space<vmem>> -> memref<1x128x128xf32, #tpu.memory_space<vmem>>
      %dma_wait3A_120 = tpu.memref_squeeze %dma_wait3A_119 : memref<1x128x128xf32, #tpu.memory_space<vmem>> -> memref<128x128xf32, #tpu.memory_space<vmem>>
      %dma_wait3A_121 = arith.constant 0 : i32
      %dma_wait3A_122 = tpu.memref_slice %arg4[%add3A_114, %dma_wait3A_121] : memref<307200x128xf32, #tpu.memory_space<hbm>> -> memref<128x128xf32, #tpu.memory_space<hbm>>
      %dma_wait3A_123 = tpu.memref_slice %arg7[%dma_wait3A_116] : memref<5x!tpu.dma_semaphore, #tpu.memory_space<semaphore_mem>> -> memref<1x!tpu.dma_semaphore, #tpu.memory_space<semaphore_mem>>
      %dma_wait3A_124 = tpu.memref_squeeze %dma_wait3A_123 : memref<1x!tpu.dma_semaphore, #tpu.memory_space<semaphore_mem>> -> memref<!tpu.dma_semaphore, #tpu.memory_space<semaphore_mem>>
      %dma_wait3A_125 = arith.constant 0 : i32
      %dma_wait3A_126 = tpu.memref_slice %arg4[%add3A_114, %dma_wait3A_125] : memref<307200x128xf32, #tpu.memory_space<hbm>> -> memref<128x128xf32, #tpu.memory_space<hbm>>
      %dma_wait3A_127 = arith.constant 0 : i32
      %dma_wait3A_128 = arith.constant 0 : i32
      %dma_wait3A_129 = tpu.memref_slice %run_scoped3A[%dma_wait3A_115, %dma_wait3A_127, %dma_wait3A_128] : memref<5x128x128xf32, #tpu.memory_space<vmem>> -> memref<1x128x128xf32, #tpu.memory_space<vmem>>
      %dma_wait3A_130 = tpu.memref_squeeze %dma_wait3A_129 : memref<1x128x128xf32, #tpu.memory_space<vmem>> -> memref<128x128xf32, #tpu.memory_space<vmem>>
      tpu.wait_dma2 semaphore(%dma_wait3A_124 : memref<!tpu.dma_semaphore, #tpu.memory_space<semaphore_mem>>) src(%dma_wait3A_130 : memref<128x128xf32, #tpu.memory_space<vmem>>) dst(%dma_wait3A_126 : memref<128x128xf32, #tpu.memory_space<hbm>>)
      %add3A_131 = arith.constant 9344 : i32
      %add3A_132 = arith.addi %mul3A_2, %add3A_131 : i32
      %dma_wait3A_133 = arith.constant 3 : i32
      %dma_wait3A_134 = arith.constant 3 : i32
      %dma_wait3A_135 = arith.constant 0 : i32
      %dma_wait3A_136 = arith.constant 0 : i32
      %dma_wait3A_137 = tpu.memref_slice %run_scoped3A[%dma_wait3A_133, %dma_wait3A_135, %dma_wait3A_136] : memref<5x128x128xf32, #tpu.memory_space<vmem>> -> memref<1x128x128xf32, #tpu.memory_space<vmem>>
      %dma_wait3A_138 = tpu.memref_squeeze %dma_wait3A_137 : memref<1x128x128xf32, #tpu.memory_space<vmem>> -> memref<128x128xf32, #tpu.memory_space<vmem>>
      %dma_wait3A_139 = arith.constant 0 : i32
      %dma_wait3A_140 = tpu.memref_slice %arg4[%add3A_132, %dma_wait3A_139] : memref<307200x128xf32, #tpu.memory_space<hbm>> -> memref<128x128xf32, #tpu.memory_space<hbm>>
      %dma_wait3A_141 = tpu.memref_slice %arg7[%dma_wait3A_134] : memref<5x!tpu.dma_semaphore, #tpu.memory_space<semaphore_mem>> -> memref<1x!tpu.dma_semaphore, #tpu.memory_space<semaphore_mem>>
      %dma_wait3A_142 = tpu.memref_squeeze %dma_wait3A_141 : memref<1x!tpu.dma_semaphore, #tpu.memory_space<semaphore_mem>> -> memref<!tpu.dma_semaphore, #tpu.memory_space<semaphore_mem>>
      %dma_wait3A_143 = arith.constant 0 : i32
      %dma_wait3A_144 = tpu.memref_slice %arg4[%add3A_132, %dma_wait3A_143] : memref<307200x128xf32, #tpu.memory_space<hbm>> -> memref<128x128xf32, #tpu.memory_space<hbm>>
      %dma_wait3A_145 = arith.constant 0 : i32
      %dma_wait3A_146 = arith.constant 0 : i32
      %dma_wait3A_147 = tpu.memref_slice %run_scoped3A[%dma_wait3A_133, %dma_wait3A_145, %dma_wait3A_146] : memref<5x128x128xf32, #tpu.memory_space<vmem>> -> memref<1x128x128xf32, #tpu.memory_space<vmem>>
      %dma_wait3A_148 = tpu.memref_squeeze %dma_wait3A_147 : memref<1x128x128xf32, #tpu.memory_space<vmem>> -> memref<128x128xf32, #tpu.memory_space<vmem>>
      tpu.wait_dma2 semaphore(%dma_wait3A_142 : memref<!tpu.dma_semaphore, #tpu.memory_space<semaphore_mem>>) src(%dma_wait3A_148 : memref<128x128xf32, #tpu.memory_space<vmem>>) dst(%dma_wait3A_144 : memref<128x128xf32, #tpu.memory_space<hbm>>)
      %add3A_149 = arith.constant 9472 : i32
      %add3A_150 = arith.addi %mul3A_2, %add3A_149 : i32
      %dma_wait3A_151 = arith.constant 4 : i32
      %dma_wait3A_152 = arith.constant 4 : i32
      %dma_wait3A_153 = arith.constant 0 : i32
      %dma_wait3A_154 = arith.constant 0 : i32
      %dma_wait3A_155 = tpu.memref_slice %run_scoped3A[%dma_wait3A_151, %dma_wait3A_153, %dma_wait3A_154] : memref<5x128x128xf32, #tpu.memory_space<vmem>> -> memref<1x128x128xf32, #tpu.memory_space<vmem>>
      %dma_wait3A_156 = tpu.memref_squeeze %dma_wait3A_155 : memref<1x128x128xf32, #tpu.memory_space<vmem>> -> memref<128x128xf32, #tpu.memory_space<vmem>>
      %dma_wait3A_157 = arith.constant 0 : i32
      %dma_wait3A_158 = tpu.memref_slice %arg4[%add3A_150, %dma_wait3A_157] : memref<307200x128xf32, #tpu.memory_space<hbm>> -> memref<128x128xf32, #tpu.memory_space<hbm>>
      %dma_wait3A_159 = tpu.memref_slice %arg7[%dma_wait3A_152] : memref<5x!tpu.dma_semaphore, #tpu.memory_space<semaphore_mem>> -> memref<1x!tpu.dma_semaphore, #tpu.memory_space<semaphore_mem>>
      %dma_wait3A_160 = tpu.memref_squeeze %dma_wait3A_159 : memref<1x!tpu.dma_semaphore, #tpu.memory_space<semaphore_mem>> -> memref<!tpu.dma_semaphore, #tpu.memory_space<semaphore_mem>>
      %dma_wait3A_161 = arith.constant 0 : i32
      %dma_wait3A_162 = tpu.memref_slice %arg4[%add3A_150, %dma_wait3A_161] : memref<307200x128xf32, #tpu.memory_space<hbm>> -> memref<128x128xf32, #tpu.memory_space<hbm>>
      %dma_wait3A_163 = arith.constant 0 : i32
      %dma_wait3A_164 = arith.constant 0 : i32
      %dma_wait3A_165 = tpu.memref_slice %run_scoped3A[%dma_wait3A_151, %dma_wait3A_163, %dma_wait3A_164] : memref<5x128x128xf32, #tpu.memory_space<vmem>> -> memref<1x128x128xf32, #tpu.memory_space<vmem>>
      %dma_wait3A_166 = tpu.memref_squeeze %dma_wait3A_165 : memref<1x128x128xf32, #tpu.memory_space<vmem>> -> memref<128x128xf32, #tpu.memory_space<vmem>>
      tpu.wait_dma2 semaphore(%dma_wait3A_160 : memref<!tpu.dma_semaphore, #tpu.memory_space<semaphore_mem>>) src(%dma_wait3A_166 : memref<128x128xf32, #tpu.memory_space<vmem>>) dst(%dma_wait3A_162 : memref<128x128xf32, #tpu.memory_space<hbm>>)
      tpu.yield
    }) : () -> ()
    return
  }
}

module attributes {stable_mosaic.version = 14 : i64} {
  func.func @_wprep_body(%arg0: memref<3x128x128xf32, #tpu.memory_space<vmem>>, %arg1: memref<128x128xf32, #tpu.memory_space<vmem>>, %arg2: memref<3x128x128xf32, #tpu.memory_space<vmem>>, %arg3: memref<128x128xf32, #tpu.memory_space<vmem>>, %arg4: memref<3x128x256xbf16, #tpu.memory_space<vmem>>) attributes {dimension_semantics = [], scalar_prefetch = 0 : i64, scratch_operands = 0 : i64, tpu.core_type = #tpu.core_type<tc>} {
    %get3A = arith.constant 0 : index
    %get3A_0 = arith.constant 0 : index
    %get3A_1 = arith.constant 0 : index
    %get3A_2 = vector.load %arg0[%get3A, %get3A_0, %get3A_1] : memref<3x128x128xf32, #tpu.memory_space<vmem>>, vector<1x128x128xf32>
    %get3A_3 = vector.shape_cast %get3A_2 : vector<1x128x128xf32> to vector<128x128xf32>
    %get3A_4 = arith.constant 0 : index
    %get3A_5 = arith.constant 0 : index
    %get3A_6 = vector.load %arg1[%get3A_4, %get3A_5] : memref<128x128xf32, #tpu.memory_space<vmem>>, vector<128x128xf32>
    %dot_general3A = arith.constant dense<0.000000e+00> : vector<128x128xf32>
    %dot_general3A_7 = tpu.matmul %get3A_3, %get3A_6, %dot_general3A {dimension_numbers = #tpu.dot_dimension_numbers<[0], [1], [1], [0], [0, 1, 1, 0], [], []>, transpose_lhs_hint = false} : vector<128x128xf32>, vector<128x128xf32>, vector<128x128xf32> -> vector<128x128xf32>
    %convert_element_type3A = arith.truncf %dot_general3A_7 : vector<128x128xf32> to vector<128x128xbf16>
    %swap3A = arith.constant 0 : index
    %swap3A_8 = arith.constant 0 : index
    %swap3A_9 = arith.constant 0 : index
    %swap3A_10 = vector.load %arg4[%swap3A, %swap3A_8, %swap3A_9] : memref<3x128x256xbf16, #tpu.memory_space<vmem>>, vector<1x128x128xbf16>
    %swap3A_11 = vector.shape_cast %swap3A_10 : vector<1x128x128xbf16> to vector<128x128xbf16>
    %swap3A_12 = vector.shape_cast %convert_element_type3A : vector<128x128xbf16> to vector<1x128x128xbf16>
    tpu.vector_store %arg4[%swap3A, %swap3A_8, %swap3A_9], %swap3A_12 {strides = array<i32>} : memref<3x128x256xbf16, #tpu.memory_space<vmem>>, vector<1x128x128xbf16>,
    %get3A_13 = arith.constant 0 : index
    %get3A_14 = arith.constant 0 : index
    %get3A_15 = arith.constant 0 : index
    %get3A_16 = vector.load %arg2[%get3A_13, %get3A_14, %get3A_15] : memref<3x128x128xf32, #tpu.memory_space<vmem>>, vector<1x128x128xf32>
    %get3A_17 = vector.shape_cast %get3A_16 : vector<1x128x128xf32> to vector<128x128xf32>
    %get3A_18 = arith.constant 0 : index
    %get3A_19 = arith.constant 0 : index
    %get3A_20 = vector.load %arg3[%get3A_18, %get3A_19] : memref<128x128xf32, #tpu.memory_space<vmem>>, vector<128x128xf32>
    %dot_general3A_21 = arith.constant dense<0.000000e+00> : vector<128x128xf32>
    %dot_general3A_22 = tpu.matmul %get3A_17, %get3A_20, %dot_general3A_21 {dimension_numbers = #tpu.dot_dimension_numbers<[0], [1], [1], [0], [0, 1, 1, 0], [], []>, transpose_lhs_hint = false} : vector<128x128xf32>, vector<128x128xf32>, vector<128x128xf32> -> vector<128x128xf32>
    %convert_element_type3A_23 = arith.truncf %dot_general3A_22 : vector<128x128xf32> to vector<128x128xbf16>
    %swap3A_24 = arith.constant 0 : index
    %swap3A_25 = arith.constant 0 : index
    %swap3A_26 = arith.constant 128 : index
    %swap3A_27 = vector.load %arg4[%swap3A_24, %swap3A_25, %swap3A_26] : memref<3x128x256xbf16, #tpu.memory_space<vmem>>, vector<1x128x128xbf16>
    %swap3A_28 = vector.shape_cast %swap3A_27 : vector<1x128x128xbf16> to vector<128x128xbf16>
    %swap3A_29 = vector.shape_cast %convert_element_type3A_23 : vector<128x128xbf16> to vector<1x128x128xbf16>
    tpu.vector_store %arg4[%swap3A_24, %swap3A_25, %swap3A_26], %swap3A_29 {strides = array<i32>} : memref<3x128x256xbf16, #tpu.memory_space<vmem>>, vector<1x128x128xbf16>,
    %get3A_30 = arith.constant 1 : index
    %get3A_31 = arith.constant 0 : index
    %get3A_32 = arith.constant 0 : index
    %get3A_33 = vector.load %arg0[%get3A_30, %get3A_31, %get3A_32] : memref<3x128x128xf32, #tpu.memory_space<vmem>>, vector<1x128x128xf32>
    %get3A_34 = vector.shape_cast %get3A_33 : vector<1x128x128xf32> to vector<128x128xf32>
    %get3A_35 = arith.constant 0 : index
    %get3A_36 = arith.constant 0 : index
    %get3A_37 = vector.load %arg1[%get3A_35, %get3A_36] : memref<128x128xf32, #tpu.memory_space<vmem>>, vector<128x128xf32>
    %dot_general3A_38 = arith.constant dense<0.000000e+00> : vector<128x128xf32>
    %dot_general3A_39 = tpu.matmul %get3A_34, %get3A_37, %dot_general3A_38 {dimension_numbers = #tpu.dot_dimension_numbers<[0], [1], [1], [0], [0, 1, 1, 0], [], []>, transpose_lhs_hint = false} : vector<128x128xf32>, vector<128x128xf32>, vector<128x128xf32> -> vector<128x128xf32>
    %convert_element_type3A_40 = arith.truncf %dot_general3A_39 : vector<128x128xf32> to vector<128x128xbf16>
    %swap3A_41 = arith.constant 1 : index
    %swap3A_42 = arith.constant 0 : index
    %swap3A_43 = arith.constant 0 : index
    %swap3A_44 = vector.load %arg4[%swap3A_41, %swap3A_42, %swap3A_43] : memref<3x128x256xbf16, #tpu.memory_space<vmem>>, vector<1x128x128xbf16>
    %swap3A_45 = vector.shape_cast %swap3A_44 : vector<1x128x128xbf16> to vector<128x128xbf16>
    %swap3A_46 = vector.shape_cast %convert_element_type3A_40 : vector<128x128xbf16> to vector<1x128x128xbf16>
    tpu.vector_store %arg4[%swap3A_41, %swap3A_42, %swap3A_43], %swap3A_46 {strides = array<i32>} : memref<3x128x256xbf16, #tpu.memory_space<vmem>>, vector<1x128x128xbf16>,
    %get3A_47 = arith.constant 1 : index
    %get3A_48 = arith.constant 0 : index
    %get3A_49 = arith.constant 0 : index
    %get3A_50 = vector.load %arg2[%get3A_47, %get3A_48, %get3A_49] : memref<3x128x128xf32, #tpu.memory_space<vmem>>, vector<1x128x128xf32>
    %get3A_51 = vector.shape_cast %get3A_50 : vector<1x128x128xf32> to vector<128x128xf32>
    %get3A_52 = arith.constant 0 : index
    %get3A_53 = arith.constant 0 : index
    %get3A_54 = vector.load %arg3[%get3A_52, %get3A_53] : memref<128x128xf32, #tpu.memory_space<vmem>>, vector<128x128xf32>
    %dot_general3A_55 = arith.constant dense<0.000000e+00> : vector<128x128xf32>
    %dot_general3A_56 = tpu.matmul %get3A_51, %get3A_54, %dot_general3A_55 {dimension_numbers = #tpu.dot_dimension_numbers<[0], [1], [1], [0], [0, 1, 1, 0], [], []>, transpose_lhs_hint = false} : vector<128x128xf32>, vector<128x128xf32>, vector<128x128xf32> -> vector<128x128xf32>
    %convert_element_type3A_57 = arith.truncf %dot_general3A_56 : vector<128x128xf32> to vector<128x128xbf16>
    %swap3A_58 = arith.constant 1 : index
    %swap3A_59 = arith.constant 0 : index
    %swap3A_60 = arith.constant 128 : index
    %swap3A_61 = vector.load %arg4[%swap3A_58, %swap3A_59, %swap3A_60] : memref<3x128x256xbf16, #tpu.memory_space<vmem>>, vector<1x128x128xbf16>
    %swap3A_62 = vector.shape_cast %swap3A_61 : vector<1x128x128xbf16> to vector<128x128xbf16>
    %swap3A_63 = vector.shape_cast %convert_element_type3A_57 : vector<128x128xbf16> to vector<1x128x128xbf16>
    tpu.vector_store %arg4[%swap3A_58, %swap3A_59, %swap3A_60], %swap3A_63 {strides = array<i32>} : memref<3x128x256xbf16, #tpu.memory_space<vmem>>, vector<1x128x128xbf16>,
    %get3A_64 = arith.constant 2 : index
    %get3A_65 = arith.constant 0 : index
    %get3A_66 = arith.constant 0 : index
    %get3A_67 = vector.load %arg0[%get3A_64, %get3A_65, %get3A_66] : memref<3x128x128xf32, #tpu.memory_space<vmem>>, vector<1x128x128xf32>
    %get3A_68 = vector.shape_cast %get3A_67 : vector<1x128x128xf32> to vector<128x128xf32>
    %get3A_69 = arith.constant 0 : index
    %get3A_70 = arith.constant 0 : index
    %get3A_71 = vector.load %arg1[%get3A_69, %get3A_70] : memref<128x128xf32, #tpu.memory_space<vmem>>, vector<128x128xf32>
    %dot_general3A_72 = arith.constant dense<0.000000e+00> : vector<128x128xf32>
    %dot_general3A_73 = tpu.matmul %get3A_68, %get3A_71, %dot_general3A_72 {dimension_numbers = #tpu.dot_dimension_numbers<[0], [1], [1], [0], [0, 1, 1, 0], [], []>, transpose_lhs_hint = false} : vector<128x128xf32>, vector<128x128xf32>, vector<128x128xf32> -> vector<128x128xf32>
    %convert_element_type3A_74 = arith.truncf %dot_general3A_73 : vector<128x128xf32> to vector<128x128xbf16>
    %swap3A_75 = arith.constant 2 : index
    %swap3A_76 = arith.constant 0 : index
    %swap3A_77 = arith.constant 0 : index
    %swap3A_78 = vector.load %arg4[%swap3A_75, %swap3A_76, %swap3A_77] : memref<3x128x256xbf16, #tpu.memory_space<vmem>>, vector<1x128x128xbf16>
    %swap3A_79 = vector.shape_cast %swap3A_78 : vector<1x128x128xbf16> to vector<128x128xbf16>
    %swap3A_80 = vector.shape_cast %convert_element_type3A_74 : vector<128x128xbf16> to vector<1x128x128xbf16>
    tpu.vector_store %arg4[%swap3A_75, %swap3A_76, %swap3A_77], %swap3A_80 {strides = array<i32>} : memref<3x128x256xbf16, #tpu.memory_space<vmem>>, vector<1x128x128xbf16>,
    %get3A_81 = arith.constant 2 : index
    %get3A_82 = arith.constant 0 : index
    %get3A_83 = arith.constant 0 : index
    %get3A_84 = vector.load %arg2[%get3A_81, %get3A_82, %get3A_83] : memref<3x128x128xf32, #tpu.memory_space<vmem>>, vector<1x128x128xf32>
    %get3A_85 = vector.shape_cast %get3A_84 : vector<1x128x128xf32> to vector<128x128xf32>
    %get3A_86 = arith.constant 0 : index
    %get3A_87 = arith.constant 0 : index
    %get3A_88 = vector.load %arg3[%get3A_86, %get3A_87] : memref<128x128xf32, #tpu.memory_space<vmem>>, vector<128x128xf32>
    %dot_general3A_89 = arith.constant dense<0.000000e+00> : vector<128x128xf32>
    %dot_general3A_90 = tpu.matmul %get3A_85, %get3A_88, %dot_general3A_89 {dimension_numbers = #tpu.dot_dimension_numbers<[0], [1], [1], [0], [0, 1, 1, 0], [], []>, transpose_lhs_hint = false} : vector<128x128xf32>, vector<128x128xf32>, vector<128x128xf32> -> vector<128x128xf32>
    %convert_element_type3A_91 = arith.truncf %dot_general3A_90 : vector<128x128xf32> to vector<128x128xbf16>
    %swap3A_92 = arith.constant 2 : index
    %swap3A_93 = arith.constant 0 : index
    %swap3A_94 = arith.constant 128 : index
    %swap3A_95 = vector.load %arg4[%swap3A_92, %swap3A_93, %swap3A_94] : memref<3x128x256xbf16, #tpu.memory_space<vmem>>, vector<1x128x128xbf16>
    %swap3A_96 = vector.shape_cast %swap3A_95 : vector<1x128x128xbf16> to vector<128x128xbf16>
    %swap3A_97 = vector.shape_cast %convert_element_type3A_91 : vector<128x128xbf16> to vector<1x128x128xbf16>
    tpu.vector_store %arg4[%swap3A_92, %swap3A_93, %swap3A_94], %swap3A_97 {strides = array<i32>} : memref<3x128x256xbf16, #tpu.memory_space<vmem>>, vector<1x128x128xbf16>,
    return
  }
}

module attributes {stable_mosaic.version = 14 : i64} {
  func.func @_main_body(%arg0: i32, %arg1: memref<586xi32, #tpu.memory_space<smem>>, %arg2: memref<586xi32, #tpu.memory_space<smem>>, %arg3: memref<586xi32, #tpu.memory_space<smem>>, %arg4: memref<3x256x128xf32, #tpu.memory_space<vmem>>, %arg5: memref<256x1xi32, #tpu.memory_space<vmem>>, %arg6: memref<256xi32, #tpu.memory_space<vmem>>, %arg7: memref<256xi32, #tpu.memory_space<vmem>>, %arg8: memref<3x128x256xbf16, #tpu.memory_space<vmem>>, %arg9: memref<128x128xbf16, #tpu.memory_space<vmem>>, %arg10: memref<128x128xbf16, #tpu.memory_space<vmem>>, %arg11: memref<128x128xf32, #tpu.memory_space<vmem>>, %arg12: memref<128x128xf32, #tpu.memory_space<vmem>>, %arg13: memref<128x1xi32, #tpu.memory_space<vmem>>) attributes {dimension_semantics = [#tpu.dimension_semantics<arbitrary>], iteration_bounds = array<i64: 586>, scalar_prefetch = 3 : i64, scratch_operands = 2 : i64, tpu.core_type = #tpu.core_type<tc>, window_params = [{transform_indices = @transform_0, window_bounds = array<i64: 3, 256, 128>}, {transform_indices = @transform_1, window_bounds = array<i64: 256, 1>}, {transform_indices = @transform_2, window_bounds = array<i64: 256>}, {transform_indices = @transform_3, window_bounds = array<i64: 256>}, {pipeline_mode = #tpu.pipeline_mode<synchronous>, transform_indices = @transform_4, window_bounds = array<i64: 3, 128, 256>}, {pipeline_mode = #tpu.pipeline_mode<synchronous>, transform_indices = @transform_5, window_bounds = array<i64: 128, 128>}, {pipeline_mode = #tpu.pipeline_mode<synchronous>, transform_indices = @transform_6, window_bounds = array<i64: 128, 128>}, {transform_indices = @transform_7, window_bounds = array<i64: 128, 128>}]} {
    %get3A = arith.index_cast %arg0 : i32 to index
    %get3A_0 = memref.load %arg3[%get3A] : memref<586xi32, #tpu.memory_space<smem>>
    %get3A_1 = arith.index_cast %arg0 : i32 to index
    %get3A_2 = memref.load %arg2[%get3A_1] : memref<586xi32, #tpu.memory_space<smem>>
    %mul3A = arith.constant 128 : i32
    %mul3A_3 = arith.muli %get3A_2, %mul3A : i32
    %and3A = arith.constant 1 : i32
    %and3A_4 = arith.andi %get3A_0, %and3A : i32
    %eq3A = arith.constant 1 : i32
    %eq3A_5 = arith.cmpi eq, %and3A_4, %eq3A : i32
    %convert_element_type3A = arith.extui %eq3A_5 : i1 to i32
    %cond3A = arith.constant 0 : i32
    %cond3A_6 = arith.cmpi ne, %convert_element_type3A, %cond3A : i32
    scf.if %cond3A_6 {
      %broadcast_in_dim3A = arith.constant 0.000000e+00 : f32
      %broadcast_in_dim3A_21 = vector.broadcast %broadcast_in_dim3A : f32 to vector<128x128xf32>
      %swap3A = arith.constant 0 : index
      %swap3A_22 = arith.constant 0 : index
      %swap3A_23 = vector.load %arg12[%swap3A, %swap3A_22] : memref<128x128xf32, #tpu.memory_space<vmem>>, vector<128x128xf32>
      tpu.vector_store %arg12[%swap3A, %swap3A_22], %broadcast_in_dim3A_21 {strides = array<i32>} : memref<128x128xf32, #tpu.memory_space<vmem>>, vector<128x128xf32>,
      %broadcast_in_dim3A_24 = arith.constant 0 : i32
      %broadcast_in_dim3A_25 = vector.broadcast %broadcast_in_dim3A_24 : i32 to vector<128x1xi32>
      %swap3A_26 = arith.constant 0 : index
      %swap3A_27 = arith.constant 0 : index
      %swap3A_28 = vector.load %arg13[%swap3A_26, %swap3A_27] : memref<128x1xi32, #tpu.memory_space<vmem>>, vector<128x1xi32>
      tpu.vector_store %arg13[%swap3A_26, %swap3A_27], %broadcast_in_dim3A_25 {strides = array<i32>} : memref<128x1xi32, #tpu.memory_space<vmem>>, vector<128x1xi32>,
    } else {
    }
    %and3A_7 = arith.constant 4 : i32
    %and3A_8 = arith.andi %get3A_0, %and3A_7 : i32
    %eq3A_9 = arith.constant 4 : i32
    %eq3A_10 = arith.cmpi eq, %and3A_8, %eq3A_9 : i32
    %convert_element_type3A_11 = arith.extui %eq3A_10 : i1 to i32
    %cond3A_12 = arith.constant 0 : i32
    %cond3A_13 = arith.cmpi ne, %convert_element_type3A_11, %cond3A_12 : i32
    scf.if %cond3A_13 {
      %get3A_21 = arith.constant 0 : index
      %get3A_22 = arith.constant 0 : index
      %get3A_23 = arith.constant 0 : index
      %get3A_24 = vector.load %arg4[%get3A_21, %get3A_22, %get3A_23] : memref<3x256x128xf32, #tpu.memory_space<vmem>>, vector<1x256x128xf32>
      %get3A_25 = vector.shape_cast %get3A_24 : vector<1x256x128xf32> to vector<256x128xf32>
      %convert_element_type3A_26 = arith.truncf %get3A_25 : vector<256x128xf32> to vector<256x128xbf16>
      %get3A_27 = arith.constant 1 : index
      %get3A_28 = arith.constant 0 : index
      %get3A_29 = arith.constant 0 : index
      %get3A_30 = vector.load %arg4[%get3A_27, %get3A_28, %get3A_29] : memref<3x256x128xf32, #tpu.memory_space<vmem>>, vector<1x256x128xf32>
      %get3A_31 = vector.shape_cast %get3A_30 : vector<1x256x128xf32> to vector<256x128xf32>
      %convert_element_type3A_32 = arith.truncf %get3A_31 : vector<256x128xf32> to vector<256x128xbf16>
      %get3A_33 = arith.constant 2 : index
      %get3A_34 = arith.constant 0 : index
      %get3A_35 = arith.constant 0 : index
      %get3A_36 = vector.load %arg4[%get3A_33, %get3A_34, %get3A_35] : memref<3x256x128xf32, #tpu.memory_space<vmem>>, vector<1x256x128xf32>
      %get3A_37 = vector.shape_cast %get3A_36 : vector<1x256x128xf32> to vector<256x128xf32>
      %convert_element_type3A_38 = arith.truncf %get3A_37 : vector<256x128xf32> to vector<256x128xbf16>
      %get3A_39 = arith.constant 0 : index
      %get3A_40 = arith.constant 0 : index
      %get3A_41 = arith.constant 0 : index
      %get3A_42 = vector.load %arg8[%get3A_39, %get3A_40, %get3A_41] : memref<3x128x256xbf16, #tpu.memory_space<vmem>>, vector<1x128x256xbf16>
      %get3A_43 = vector.shape_cast %get3A_42 : vector<1x128x256xbf16> to vector<128x256xbf16>
      %dot_general3A = arith.constant dense<0.000000e+00> : vector<256x256xf32>
      %dot_general3A_44 = tpu.matmul %convert_element_type3A_26, %get3A_43, %dot_general3A {dimension_numbers = #tpu.dot_dimension_numbers<[1], [0], [0], [1], [0, 0, 1, 1], [], []>, transpose_lhs_hint = false} : vector<256x128xbf16>, vector<128x256xbf16>, vector<256x256xf32> -> vector<256x256xf32>
      %get3A_45 = arith.constant 1 : index
      %get3A_46 = arith.constant 0 : index
      %get3A_47 = arith.constant 0 : index
      %get3A_48 = vector.load %arg8[%get3A_45, %get3A_46, %get3A_47] : memref<3x128x256xbf16, #tpu.memory_space<vmem>>, vector<1x128x256xbf16>
      %get3A_49 = vector.shape_cast %get3A_48 : vector<1x128x256xbf16> to vector<128x256xbf16>
      %dot_general3A_50 = arith.constant dense<0.000000e+00> : vector<256x256xf32>
      %dot_general3A_51 = tpu.matmul %convert_element_type3A_32, %get3A_49, %dot_general3A_50 {dimension_numbers = #tpu.dot_dimension_numbers<[1], [0], [0], [1], [0, 0, 1, 1], [], []>, transpose_lhs_hint = false} : vector<256x128xbf16>, vector<128x256xbf16>, vector<256x256xf32> -> vector<256x256xf32>
      %add3A = arith.addf %dot_general3A_44, %dot_general3A_51 : vector<256x256xf32>
      %get3A_52 = arith.constant 2 : index
      %get3A_53 = arith.constant 0 : index
      %get3A_54 = arith.constant 0 : index
      %get3A_55 = vector.load %arg8[%get3A_52, %get3A_53, %get3A_54] : memref<3x128x256xbf16, #tpu.memory_space<vmem>>, vector<1x128x256xbf16>
      %get3A_56 = vector.shape_cast %get3A_55 : vector<1x128x256xbf16> to vector<128x256xbf16>
      %dot_general3A_57 = arith.constant dense<0.000000e+00> : vector<256x256xf32>
      %dot_general3A_58 = tpu.matmul %convert_element_type3A_38, %get3A_56, %dot_general3A_57 {dimension_numbers = #tpu.dot_dimension_numbers<[1], [0], [0], [1], [0, 0, 1, 1], [], []>, transpose_lhs_hint = false} : vector<256x128xbf16>, vector<128x256xbf16>, vector<256x256xf32> -> vector<256x256xf32>
      %add3A_59 = arith.addf %add3A, %dot_general3A_58 : vector<256x256xf32>
      %get3A_60 = arith.constant 0 : index
      %get3A_61 = arith.constant 0 : index
      %get3A_62 = vector.load %arg9[%get3A_60, %get3A_61] : memref<128x128xbf16, #tpu.memory_space<vmem>>, vector<128x128xbf16>
      %dot_general3A_63 = arith.constant dense<0.000000e+00> : vector<256x128xf32>
      %dot_general3A_64 = tpu.matmul %convert_element_type3A_26, %get3A_62, %dot_general3A_63 {dimension_numbers = #tpu.dot_dimension_numbers<[1], [1], [0], [0], [0, 0, 1, 0], [], []>, transpose_lhs_hint = false} : vector<256x128xbf16>, vector<128x128xbf16>, vector<256x128xf32> -> vector<256x128xf32>
      %get3A_65 = arith.constant 0 : index
      %get3A_66 = arith.constant 0 : index
      %get3A_67 = vector.load %arg5[%get3A_65, %get3A_66] : memref<256x1xi32, #tpu.memory_space<vmem>>, vector<256x1xi32>
      %eq3A_68 = arith.constant 3 : i32
      %eq3A_69 = vector.broadcast %eq3A_68 : i32 to vector<256x1xi32>
      %eq3A_70 = arith.cmpi eq, %get3A_67, %eq3A_69 : vector<256x1xi32>
      %slice3A = vector.extract_strided_slice %add3A_59 {offsets = [0, 128], sizes = [256, 128], strides = [1, 1]} : vector<256x256xf32> to vector<256x128xf32>
      %broadcast_in_dim3A = vector.shape_cast %eq3A_70 : vector<256x1xi1> to vector<256x1xi1>
      %broadcast_in_dim3A_71 = vector.broadcast %broadcast_in_dim3A : vector<256x1xi1> to vector<256x128xi1>
      %select_n3A = arith.select %broadcast_in_dim3A_71, %slice3A, %get3A_25 : vector<256x128xi1>, vector<256x128xf32>
      %eq3A_72 = arith.constant 2 : i32
      %eq3A_73 = vector.broadcast %eq3A_72 : i32 to vector<256x1xi32>
      %eq3A_74 = arith.cmpi eq, %get3A_67, %eq3A_73 : vector<256x1xi32>
      %slice3A_75 = vector.extract_strided_slice %add3A_59 {offsets = [0, 0], sizes = [256, 128], strides = [1, 1]} : vector<256x256xf32> to vector<256x128xf32>
      %broadcast_in_dim3A_76 = vector.shape_cast %eq3A_74 : vector<256x1xi1> to vector<256x1xi1>
      %broadcast_in_dim3A_77 = vector.broadcast %broadcast_in_dim3A_76 : vector<256x1xi1> to vector<256x128xi1>
      %select_n3A_78 = arith.select %broadcast_in_dim3A_77, %slice3A_75, %select_n3A : vector<256x128xi1>, vector<256x128xf32>
      %eq3A_79 = arith.constant 1 : i32
      %eq3A_80 = vector.broadcast %eq3A_79 : i32 to vector<256x1xi32>
      %eq3A_81 = arith.cmpi eq, %get3A_67, %eq3A_80 : vector<256x1xi32>
      %broadcast_in_dim3A_82 = vector.shape_cast %eq3A_81 : vector<256x1xi1> to vector<256x1xi1>
      %broadcast_in_dim3A_83 = vector.broadcast %broadcast_in_dim3A_82 : vector<256x1xi1> to vector<256x128xi1>
      %select_n3A_84 = arith.select %broadcast_in_dim3A_83, %dot_general3A_64, %select_n3A_78 : vector<256x128xi1>, vector<256x128xf32>
      %get3A_85 = arith.constant 0 : index
      %get3A_86 = vector.load %arg6[%get3A_85] : memref<256xi32, #tpu.memory_space<vmem>>, vector<256xi32>
      %sub3A = vector.broadcast %mul3A_3 : i32 to vector<256xi32>
      %sub3A_87 = arith.subi %get3A_86, %sub3A : vector<256xi32>
      %iota3A = tpu.iota {dimensions = array<i32: 0>} : vector<128x256xi32>
      %broadcast_in_dim3A_88 = vector.shape_cast %sub3A_87 : vector<256xi32> to vector<1x256xi32>
      %eq3A_89 = vector.broadcast %broadcast_in_dim3A_88 : vector<1x256xi32> to vector<128x256xi32>
      %eq3A_90 = arith.cmpi eq, %iota3A, %eq3A_89 : vector<128x256xi32>
      %get3A_91 = arith.constant 0 : index
      %get3A_92 = arith.constant 0 : index
      %get3A_93 = vector.load %arg12[%get3A_91, %get3A_92] : memref<128x128xf32, #tpu.memory_space<vmem>>, vector<128x128xf32>
      %convert_element_type3A_94 = arith.extui %eq3A_90 : vector<128x256xi1> to vector<128x256xi32>
      %convert_element_type3A_95 = arith.sitofp %convert_element_type3A_94 : vector<128x256xi32> to vector<128x256xf32>
      %convert_element_type3A_96 = arith.truncf %convert_element_type3A_95 : vector<128x256xf32> to vector<128x256xbf16>
      %convert_element_type3A_97 = arith.truncf %select_n3A_84 : vector<256x128xf32> to vector<256x128xbf16>
      %dot_general3A_98 = arith.constant dense<0.000000e+00> : vector<128x128xf32>
      %dot_general3A_99 = tpu.matmul %convert_element_type3A_96, %convert_element_type3A_97, %dot_general3A_98 {dimension_numbers = #tpu.dot_dimension_numbers<[1], [0], [0], [1], [0, 0, 1, 1], [], []>, transpose_lhs_hint = false} : vector<128x256xbf16>, vector<256x128xbf16>, vector<128x128xf32> -> vector<128x128xf32>
      %add3A_100 = arith.addf %get3A_93, %dot_general3A_99 : vector<128x128xf32>
      %swap3A = arith.constant 0 : index
      %swap3A_101 = arith.constant 0 : index
      %swap3A_102 = vector.load %arg12[%swap3A, %swap3A_101] : memref<128x128xf32, #tpu.memory_space<vmem>>, vector<128x128xf32>
      tpu.vector_store %arg12[%swap3A, %swap3A_101], %add3A_100 {strides = array<i32>} : memref<128x128xf32, #tpu.memory_space<vmem>>, vector<128x128xf32>,
      %get3A_103 = arith.constant 0 : index
      %get3A_104 = arith.constant 0 : index
      %get3A_105 = vector.load %arg13[%get3A_103, %get3A_104] : memref<128x1xi32, #tpu.memory_space<vmem>>, vector<128x1xi32>
      %get3A_106 = arith.constant 0 : index
      %get3A_107 = vector.load %arg7[%get3A_106] : memref<256xi32, #tpu.memory_space<vmem>>, vector<256xi32>
      %broadcast_in_dim3A_108 = vector.shape_cast %get3A_107 : vector<256xi32> to vector<1x256xi32>
      %jit3A = arith.constant 0 : i32
      %broadcast_in_dim3A_109 = vector.shape_cast %broadcast_in_dim3A_108 : vector<1x256xi32> to vector<1x256xi32>
      %broadcast_in_dim3A_110 = vector.broadcast %broadcast_in_dim3A_109 : vector<1x256xi32> to vector<128x256xi32>
      %broadcast_in_dim3A_111 = vector.broadcast %jit3A : i32 to vector<128x256xi32>
      %select_n3A_112 = arith.select %eq3A_90, %broadcast_in_dim3A_110, %broadcast_in_dim3A_111 : vector<128x256xi1>, vector<128x256xi32>
      %reduce_max3A = arith.constant dense<-2147483648> : vector<128xi32>
      %reduce_max3A_113 = vector.multi_reduction <maxsi>, %select_n3A_112, %reduce_max3A [1] : vector<128x256xi32> to vector<128xi32>
      %broadcast_in_dim3A_114 = vector.shape_cast %reduce_max3A_113 : vector<128xi32> to vector<128x1xi32>
      %max3A = arith.maxsi %get3A_105, %broadcast_in_dim3A_114 : vector<128x1xi32>
      %swap3A_115 = arith.constant 0 : index
      %swap3A_116 = arith.constant 0 : index
      %swap3A_117 = vector.load %arg13[%swap3A_115, %swap3A_116] : memref<128x1xi32, #tpu.memory_space<vmem>>, vector<128x1xi32>
      tpu.vector_store %arg13[%swap3A_115, %swap3A_116], %max3A {strides = array<i32>} : memref<128x1xi32, #tpu.memory_space<vmem>>, vector<128x1xi32>,
    } else {
    }
    %and3A_14 = arith.constant 2 : i32
    %and3A_15 = arith.andi %get3A_0, %and3A_14 : i32
    %eq3A_16 = arith.constant 2 : i32
    %eq3A_17 = arith.cmpi eq, %and3A_15, %eq3A_16 : i32
    %convert_element_type3A_18 = arith.extui %eq3A_17 : i1 to i32
    %cond3A_19 = arith.constant 0 : i32
    %cond3A_20 = arith.cmpi ne, %convert_element_type3A_18, %cond3A_19 : i32
    scf.if %cond3A_20 {
      %get3A_21 = arith.constant 0 : index
      %get3A_22 = arith.constant 0 : index
      %get3A_23 = vector.load %arg12[%get3A_21, %get3A_22] : memref<128x128xf32, #tpu.memory_space<vmem>>, vector<128x128xf32>
      %get3A_24 = arith.constant 0 : index
      %get3A_25 = arith.constant 0 : index
      %get3A_26 = vector.load %arg13[%get3A_24, %get3A_25] : memref<128x1xi32, #tpu.memory_space<vmem>>, vector<128x1xi32>
      %gt3A = arith.constant 0.000000e+00 : f32
      %gt3A_27 = vector.broadcast %gt3A : f32 to vector<128x128xf32>
      %gt3A_28 = arith.cmpf ogt, %get3A_23, %gt3A_27 : vector<128x128xf32>
      %exp3A = math.exp %get3A_23 : vector<128x128xf32>
      %sub3A = arith.constant 1.000000e+00 : f32
      %sub3A_29 = vector.broadcast %sub3A : f32 to vector<128x128xf32>
      %sub3A_30 = arith.subf %exp3A, %sub3A_29 : vector<128x128xf32>
      %select_n3A = arith.select %gt3A_28, %get3A_23, %sub3A_30 : vector<128x128xi1>, vector<128x128xf32>
      %ne3A = arith.constant 0 : i32
      %ne3A_31 = vector.broadcast %ne3A : i32 to vector<128x1xi32>
      %ne3A_32 = arith.cmpi ne, %get3A_26, %ne3A_31 : vector<128x1xi32>
      %broadcast_in_dim3A = vector.shape_cast %ne3A_32 : vector<128x1xi1> to vector<128x1xi1>
      %broadcast_in_dim3A_33 = vector.broadcast %broadcast_in_dim3A : vector<128x1xi1> to vector<128x128xi1>
      %select_n3A_34 = arith.select %broadcast_in_dim3A_33, %select_n3A, %get3A_23 : vector<128x128xi1>, vector<128x128xf32>
      %convert_element_type3A_35 = arith.truncf %select_n3A_34 : vector<128x128xf32> to vector<128x128xbf16>
      %get3A_36 = arith.constant 0 : index
      %get3A_37 = arith.constant 0 : index
      %get3A_38 = vector.load %arg10[%get3A_36, %get3A_37] : memref<128x128xbf16, #tpu.memory_space<vmem>>, vector<128x128xbf16>
      %dot_general3A = arith.constant dense<0.000000e+00> : vector<128x128xf32>
      %dot_general3A_39 = tpu.matmul %convert_element_type3A_35, %get3A_38, %dot_general3A {dimension_numbers = #tpu.dot_dimension_numbers<[1], [1], [0], [0], [0, 0, 1, 0], [], []>, transpose_lhs_hint = false} : vector<128x128xbf16>, vector<128x128xbf16>, vector<128x128xf32> -> vector<128x128xf32>
      %eq3A_40 = arith.constant 1 : i32
      %eq3A_41 = vector.broadcast %eq3A_40 : i32 to vector<128x1xi32>
      %eq3A_42 = arith.cmpi eq, %get3A_26, %eq3A_41 : vector<128x1xi32>
      %broadcast_in_dim3A_43 = vector.shape_cast %eq3A_42 : vector<128x1xi1> to vector<128x1xi1>
      %broadcast_in_dim3A_44 = vector.broadcast %broadcast_in_dim3A_43 : vector<128x1xi1> to vector<128x128xi1>
      %select_n3A_45 = arith.select %broadcast_in_dim3A_44, %dot_general3A_39, %select_n3A_34 : vector<128x128xi1>, vector<128x128xf32>
      %swap3A = arith.constant 0 : index
      %swap3A_46 = arith.constant 0 : index
      %swap3A_47 = vector.load %arg11[%swap3A, %swap3A_46] : memref<128x128xf32, #tpu.memory_space<vmem>>, vector<128x128xf32>
      tpu.vector_store %arg11[%swap3A, %swap3A_46], %select_n3A_45 {strides = array<i32>} : memref<128x128xf32, #tpu.memory_space<vmem>>, vector<128x128xf32>,
    } else {
    }
    return
  }
  func.func @transform_0(%arg0: i32, %arg1: memref<586xi32, #tpu.memory_space<smem>>, %arg2: memref<586xi32, #tpu.memory_space<smem>>, %arg3: memref<586xi32, #tpu.memory_space<smem>>) -> (i32, i32, i32) {
    %get3A = arith.index_cast %arg0 : i32 to index
    %get3A_0 = memref.load %arg1[%get3A] : memref<586xi32, #tpu.memory_space<smem>>
    %c0_i32 = arith.constant 0 : i32
    %c0_i32_1 = arith.constant 0 : i32
    %c0_i32_2 = arith.constant 0 : i32
    return %c0_i32, %get3A_0, %c0_i32_1 : i32, i32, i32
  }
  func.func @transform_1(%arg0: i32, %arg1: memref<586xi32, #tpu.memory_space<smem>>, %arg2: memref<586xi32, #tpu.memory_space<smem>>, %arg3: memref<586xi32, #tpu.memory_space<smem>>) -> (i32, i32) {
    %get3A = arith.index_cast %arg0 : i32 to index
    %get3A_0 = memref.load %arg1[%get3A] : memref<586xi32, #tpu.memory_space<smem>>
    %c0_i32 = arith.constant 0 : i32
    %c0_i32_1 = arith.constant 0 : i32
    return %get3A_0, %c0_i32 : i32, i32
  }
  func.func @transform_2(%arg0: i32, %arg1: memref<586xi32, #tpu.memory_space<smem>>, %arg2: memref<586xi32, #tpu.memory_space<smem>>, %arg3: memref<586xi32, #tpu.memory_space<smem>>) -> i32 {
    %get3A = arith.index_cast %arg0 : i32 to index
    %get3A_0 = memref.load %arg1[%get3A] : memref<586xi32, #tpu.memory_space<smem>>
    %c0_i32 = arith.constant 0 : i32
    return %get3A_0 : i32
  }
  func.func @transform_3(%arg0: i32, %arg1: memref<586xi32, #tpu.memory_space<smem>>, %arg2: memref<586xi32, #tpu.memory_space<smem>>, %arg3: memref<586xi32, #tpu.memory_space<smem>>) -> i32 {
    %get3A = arith.index_cast %arg0 : i32 to index
    %get3A_0 = memref.load %arg1[%get3A] : memref<586xi32, #tpu.memory_space<smem>>
    %c0_i32 = arith.constant 0 : i32
    return %get3A_0 : i32
  }
  func.func @transform_4(%arg0: i32, %arg1: memref<586xi32, #tpu.memory_space<smem>>, %arg2: memref<586xi32, #tpu.memory_space<smem>>, %arg3: memref<586xi32, #tpu.memory_space<smem>>) -> (i32, i32, i32) {
    %c0_i32 = arith.constant 0 : i32
    %c0_i32_0 = arith.constant 0 : i32
    %c0_i32_1 = arith.constant 0 : i32
    %c0_i32_2 = arith.constant 0 : i32
    return %c0_i32, %c0_i32_0, %c0_i32_1 : i32, i32, i32
  }
  func.func @transform_5(%arg0: i32, %arg1: memref<586xi32, #tpu.memory_space<smem>>, %arg2: memref<586xi32, #tpu.memory_space<smem>>, %arg3: memref<586xi32, #tpu.memory_space<smem>>) -> (i32, i32) {
    %c0_i32 = arith.constant 0 : i32
    %c0_i32_0 = arith.constant 0 : i32
    %c0_i32_1 = arith.constant 0 : i32
    return %c0_i32, %c0_i32_0 : i32, i32
  }
  func.func @transform_6(%arg0: i32, %arg1: memref<586xi32, #tpu.memory_space<smem>>, %arg2: memref<586xi32, #tpu.memory_space<smem>>, %arg3: memref<586xi32, #tpu.memory_space<smem>>) -> (i32, i32) {
    %c0_i32 = arith.constant 0 : i32
    %c0_i32_0 = arith.constant 0 : i32
    %c0_i32_1 = arith.constant 0 : i32
    return %c0_i32, %c0_i32_0 : i32, i32
  }
  func.func @transform_7(%arg0: i32, %arg1: memref<586xi32, #tpu.memory_space<smem>>, %arg2: memref<586xi32, #tpu.memory_space<smem>>, %arg3: memref<586xi32, #tpu.memory_space<smem>>) -> (i32, i32) {
    %get3A = arith.index_cast %arg0 : i32 to index
    %get3A_0 = memref.load %arg2[%get3A] : memref<586xi32, #tpu.memory_space<smem>>
    %c0_i32 = arith.constant 0 : i32
    %c0_i32_1 = arith.constant 0 : i32
    return %get3A_0, %c0_i32 : i32, i32
  }
}

</mosaic_0001>

<sc_bundles>
// kernel: kernel.6.cloned.1.call-start
scs
__scs_entry_jumppad:
0x0: {  	(pc) =	sbr.rel $0x88, $3  }
0x1: {  	(tag) =	ssettag $0x0;
	lr =	simm.s32 $0x1  }
0x2: {  	[smem:$0x3F96] =	sst lr;
	_ =	strace $0xD0000000  }
0x3: {  	_ = 	snop  }
0x4: {  	_ = 	snop  }
0x5: {  	_ = 	snop  }
0x6: {  	_ = 	snop  }
0x7: {  	_ = 	snop  }
__scs_overlays_trampoline_lowered:
0x8: {  	[smem:$0x3FA5] =	sst s0  }
0x9: {  	[smem:$0x3FA6] =	sst s1  }
0xa: {  	[smem:$0x3FA7] =	sst s2  }
0xb: {  	[smem:$0x3FA8] =	sst s3  }
0xc: {  	[smem:$0x3FA9] =	sst s4  }
0xd: {  	[smem:$0x3FAA] =	sst s5  }
0xe: {  	[smem:$0x3FAB] =	sst s6  }
0xf: {  	[smem:$0x3FAC] =	sst s7  }
0x10: {  	[smem:$0x3FAD] =	sst s8  }
0x11: {  	[smem:$0x3FAE] =	sst s9;
	s0 =	simm.s32 @!p0 $0x0  }
0x12: {  	s1 =	sld [smem:$0x3F94];
	s0 =	simm.s32 @p0 $0x1  }
0x13: {  	[smem:$0x3FAF] =	sst s0;
	s0 =	simm.s32 @!p1 $0x0  }
0x14: {  	s2 =	sld [smem:$0x3F93];
	s0 =	simm.s32 @p1 $0x1  }
0x15: {  	[smem:$0x3FB0] =	sst s0;
	s0 =	simm.s32 @!p2 $0x0  }
0x16: {  	s3 =	sld [smem:$0x3FDB];
	s0 =	simm.s32 @p2 $0x1  }
0x17: {  	s4 =	simm.s32 $0x1BF5;
	[smem:$0x3FB2] =	sst s0  }
0x18: {  	s0 =	sld [smem:$0x3F95];
	_ =	swait.ge [sflag:s4], $0x0  }
0x19: {  	s7 =	sld [smem:$0x3F96]  }
0x1a: {  	s8 =	sadd.s32 $0xFFFFE003, lr  }
0x1b: {  	s9 =	sadd.s32 $0xFFFFFEF7, lr;
	s5 =	simm.s32 $0xFFFFFFFF;
	p2 =	slt.u32 s8, $0xFFFFF086  }
0x1c: {  	p1 =	slt.u32 s9, $0xF7A;
	s5 =	simm.s32 @!p2 $0x0  }
0x1d: {  	s5 =	simm.s32 @p1 $0x1;
	p0 =	seq.s32 s7, s2  }
0x1e: {  	s7 =	smul.u32 @!p0 $0xF7A, s2;
	p2 =	seq.s32 @!p0 s5, $0x0  }
0x1f: {  	s9 =	smul.u32 $0xF7A, s1;
	s8 =	simm.s32 @!p0 $0x1BF5;
	p2 =	por !p2, p0  }
0x20: {  	[sflag:s8] =	ssyncset.s32 @!p0 $0xFFFFF086;
	s6 =	sadd.s32 @!p0 s3, s7;
	s7 =	simm.s32 @!p0 $0x108  }
0x21: {  	s3 =	sadd.s32 s3, s9;
	s6 =	sadd.s32 @!p0 $0x88, s6;
	s7 =	simm.s32 @p2 $0x1082  }
0x22: {  	[simem:s7], [sflag:s8] =	dma.local @!p0 [hbm:s6], $0xF7A  }
0x23: {  	s9 =	sor.u32 $0xD0000000, s2;
	s6 =	simm.s32 $0x108;
	_ =	swait.ge @!p0 [sflag:s8], $0x0  }
0x24: {  	s3 =	sadd.s32 $0x88, s3;
	s6 =	simm.s32 @!p1 $0x1082;
	[sflag:s4] =	ssyncset.s32 $0xFFFFF086  }
0x25: {  	[simem:s6], [sflag:s4] =	dma.local [hbm:s3], $0xF7A  }
0x26: {  	[smem:$0x3F96] =	sst s1;
	(tag) =	ssettag s2;
	_ =	strace s9  }
0x27: {  	s1 =	sld [smem:$0x3FA6]  }
0x28: {  	s2 =	sld [smem:$0x3FA7]  }
0x29: {  	s4 =	sld [smem:$0x3FA9]  }
0x2a: {  	p0 =	seq.s32 s5, $0x0;
	s5 =	sld [smem:$0x3FAA]  }
0x2b: {  	s6 =	sld [smem:$0x3FAB]  }
0x2c: {  	s7 =	sld [smem:$0x3FAC]  }
0x2d: {  	s3 =	simm.s32 $0x108;
	s8 =	sld [smem:$0x3FAD]  }
0x2e: {  	s3 =	simm.s32 @!p0 $0x1082;
	s9 =	sld [smem:$0x3FAE]  }
0x2f: {  	lr =	sadd.s32 s0, s3;
	s0 =	sld [smem:$0x3FA5]  }
0x30: {  	s3 =	sld [smem:$0x3FA8]  }
0x31: {  	[smem:$0x3FB1] =	sst s10  }
0x32: {  	s10 =	sld [smem:$0x3FAF];
	_ =	sdelay $0x3  }
0x33: {  	p0 =	seq.s32 s10, $0x1;
	s10 =	sld [smem:$0x3FB1];
	_ =	sdelay $0x3  }
0x34: {  	[smem:$0x3FB1] =	sst s10  }
0x35: {  	s10 =	sld [smem:$0x3FB0];
	_ =	sdelay $0x3  }
0x36: {  	p1 =	seq.s32 s10, $0x1;
	s10 =	sld [smem:$0x3FB1];
	_ =	sdelay $0x3  }
0x37: {  	[smem:$0x3FB1] =	sst s10  }
0x38: {  	s10 =	sld [smem:$0x3FB2]  }
0x39: {  	_ = 	snop;
	(pc) =	sbr.ind lr, $3  }
0x3a: {  	_ = 	snop  }
0x3b: {  	_ = 	snop  }
0x3c: {  	p2 =	seq.s32 s10, $0x1;
	s10 =	sld [smem:$0x3FB1]  }
0x3d: {  	_ =	shalt  }
0x3e: {  	_ =	shalt  }
0x3f: {  	_ =	shalt  }
0x40: {  	_ =	shalt  }
0x41: {  	_ =	shalt  }
0x42: {  	_ =	shalt  }
0x43: {  	_ =	shalt  }
0x44: {  	_ =	shalt  }
0x45: {  	_ =	shalt  }
0x46: {  	_ =	shalt  }
0x47: {  	_ =	shalt  }
0x48: {  	_ =	shalt  }
0x49: {  	_ =	shalt  }
0x4a: {  	_ =	shalt  }
0x4b: {  	_ =	shalt  }
0x4c: {  	_ =	shalt  }
0x4d: {  	_ =	shalt  }
0x4e: {  	_ =	shalt  }
0x4f: {  	_ =	shalt  }
0x50: {  	_ =	shalt  }
0x51: {  	_ =	shalt  }
0x52: {  	_ =	shalt  }
0x53: {  	_ =	shalt  }
0x54: {  	_ =	shalt  }
0x55: {  	_ =	shalt  }
0x56: {  	_ =	shalt  }
0x57: {  	_ =	shalt  }
0x58: {  	_ =	shalt  }
0x59: {  	_ =	shalt  }
0x5a: {  	_ =	shalt  }
0x5b: {  	_ =	shalt  }
0x5c: {  	_ =	shalt  }
0x5d: {  	_ =	shalt  }
0x5e: {  	_ =	shalt  }
0x5f: {  	_ =	shalt  }
0x60: {  	_ =	shalt  }
0x61: {  	_ =	shalt  }
0x62: {  	_ =	shalt  }
0x63: {  	_ =	shalt  }
0x64: {  	_ =	shalt  }
0x65: {  	_ =	shalt  }
0x66: {  	_ =	shalt  }
0x67: {  	_ =	shalt  }
0x68: {  	_ =	shalt  }
0x69: {  	_ =	shalt  }
0x6a: {  	_ =	shalt  }
0x6b: {  	_ =	shalt  }
0x6c: {  	_ =	shalt  }
0x6d: {  	_ =	shalt  }
0x6e: {  	_ =	shalt  }
0x6f: {  	_ =	shalt  }
0x70: {  	_ =	shalt  }
0x71: {  	_ =	shalt  }
0x72: {  	_ =	shalt  }
0x73: {  	_ =	shalt  }
0x74: {  	_ =	shalt  }
0x75: {  	_ =	shalt  }
0x76: {  	_ =	shalt  }
0x77: {  	_ =	shalt  }
0x78: {  	_ =	shalt  }
0x79: {  	_ =	shalt  }
0x7a: {  	_ =	shalt  }
0x7b: {  	_ =	shalt  }
0x7c: {  	_ =	shalt  }
0x7d: {  	_ =	shalt  }
0x7e: {  	_ =	shalt  }
0x7f: {  	_ =	shalt  }
0x80: {  	_ =	shalt  }
0x81: {  	_ =	shalt  }
0x82: {  	_ =	shalt  }
0x83: {  	_ =	shalt  }
0x84: {  	_ =	shalt  }
0x85: {  	_ =	shalt  }
0x86: {  	_ =	shalt  }
0x87: {  	_ =	shalt  }
.Lfunc_end0:
.L_simem_size_0:
called_computation_lowered:
.L_overlay_start_0:
0x88: {  	s2 =	sld [smem:$0x3FD9]  }
0x89: {  	s3 =	sld [smem:$0x3FFE];
	_ =	sdelay $0x1  }
0x8a: {  	s1 =	srdreg.scid  }
0x8b: {  	s0 =	sand.u32 $0x1, s1  }
0x8c: {  	s17 =	sshll.u32 s0, $0xA;
	s2 =	sadd.s32 s3, s2  }
0x8d: {  	s2 =	sadd.s32 s2, s17  }
0x8e: {  	[smem:$0x3FBD] =	sst s2  }
0x8f: {  	_ = 	snop  }
0x90: {  	s2 =	sld [smem:$0x3FC9];
	(tm) =	ssettm $0x1  }
0x91: {  	s18 =	sld [smem:$0x3FFB];
	_ =	sdelay $0x3  }
0x92: {  	_ =	strace s18  }
0x93: {  	s3 =	sld [smem:$0x3FFC];
	_ =	sdelay $0x3  }
0x94: {  	_ =	strace s3  }
0x95: {  	s3 =	sld [smem:$0x3FFD];
	_ =	sdelay $0x3  }
0x96: {  	_ =	strace s3  }
0x97: {  	_ =	strace $0x8FFFFFFF  }
0x98: {  	s19 =	sld [smem:$0x3FDB];
	_ =	sdelay $0x1  }
0x99: {  	s4 =	simm.s32 $_scs_section_size  }
0x9a: {  	s5 =	simm.s32 $_size__tile_overlayer_lowered;
	s6 =	simm.s32 $_tile_overlayer_lowered  }
0x9b: {  	s22 =	simm.s32 $0x1BFF;
	s21 =	sshll.u32 s6, $0x1;
	s3 =	sadd.s32 s4, s19  }
0x9c: {  	s7 =	simm.s32 $0x0;
	s20 =	sshll.u32 s5, $0x1;
	s5 =	sadd.s32 s21, s3  }
0x9d: {  	[timem:s7], [sflag:s22] =	dma.local [hbm:s5], s20  }
0x9e: {  	_ =	swait.ge [sflag:s22], s20  }
0x9f: {  	s4 =	ssub.s32 $0x0, s20;
	[sflag:s22] =	ssyncset.done $0x0  }
0xa0: {  	[sflag:s22] =	ssyncadd.s32 s4;
	_ =	sdelay $0x1  }
0xa1: {  	s23 =	simm.s32 $0x1B8B  }
0xa2: {  	_ =	swait.ge [sflag:s23], $0x1  }
0xa3: {  	[sflag:s23] =	ssyncset.done $0x0  }
0xa4: {  	s25 =	simm.s32 $0x1B8E;
	s24 =	sld [smem:$0x3FFE];
	[sflag:s23] =	ssyncadd.s32 $0xFFFFFFFF  }
0xa5: {  	s26 =	simm.s32 $execute0_lowered;
	[smem:$0x3FD2] =	sst s25  }
0xa6: {  	s5 =	sshll.u32 s26, $0x1;
	_ =	strace $0x80000046;
	[dreg:$0x1] =	wrdreg $0xFFFFFFFF  }
0xa7: {  	s28 =	simm.s32 $_size_execute0_lowered;
	s3 =	sadd.s32 s3, s5;
	[dreg:$0x0] =	wrdreg $0x0  }
0xa8: {  	s5 =	sshll.u32 s28, $0x1;
	[dreg:$0x2] =	wrdreg s3  }
0xa9: {  	[dreg:$0x3] =	wrdreg s5  }
0xaa: {  	[dreg:$0x4] =	wrdreg $0xC0  }
0xab: {  	_ =	task [dreg:s7], $0x5FFFF  }
0xac: {  	[dreg:$0x1] =	wrdreg $0xFFFFFFFF  }
0xad: {  	[dreg:$0x0] =	wrdreg $0x60  }
0xae: {  	[dreg:$0x2] =	wrdreg s2  }
0xaf: {  	[dreg:$0x3] =	wrdreg s24  }
0xb0: {  	[dreg:$0x4] =	wrdreg $0x9  }
0xb1: {  	_ =	task.clear_ibuf [dreg:s7], $0x5FFFF;
	_ =	strace $0x90000046  }
0xb2: {  	s29 =	simm.s32 $0x9;
	_ =	strace $0x80000048  }
0xb3: {  	_ =	swait.ge [sflag:s29], $0x1  }
0xb4: {  	[sflag:s29] =	ssyncadd.s32 $0xFFFFFFFF  }
0xb5: {  	_ =	strace $0x90000048  }
0xb6: {  	_ =	sfence  }
0xb7: {  	s30 =	sld [smem:$0x0];
	_ =	sdelay $0x2  }
0xb8: {  	s31 =	sshll.u32 s1, $0xD;
	s1 =	sshrl.u32 s1, $0x2  }
0xb9: {  	s3 =	sand.u32 $0x4000, s31;
	s1 =	sadd.s32 s1, s30  }
0xba: {  	s0 =	sor.u32 s3, s0;
	s1 =	sshll.u32 s1, $0x11  }
0xbb: {  	s0 =	sor.u32 s1, s0  }
0xbc: {  	s0 =	sadd.s32 $0x8F2B, s0  }
0xbd: {  	[sflag:s0] =	ssyncadd.remote.s32 $0x1  }
0xbe: {  	_ =	sfence.sel $0xFFFF  }
0xbf: {  	[dreg:$0x0] =	wrdreg $0xFFFFFFFF;
	(pc) =	sbr.abs _section_cstart, $3  }
0xc0: {  	[dreg:$0x1] =	wrdreg $0xFFFFFFFF  }
0xc1: {  	_ =	task.clear_ibuf [dreg:s7], $0x2FFFF;
	_ =	strace $0x9FFFFFFF  }
0xc2: {  	(tm) =	ssettm $0x7FFFFFFF  }
0xc3: {  	_ =	shalt  }
tec
execute0_lowered:
.L_overlay_start_1:
0x0: {  	(tag) =	ssettag $0x1  }
0x1: {  	s0 =	srdreg.scid  }
0x2: {  	s10 =	stileid.u32;
	s2 =	rddreg [dreg:$0x0]  }
0x3: {  	s4 =	rddreg [dreg:$0x1];
	s3 =	simm.s32 $0x0;
	s11 =	simm.s32 $0xF  }
0x4: {  	s12 =	simm.s32 $0x80;
	s13 =	simm.s32 $0x1880;
	s16 =	simm.s32 $0x9880  }
0x5: {  	s20 =	simm.s32 $0x11880;
	s24 =	simm.s32 $0x19880;
	s28 =	simm.s32 $0x5  }
0x6: {  	s29 =	simm.s32 $0x7;
	s30 =	simm.s32 $0x8;
	s31 =	simm.s32 $0x9  }
0x7: {  	s14 =	simm.s32 $0xD;
	s15 =	simm.s32 $0xE;
	s17 =	simm.s32 $0x0  }
0x8: {  	s0 =	sand.u32 $0x1, s0;
	s1 =	sshll.u32 s10, $0x1;
	s10 =	smul.u32 $0x31000, s10  }
0x9: {  	s1 =	sor.u32 s0, s1;
	s6 =	ssub.s32 $0x2, s0;
	s0 =	smul.u32 $0x18800, s0  }
0xa: {  	[smem:$0x7FF] =	sst s3;
	s8 =	sadd.s32 $0x7C00, s4;
	s5 =	smul.u32 $0x1880, s1  }
0xb: {  	_ =	strace $0x80000047;
	s7 =	smul.u32 $0x18800, s1;
	s9 =	sshrl.u32 s6, $0x1  }
0xc: {  	s26 =	sadd.s32 s10, s8;
	p0 =	sne.s32 s1, $0x0;
	s1 =	simm.s32 $0xA  }
0xd: {  	s6 =	ssub.s32 s6, s9;
	s0 =	sadd.s32 s0, s26;
	s26 =	simm.s32 $0x3  }
0xe: {  	s5 =	sshrl.u32 s5, $0x3;
	s25 =	sadd.s32 s8, s7;
	s6 =	smax.u32 s6, $0x1  }
.Ltmp0:
0xf: {  	s0 =	sadd.s32 $0x3000, s0;
	s5 =	sadd.s32 s5, s4;
	(pc) =	sbr.rel .LBB2_1-.Ltmp0, $4  }
0x10: {  	s4 =	sadd.s32 $0x317C00, s4;
	[dreg:$0x5] =	wrdreg s6;
	s7 =	sadd.s32 $0x15800, s25  }
0x11: {  	s8 =	sadd.s32 $0x16800, s25;
	s9 =	sadd.s32 $0x17800, s25;
	[dreg:$0x6] =	wrdreg s0  }
0x12: {  	s25 =	simm.s32 $0x1;
	s5 =	sadd.s32 $0x1A00, s5;
	[dreg:$0x4] =	wrdreg s4  }
0x13: {  	v0 =	vimm.f32 $0.0e+00;
	s0 =	simm.s32 $0xB;
	[dreg:$0x3] =	wrdreg s5;
	s5 =	simm.s32 $0xC  }
.LBB2_6:
0x14: {  	_ =	swait.ge [sflag:s30], $0x4000  }
0x15: {  	[sflag:s30] =	ssyncset.done $0x0  }
0x16: {  	[sflag:s30] =	ssyncadd.s32 $0xFFFFC000  }
0x17: {  	_ =	swait.ge [sflag:s31], $0x4000  }
0x18: {  	[sflag:s31] =	ssyncset.done $0x0  }
0x19: {  	[sflag:s31] =	ssyncadd.s32 $0xFFFFC000  }
0x1a: {  	_ =	swait.ge [sflag:s1], $0x4000  }
0x1b: {  	[sflag:s1] =	ssyncset.done $0x0  }
0x1c: {  	[sflag:s1] =	ssyncadd.s32 $0xFFFFC000  }
0x1d: {  	_ =	swait.ge [sflag:s0], $0x4000  }
0x1e: {  	[sflag:s0] =	ssyncset.done $0x0  }
0x1f: {  	[sflag:s0] =	ssyncadd.s32 $0xFFFFC000  }
0x20: {  	_ =	swait.ge [sflag:s5], $0x4000  }
0x21: {  	[sflag:s5] =	ssyncset.done $0x0  }
0x22: {  	[sflag:s5] =	ssyncadd.s32 $0xFFFFC000  }
0x23: {  	_ =	swait.ge [sflag:s14], $0x4000  }
.Ltmp1:
0x24: {  	[sflag:s14] =	ssyncset.done $0x0;
	(pc) =	sbr.rel @!p0 .LBB2_7-.Ltmp1, $4  }
0x25: {  	[sflag:s14] =	ssyncadd.s32 $0xFFFFC000  }
0x26: {  	_ =	swait.ge [sflag:s15], $0x4000  }
0x27: {  	[sflag:s15] =	ssyncset.done $0x0  }
0x28: {  	[sflag:s15] =	ssyncadd.s32 $0xFFFFC000  }
.LBB2_8:
0x29: {  	s17 =	sadd.s32 $0x1, s17;
	s4 =	rddreg [dreg:$0x5]  }
0x2a: {  	p1 =	sne.s32 s17, s4  }
.Ltmp2:
0x2b: {  	_ = 	snop;
	(pc) =	sbr.rel @!p1 .LBB2_9-.Ltmp2, $1  }
0x2c: {  	_ =	sdelay $0x3  }
.LBB2_1:
0x2d: {  	s4 =	rddreg [dreg:$0x3]  }
0x2e: {  	[tilespmem:s3], [sflag:$0xF] =	stream.linear.gather [hbm4b:s4+s3], $0x1880, $0x38;
	[tilespmem:$0x1D880] =	vst v63  }
0x2f: {  	_ =	swait.ge [sflag:s11], $0x1880  }
0x30: {  	[sflag:s11] =	ssyncset.done $0x0  }
0x31: {  	s10 =	simm.s32 $0x40;
	s4 =	simm.s32 $0x0;
	[sflag:s11] =	ssyncadd.s32 $0xFFFFE780  }
.LBB2_2:
0x32: {  	p1 =	sne.s32 s10, $0x61C0;
	v1 =	vld [tilespmem:s4+$0x0];
	_ =	sdelay $0x2  }
.Ltmp3:
0x33: {  	(pc) =	sbr.rel @p1 .LBB2_2-.Ltmp3, $4  }
0x34: {  	_ = 	snop  }
0x35: {  	vm0 =	vgt.s32 v1, $0x0  }
0x36: {  	v1 =	vnsel vm0, $0x0, v1  }
0x37: {  	[tilespmem:s4+$0x0] =	vst v1;
	s4 =	sshra.s32 s10, $0x2;
	s10 =	sadd.s32 $0x40, s10  }
0x38: {  	v1 =	vld [tilespmem:s4+$0x0];
	_ =	sdelay $0x4  }
0x39: {  	vm0 =	vgt.s32 v1, $0x0  }
0x3a: {  	v1 =	vnsel vm0, $0x0, v1  }
0x3b: {  	s18 =	simm.s32 $0x0;
	[tilespmem:s4+$0x0] =	vst v1  }
0x3c: {  	[tilespmem:s13], [sflag:$0x1] =	stream.indirect.gather [hbm4b:s2+s12], $0x80, s18, s12, $0xb8;
	[tilespmem:$0x1D880] =	vst v63  }
0x3d: {  	s23 =	simm.s32 $0x5880  }
0x3e: {  	[tilespmem:s23], [sflag:$0x2] =	stream.indirect.gather [hbm4b:s2+s12], $0x80, s12, s12, $0xb8;
	[tilespmem:$0x1D880] =	vst v63  }
0x3f: {  	s6 =	simm.s32 $0x100  }
0x40: {  	[tilespmem:s16], [sflag:$0x3] =	stream.indirect.gather [hbm4b:s2+s12], $0x80, s6, s12, $0xb8;
	[tilespmem:$0x1D880] =	vst v63  }
0x41: {  	s10 =	simm.s32 $0x180;
	s6 =	simm.s32 $0xD880  }
0x42: {  	[tilespmem:s6], [sflag:$0x4] =	stream.indirect.gather [hbm4b:s2+s12], $0x80, s10, s12, $0xb8;
	[tilespmem:$0x1D880] =	vst v63  }
0x43: {  	s19 =	simm.s32 $0x200  }
0x44: {  	[tilespmem:s20], [sflag:$0x5] =	stream.indirect.gather [hbm4b:s2+s12], $0x80, s19, s12, $0xb8;
	[tilespmem:$0x1D880] =	vst v63  }
0x45: {  	s21 =	simm.s32 $0x280;
	s22 =	simm.s32 $0x15880  }
0x46: {  	[tilespmem:s22], [sflag:$0x6] =	stream.indirect.gather [hbm4b:s2+s12], $0x80, s21, s12, $0xb8;
	[tilespmem:$0x1D880] =	vst v63  }
0x47: {  	s23 =	simm.s32 $0x300;
	s10 =	rddreg [dreg:$0x6]  }
0x48: {  	[tilespmem:s24], [sflag:$0x7] =	stream.indirect.gather [hbm4b:s2+s12], $0x80, s23, s12, $0xb8;
	[tilespmem:$0x1D880] =	vst v63  }
.LBB2_4:
0x49: {  	_ =	swait.ge [sflag:s25], $0x4000  }
0x4a: {  	[sflag:s25] =	ssyncset.done $0x0  }
0x4b: {  	s4 =	sadd.s32 $0xFFFFD000, s10;
	p1 =	seq.s32 s18, $0x5400;
	[sflag:s25] =	ssyncadd.s32 $0xFFFFC000  }
0x4c: {  	[hbm4b:s4+s3] =	stream.linear.scatter [tilespmem:s13], [sflag:$0x8], $0x4000, $0x38;
	[tilespmem:$0x1D880] =	vst v63  }
0x4d: {  	s4 =	simm.s32 @p1 $0x2  }
0x4e: {  	_ =	swait.ge @p1 [sflag:s4], $0x4000  }
0x4f: {  	[sflag:s4] =	ssyncset.done @p1 $0x0  }
0x50: {  	s23 =	simm.s32 @p1 $0x0;
	[sflag:s4] =	ssyncadd.s32 @p1 $0xFFFFC000;
	s4 =	simm.s32 @p1 $0x5880  }
0x51: {  	[hbm4b:s7+s23] =	stream.linear.scatter @p1 [tilespmem:s4], [sflag:$0x9], $0x4000, $0x38;
	[tilespmem:$0x1D880] =	vst v63  }
0x52: {  	s4 =	simm.s32 @!p1 $0x8  }
0x53: {  	_ =	swait.ge @!p1 [sflag:s4], $0x4000  }
0x54: {  	s21 =	sshra.s32 @!p1 s18, $0x2;
	s22 =	simm.s32 @!p1 $0x80;
	[sflag:s4] =	ssyncset.done @!p1 $0x0  }
0x55: {  	s6 =	simm.s32 @!p1 $0x1880;
	[sflag:s4] =	ssyncadd.s32 @!p1 $0xFFFFC000;
	s4 =	sadd.s32 @!p1 $0x380, s21  }
0x56: {  	[tilespmem:s6], [sflag:$0x1] =	stream.indirect.gather @!p1 [hbm4b:s2+s22], $0x80, s4, s22, $0xb8;
	[tilespmem:$0x1D880] =	vst v63  }
0x57: {  	s4 =	simm.s32 @!p1 $0x2  }
0x58: {  	_ =	swait.ge @!p1 [sflag:s4], $0x4000  }
0x59: {  	s19 =	simm.s32 @!p1 $0x5880;
	[sflag:s4] =	ssyncset.done @!p1 $0x0  }
0x5a: {  	s6 =	sadd.s32 @!p1 $0xFFFFD800, s10;
	[sflag:s4] =	ssyncadd.s32 @!p1 $0xFFFFC000;
	s4 =	simm.s32 @!p1 $0x0  }
0x5b: {  	[hbm4b:s6+s4] =	stream.linear.scatter @!p1 [tilespmem:s19], [sflag:$0x9], $0x4000, $0x38;
	[tilespmem:$0x1D880] =	vst v63  }
0x5c: {  	s6 =	simm.s32 @!p1 $0x9  }
0x5d: {  	_ =	swait.ge @!p1 [sflag:s6], $0x4000  }
0x5e: {  	[sflag:s6] =	ssyncset.done @!p1 $0x0  }
0x5f: {  	[sflag:s6] =	ssyncadd.s32 @!p1 $0xFFFFC000;
	s6 =	sadd.s32 @!p1 $0x400, s21  }
0x60: {  	[tilespmem:s19], [sflag:$0x2] =	stream.indirect.gather @!p1 [hbm4b:s2+s22], $0x80, s6, s22, $0xb8;
	[tilespmem:$0x1D880] =	vst v63  }
0x61: {  	_ =	swait.ge [sflag:s26], $0x4000  }
0x62: {  	[sflag:s26] =	ssyncset.done $0x0  }
0x63: {  	s19 =	sadd.s32 $0xFFFFE000, s10;
	s6 =	simm.s32 @p1 $0x4;
	[sflag:s26] =	ssyncadd.s32 $0xFFFFC000  }
0x64: {  	[hbm4b:s19+s3] =	stream.linear.scatter [tilespmem:s16], [sflag:$0xA], $0x4000, $0x38;
	[tilespmem:$0x1D880] =	vst v63  }
0x65: {  	_ =	swait.ge @p1 [sflag:s6], $0x4000  }
0x66: {  	[sflag:s6] =	ssyncset.done @p1 $0x0  }
0x67: {  	[sflag:s6] =	ssyncadd.s32 @p1 $0xFFFFC000;
	s6 =	simm.s32 @p1 $0xD880  }
0x68: {  	[hbm4b:s8+s23] =	stream.linear.scatter @p1 [tilespmem:s6], [sflag:$0xB], $0x4000, $0x38;
	[tilespmem:$0x1D880] =	vst v63  }
0x69: {  	s6 =	simm.s32 @!p1 $0xA  }
0x6a: {  	_ =	swait.ge @!p1 [sflag:s6], $0x4000  }
0x6b: {  	[sflag:s6] =	ssyncset.done @!p1 $0x0  }
0x6c: {  	s19 =	simm.s32 @!p1 $0x9880;
	[sflag:s6] =	ssyncadd.s32 @!p1 $0xFFFFC000;
	s6 =	sadd.s32 @!p1 $0x480, s21  }
0x6d: {  	[tilespmem:s19], [sflag:$0x3] =	stream.indirect.gather @!p1 [hbm4b:s2+s22], $0x80, s6, s22, $0xb8;
	[tilespmem:$0x1D880] =	vst v63  }
0x6e: {  	s6 =	simm.s32 @!p1 $0x4  }
0x6f: {  	_ =	swait.ge @!p1 [sflag:s6], $0x4000  }
0x70: {  	[sflag:s6] =	ssyncset.done @!p1 $0x0  }
0x71: {  	s19 =	simm.s32 @!p1 $0xD880;
	[sflag:s6] =	ssyncadd.s32 @!p1 $0xFFFFC000;
	s6 =	sadd.s32 @!p1 $0xFFFFE800, s10  }
0x72: {  	[hbm4b:s6+s4] =	stream.linear.scatter @!p1 [tilespmem:s19], [sflag:$0xB], $0x4000, $0x38;
	[tilespmem:$0x1D880] =	vst v63  }
0x73: {  	s6 =	simm.s32 @!p1 $0xB  }
0x74: {  	_ =	swait.ge @!p1 [sflag:s6], $0x4000  }
0x75: {  	[sflag:s6] =	ssyncset.done @!p1 $0x0  }
0x76: {  	[sflag:s6] =	ssyncadd.s32 @!p1 $0xFFFFC000;
	s6 =	sadd.s32 @!p1 $0x500, s21  }
0x77: {  	[tilespmem:s19], [sflag:$0x4] =	stream.indirect.gather @!p1 [hbm4b:s2+s22], $0x80, s6, s22, $0xb8;
	[tilespmem:$0x1D880] =	vst v63  }
0x78: {  	_ =	swait.ge [sflag:s28], $0x4000  }
0x79: {  	[sflag:s28] =	ssyncset.done $0x0  }
0x7a: {  	s19 =	sadd.s32 $0xFFFFF000, s10;
	s6 =	simm.s32 @p1 $0x6;
	[sflag:s28] =	ssyncadd.s32 $0xFFFFC000  }
0x7b: {  	[hbm4b:s19+s3] =	stream.linear.scatter [tilespmem:s20], [sflag:$0xC], $0x4000, $0x38;
	[tilespmem:$0x1D880] =	vst v63  }
0x7c: {  	_ =	swait.ge @p1 [sflag:s6], $0x4000  }
0x7d: {  	[sflag:s6] =	ssyncset.done @p1 $0x0  }
0x7e: {  	[sflag:s6] =	ssyncadd.s32 @p1 $0xFFFFC000;
	s6 =	simm.s32 @p1 $0x15880  }
0x7f: {  	[hbm4b:s9+s23] =	stream.linear.scatter @p1 [tilespmem:s6], [sflag:$0xD], $0x4000, $0x38;
	[tilespmem:$0x1D880] =	vst v63  }
0x80: {  	s6 =	simm.s32 @!p1 $0xC  }
0x81: {  	_ =	swait.ge @!p1 [sflag:s6], $0x4000  }
0x82: {  	[sflag:s6] =	ssyncset.done @!p1 $0x0  }
0x83: {  	s19 =	simm.s32 @!p1 $0x11880;
	[sflag:s6] =	ssyncadd.s32 @!p1 $0xFFFFC000;
	s6 =	sadd.s32 @!p1 $0x580, s21  }
0x84: {  	[tilespmem:s19], [sflag:$0x5] =	stream.indirect.gather @!p1 [hbm4b:s2+s22], $0x80, s6, s22, $0xb8;
	[tilespmem:$0x1D880] =	vst v63  }
0x85: {  	s6 =	simm.s32 @!p1 $0x6  }
0x86: {  	_ =	swait.ge @!p1 [sflag:s6], $0x4000  }
0x87: {  	[sflag:s6] =	ssyncset.done @!p1 $0x0  }
0x88: {  	s19 =	simm.s32 @!p1 $0x15880;
	[sflag:s6] =	ssyncadd.s32 @!p1 $0xFFFFC000;
	s6 =	sadd.s32 @!p1 $0xFFFFF800, s10  }
0x89: {  	[hbm4b:s6+s4] =	stream.linear.scatter @!p1 [tilespmem:s19], [sflag:$0xD], $0x4000, $0x38;
	[tilespmem:$0x1D880] =	vst v63  }
0x8a: {  	s4 =	simm.s32 @!p1 $0xD  }
0x8b: {  	_ =	swait.ge @!p1 [sflag:s4], $0x4000  }
0x8c: {  	[sflag:s4] =	ssyncset.done @!p1 $0x0  }
0x8d: {  	[sflag:s4] =	ssyncadd.s32 @!p1 $0xFFFFC000;
	s4 =	sadd.s32 @!p1 $0x600, s21  }
0x8e: {  	[tilespmem:s19], [sflag:$0x6] =	stream.indirect.gather @!p1 [hbm4b:s2+s22], $0x80, s4, s22, $0xb8;
	[tilespmem:$0x1D880] =	vst v63  }
.Ltmp4:
0x8f: {  	_ = 	snop;
	(pc) =	sbr.rel @p1 .LBB2_6-.Ltmp4, $4  }
0x90: {  	_ =	swait.ge [sflag:s29], $0x4000  }
0x91: {  	[sflag:s29] =	ssyncset.done $0x0  }
0x92: {  	[sflag:s29] =	ssyncadd.s32 $0xFFFFC000  }
0x93: {  	[hbm4b:s10+s3] =	stream.linear.scatter [tilespmem:s24], [sflag:$0xE], $0x4000, $0x38;
	[tilespmem:$0x1D880] =	vst v63  }
.Ltmp5:
0x94: {  	(pc) =	sbr.rel .LBB2_4-.Ltmp5, $4  }
0x95: {  	_ =	swait.ge [sflag:s15], $0x4000  }
0x96: {  	s4 =	sshra.s32 s18, $0x2;
	s18 =	sadd.s32 $0xE00, s18;
	[sflag:s15] =	ssyncset.done $0x0  }
0x97: {  	s10 =	sadd.s32 $0x3800, s10;
	s4 =	sadd.s32 $0x680, s4;
	[sflag:s15] =	ssyncadd.s32 $0xFFFFC000  }
0x98: {  	[tilespmem:s24], [sflag:$0x7] =	stream.indirect.gather [hbm4b:s2+s12], $0x80, s4, s12, $0xb8;
	[tilespmem:$0x1D880] =	vst v63  }
.LBB2_7:
0x99: {  	[tilespmem:$0x1880] =	vst v0  }
0x9a: {  	[tilespmem:$0x1890] =	vst v0  }
0x9b: {  	[tilespmem:$0x18A0] =	vst v0  }
0x9c: {  	[tilespmem:$0x18B0] =	vst v0  }
0x9d: {  	[tilespmem:$0x18C0] =	vst v0  }
0x9e: {  	[tilespmem:$0x18D0] =	vst v0  }
0x9f: {  	[tilespmem:$0x18E0] =	vst v0  }
0xa0: {  	[tilespmem:$0x18F0] =	vst v0  }
0xa1: {  	[tilespmem:$0x1900] =	vst v0  }
0xa2: {  	[tilespmem:$0x1910] =	vst v0  }
0xa3: {  	[tilespmem:$0x1920] =	vst v0  }
0xa4: {  	[tilespmem:$0x1930] =	vst v0  }
0xa5: {  	[tilespmem:$0x1940] =	vst v0  }
0xa6: {  	[tilespmem:$0x1950] =	vst v0  }
0xa7: {  	[tilespmem:$0x1960] =	vst v0  }
0xa8: {  	[tilespmem:$0x1970] =	vst v0  }
0xa9: {  	[tilespmem:$0x1980] =	vst v0  }
0xaa: {  	[tilespmem:$0x1990] =	vst v0  }
0xab: {  	[tilespmem:$0x19A0] =	vst v0  }
0xac: {  	[tilespmem:$0x19B0] =	vst v0  }
0xad: {  	[tilespmem:$0x19C0] =	vst v0  }
0xae: {  	[tilespmem:$0x19D0] =	vst v0  }
0xaf: {  	[tilespmem:$0x19E0] =	vst v0  }
0xb0: {  	[tilespmem:$0x19F0] =	vst v0  }
0xb1: {  	[tilespmem:$0x1A00] =	vst v0  }
0xb2: {  	[tilespmem:$0x1A10] =	vst v0  }
0xb3: {  	[tilespmem:$0x1A20] =	vst v0  }
0xb4: {  	[tilespmem:$0x1A30] =	vst v0  }
0xb5: {  	[tilespmem:$0x1A40] =	vst v0  }
0xb6: {  	[tilespmem:$0x1A50] =	vst v0  }
0xb7: {  	[tilespmem:$0x1A60] =	vst v0  }
0xb8: {  	[tilespmem:$0x1A70] =	vst v0  }
0xb9: {  	[tilespmem:$0x1A80] =	vst v0  }
0xba: {  	[tilespmem:$0x1A90] =	vst v0  }
0xbb: {  	[tilespmem:$0x1AA0] =	vst v0  }
0xbc: {  	[tilespmem:$0x1AB0] =	vst v0  }
0xbd: {  	[tilespmem:$0x1AC0] =	vst v0  }
0xbe: {  	[tilespmem:$0x1AD0] =	vst v0  }
0xbf: {  	[tilespmem:$0x1AE0] =	vst v0  }
0xc0: {  	[tilespmem:$0x1AF0] =	vst v0  }
0xc1: {  	[tilespmem:$0x1B00] =	vst v0  }
0xc2: {  	[tilespmem:$0x1B10] =	vst v0  }
0xc3: {  	[tilespmem:$0x1B20] =	vst v0  }
0xc4: {  	[tilespmem:$0x1B30] =	vst v0  }
0xc5: {  	[tilespmem:$0x1B40] =	vst v0  }
0xc6: {  	[tilespmem:$0x1B50] =	vst v0  }
0xc7: {  	[tilespmem:$0x1B60] =	vst v0  }
0xc8: {  	[tilespmem:$0x1B70] =	vst v0  }
0xc9: {  	[tilespmem:$0x1B80] =	vst v0  }
0xca: {  	[tilespmem:$0x1B90] =	vst v0  }
0xcb: {  	[tilespmem:$0x1BA0] =	vst v0  }
0xcc: {  	[tilespmem:$0x1BB0] =	vst v0  }
0xcd: {  	[tilespmem:$0x1BC0] =	vst v0  }
0xce: {  	[tilespmem:$0x1BD0] =	vst v0  }
0xcf: {  	[tilespmem:$0x1BE0] =	vst v0  }
0xd0: {  	[tilespmem:$0x1BF0] =	vst v0  }
0xd1: {  	[tilespmem:$0x1C00] =	vst v0  }
0xd2: {  	[tilespmem:$0x1C10] =	vst v0  }
0xd3: {  	[tilespmem:$0x1C20] =	vst v0  }
0xd4: {  	[tilespmem:$0x1C30] =	vst v0  }
0xd5: {  	[tilespmem:$0x1C40] =	vst v0  }
0xd6: {  	[tilespmem:$0x1C50] =	vst v0  }
0xd7: {  	[tilespmem:$0x1C60] =	vst v0  }
.Ltmp6:
0xd8: {  	[tilespmem:$0x1C70] =	vst v0;
	s4 =	rddreg [dreg:$0x4];
	(pc) =	sbr.rel .LBB2_8-.Ltmp6, $4  }
0xd9: {  	[hbm4b:s4+s3] =	stream.linear.scatter [tilespmem:s13], [sflag:$0xF], $0x400, $0x38;
	[tilespmem:$0x1D880] =	vst v63  }
0xda: {  	_ =	swait.ge [sflag:s11], $0x400  }
0xdb: {  	[sflag:s11] =	ssyncset.done $0x0  }
0xdc: {  	[sflag:s11] =	ssyncadd.s32 $0xFFFFFC00  }
.LBB2_9:
0xdd: {  	_ =	sfence.sel $0x180000  }
0xde: {  	[bflag:$0x0] =	sbarrier.arrive $0xFFFF  }
0xdf: {  	_ =	strace $0x90000047  }
0xe0: {  	s0 =	stileid.u32;
	[bflag:$0x2] =	sbarrier.arrive $0xFFFF  }
0xe1: {  	p0 =	sne.s32 s0, $0x0;
	s0 =	rddreg [dreg:$0x2]  }
0xe2: {  	s0 =	sadd.s32 @!p0 $0x100000, s0  }
0xe3: {  	[sflag:s0] =	ssyncadd.tile.s32 @!p0 $0x1;
	_ =	shalt  }
.Lfunc_end2:
_tile_overlayer_lowered:
.L_overlay_start_2:
0xe4: {  	(tag) =	ssettag $0x2  }
0xe5: {  	s0 =	rddreg [dreg:$0x0];
	s2 =	stileid.u32  }
0xe6: {  	s1 =	rddreg [dreg:$0x1];
	p0 =	sne.s32 s2, $0x0  }
0xe7: {  	s3 =	rddreg [dreg:$0x2];
	[bflag:$0x3] =	sbarrier.arrive $0xFFFF;
	s2 =	simm.s32 @!p0 $0x1C0F  }
0xe8: {  	[timem:s3], [sflag:s2] =	dma.local @!p0 [hbm:s0], s1  }
0xe9: {  	s0 =	simm.s32 @!p0 $0xF  }
0xea: {  	_ =	swait.ge @!p0 [sflag:s0], s1  }
0xeb: {  	s1 =	ssub.s32 @!p0 $0x0, s1;
	[sflag:s0] =	ssyncset.done @!p0 $0x0  }
0xec: {  	[sflag:s0] =	ssyncadd.s32 @!p0 s1  }
0xed: {  	[bflag:$0x3] =	sbarrier.arrive $0xFFFF  }
0xee: {  	_ =	shalt  }

// kernel: kernel.9.cloned.1.call-start
scs
__scs_entry_jumppad:
0x0: {  	(pc) =	sbr.rel $0x88, $3  }
0x1: {  	(tag) =	ssettag $0x0;
	lr =	simm.s32 $0x1  }
0x2: {  	[smem:$0x3F96] =	sst lr;
	_ =	strace $0xD0000000  }
0x3: {  	_ = 	snop  }
0x4: {  	_ = 	snop  }
0x5: {  	_ = 	snop  }
0x6: {  	_ = 	snop  }
0x7: {  	_ = 	snop  }
__scs_overlays_trampoline_lowered:
0x8: {  	[smem:$0x3FA5] =	sst s0  }
0x9: {  	[smem:$0x3FA6] =	sst s1  }
0xa: {  	[smem:$0x3FA7] =	sst s2  }
0xb: {  	[smem:$0x3FA8] =	sst s3  }
0xc: {  	[smem:$0x3FA9] =	sst s4  }
0xd: {  	[smem:$0x3FAA] =	sst s5  }
0xe: {  	[smem:$0x3FAB] =	sst s6  }
0xf: {  	[smem:$0x3FAC] =	sst s7  }
0x10: {  	[smem:$0x3FAD] =	sst s8  }
0x11: {  	[smem:$0x3FAE] =	sst s9;
	s0 =	simm.s32 @!p0 $0x0  }
0x12: {  	s1 =	sld [smem:$0x3F94];
	s0 =	simm.s32 @p0 $0x1  }
0x13: {  	[smem:$0x3FAF] =	sst s0;
	s0 =	simm.s32 @!p1 $0x0  }
0x14: {  	s2 =	sld [smem:$0x3F93];
	s0 =	simm.s32 @p1 $0x1  }
0x15: {  	[smem:$0x3FB0] =	sst s0;
	s0 =	simm.s32 @!p2 $0x0  }
0x16: {  	s3 =	sld [smem:$0x3FDB];
	s0 =	simm.s32 @p2 $0x1  }
0x17: {  	s4 =	simm.s32 $0x1BF5;
	[smem:$0x3FB2] =	sst s0  }
0x18: {  	s0 =	sld [smem:$0x3F95];
	_ =	swait.ge [sflag:s4], $0x0  }
0x19: {  	s7 =	sld [smem:$0x3F96]  }
0x1a: {  	s8 =	sadd.s32 $0xFFFFE003, lr  }
0x1b: {  	s9 =	sadd.s32 $0xFFFFFEF7, lr;
	s5 =	simm.s32 $0xFFFFFFFF;
	p2 =	slt.u32 s8, $0xFFFFF086  }
0x1c: {  	p1 =	slt.u32 s9, $0xF7A;
	s5 =	simm.s32 @!p2 $0x0  }
0x1d: {  	s5 =	simm.s32 @p1 $0x1;
	p0 =	seq.s32 s7, s2  }
0x1e: {  	s7 =	smul.u32 @!p0 $0xF7A, s2;
	p2 =	seq.s32 @!p0 s5, $0x0  }
0x1f: {  	s9 =	smul.u32 $0xF7A, s1;
	s8 =	simm.s32 @!p0 $0x1BF5;
	p2 =	por !p2, p0  }
0x20: {  	[sflag:s8] =	ssyncset.s32 @!p0 $0xFFFFF086;
	s6 =	sadd.s32 @!p0 s3, s7;
	s7 =	simm.s32 @!p0 $0x108  }
0x21: {  	s3 =	sadd.s32 s3, s9;
	s6 =	sadd.s32 @!p0 $0x88, s6;
	s7 =	simm.s32 @p2 $0x1082  }
0x22: {  	[simem:s7], [sflag:s8] =	dma.local @!p0 [hbm:s6], $0xF7A  }
0x23: {  	s9 =	sor.u32 $0xD0000000, s2;
	s6 =	simm.s32 $0x108;
	_ =	swait.ge @!p0 [sflag:s8], $0x0  }
0x24: {  	s3 =	sadd.s32 $0x88, s3;
	s6 =	simm.s32 @!p1 $0x1082;
	[sflag:s4] =	ssyncset.s32 $0xFFFFF086  }
0x25: {  	[simem:s6], [sflag:s4] =	dma.local [hbm:s3], $0xF7A  }
0x26: {  	[smem:$0x3F96] =	sst s1;
	(tag) =	ssettag s2;
	_ =	strace s9  }
0x27: {  	s1 =	sld [smem:$0x3FA6]  }
0x28: {  	s2 =	sld [smem:$0x3FA7]  }
0x29: {  	s4 =	sld [smem:$0x3FA9]  }
0x2a: {  	p0 =	seq.s32 s5, $0x0;
	s5 =	sld [smem:$0x3FAA]  }
0x2b: {  	s6 =	sld [smem:$0x3FAB]  }
0x2c: {  	s7 =	sld [smem:$0x3FAC]  }
0x2d: {  	s3 =	simm.s32 $0x108;
	s8 =	sld [smem:$0x3FAD]  }
0x2e: {  	s3 =	simm.s32 @!p0 $0x1082;
	s9 =	sld [smem:$0x3FAE]  }
0x2f: {  	lr =	sadd.s32 s0, s3;
	s0 =	sld [smem:$0x3FA5]  }
0x30: {  	s3 =	sld [smem:$0x3FA8]  }
0x31: {  	[smem:$0x3FB1] =	sst s10  }
0x32: {  	s10 =	sld [smem:$0x3FAF];
	_ =	sdelay $0x3  }
0x33: {  	p0 =	seq.s32 s10, $0x1;
	s10 =	sld [smem:$0x3FB1];
	_ =	sdelay $0x3  }
0x34: {  	[smem:$0x3FB1] =	sst s10  }
0x35: {  	s10 =	sld [smem:$0x3FB0];
	_ =	sdelay $0x3  }
0x36: {  	p1 =	seq.s32 s10, $0x1;
	s10 =	sld [smem:$0x3FB1];
	_ =	sdelay $0x3  }
0x37: {  	[smem:$0x3FB1] =	sst s10  }
0x38: {  	s10 =	sld [smem:$0x3FB2]  }
0x39: {  	_ = 	snop;
	(pc) =	sbr.ind lr, $3  }
0x3a: {  	_ = 	snop  }
0x3b: {  	_ = 	snop  }
0x3c: {  	p2 =	seq.s32 s10, $0x1;
	s10 =	sld [smem:$0x3FB1]  }
0x3d: {  	_ =	shalt  }
0x3e: {  	_ =	shalt  }
0x3f: {  	_ =	shalt  }
0x40: {  	_ =	shalt  }
0x41: {  	_ =	shalt  }
0x42: {  	_ =	shalt  }
0x43: {  	_ =	shalt  }
0x44: {  	_ =	shalt  }
0x45: {  	_ =	shalt  }
0x46: {  	_ =	shalt  }
0x47: {  	_ =	shalt  }
0x48: {  	_ =	shalt  }
0x49: {  	_ =	shalt  }
0x4a: {  	_ =	shalt  }
0x4b: {  	_ =	shalt  }
0x4c: {  	_ =	shalt  }
0x4d: {  	_ =	shalt  }
0x4e: {  	_ =	shalt  }
0x4f: {  	_ =	shalt  }
0x50: {  	_ =	shalt  }
0x51: {  	_ =	shalt  }
0x52: {  	_ =	shalt  }
0x53: {  	_ =	shalt  }
0x54: {  	_ =	shalt  }
0x55: {  	_ =	shalt  }
0x56: {  	_ =	shalt  }
0x57: {  	_ =	shalt  }
0x58: {  	_ =	shalt  }
0x59: {  	_ =	shalt  }
0x5a: {  	_ =	shalt  }
0x5b: {  	_ =	shalt  }
0x5c: {  	_ =	shalt  }
0x5d: {  	_ =	shalt  }
0x5e: {  	_ =	shalt  }
0x5f: {  	_ =	shalt  }
0x60: {  	_ =	shalt  }
0x61: {  	_ =	shalt  }
0x62: {  	_ =	shalt  }
0x63: {  	_ =	shalt  }
0x64: {  	_ =	shalt  }
0x65: {  	_ =	shalt  }
0x66: {  	_ =	shalt  }
0x67: {  	_ =	shalt  }
0x68: {  	_ =	shalt  }
0x69: {  	_ =	shalt  }
0x6a: {  	_ =	shalt  }
0x6b: {  	_ =	shalt  }
0x6c: {  	_ =	shalt  }
0x6d: {  	_ =	shalt  }
0x6e: {  	_ =	shalt  }
0x6f: {  	_ =	shalt  }
0x70: {  	_ =	shalt  }
0x71: {  	_ =	shalt  }
0x72: {  	_ =	shalt  }
0x73: {  	_ =	shalt  }
0x74: {  	_ =	shalt  }
0x75: {  	_ =	shalt  }
0x76: {  	_ =	shalt  }
0x77: {  	_ =	shalt  }
0x78: {  	_ =	shalt  }
0x79: {  	_ =	shalt  }
0x7a: {  	_ =	shalt  }
0x7b: {  	_ =	shalt  }
0x7c: {  	_ =	shalt  }
0x7d: {  	_ =	shalt  }
0x7e: {  	_ =	shalt  }
0x7f: {  	_ =	shalt  }
0x80: {  	_ =	shalt  }
0x81: {  	_ =	shalt  }
0x82: {  	_ =	shalt  }
0x83: {  	_ =	shalt  }
0x84: {  	_ =	shalt  }
0x85: {  	_ =	shalt  }
0x86: {  	_ =	shalt  }
0x87: {  	_ =	shalt  }
.Lfunc_end0:
.L_simem_size_0:
called_computation.1_lowered:
.L_overlay_start_0:
0x88: {  	s2 =	sld [smem:$0x3FD9]  }
0x89: {  	s3 =	sld [smem:$0x3FFE];
	_ =	sdelay $0x1  }
0x8a: {  	s1 =	srdreg.scid  }
0x8b: {  	s0 =	sand.u32 $0x1, s1  }
0x8c: {  	s17 =	sshll.u32 s0, $0xA;
	s2 =	sadd.s32 s3, s2  }
0x8d: {  	s2 =	sadd.s32 s2, s17  }
0x8e: {  	[smem:$0x3FBD] =	sst s2  }
0x8f: {  	_ = 	snop  }
0x90: {  	s2 =	sld [smem:$0x3FD0];
	(tm) =	ssettm $0x1  }
0x91: {  	s18 =	sld [smem:$0x3FFB];
	_ =	sdelay $0x3  }
0x92: {  	_ =	strace s18  }
0x93: {  	s3 =	sld [smem:$0x3FFC];
	_ =	sdelay $0x3  }
0x94: {  	_ =	strace s3  }
0x95: {  	s3 =	sld [smem:$0x3FFD];
	_ =	sdelay $0x3  }
0x96: {  	_ =	strace s3  }
0x97: {  	_ =	strace $0x8FFFFFFF  }
0x98: {  	s19 =	sld [smem:$0x3FDB];
	_ =	sdelay $0x1  }
0x99: {  	s4 =	simm.s32 $_scs_section_size  }
0x9a: {  	s5 =	simm.s32 $_size__tile_overlayer_lowered;
	s6 =	simm.s32 $_tile_overlayer_lowered  }
0x9b: {  	s22 =	simm.s32 $0x1BFF;
	s21 =	sshll.u32 s6, $0x1;
	s3 =	sadd.s32 s4, s19  }
0x9c: {  	s7 =	simm.s32 $0x0;
	s20 =	sshll.u32 s5, $0x1;
	s5 =	sadd.s32 s21, s3  }
0x9d: {  	[timem:s7], [sflag:s22] =	dma.local [hbm:s5], s20  }
0x9e: {  	_ =	swait.ge [sflag:s22], s20  }
0x9f: {  	s4 =	ssub.s32 $0x0, s20;
	[sflag:s22] =	ssyncset.done $0x0  }
0xa0: {  	[sflag:s22] =	ssyncadd.s32 s4;
	_ =	sdelay $0x1  }
0xa1: {  	s23 =	simm.s32 $0x1B8B  }
0xa2: {  	_ =	swait.ge [sflag:s23], $0x1  }
0xa3: {  	[sflag:s23] =	ssyncset.done $0x0  }
0xa4: {  	s25 =	simm.s32 $0x1B8E;
	s24 =	sld [smem:$0x3FFE];
	[sflag:s23] =	ssyncadd.s32 $0xFFFFFFFF  }
0xa5: {  	s26 =	simm.s32 $execute0_lowered;
	[smem:$0x3FD2] =	sst s25  }
0xa6: {  	s5 =	sshll.u32 s26, $0x1;
	_ =	strace $0x80000049;
	[dreg:$0x1] =	wrdreg $0xFFFFFFFF  }
0xa7: {  	s28 =	simm.s32 $_size_execute0_lowered;
	s3 =	sadd.s32 s3, s5;
	[dreg:$0x0] =	wrdreg $0x0  }
0xa8: {  	s5 =	sshll.u32 s28, $0x1;
	[dreg:$0x2] =	wrdreg s3  }
0xa9: {  	[dreg:$0x3] =	wrdreg s5  }
0xaa: {  	[dreg:$0x4] =	wrdreg $0xC0  }
0xab: {  	_ =	task [dreg:s7], $0x5FFFF  }
0xac: {  	[dreg:$0x1] =	wrdreg $0xFFFFFFFF  }
0xad: {  	[dreg:$0x0] =	wrdreg $0x60  }
0xae: {  	[dreg:$0x2] =	wrdreg s24  }
0xaf: {  	[dreg:$0x3] =	wrdreg s2  }
0xb0: {  	[dreg:$0x4] =	wrdreg $0x9  }
0xb1: {  	_ =	task.clear_ibuf [dreg:s7], $0x5FFFF;
	_ =	strace $0x90000049  }
0xb2: {  	s29 =	simm.s32 $0x9;
	_ =	strace $0x8000004B  }
0xb3: {  	_ =	swait.ge [sflag:s29], $0x1  }
0xb4: {  	[sflag:s29] =	ssyncadd.s32 $0xFFFFFFFF  }
0xb5: {  	_ =	strace $0x9000004B  }
0xb6: {  	_ =	sfence  }
0xb7: {  	s30 =	sld [smem:$0x0];
	_ =	sdelay $0x2  }
0xb8: {  	s31 =	sshll.u32 s1, $0xD;
	s1 =	sshrl.u32 s1, $0x2  }
0xb9: {  	s3 =	sand.u32 $0x4000, s31;
	s1 =	sadd.s32 s1, s30  }
0xba: {  	s0 =	sor.u32 s3, s0;
	s1 =	sshll.u32 s1, $0x11  }
0xbb: {  	s0 =	sor.u32 s1, s0  }
0xbc: {  	s0 =	sadd.s32 $0x8F2B, s0  }
0xbd: {  	[sflag:s0] =	ssyncadd.remote.s32 $0x1  }
0xbe: {  	_ =	sfence.sel $0xFFFF  }
0xbf: {  	[dreg:$0x0] =	wrdreg $0xFFFFFFFF;
	(pc) =	sbr.abs _section_cstart, $3  }
0xc0: {  	[dreg:$0x1] =	wrdreg $0xFFFFFFFF  }
0xc1: {  	_ =	task.clear_ibuf [dreg:s7], $0x2FFFF;
	_ =	strace $0x9FFFFFFF  }
0xc2: {  	(tm) =	ssettm $0x7FFFFFFF  }
0xc3: {  	_ =	shalt  }
tec
execute0_lowered:
.L_overlay_start_1:
0x0: {  	(tag) =	ssettag $0x1  }
0x1: {  	s4 =	rddreg [dreg:$0x0]  }
0x2: {  	s5 =	rddreg [dreg:$0x1];
	s3 =	srdreg.scid  }
0x3: {  	s0 =	stileid.u32;
	s2 =	simm.s32 $0x0;
	s14 =	simm.s32 $0xA580  }
0x4: {  	s16 =	simm.s32 $0xE580;
	s17 =	simm.s32 $0x200;
	s18 =	simm.s32 $0x12580  }
0x5: {  	s19 =	simm.s32 $0x1;
	s20 =	simm.s32 $0x3;
	s21 =	simm.s32 $0x5  }
0x6: {  	s22 =	simm.s32 $0x6;
	s23 =	simm.s32 $0x7;
	s24 =	simm.s32 $0x8  }
0x7: {  	s25 =	simm.s32 $0x9;
	s28 =	simm.s32 $0x0;
	s6 =	sand.u32 $0x1, s3  }
0x8: {  	s26 =	sshll.u32 s0, $0x1;
	[smem:$0x7FF] =	sst s2;
	s11 =	smul.u32 $0x4B000, s0  }
0x9: {  	s3 =	sadd.s32 $0x7C00, s4;
	s7 =	sor.u32 s6, s26;
	s31 =	smul.u32 $0x25800, s6  }
0xa: {  	s10 =	sadd.s32 $0x317E00, s4;
	s9 =	ssub.s32 $0x2, s6;
	s8 =	smul.u32 $0x2580, s7  }
0xb: {  	_ =	strace $0x8000004A;
	s7 =	smul.u32 $0x25800, s7;
	s29 =	sshrl.u32 s9, $0x1  }
.Ltmp0:
0xc: {  	s26 =	simm.s32 $0xA;
	s9 =	ssub.s32 s9, s29;
	(pc) =	sbr.rel .LBB2_1-.Ltmp0, $4  }
0xd: {  	s30 =	sshrl.u32 s8, $0x3;
	s7 =	sadd.s32 s10, s7;
	s10 =	sadd.s32 s11, s10  }
0xe: {  	s11 =	simm.s32 $0x2580;
	s4 =	sadd.s32 s5, s30;
	s5 =	smax.u32 s9, $0x1  }
0xf: {  	s6 =	sadd.s32 $0x23800, s7;
	s8 =	sadd.s32 s31, s10;
	s7 =	sadd.s32 $0x24800, s7  }
0x10: {  	s9 =	simm.s32 $0xB;
	s10 =	simm.s32 $0x80;
	s8 =	sadd.s32 $0x2000, s8  }
.LBB2_6:
0x11: {  	_ =	swait.ge [sflag:s22], $0x4000  }
0x12: {  	[sflag:s22] =	ssyncset.done $0x0  }
0x13: {  	[sflag:s22] =	ssyncadd.s32 $0xFFFFC000  }
0x14: {  	_ =	swait.ge [sflag:s23], $0x4000  }
0x15: {  	[sflag:s23] =	ssyncset.done $0x0  }
0x16: {  	[sflag:s23] =	ssyncadd.s32 $0xFFFFC000  }
0x17: {  	_ =	swait.ge [sflag:s24], $0x4000  }
0x18: {  	[sflag:s24] =	ssyncset.done $0x0  }
0x19: {  	s28 =	sadd.s32 $0x1, s28;
	[sflag:s24] =	ssyncadd.s32 $0xFFFFC000  }
0x1a: {  	p0 =	sne.s32 s28, s5;
	_ =	swait.ge [sflag:s25], $0x4000  }
.Ltmp1:
0x1b: {  	[sflag:s25] =	ssyncset.done $0x0;
	(pc) =	sbr.rel @!p0 .LBB2_7-.Ltmp1, $4  }
0x1c: {  	[sflag:s25] =	ssyncadd.s32 $0xFFFFC000  }
0x1d: {  	_ =	swait.ge [sflag:s26], $0x4000  }
0x1e: {  	[sflag:s26] =	ssyncset.done $0x0  }
0x1f: {  	[sflag:s26] =	ssyncadd.s32 $0xFFFFC000  }
.LBB2_1:
0x20: {  	[tilespmem:s2], [sflag:$0xB] =	stream.linear.gather [hbm4b:s4+s2], $0x2580, $0x38;
	[tilespmem:$0x16580] =	vst v63  }
0x21: {  	_ =	swait.ge [sflag:s9], $0x2580  }
0x22: {  	[sflag:s9] =	ssyncset.done $0x0  }
0x23: {  	s29 =	simm.s32 $0x0;
	s30 =	simm.s32 $0x40;
	[sflag:s9] =	ssyncadd.s32 $0xFFFFDA80  }
.LBB2_2:
0x24: {  	p0 =	sne.s32 s30, $0x95C0;
	v0 =	vld [tilespmem:s29+$0x0];
	_ =	sdelay $0x2  }
.Ltmp2:
0x25: {  	(pc) =	sbr.rel @p0 .LBB2_2-.Ltmp2, $4  }
0x26: {  	_ = 	snop  }
0x27: {  	vm0 =	vlt.s32 v0, $0x0  }
0x28: {  	v0 =	vsel vm0, $0x31000, v0  }
0x29: {  	[tilespmem:s29+$0x0] =	vst v0;
	s29 =	sshra.s32 s30, $0x2;
	s30 =	sadd.s32 $0x40, s30  }
0x2a: {  	v0 =	vld [tilespmem:s29+$0x0];
	_ =	sdelay $0x4  }
0x2b: {  	vm0 =	vlt.s32 v0, $0x0  }
0x2c: {  	v0 =	vsel vm0, $0x31000, v0  }
0x2d: {  	[tilespmem:s29+$0x0] =	vst v0;
	s29 =	simm.s32 $0x0  }
0x2e: {  	[tilespmem:s11], [sflag:$0x1] =	stream.indirect.gather [hbm4b:s3+s10], $0x80, s29, s10, $0xb8;
	[tilespmem:$0x16580] =	vst v63  }
0x2f: {  	s0 =	simm.s32 $0x6580  }
0x30: {  	[tilespmem:s0], [sflag:$0x2] =	stream.indirect.gather [hbm4b:s3+s10], $0x80, s10, s10, $0xb8;
	[tilespmem:$0x16580] =	vst v63  }
0x31: {  	s15 =	simm.s32 $0x100  }
0x32: {  	[tilespmem:s14], [sflag:$0x3] =	stream.indirect.gather [hbm4b:s3+s10], $0x80, s15, s10, $0xb8;
	[tilespmem:$0x16580] =	vst v63  }
0x33: {  	s31 =	simm.s32 $0x180  }
0x34: {  	[tilespmem:s16], [sflag:$0x4] =	stream.indirect.gather [hbm4b:s3+s10], $0x80, s31, s10, $0xb8;
	[tilespmem:$0x16580] =	vst v63  }
0x35: {  	s30 =	smov.u32 s8  }
0x36: {  	[tilespmem:s18], [sflag:$0x5] =	stream.indirect.gather [hbm4b:s3+s10], $0x80, s17, s10, $0xb8;
	[tilespmem:$0x16580] =	vst v63  }
.LBB2_4:
0x37: {  	_ =	swait.ge [sflag:s19], $0x4000  }
0x38: {  	[sflag:s19] =	ssyncset.done $0x0  }
0x39: {  	s31 =	sadd.s32 $0xFFFFE000, s30;
	p0 =	seq.s32 s29, $0x8C00;
	[sflag:s19] =	ssyncadd.s32 $0xFFFFC000  }
0x3a: {  	[hbm4b:s31+s2] =	stream.linear.scatter [tilespmem:s11], [sflag:$0x6], $0x4000, $0x38;
	[tilespmem:$0x16580] =	vst v63  }
0x3b: {  	s31 =	simm.s32 @p0 $0x2  }
0x3c: {  	_ =	swait.ge @p0 [sflag:s31], $0x4000  }
0x3d: {  	[sflag:s31] =	ssyncset.done @p0 $0x0  }
0x3e: {  	s0 =	simm.s32 @p0 $0x6580;
	[sflag:s31] =	ssyncadd.s32 @p0 $0xFFFFC000;
	s31 =	simm.s32 @p0 $0x0  }
0x3f: {  	[hbm4b:s6+s31] =	stream.linear.scatter @p0 [tilespmem:s0], [sflag:$0x7], $0x4000, $0x38;
	[tilespmem:$0x16580] =	vst v63  }
0x40: {  	s0 =	simm.s32 @!p0 $0x6  }
0x41: {  	_ =	swait.ge @!p0 [sflag:s0], $0x4000  }
0x42: {  	[sflag:s0] =	ssyncset.done @!p0 $0x0  }
0x43: {  	[sflag:s0] =	ssyncadd.s32 @!p0 $0xFFFFC000;
	s0 =	sshra.s32 @!p0 s29, $0x2  }
0x44: {  	s12 =	simm.s32 @!p0 $0x80;
	s13 =	simm.s32 @!p0 $0x2580;
	s1 =	sadd.s32 @!p0 $0x280, s0  }
0x45: {  	[tilespmem:s13], [sflag:$0x1] =	stream.indirect.gather @!p0 [hbm4b:s3+s12], $0x80, s1, s12, $0xb8;
	[tilespmem:$0x16580] =	vst v63  }
0x46: {  	s1 =	simm.s32 @!p0 $0x2  }
0x47: {  	_ =	swait.ge @!p0 [sflag:s1], $0x4000  }
0x48: {  	s15 =	simm.s32 @!p0 $0x6580;
	[sflag:s1] =	ssyncset.done @!p0 $0x0  }
0x49: {  	s13 =	simm.s32 @!p0 $0x0;
	[sflag:s1] =	ssyncadd.s32 @!p0 $0xFFFFC000;
	s1 =	sadd.s32 @!p0 $0xFFFFE800, s30  }
0x4a: {  	[hbm4b:s1+s13] =	stream.linear.scatter @!p0 [tilespmem:s15], [sflag:$0x7], $0x4000, $0x38;
	[tilespmem:$0x16580] =	vst v63  }
0x4b: {  	s1 =	simm.s32 @!p0 $0x7  }
0x4c: {  	_ =	swait.ge @!p0 [sflag:s1], $0x4000  }
0x4d: {  	[sflag:s1] =	ssyncset.done @!p0 $0x0  }
0x4e: {  	[sflag:s1] =	ssyncadd.s32 @!p0 $0xFFFFC000;
	s1 =	sadd.s32 @!p0 $0x300, s0  }
0x4f: {  	[tilespmem:s15], [sflag:$0x2] =	stream.indirect.gather @!p0 [hbm4b:s3+s12], $0x80, s1, s12, $0xb8;
	[tilespmem:$0x16580] =	vst v63  }
0x50: {  	_ =	swait.ge [sflag:s20], $0x4000  }
0x51: {  	[sflag:s20] =	ssyncset.done $0x0  }
0x52: {  	s15 =	sadd.s32 $0xFFFFF000, s30;
	s1 =	simm.s32 @p0 $0x4;
	[sflag:s20] =	ssyncadd.s32 $0xFFFFC000  }
0x53: {  	[hbm4b:s15+s2] =	stream.linear.scatter [tilespmem:s14], [sflag:$0x8], $0x4000, $0x38;
	[tilespmem:$0x16580] =	vst v63  }
0x54: {  	_ =	swait.ge @p0 [sflag:s1], $0x4000  }
0x55: {  	[sflag:s1] =	ssyncset.done @p0 $0x0  }
0x56: {  	[sflag:s1] =	ssyncadd.s32 @p0 $0xFFFFC000;
	s1 =	simm.s32 @p0 $0xE580  }
0x57: {  	[hbm4b:s7+s31] =	stream.linear.scatter @p0 [tilespmem:s1], [sflag:$0x9], $0x4000, $0x38;
	[tilespmem:$0x16580] =	vst v63  }
0x58: {  	s1 =	simm.s32 @!p0 $0x8  }
0x59: {  	_ =	swait.ge @!p0 [sflag:s1], $0x4000  }
0x5a: {  	[sflag:s1] =	ssyncset.done @!p0 $0x0  }
0x5b: {  	s15 =	simm.s32 @!p0 $0xA580;
	[sflag:s1] =	ssyncadd.s32 @!p0 $0xFFFFC000;
	s1 =	sadd.s32 @!p0 $0x380, s0  }
0x5c: {  	[tilespmem:s15], [sflag:$0x3] =	stream.indirect.gather @!p0 [hbm4b:s3+s12], $0x80, s1, s12, $0xb8;
	[tilespmem:$0x16580] =	vst v63  }
0x5d: {  	s1 =	simm.s32 @!p0 $0x4  }
0x5e: {  	_ =	swait.ge @!p0 [sflag:s1], $0x4000  }
0x5f: {  	[sflag:s1] =	ssyncset.done @!p0 $0x0  }
0x60: {  	s15 =	simm.s32 @!p0 $0xE580;
	[sflag:s1] =	ssyncadd.s32 @!p0 $0xFFFFC000;
	s1 =	sadd.s32 @!p0 $0xFFFFF800, s30  }
0x61: {  	[hbm4b:s1+s13] =	stream.linear.scatter @!p0 [tilespmem:s15], [sflag:$0x9], $0x4000, $0x38;
	[tilespmem:$0x16580] =	vst v63  }
0x62: {  	s1 =	simm.s32 @!p0 $0x9  }
0x63: {  	_ =	swait.ge @!p0 [sflag:s1], $0x4000  }
0x64: {  	[sflag:s1] =	ssyncset.done @!p0 $0x0  }
0x65: {  	s0 =	sadd.s32 @!p0 $0x400, s0;
	[sflag:s1] =	ssyncadd.s32 @!p0 $0xFFFFC000  }
0x66: {  	[tilespmem:s15], [sflag:$0x4] =	stream.indirect.gather @!p0 [hbm4b:s3+s12], $0x80, s0, s12, $0xb8;
	[tilespmem:$0x16580] =	vst v63  }
.Ltmp3:
0x67: {  	_ = 	snop;
	(pc) =	sbr.rel @p0 .LBB2_6-.Ltmp3, $4  }
0x68: {  	_ =	swait.ge [sflag:s21], $0x4000  }
0x69: {  	[sflag:s21] =	ssyncset.done $0x0  }
0x6a: {  	[sflag:s21] =	ssyncadd.s32 $0xFFFFC000  }
0x6b: {  	[hbm4b:s30+s2] =	stream.linear.scatter [tilespmem:s18], [sflag:$0xA], $0x4000, $0x38;
	[tilespmem:$0x16580] =	vst v63  }
.Ltmp4:
0x6c: {  	(pc) =	sbr.rel .LBB2_4-.Ltmp4, $4  }
0x6d: {  	_ =	swait.ge [sflag:s26], $0x4000  }
0x6e: {  	s0 =	sshra.s32 s29, $0x2;
	s29 =	sadd.s32 $0xA00, s29;
	[sflag:s26] =	ssyncset.done $0x0  }
0x6f: {  	s30 =	sadd.s32 $0x2800, s30;
	s0 =	sadd.s32 $0x480, s0;
	[sflag:s26] =	ssyncadd.s32 $0xFFFFC000  }
0x70: {  	[tilespmem:s18], [sflag:$0x5] =	stream.indirect.gather [hbm4b:s3+s10], $0x80, s0, s10, $0xb8;
	[tilespmem:$0x16580] =	vst v63  }
.LBB2_7:
0x71: {  	_ =	sfence.sel $0x180000  }
0x72: {  	[bflag:$0x0] =	sbarrier.arrive $0xFFFF  }
0x73: {  	_ =	strace $0x9000004A  }
0x74: {  	s0 =	stileid.u32;
	[bflag:$0x2] =	sbarrier.arrive $0xFFFF  }
0x75: {  	p0 =	sne.s32 s0, $0x0;
	s0 =	rddreg [dreg:$0x2]  }
0x76: {  	s0 =	sadd.s32 @!p0 $0x100000, s0  }
0x77: {  	[sflag:s0] =	ssyncadd.tile.s32 @!p0 $0x1;
	_ =	shalt  }
.Lfunc_end2:
_tile_overlayer_lowered:
.L_overlay_start_2:
0x78: {  	(tag) =	ssettag $0x2  }
0x79: {  	s0 =	rddreg [dreg:$0x0];
	s2 =	stileid.u32  }
0x7a: {  	s1 =	rddreg [dreg:$0x1];
	p0 =	sne.s32 s2, $0x0  }
0x7b: {  	s3 =	rddreg [dreg:$0x2];
	[bflag:$0x3] =	sbarrier.arrive $0xFFFF;
	s2 =	simm.s32 @!p0 $0x1C0B  }
0x7c: {  	[timem:s3], [sflag:s2] =	dma.local @!p0 [hbm:s0], s1  }
0x7d: {  	s0 =	simm.s32 @!p0 $0xB  }
0x7e: {  	_ =	swait.ge @!p0 [sflag:s0], s1  }
0x7f: {  	s1 =	ssub.s32 @!p0 $0x0, s1;
	[sflag:s0] =	ssyncset.done @!p0 $0x0  }
0x80: {  	[sflag:s0] =	ssyncadd.s32 @!p0 s1  }
0x81: {  	[bflag:$0x3] =	sbarrier.arrive $0xFFFF  }
0x82: {  	_ =	shalt  }

</sc_bundles>
